<compile_context>
chip_gen: v7x
topology: tpu7x:2x2x1
jax: 0.10.2.dev20260603
libtpu: 0.0.44.dev20260713+nightly
codegen_flags: <defaults>
</compile_context>

<pallas_src>
import functools

import jax
import jax.numpy as jnp
from jax import lax
from jax.experimental import pallas as pl
from jax.experimental.pallas import tpu as pltpu
from jax.experimental.pallas import tpu_sc as plsc

_N = 10000
_E = 320000
_D = 128
_NC = 2
_NS = 16
_NW = _NC * _NS
_CHUNK = 128
_NCHUNK = 79
_EPT = _NCHUNK * _CHUNK
_E_PAD = _NW * _EPT
_N_ACC = 10112
_ROWS_PT = _N_ACC // _NS
_DEG_ACC = 10240
_DEG_PT = _DEG_ACC // _NS
_BR = 2000
_GRID = _N // _BR
_NBUF = 2
_RING = 4

_sc_mesh = plsc.VectorSubcoreMesh(core_axis_name="c", subcore_axis_name="s")


@functools.partial(
    pl.kernel,
    out_type=[
        jax.ShapeDtypeStruct((_DEG_ACC,), jnp.float32),
        jax.ShapeDtypeStruct((_DEG_ACC,), jnp.float32),
    ],
    mesh=_sc_mesh,
    scratch_types=[
        pltpu.VMEM((_NCHUNK, 2, _CHUNK), jnp.int32),
        pltpu.VMEM((_CHUNK,), jnp.float32),
        pltpu.VMEM((_DEG_PT,), jnp.float32),
        pltpu.VMEM_SHARED((_DEG_ACC,), jnp.float32),
    ],
)
def _deg_sc(idx3, deg0, deg1, idx_v, ones_v, zbuf, deg_sh):
    c = lax.axis_index("c")
    s = lax.axis_index("s")
    wid = s * _NC + c
    pltpu.sync_copy(idx3.at[wid], idx_v)
    for i in range(_CHUNK // 16):
        ones_v[pl.ds(i * 16, 16)] = jnp.ones((16,), jnp.float32)
    for i in range(_DEG_PT // 16):
        zbuf[pl.ds(i * 16, 16)] = jnp.zeros((16,), jnp.float32)
    pltpu.sync_copy(zbuf, deg_sh.at[pl.ds(s * _DEG_PT, _DEG_PT)])
    plsc.subcore_barrier()

    def body(g, carry):
        pltpu.sync_copy(ones_v, deg_sh.at[idx_v.at[g, 1]], add=True)
        return carry

    lax.fori_loop(0, _NCHUNK, body, 0)
    plsc.subcore_barrier()
    sl = pl.ds(s * _DEG_PT, _DEG_PT)

    @pl.when(c == 0)
    def _():
        pltpu.sync_copy(deg_sh.at[sl], deg0.at[sl])

    @pl.when(c == 1)
    def _():
        pltpu.sync_copy(deg_sh.at[sl], deg1.at[sl])


@functools.partial(
    pl.kernel,
    out_type=[
        jax.ShapeDtypeStruct((_N_ACC, _D), jnp.float32),
        jax.ShapeDtypeStruct((_N_ACC, _D), jnp.float32),
    ],
    mesh=_sc_mesh,
    scratch_types=[
        pltpu.VMEM((_RING, 2, _CHUNK), jnp.int32),
        [pltpu.VMEM((_CHUNK, _D), jnp.float32) for _ in range(_NBUF)],
        pltpu.VMEM_SHARED((_N_ACC, _D), jnp.float32),
        [pltpu.SemaphoreType.DMA for _ in range(_NBUF)],
        [pltpu.SemaphoreType.DMA for _ in range(_RING)],
    ],
)
def _agg_sc(hs, idx3, zrows, out0, out1, iring, bufs, acc_sh, gsems, isems):
    c = lax.axis_index("c")
    s = lax.axis_index("s")
    wid = s * _NC + c
    pltpu.sync_copy(zrows, acc_sh.at[pl.ds(s * _ROWS_PT, _ROWS_PT)])
    plsc.subcore_barrier()

    for r in range(_RING):
        pltpu.async_copy(idx3.at[wid, r], iring.at[r], isems[r])
    for b in range(_NBUF):
        pltpu.make_async_copy(idx3.at[wid, b], iring.at[b], isems[b]).wait()
        pltpu.async_copy(hs.at[iring.at[b, 0]], bufs[b], gsems[b])

    def body(i, carry):
        g = i * _RING
        for r in range(_RING):
            gr = g + r
            b = r % _NBUF
            r2 = (r + _NBUF) % _RING

            @pl.when(gr < _NCHUNK)
            def _():
                pltpu.make_async_copy(
                    hs.at[iring.at[r, 0]], bufs[b], gsems[b]).wait()
                pltpu.sync_copy(bufs[b], acc_sh.at[iring.at[r, 1]], add=True)

                @pl.when(gr + _RING < _NCHUNK)
                def _():
                    pltpu.async_copy(
                        idx3.at[wid, gr + _RING], iring.at[r], isems[r])

                @pl.when(gr + _NBUF < _NCHUNK)
                def _():
                    pltpu.make_async_copy(
                        idx3.at[wid, 0], iring.at[r2], isems[r2]).wait()
                    pltpu.async_copy(
                        hs.at[iring.at[r2, 0]], bufs[b], gsems[b])

        return carry

    lax.fori_loop(0, (_NCHUNK + _RING - 1) // _RING, body, 0)
    plsc.subcore_barrier()
    sl = pl.ds(s * _ROWS_PT, _ROWS_PT)

    @pl.when(c == 0)
    def _():
        pltpu.sync_copy(acc_sh.at[sl], out0.at[sl])

    @pl.when(c == 1)
    def _():
        pltpu.sync_copy(acc_sh.at[sl], out1.at[sl])


def _first_body(x_ref, w_ref, d0_ref, d1_ref, hs_ref, dinv_ref):
    deg = d0_ref[...] + d1_ref[...] + 1.0
    dinv = lax.rsqrt(deg)
    hl = jnp.dot(x_ref[...], w_ref[...], preferred_element_type=jnp.float32)
    hs_ref[...] = hl * dinv
    dinv_ref[...] = dinv


def _tc_first(x, W1, d0, d1):
    return pl.pallas_call(
        _first_body,
        grid=(_GRID,),
        in_specs=[
            pl.BlockSpec((_BR, _D), lambda i: (i, 0)),
            pl.BlockSpec((_D, _D), lambda i: (0, 0)),
            pl.BlockSpec((_BR, 1), lambda i: (i, 0)),
            pl.BlockSpec((_BR, 1), lambda i: (i, 0)),
        ],
        out_specs=[
            pl.BlockSpec((_BR, _D), lambda i: (i, 0)),
            pl.BlockSpec((_BR, 1), lambda i: (i, 0)),
        ],
        out_shape=[
            jax.ShapeDtypeStruct((_N, _D), jnp.float32),
            jax.ShapeDtypeStruct((_N, 1), jnp.float32),
        ],
    )(x, W1, d0, d1)


def _layer_body(a0_ref, a1_ref, hs_ref, dinv_ref, b_ref, w_ref, hsout_ref):
    dinv = dinv_ref[...]
    h = (a0_ref[...] + a1_ref[...] + hs_ref[...]) * dinv + b_ref[...]
    h = jnp.where(h >= 0, h, 0.01 * h)
    hl = jnp.dot(h, w_ref[...], preferred_element_type=jnp.float32)
    hsout_ref[...] = hl * dinv


def _tc_layer(a0, a1, hs, dinv, b, W):
    return pl.pallas_call(
        _layer_body,
        grid=(_GRID,),
        in_specs=[
            pl.BlockSpec((_BR, _D), lambda i: (i, 0)),
            pl.BlockSpec((_BR, _D), lambda i: (i, 0)),
            pl.BlockSpec((_BR, _D), lambda i: (i, 0)),
            pl.BlockSpec((_BR, 1), lambda i: (i, 0)),
            pl.BlockSpec((1, _D), lambda i: (0, 0)),
            pl.BlockSpec((_D, _D), lambda i: (0, 0)),
        ],
        out_specs=pl.BlockSpec((_BR, _D), lambda i: (i, 0)),
        out_shape=jax.ShapeDtypeStruct((_N, _D), jnp.float32),
    )(a0, a1, hs, dinv, b, W)


def _final_body(a0_ref, a1_ref, hs_ref, dinv_ref, b_ref, lwh_ref, lint_ref,
                uw_ref, lb_ref, out_ref, acc_ref):
    i = pl.program_id(0)
    dinv = dinv_ref[...]
    h = (a0_ref[...] + a1_ref[...] + hs_ref[...]) * dinv + b_ref[...]
    h = jnp.where(h >= 0, h, 0.01 * h)

    @pl.when(i == 0)
    def _():
        acc_ref[...] = jnp.zeros_like(acc_ref)

    acc_ref[...] += jnp.sum(h, axis=0, keepdims=True)

    @pl.when(i == _GRID - 1)
    def _():
        g = acc_ref[...] * (1.0 / _N)
        val = (jnp.sum(g * lwh_ref[...])
               + jnp.sum(uw_ref[...] * lint_ref[...]) + lb_ref[0, 0])
        out_ref[...] = jnp.full((1, 1), val, jnp.float32)


def _tc_final(a0, a1, hs, dinv, b, lwh, lint, uw, lb):
    return pl.pallas_call(
        _final_body,
        grid=(_GRID,),
        in_specs=[
            pl.BlockSpec((_BR, _D), lambda i: (i, 0)),
            pl.BlockSpec((_BR, _D), lambda i: (i, 0)),
            pl.BlockSpec((_BR, _D), lambda i: (i, 0)),
            pl.BlockSpec((_BR, 1), lambda i: (i, 0)),
            pl.BlockSpec((1, _D), lambda i: (0, 0)),
            pl.BlockSpec((1, _D), lambda i: (0, 0)),
            pl.BlockSpec((1, 2), lambda i: (0, 0)),
            pl.BlockSpec((1, 2), lambda i: (0, 0)),
            pl.BlockSpec((1, 1), lambda i: (0, 0)),
        ],
        out_specs=pl.BlockSpec((1, 1), lambda i: (0, 0)),
        out_shape=jax.ShapeDtypeStruct((1, 1), jnp.float32),
        scratch_shapes=[pltpu.VMEM((1, _D), jnp.float32)],
    )(a0, a1, hs, dinv, b, lwh, lint, uw, lb)


def kernel(x, edge_index, u, w, W1, b1, W2, b2, W3, b3, W4, b4, W5, b5,
           lin_W, lin_b):
    pad = _E_PAD - _E
    src3 = jnp.concatenate(
        [edge_index[0], jnp.zeros((pad,), jnp.int32)]).reshape(
            _NW, _NCHUNK, _CHUNK)
    dst3 = jnp.concatenate(
        [edge_index[1], jnp.full((pad,), _N, jnp.int32)]).reshape(
            _NW, _NCHUNK, _CHUNK)
    idx3 = jnp.stack([src3, dst3], axis=2)
    zrows = jnp.zeros((_ROWS_PT, _D), jnp.float32)

    deg0, deg1 = _deg_sc(idx3)
    d0 = deg0.reshape(_DEG_ACC, 1)
    d1 = deg1.reshape(_DEG_ACC, 1)

    Ws = (W1, W2, W3, W4, W5)
    bs = (b1, b2, b3, b4, b5)
    hs, dinv = _tc_first(x, W1, d0, d1)
    a0 = a1 = None
    for l in range(5):
        a0, a1 = _agg_sc(hs, idx3, zrows)
        if l < 4:
            hs = _tc_layer(a0, a1, hs, dinv,
                           bs[l].reshape(1, _D), Ws[l + 1])
    out = _tc_final(a0, a1, hs, dinv, bs[4].reshape(1, _D),
                    lin_W[:_D].reshape(1, _D), lin_W[_D:].reshape(1, 2),
                    jnp.stack([u, w]).astype(jnp.float32).reshape(1, 2),
                    lin_b.reshape(1, 1))
    return out.reshape(1)

# --- scband reference (transcript-rebuilt; emitter-appended) ---
"""Pipeline reference for scband-gcnmodel-21328807592519 (READ-ONLY COPY).

The authoritative reference and input builder live on the scoring server;
editing this copy changes nothing except your own understanding.
"""

import jax, jax.numpy as jnp
import numpy as np

N = 10000
E = 320000
D_IN = 128
H = 128


def setup_inputs(seed: int = 0) -> dict:
    key = jax.random.key(seed)
    ks = jax.random.split(key, 20)
    inp = {}
    inp["x"] = jax.random.normal(ks[0], (N, D_IN), dtype=jnp.float32)
    inp["edge_index"] = jax.random.randint(ks[1], (2, E), 0, N, dtype=jnp.int32)
    inp["u"] = jax.random.uniform(ks[2], (), dtype=jnp.float32)
    inp["w"] = jax.random.uniform(ks[3], (), dtype=jnp.float32)
    dims = [(D_IN, H), (H, H), (H, H), (H, H), (H, H)]
    for i, (di, do) in enumerate(dims):
        inp["W%d" % (i + 1)] = jax.random.normal(ks[4 + 2 * i], (di, do), dtype=jnp.float32) * (1.0 / np.sqrt(di))
        inp["b%d" % (i + 1)] = jnp.zeros((do,), dtype=jnp.float32)
    inp["lin_W"] = jax.random.normal(ks[15], (H + 2, 1), dtype=jnp.float32) * (1.0 / np.sqrt(H + 2))
    inp["lin_b"] = jnp.zeros((1,), dtype=jnp.float32)
    return inp


def _gcn_conv(h, src, dst, norm, W, b):
    # PyG GCNConv: linear transform, then symmetric-normalized scatter-add aggregation
    h = h @ W
    msg = h[src] * norm[:, None]
    out = jnp.zeros(h.shape, dtype=h.dtype).at[dst].add(msg)
    return out + b


def reference(x, edge_index, u, w, W1, b1, W2, b2, W3, b3, W4, b4, W5, b5, lin_W, lin_b):
    n = x.shape[0]
    loops = jnp.arange(n, dtype=edge_index.dtype)
    src = jnp.concatenate([edge_index[0], loops])
    dst = jnp.concatenate([edge_index[1], loops])
    deg = jnp.zeros((n,), dtype=jnp.float32).at[dst].add(1.0)
    dinv = jax.lax.rsqrt(jnp.maximum(deg, 1.0))
    norm = dinv[src] * dinv[dst]
    h = x
    for W, b in ((W1, b1), (W2, b2), (W3, b3), (W4, b4), (W5, b5)):
        h = _gcn_conv(h, src, dst, norm, W, b)
        h = jax.nn.leaky_relu(h, negative_slope=0.01)
    g = jnp.mean(h, axis=0)
    g = jnp.concatenate([g, jnp.stack([u, w]).astype(jnp.float32)], axis=0)
    return g @ lin_W + lin_b

if __name__ == "__main__":
    import jax
    _d = setup_inputs()
    print(jax.jit(kernel)(*tuple(_d.values())))

</pallas_src>

<mosaic_0001>
#map = affine_map<(d0, d1) -> (0, 0)>
#map1 = affine_map<(d0, d1) -> (0, 0, 0, 0)>
module attributes {stable_mosaic.version = 14 : i64} {
  func.func @_agg_sc(%arg0: i32, %arg1: i32, %arg2: memref<10000x128xf32, #tpu.memory_space<hbm>>, %arg3: memref<32x79x2x128xi32, #tpu.memory_space<hbm>>, %arg4: memref<632x128xf32, #tpu.memory_space<hbm>>, %arg5: memref<10112x128xf32, #tpu.memory_space<hbm>>, %arg6: memref<10112x128xf32, #tpu.memory_space<hbm>>, %arg7: memref<4x2x128xi32, #tpu.memory_space<vmem>>, %arg8: memref<128x128xf32, #tpu.memory_space<vmem>>, %arg9: memref<128x128xf32, #tpu.memory_space<vmem>>, %arg10: memref<10112x128xf32, #tpu.memory_space<vmem_shared>>, %arg11: memref<!tpu.dma_semaphore, #tpu.memory_space<semaphore_mem>>, %arg12: memref<!tpu.dma_semaphore, #tpu.memory_space<semaphore_mem>>, %arg13: memref<!tpu.dma_semaphore, #tpu.memory_space<semaphore_mem>>, %arg14: memref<!tpu.dma_semaphore, #tpu.memory_space<semaphore_mem>>, %arg15: memref<!tpu.dma_semaphore, #tpu.memory_space<semaphore_mem>>, %arg16: memref<!tpu.dma_semaphore, #tpu.memory_space<semaphore_mem>>) attributes {dimension_semantics = [#tpu.dimension_semantics<core_parallel>, #tpu.dimension_semantics<subcore_parallel>], iteration_bounds = array<i64: 2, 16>, scalar_prefetch = 0 : i64, scratch_operands = 10 : i64, tpu.core_type = #tpu.core_type<sc_vector_subcore>, window_params = [{transform_indices = #map}, {transform_indices = #map1}, {transform_indices = #map}, {transform_indices = #map}, {transform_indices = #map}]} {
    %mul3A = arith.constant 2 : i32
    %mul3A_0 = arith.muli %arg1, %mul3A : i32
    %add3A = arith.addi %mul3A_0, %arg0 : i32
    %mul3A_1 = arith.constant 632 : i32
    %mul3A_2 = arith.muli %arg1, %mul3A_1 : i32
    "tpu.region"() ({
      %run_scoped3A = tpu.sem_alloc : memref<!tpu.dma_semaphore, #tpu.memory_space<semaphore_mem>>
      %dma_start3A_140 = arith.constant 0 : i32
      %dma_start3A_141 = tpu.memref_slice %arg10[%mul3A_2, %dma_start3A_140] : memref<10112x128xf32, #tpu.memory_space<vmem_shared>> -> memref<632x128xf32, #tpu.memory_space<vmem_shared>>
      tpu.enqueue_dma source(%arg4 : memref<632x128xf32, #tpu.memory_space<hbm>>) target(%dma_start3A_141 : memref<632x128xf32, #tpu.memory_space<vmem_shared>>) target_semaphore(%run_scoped3A : memref<!tpu.dma_semaphore, #tpu.memory_space<semaphore_mem>>)
      %dma_wait3A_142 = arith.constant 0 : i32
      %dma_wait3A_143 = tpu.memref_slice %arg10[%mul3A_2, %dma_wait3A_142] : memref<10112x128xf32, #tpu.memory_space<vmem_shared>> -> memref<632x128xf32, #tpu.memory_space<vmem_shared>>
      tpu.wait_dma2 semaphore(%run_scoped3A : memref<!tpu.dma_semaphore, #tpu.memory_space<semaphore_mem>>) src(%arg4 : memref<632x128xf32, #tpu.memory_space<hbm>>) dst(%dma_wait3A_143 : memref<632x128xf32, #tpu.memory_space<vmem_shared>>)
      tpu.yield
    }) : () -> ()
    %barrier3A = arith.constant 0 : index
    tpu.barrier barrier_id(%barrier3A)
    %dma_start3A = arith.constant 0 : i32
    %dma_start3A_3 = arith.constant 0 : i32
    %dma_start3A_4 = arith.constant 0 : i32
    %dma_start3A_5 = arith.constant 0 : i32
    %dma_start3A_6 = tpu.memref_slice %arg7[%dma_start3A_3, %dma_start3A_4, %dma_start3A_5] : memref<4x2x128xi32, #tpu.memory_space<vmem>> -> memref<1x2x128xi32, #tpu.memory_space<vmem>>
    %dma_start3A_7 = tpu.memref_squeeze %dma_start3A_6 : memref<1x2x128xi32, #tpu.memory_space<vmem>> -> memref<2x128xi32, #tpu.memory_space<vmem>>
    %dma_start3A_8 = arith.constant 0 : i32
    %dma_start3A_9 = arith.constant 0 : i32
    %dma_start3A_10 = tpu.memref_slice %arg3[%add3A, %dma_start3A, %dma_start3A_8, %dma_start3A_9] : memref<32x79x2x128xi32, #tpu.memory_space<hbm>> -> memref<1x1x2x128xi32, #tpu.memory_space<hbm>>
    %dma_start3A_11 = tpu.memref_squeeze %dma_start3A_10 : memref<1x1x2x128xi32, #tpu.memory_space<hbm>> -> memref<2x128xi32, #tpu.memory_space<hbm>>
    %dma_start3A_12 = arith.constant 0 : i32
    %dma_start3A_13 = arith.constant 0 : i32
    %dma_start3A_14 = tpu.memref_slice %arg7[%dma_start3A_3, %dma_start3A_12, %dma_start3A_13] : memref<4x2x128xi32, #tpu.memory_space<vmem>> -> memref<1x2x128xi32, #tpu.memory_space<vmem>>
    %dma_start3A_15 = tpu.memref_squeeze %dma_start3A_14 : memref<1x2x128xi32, #tpu.memory_space<vmem>> -> memref<2x128xi32, #tpu.memory_space<vmem>>
    %dma_start3A_16 = arith.constant 0 : i32
    %dma_start3A_17 = arith.constant 0 : i32
    %dma_start3A_18 = tpu.memref_slice %arg3[%add3A, %dma_start3A, %dma_start3A_16, %dma_start3A_17] : memref<32x79x2x128xi32, #tpu.memory_space<hbm>> -> memref<1x1x2x128xi32, #tpu.memory_space<hbm>>
    %dma_start3A_19 = tpu.memref_squeeze %dma_start3A_18 : memref<1x1x2x128xi32, #tpu.memory_space<hbm>> -> memref<2x128xi32, #tpu.memory_space<hbm>>
    tpu.enqueue_dma source(%dma_start3A_19 : memref<2x128xi32, #tpu.memory_space<hbm>>) target(%dma_start3A_15 : memref<2x128xi32, #tpu.memory_space<vmem>>) target_semaphore(%arg13 : memref<!tpu.dma_semaphore, #tpu.memory_space<semaphore_mem>>)
    %dma_start3A_20 = arith.constant 1 : i32
    %dma_start3A_21 = arith.constant 1 : i32
    %dma_start3A_22 = arith.constant 0 : i32
    %dma_start3A_23 = arith.constant 0 : i32
    %dma_start3A_24 = tpu.memref_slice %arg7[%dma_start3A_21, %dma_start3A_22, %dma_start3A_23] : memref<4x2x128xi32, #tpu.memory_space<vmem>> -> memref<1x2x128xi32, #tpu.memory_space<vmem>>
    %dma_start3A_25 = tpu.memref_squeeze %dma_start3A_24 : memref<1x2x128xi32, #tpu.memory_space<vmem>> -> memref<2x128xi32, #tpu.memory_space<vmem>>
    %dma_start3A_26 = arith.constant 0 : i32
    %dma_start3A_27 = arith.constant 0 : i32
    %dma_start3A_28 = tpu.memref_slice %arg3[%add3A, %dma_start3A_20, %dma_start3A_26, %dma_start3A_27] : memref<32x79x2x128xi32, #tpu.memory_space<hbm>> -> memref<1x1x2x128xi32, #tpu.memory_space<hbm>>
    %dma_start3A_29 = tpu.memref_squeeze %dma_start3A_28 : memref<1x1x2x128xi32, #tpu.memory_space<hbm>> -> memref<2x128xi32, #tpu.memory_space<hbm>>
    %dma_start3A_30 = arith.constant 0 : i32
    %dma_start3A_31 = arith.constant 0 : i32
    %dma_start3A_32 = tpu.memref_slice %arg7[%dma_start3A_21, %dma_start3A_30, %dma_start3A_31] : memref<4x2x128xi32, #tpu.memory_space<vmem>> -> memref<1x2x128xi32, #tpu.memory_space<vmem>>
    %dma_start3A_33 = tpu.memref_squeeze %dma_start3A_32 : memref<1x2x128xi32, #tpu.memory_space<vmem>> -> memref<2x128xi32, #tpu.memory_space<vmem>>
    %dma_start3A_34 = arith.constant 0 : i32
    %dma_start3A_35 = arith.constant 0 : i32
    %dma_start3A_36 = tpu.memref_slice %arg3[%add3A, %dma_start3A_20, %dma_start3A_34, %dma_start3A_35] : memref<32x79x2x128xi32, #tpu.memory_space<hbm>> -> memref<1x1x2x128xi32, #tpu.memory_space<hbm>>
    %dma_start3A_37 = tpu.memref_squeeze %dma_start3A_36 : memref<1x1x2x128xi32, #tpu.memory_space<hbm>> -> memref<2x128xi32, #tpu.memory_space<hbm>>
    tpu.enqueue_dma source(%dma_start3A_37 : memref<2x128xi32, #tpu.memory_space<hbm>>) target(%dma_start3A_33 : memref<2x128xi32, #tpu.memory_space<vmem>>) target_semaphore(%arg14 : memref<!tpu.dma_semaphore, #tpu.memory_space<semaphore_mem>>)
    %dma_start3A_38 = arith.constant 2 : i32
    %dma_start3A_39 = arith.constant 2 : i32
    %dma_start3A_40 = arith.constant 0 : i32
    %dma_start3A_41 = arith.constant 0 : i32
    %dma_start3A_42 = tpu.memref_slice %arg7[%dma_start3A_39, %dma_start3A_40, %dma_start3A_41] : memref<4x2x128xi32, #tpu.memory_space<vmem>> -> memref<1x2x128xi32, #tpu.memory_space<vmem>>
    %dma_start3A_43 = tpu.memref_squeeze %dma_start3A_42 : memref<1x2x128xi32, #tpu.memory_space<vmem>> -> memref<2x128xi32, #tpu.memory_space<vmem>>
    %dma_start3A_44 = arith.constant 0 : i32
    %dma_start3A_45 = arith.constant 0 : i32
    %dma_start3A_46 = tpu.memref_slice %arg3[%add3A, %dma_start3A_38, %dma_start3A_44, %dma_start3A_45] : memref<32x79x2x128xi32, #tpu.memory_space<hbm>> -> memref<1x1x2x128xi32, #tpu.memory_space<hbm>>
    %dma_start3A_47 = tpu.memref_squeeze %dma_start3A_46 : memref<1x1x2x128xi32, #tpu.memory_space<hbm>> -> memref<2x128xi32, #tpu.memory_space<hbm>>
    %dma_start3A_48 = arith.constant 0 : i32
    %dma_start3A_49 = arith.constant 0 : i32
    %dma_start3A_50 = tpu.memref_slice %arg7[%dma_start3A_39, %dma_start3A_48, %dma_start3A_49] : memref<4x2x128xi32, #tpu.memory_space<vmem>> -> memref<1x2x128xi32, #tpu.memory_space<vmem>>
    %dma_start3A_51 = tpu.memref_squeeze %dma_start3A_50 : memref<1x2x128xi32, #tpu.memory_space<vmem>> -> memref<2x128xi32, #tpu.memory_space<vmem>>
    %dma_start3A_52 = arith.constant 0 : i32
    %dma_start3A_53 = arith.constant 0 : i32
    %dma_start3A_54 = tpu.memref_slice %arg3[%add3A, %dma_start3A_38, %dma_start3A_52, %dma_start3A_53] : memref<32x79x2x128xi32, #tpu.memory_space<hbm>> -> memref<1x1x2x128xi32, #tpu.memory_space<hbm>>
    %dma_start3A_55 = tpu.memref_squeeze %dma_start3A_54 : memref<1x1x2x128xi32, #tpu.memory_space<hbm>> -> memref<2x128xi32, #tpu.memory_space<hbm>>
    tpu.enqueue_dma source(%dma_start3A_55 : memref<2x128xi32, #tpu.memory_space<hbm>>) target(%dma_start3A_51 : memref<2x128xi32, #tpu.memory_space<vmem>>) target_semaphore(%arg15 : memref<!tpu.dma_semaphore, #tpu.memory_space<semaphore_mem>>)
    %dma_start3A_56 = arith.constant 3 : i32
    %dma_start3A_57 = arith.constant 3 : i32
    %dma_start3A_58 = arith.constant 0 : i32
    %dma_start3A_59 = arith.constant 0 : i32
    %dma_start3A_60 = tpu.memref_slice %arg7[%dma_start3A_57, %dma_start3A_58, %dma_start3A_59] : memref<4x2x128xi32, #tpu.memory_space<vmem>> -> memref<1x2x128xi32, #tpu.memory_space<vmem>>
    %dma_start3A_61 = tpu.memref_squeeze %dma_start3A_60 : memref<1x2x128xi32, #tpu.memory_space<vmem>> -> memref<2x128xi32, #tpu.memory_space<vmem>>
    %dma_start3A_62 = arith.constant 0 : i32
    %dma_start3A_63 = arith.constant 0 : i32
    %dma_start3A_64 = tpu.memref_slice %arg3[%add3A, %dma_start3A_56, %dma_start3A_62, %dma_start3A_63] : memref<32x79x2x128xi32, #tpu.memory_space<hbm>> -> memref<1x1x2x128xi32, #tpu.memory_space<hbm>>
    %dma_start3A_65 = tpu.memref_squeeze %dma_start3A_64 : memref<1x1x2x128xi32, #tpu.memory_space<hbm>> -> memref<2x128xi32, #tpu.memory_space<hbm>>
    %dma_start3A_66 = arith.constant 0 : i32
    %dma_start3A_67 = arith.constant 0 : i32
    %dma_start3A_68 = tpu.memref_slice %arg7[%dma_start3A_57, %dma_start3A_66, %dma_start3A_67] : memref<4x2x128xi32, #tpu.memory_space<vmem>> -> memref<1x2x128xi32, #tpu.memory_space<vmem>>
    %dma_start3A_69 = tpu.memref_squeeze %dma_start3A_68 : memref<1x2x128xi32, #tpu.memory_space<vmem>> -> memref<2x128xi32, #tpu.memory_space<vmem>>
    %dma_start3A_70 = arith.constant 0 : i32
    %dma_start3A_71 = arith.constant 0 : i32
    %dma_start3A_72 = tpu.memref_slice %arg3[%add3A, %dma_start3A_56, %dma_start3A_70, %dma_start3A_71] : memref<32x79x2x128xi32, #tpu.memory_space<hbm>> -> memref<1x1x2x128xi32, #tpu.memory_space<hbm>>
    %dma_start3A_73 = tpu.memref_squeeze %dma_start3A_72 : memref<1x1x2x128xi32, #tpu.memory_space<hbm>> -> memref<2x128xi32, #tpu.memory_space<hbm>>
    tpu.enqueue_dma source(%dma_start3A_73 : memref<2x128xi32, #tpu.memory_space<hbm>>) target(%dma_start3A_69 : memref<2x128xi32, #tpu.memory_space<vmem>>) target_semaphore(%arg16 : memref<!tpu.dma_semaphore, #tpu.memory_space<semaphore_mem>>)
    %dma_wait3A = arith.constant 0 : i32
    %dma_wait3A_74 = arith.constant 0 : i32
    %dma_wait3A_75 = arith.constant 0 : i32
    %dma_wait3A_76 = arith.constant 0 : i32
    %dma_wait3A_77 = tpu.memref_slice %arg7[%dma_wait3A_74, %dma_wait3A_75, %dma_wait3A_76] : memref<4x2x128xi32, #tpu.memory_space<vmem>> -> memref<1x2x128xi32, #tpu.memory_space<vmem>>
    %dma_wait3A_78 = tpu.memref_squeeze %dma_wait3A_77 : memref<1x2x128xi32, #tpu.memory_space<vmem>> -> memref<2x128xi32, #tpu.memory_space<vmem>>
    %dma_wait3A_79 = arith.constant 0 : i32
    %dma_wait3A_80 = arith.constant 0 : i32
    %dma_wait3A_81 = tpu.memref_slice %arg3[%add3A, %dma_wait3A, %dma_wait3A_79, %dma_wait3A_80] : memref<32x79x2x128xi32, #tpu.memory_space<hbm>> -> memref<1x1x2x128xi32, #tpu.memory_space<hbm>>
    %dma_wait3A_82 = tpu.memref_squeeze %dma_wait3A_81 : memref<1x1x2x128xi32, #tpu.memory_space<hbm>> -> memref<2x128xi32, #tpu.memory_space<hbm>>
    %dma_wait3A_83 = arith.constant 0 : i32
    %dma_wait3A_84 = arith.constant 0 : i32
    %dma_wait3A_85 = tpu.memref_slice %arg7[%dma_wait3A_74, %dma_wait3A_83, %dma_wait3A_84] : memref<4x2x128xi32, #tpu.memory_space<vmem>> -> memref<1x2x128xi32, #tpu.memory_space<vmem>>
    %dma_wait3A_86 = tpu.memref_squeeze %dma_wait3A_85 : memref<1x2x128xi32, #tpu.memory_space<vmem>> -> memref<2x128xi32, #tpu.memory_space<vmem>>
    %dma_wait3A_87 = arith.constant 0 : i32
    %dma_wait3A_88 = arith.constant 0 : i32
    %dma_wait3A_89 = tpu.memref_slice %arg3[%add3A, %dma_wait3A, %dma_wait3A_87, %dma_wait3A_88] : memref<32x79x2x128xi32, #tpu.memory_space<hbm>> -> memref<1x1x2x128xi32, #tpu.memory_space<hbm>>
    %dma_wait3A_90 = tpu.memref_squeeze %dma_wait3A_89 : memref<1x1x2x128xi32, #tpu.memory_space<hbm>> -> memref<2x128xi32, #tpu.memory_space<hbm>>
    tpu.wait_dma2 semaphore(%arg13 : memref<!tpu.dma_semaphore, #tpu.memory_space<semaphore_mem>>) src(%dma_wait3A_90 : memref<2x128xi32, #tpu.memory_space<hbm>>) dst(%dma_wait3A_86 : memref<2x128xi32, #tpu.memory_space<vmem>>)
    %dma_start3A_91 = arith.constant 0 : i32
    %dma_start3A_92 = arith.constant 0 : i32
    %dma_start3A_93 = arith.constant 0 : i32
    %dma_start3A_94 = tpu.memref_slice %arg7[%dma_start3A_91, %dma_start3A_92, %dma_start3A_93] : memref<4x2x128xi32, #tpu.memory_space<vmem>> -> memref<1x1x128xi32, #tpu.memory_space<vmem>>
    %dma_start3A_95 = tpu.memref_squeeze %dma_start3A_94 : memref<1x1x128xi32, #tpu.memory_space<vmem>> -> memref<128xi32, #tpu.memory_space<vmem>>
    %dma_start3A_96 = arith.constant 0 : i32
    %dma_start3A_97 = arith.constant 0 : i32
    %dma_start3A_98 = tpu.memref_slice %arg2[%dma_start3A_96, %dma_start3A_97] : memref<10000x128xf32, #tpu.memory_space<hbm>> -> memref<10000x128xf32, #tpu.memory_space<hbm>>
    tpu.enqueue_indirect_dma source(%dma_start3A_98 : memref<10000x128xf32, #tpu.memory_space<hbm>>) target(%arg8 : memref<128x128xf32, #tpu.memory_space<vmem>>) offsets(%dma_start3A_95 : memref<128xi32, #tpu.memory_space<vmem>>) semaphore(%arg11 : memref<!tpu.dma_semaphore, #tpu.memory_space<semaphore_mem>>)
    %dma_wait3A_99 = arith.constant 1 : i32
    %dma_wait3A_100 = arith.constant 1 : i32
    %dma_wait3A_101 = arith.constant 0 : i32
    %dma_wait3A_102 = arith.constant 0 : i32
    %dma_wait3A_103 = tpu.memref_slice %arg7[%dma_wait3A_100, %dma_wait3A_101, %dma_wait3A_102] : memref<4x2x128xi32, #tpu.memory_space<vmem>> -> memref<1x2x128xi32, #tpu.memory_space<vmem>>
    %dma_wait3A_104 = tpu.memref_squeeze %dma_wait3A_103 : memref<1x2x128xi32, #tpu.memory_space<vmem>> -> memref<2x128xi32, #tpu.memory_space<vmem>>
    %dma_wait3A_105 = arith.constant 0 : i32
    %dma_wait3A_106 = arith.constant 0 : i32
    %dma_wait3A_107 = tpu.memref_slice %arg3[%add3A, %dma_wait3A_99, %dma_wait3A_105, %dma_wait3A_106] : memref<32x79x2x128xi32, #tpu.memory_space<hbm>> -> memref<1x1x2x128xi32, #tpu.memory_space<hbm>>
    %dma_wait3A_108 = tpu.memref_squeeze %dma_wait3A_107 : memref<1x1x2x128xi32, #tpu.memory_space<hbm>> -> memref<2x128xi32, #tpu.memory_space<hbm>>
    %dma_wait3A_109 = arith.constant 0 : i32
    %dma_wait3A_110 = arith.constant 0 : i32
    %dma_wait3A_111 = tpu.memref_slice %arg7[%dma_wait3A_100, %dma_wait3A_109, %dma_wait3A_110] : memref<4x2x128xi32, #tpu.memory_space<vmem>> -> memref<1x2x128xi32, #tpu.memory_space<vmem>>
    %dma_wait3A_112 = tpu.memref_squeeze %dma_wait3A_111 : memref<1x2x128xi32, #tpu.memory_space<vmem>> -> memref<2x128xi32, #tpu.memory_space<vmem>>
    %dma_wait3A_113 = arith.constant 0 : i32
    %dma_wait3A_114 = arith.constant 0 : i32
    %dma_wait3A_115 = tpu.memref_slice %arg3[%add3A, %dma_wait3A_99, %dma_wait3A_113, %dma_wait3A_114] : memref<32x79x2x128xi32, #tpu.memory_space<hbm>> -> memref<1x1x2x128xi32, #tpu.memory_space<hbm>>
    %dma_wait3A_116 = tpu.memref_squeeze %dma_wait3A_115 : memref<1x1x2x128xi32, #tpu.memory_space<hbm>> -> memref<2x128xi32, #tpu.memory_space<hbm>>
    tpu.wait_dma2 semaphore(%arg14 : memref<!tpu.dma_semaphore, #tpu.memory_space<semaphore_mem>>) src(%dma_wait3A_116 : memref<2x128xi32, #tpu.memory_space<hbm>>) dst(%dma_wait3A_112 : memref<2x128xi32, #tpu.memory_space<vmem>>)
    %dma_start3A_117 = arith.constant 1 : i32
    %dma_start3A_118 = arith.constant 0 : i32
    %dma_start3A_119 = arith.constant 0 : i32
    %dma_start3A_120 = tpu.memref_slice %arg7[%dma_start3A_117, %dma_start3A_118, %dma_start3A_119] : memref<4x2x128xi32, #tpu.memory_space<vmem>> -> memref<1x1x128xi32, #tpu.memory_space<vmem>>
    %dma_start3A_121 = tpu.memref_squeeze %dma_start3A_120 : memref<1x1x128xi32, #tpu.memory_space<vmem>> -> memref<128xi32, #tpu.memory_space<vmem>>
    %dma_start3A_122 = arith.constant 0 : i32
    %dma_start3A_123 = arith.constant 0 : i32
    %dma_start3A_124 = tpu.memref_slice %arg2[%dma_start3A_122, %dma_start3A_123] : memref<10000x128xf32, #tpu.memory_space<hbm>> -> memref<10000x128xf32, #tpu.memory_space<hbm>>
    tpu.enqueue_indirect_dma source(%dma_start3A_124 : memref<10000x128xf32, #tpu.memory_space<hbm>>) target(%arg9 : memref<128x128xf32, #tpu.memory_space<vmem>>) offsets(%dma_start3A_121 : memref<128xi32, #tpu.memory_space<vmem>>) semaphore(%arg12 : memref<!tpu.dma_semaphore, #tpu.memory_space<semaphore_mem>>)
    %scan3A = arith.constant 0 : i32
    %scan3A_125 = arith.constant 0 : i32
    %scan3A_126 = arith.constant 20 : i32
    %scan3A_127 = arith.addi %scan3A_125, %scan3A_126 : i32
    %scan3A_128 = arith.constant 1 : i32
    scf.for %scan3A_140 = %scan3A_125 to %scan3A_127 step %scan3A_128  : i32 {
      %mul3A_141 = arith.constant 4 : i32
      %mul3A_142 = arith.muli %scan3A_140, %mul3A_141 : i32
      %add3A_143 = arith.constant 0 : i32
      %add3A_144 = arith.addi %mul3A_142, %add3A_143 : i32
      %lt3A = arith.constant 79 : i32
      %lt3A_145 = arith.cmpi slt, %add3A_144, %lt3A : i32
      %convert_element_type3A_146 = arith.extui %lt3A_145 : i1 to i32
      %cond3A_147 = arith.constant 0 : i32
      %cond3A_148 = arith.cmpi ne, %convert_element_type3A_146, %cond3A_147 : i32
      scf.if %cond3A_148 {
        %dma_wait3A_170 = arith.constant 0 : i32
        %dma_wait3A_171 = arith.constant 0 : i32
        %dma_wait3A_172 = arith.constant 0 : i32
        %dma_wait3A_173 = tpu.memref_slice %arg7[%dma_wait3A_170, %dma_wait3A_171, %dma_wait3A_172] : memref<4x2x128xi32, #tpu.memory_space<vmem>> -> memref<1x1x128xi32, #tpu.memory_space<vmem>>
        %dma_wait3A_174 = tpu.memref_squeeze %dma_wait3A_173 : memref<1x1x128xi32, #tpu.memory_space<vmem>> -> memref<128xi32, #tpu.memory_space<vmem>>
        %dma_wait3A_175 = arith.constant 0 : i32
        %dma_wait3A_176 = arith.constant 0 : i32
        %dma_wait3A_177 = tpu.memref_slice %arg2[%dma_wait3A_175, %dma_wait3A_176] : memref<10000x128xf32, #tpu.memory_space<hbm>> -> memref<10000x128xf32, #tpu.memory_space<hbm>>
        tpu.wait_indirect_dma semaphore(%arg11 : memref<!tpu.dma_semaphore, #tpu.memory_space<semaphore_mem>>) src(%dma_wait3A_177 : memref<10000x128xf32, #tpu.memory_space<hbm>>) dst(%arg8 : memref<128x128xf32, #tpu.memory_space<vmem>>)
        %run_scoped3A = arith.constant 0 : i32
        %run_scoped3A_178 = arith.constant 1 : i32
        "tpu.region"() ({
          %run_scoped3A_193 = tpu.sem_alloc : memref<!tpu.dma_semaphore, #tpu.memory_space<semaphore_mem>>
          %dma_start3A_194 = arith.constant 0 : i32
          %dma_start3A_195 = tpu.memref_slice %arg7[%run_scoped3A, %run_scoped3A_178, %dma_start3A_194] : memref<4x2x128xi32, #tpu.memory_space<vmem>> -> memref<1x1x128xi32, #tpu.memory_space<vmem>>
          %dma_start3A_196 = tpu.memref_squeeze %dma_start3A_195 : memref<1x1x128xi32, #tpu.memory_space<vmem>> -> memref<128xi32, #tpu.memory_space<vmem>>
          %dma_start3A_197 = arith.constant 0 : i32
          %dma_start3A_198 = arith.constant 0 : i32
          %dma_start3A_199 = tpu.memref_slice %arg10[%dma_start3A_197, %dma_start3A_198] : memref<10112x128xf32, #tpu.memory_space<vmem_shared>> -> memref<10112x128xf32, #tpu.memory_space<vmem_shared>>
          tpu.enqueue_indirect_dma source(%arg8 : memref<128x128xf32, #tpu.memory_space<vmem>>) target(%dma_start3A_199 : memref<10112x128xf32, #tpu.memory_space<vmem_shared>>) offsets(%dma_start3A_196 : memref<128xi32, #tpu.memory_space<vmem>>) semaphore(%run_scoped3A_193 : memref<!tpu.dma_semaphore, #tpu.memory_space<semaphore_mem>>) {add = true}
          %dma_wait3A_200 = arith.constant 0 : i32
          %dma_wait3A_201 = tpu.memref_slice %arg7[%run_scoped3A, %run_scoped3A_178, %dma_wait3A_200] : memref<4x2x128xi32, #tpu.memory_space<vmem>> -> memref<1x1x128xi32, #tpu.memory_space<vmem>>
          %dma_wait3A_202 = tpu.memref_squeeze %dma_wait3A_201 : memref<1x1x128xi32, #tpu.memory_space<vmem>> -> memref<128xi32, #tpu.memory_space<vmem>>
          %dma_wait3A_203 = arith.constant 0 : i32
          %dma_wait3A_204 = arith.constant 0 : i32
          %dma_wait3A_205 = tpu.memref_slice %arg10[%dma_wait3A_203, %dma_wait3A_204] : memref<10112x128xf32, #tpu.memory_space<vmem_shared>> -> memref<10112x128xf32, #tpu.memory_space<vmem_shared>>
          tpu.wait_indirect_dma semaphore(%run_scoped3A_193 : memref<!tpu.dma_semaphore, #tpu.memory_space<semaphore_mem>>) src(%arg8 : memref<128x128xf32, #tpu.memory_space<vmem>>) dst(%dma_wait3A_205 : memref<10112x128xf32, #tpu.memory_space<vmem_shared>>)
          tpu.yield
        }) : () -> ()
        %add3A_179 = arith.constant 4 : i32
        %add3A_180 = arith.addi %add3A_144, %add3A_179 : i32
        %lt3A_181 = arith.constant 79 : i32
        %lt3A_182 = arith.cmpi slt, %add3A_180, %lt3A_181 : i32
        %convert_element_type3A_183 = arith.extui %lt3A_182 : i1 to i32
        %cond3A_184 = arith.constant 0 : i32
        %cond3A_185 = arith.cmpi ne, %convert_element_type3A_183, %cond3A_184 : i32
        scf.if %cond3A_185 {
          %add3A_193 = arith.constant 4 : i32
          %add3A_194 = arith.addi %add3A_144, %add3A_193 : i32
          %dma_start3A_195 = arith.constant 0 : i32
          %dma_start3A_196 = arith.constant 0 : i32
          %dma_start3A_197 = arith.constant 0 : i32
          %dma_start3A_198 = tpu.memref_slice %arg7[%dma_start3A_195, %dma_start3A_196, %dma_start3A_197] : memref<4x2x128xi32, #tpu.memory_space<vmem>> -> memref<1x2x128xi32, #tpu.memory_space<vmem>>
          %dma_start3A_199 = tpu.memref_squeeze %dma_start3A_198 : memref<1x2x128xi32, #tpu.memory_space<vmem>> -> memref<2x128xi32, #tpu.memory_space<vmem>>
          %dma_start3A_200 = arith.constant 0 : i32
          %dma_start3A_201 = arith.constant 0 : i32
          %dma_start3A_202 = tpu.memref_slice %arg3[%add3A, %add3A_194, %dma_start3A_200, %dma_start3A_201] : memref<32x79x2x128xi32, #tpu.memory_space<hbm>> -> memref<1x1x2x128xi32, #tpu.memory_space<hbm>>
          %dma_start3A_203 = tpu.memref_squeeze %dma_start3A_202 : memref<1x1x2x128xi32, #tpu.memory_space<hbm>> -> memref<2x128xi32, #tpu.memory_space<hbm>>
          %dma_start3A_204 = arith.constant 0 : i32
          %dma_start3A_205 = arith.constant 0 : i32
          %dma_start3A_206 = tpu.memref_slice %arg7[%dma_start3A_195, %dma_start3A_204, %dma_start3A_205] : memref<4x2x128xi32, #tpu.memory_space<vmem>> -> memref<1x2x128xi32, #tpu.memory_space<vmem>>
          %dma_start3A_207 = tpu.memref_squeeze %dma_start3A_206 : memref<1x2x128xi32, #tpu.memory_space<vmem>> -> memref<2x128xi32, #tpu.memory_space<vmem>>
          %dma_start3A_208 = arith.constant 0 : i32
          %dma_start3A_209 = arith.constant 0 : i32
          %dma_start3A_210 = tpu.memref_slice %arg3[%add3A, %add3A_194, %dma_start3A_208, %dma_start3A_209] : memref<32x79x2x128xi32, #tpu.memory_space<hbm>> -> memref<1x1x2x128xi32, #tpu.memory_space<hbm>>
          %dma_start3A_211 = tpu.memref_squeeze %dma_start3A_210 : memref<1x1x2x128xi32, #tpu.memory_space<hbm>> -> memref<2x128xi32, #tpu.memory_space<hbm>>
          tpu.enqueue_dma source(%dma_start3A_211 : memref<2x128xi32, #tpu.memory_space<hbm>>) target(%dma_start3A_207 : memref<2x128xi32, #tpu.memory_space<vmem>>) target_semaphore(%arg13 : memref<!tpu.dma_semaphore, #tpu.memory_space<semaphore_mem>>)
        } else {
        }
        %add3A_186 = arith.constant 2 : i32
        %add3A_187 = arith.addi %add3A_144, %add3A_186 : i32
        %lt3A_188 = arith.constant 79 : i32
        %lt3A_189 = arith.cmpi slt, %add3A_187, %lt3A_188 : i32
        %convert_element_type3A_190 = arith.extui %lt3A_189 : i1 to i32
        %cond3A_191 = arith.constant 0 : i32
        %cond3A_192 = arith.cmpi ne, %convert_element_type3A_190, %cond3A_191 : i32
        scf.if %cond3A_192 {
          %dma_wait3A_193 = arith.constant 0 : i32
          %dma_wait3A_194 = arith.constant 2 : i32
          %dma_wait3A_195 = arith.constant 0 : i32
          %dma_wait3A_196 = arith.constant 0 : i32
          %dma_wait3A_197 = tpu.memref_slice %arg7[%dma_wait3A_194, %dma_wait3A_195, %dma_wait3A_196] : memref<4x2x128xi32, #tpu.memory_space<vmem>> -> memref<1x2x128xi32, #tpu.memory_space<vmem>>
          %dma_wait3A_198 = tpu.memref_squeeze %dma_wait3A_197 : memref<1x2x128xi32, #tpu.memory_space<vmem>> -> memref<2x128xi32, #tpu.memory_space<vmem>>
          %dma_wait3A_199 = arith.constant 0 : i32
          %dma_wait3A_200 = arith.constant 0 : i32
          %dma_wait3A_201 = tpu.memref_slice %arg3[%add3A, %dma_wait3A_193, %dma_wait3A_199, %dma_wait3A_200] : memref<32x79x2x128xi32, #tpu.memory_space<hbm>> -> memref<1x1x2x128xi32, #tpu.memory_space<hbm>>
          %dma_wait3A_202 = tpu.memref_squeeze %dma_wait3A_201 : memref<1x1x2x128xi32, #tpu.memory_space<hbm>> -> memref<2x128xi32, #tpu.memory_space<hbm>>
          %dma_wait3A_203 = arith.constant 0 : i32
          %dma_wait3A_204 = arith.constant 0 : i32
          %dma_wait3A_205 = tpu.memref_slice %arg7[%dma_wait3A_194, %dma_wait3A_203, %dma_wait3A_204] : memref<4x2x128xi32, #tpu.memory_space<vmem>> -> memref<1x2x128xi32, #tpu.memory_space<vmem>>
          %dma_wait3A_206 = tpu.memref_squeeze %dma_wait3A_205 : memref<1x2x128xi32, #tpu.memory_space<vmem>> -> memref<2x128xi32, #tpu.memory_space<vmem>>
          %dma_wait3A_207 = arith.constant 0 : i32
          %dma_wait3A_208 = arith.constant 0 : i32
          %dma_wait3A_209 = tpu.memref_slice %arg3[%add3A, %dma_wait3A_193, %dma_wait3A_207, %dma_wait3A_208] : memref<32x79x2x128xi32, #tpu.memory_space<hbm>> -> memref<1x1x2x128xi32, #tpu.memory_space<hbm>>
          %dma_wait3A_210 = tpu.memref_squeeze %dma_wait3A_209 : memref<1x1x2x128xi32, #tpu.memory_space<hbm>> -> memref<2x128xi32, #tpu.memory_space<hbm>>
          tpu.wait_dma2 semaphore(%arg15 : memref<!tpu.dma_semaphore, #tpu.memory_space<semaphore_mem>>) src(%dma_wait3A_210 : memref<2x128xi32, #tpu.memory_space<hbm>>) dst(%dma_wait3A_206 : memref<2x128xi32, #tpu.memory_space<vmem>>)
          %dma_start3A_211 = arith.constant 2 : i32
          %dma_start3A_212 = arith.constant 0 : i32
          %dma_start3A_213 = arith.constant 0 : i32
          %dma_start3A_214 = tpu.memref_slice %arg7[%dma_start3A_211, %dma_start3A_212, %dma_start3A_213] : memref<4x2x128xi32, #tpu.memory_space<vmem>> -> memref<1x1x128xi32, #tpu.memory_space<vmem>>
          %dma_start3A_215 = tpu.memref_squeeze %dma_start3A_214 : memref<1x1x128xi32, #tpu.memory_space<vmem>> -> memref<128xi32, #tpu.memory_space<vmem>>
          %dma_start3A_216 = arith.constant 0 : i32
          %dma_start3A_217 = arith.constant 0 : i32
          %dma_start3A_218 = tpu.memref_slice %arg2[%dma_start3A_216, %dma_start3A_217] : memref<10000x128xf32, #tpu.memory_space<hbm>> -> memref<10000x128xf32, #tpu.memory_space<hbm>>
          tpu.enqueue_indirect_dma source(%dma_start3A_218 : memref<10000x128xf32, #tpu.memory_space<hbm>>) target(%arg8 : memref<128x128xf32, #tpu.memory_space<vmem>>) offsets(%dma_start3A_215 : memref<128xi32, #tpu.memory_space<vmem>>) semaphore(%arg11 : memref<!tpu.dma_semaphore, #tpu.memory_space<semaphore_mem>>)
        } else {
        }
      } else {
      }
      %add3A_149 = arith.constant 1 : i32
      %add3A_150 = arith.addi %mul3A_142, %add3A_149 : i32
      %lt3A_151 = arith.constant 79 : i32
      %lt3A_152 = arith.cmpi slt, %add3A_150, %lt3A_151 : i32
      %convert_element_type3A_153 = arith.extui %lt3A_152 : i1 to i32
      %cond3A_154 = arith.constant 0 : i32
      %cond3A_155 = arith.cmpi ne, %convert_element_type3A_153, %cond3A_154 : i32
      scf.if %cond3A_155 {
        %dma_wait3A_170 = arith.constant 1 : i32
        %dma_wait3A_171 = arith.constant 0 : i32
        %dma_wait3A_172 = arith.constant 0 : i32
        %dma_wait3A_173 = tpu.memref_slice %arg7[%dma_wait3A_170, %dma_wait3A_171, %dma_wait3A_172] : memref<4x2x128xi32, #tpu.memory_space<vmem>> -> memref<1x1x128xi32, #tpu.memory_space<vmem>>
        %dma_wait3A_174 = tpu.memref_squeeze %dma_wait3A_173 : memref<1x1x128xi32, #tpu.memory_space<vmem>> -> memref<128xi32, #tpu.memory_space<vmem>>
        %dma_wait3A_175 = arith.constant 0 : i32
        %dma_wait3A_176 = arith.constant 0 : i32
        %dma_wait3A_177 = tpu.memref_slice %arg2[%dma_wait3A_175, %dma_wait3A_176] : memref<10000x128xf32, #tpu.memory_space<hbm>> -> memref<10000x128xf32, #tpu.memory_space<hbm>>
        tpu.wait_indirect_dma semaphore(%arg12 : memref<!tpu.dma_semaphore, #tpu.memory_space<semaphore_mem>>) src(%dma_wait3A_177 : memref<10000x128xf32, #tpu.memory_space<hbm>>) dst(%arg9 : memref<128x128xf32, #tpu.memory_space<vmem>>)
        %run_scoped3A = arith.constant 1 : i32
        %run_scoped3A_178 = arith.constant 1 : i32
        "tpu.region"() ({
          %run_scoped3A_193 = tpu.sem_alloc : memref<!tpu.dma_semaphore, #tpu.memory_space<semaphore_mem>>
          %dma_start3A_194 = arith.constant 0 : i32
          %dma_start3A_195 = tpu.memref_slice %arg7[%run_scoped3A, %run_scoped3A_178, %dma_start3A_194] : memref<4x2x128xi32, #tpu.memory_space<vmem>> -> memref<1x1x128xi32, #tpu.memory_space<vmem>>
          %dma_start3A_196 = tpu.memref_squeeze %dma_start3A_195 : memref<1x1x128xi32, #tpu.memory_space<vmem>> -> memref<128xi32, #tpu.memory_space<vmem>>
          %dma_start3A_197 = arith.constant 0 : i32
          %dma_start3A_198 = arith.constant 0 : i32
          %dma_start3A_199 = tpu.memref_slice %arg10[%dma_start3A_197, %dma_start3A_198] : memref<10112x128xf32, #tpu.memory_space<vmem_shared>> -> memref<10112x128xf32, #tpu.memory_space<vmem_shared>>
          tpu.enqueue_indirect_dma source(%arg9 : memref<128x128xf32, #tpu.memory_space<vmem>>) target(%dma_start3A_199 : memref<10112x128xf32, #tpu.memory_space<vmem_shared>>) offsets(%dma_start3A_196 : memref<128xi32, #tpu.memory_space<vmem>>) semaphore(%run_scoped3A_193 : memref<!tpu.dma_semaphore, #tpu.memory_space<semaphore_mem>>) {add = true}
          %dma_wait3A_200 = arith.constant 0 : i32
          %dma_wait3A_201 = tpu.memref_slice %arg7[%run_scoped3A, %run_scoped3A_178, %dma_wait3A_200] : memref<4x2x128xi32, #tpu.memory_space<vmem>> -> memref<1x1x128xi32, #tpu.memory_space<vmem>>
          %dma_wait3A_202 = tpu.memref_squeeze %dma_wait3A_201 : memref<1x1x128xi32, #tpu.memory_space<vmem>> -> memref<128xi32, #tpu.memory_space<vmem>>
          %dma_wait3A_203 = arith.constant 0 : i32
          %dma_wait3A_204 = arith.constant 0 : i32
          %dma_wait3A_205 = tpu.memref_slice %arg10[%dma_wait3A_203, %dma_wait3A_204] : memref<10112x128xf32, #tpu.memory_space<vmem_shared>> -> memref<10112x128xf32, #tpu.memory_space<vmem_shared>>
          tpu.wait_indirect_dma semaphore(%run_scoped3A_193 : memref<!tpu.dma_semaphore, #tpu.memory_space<semaphore_mem>>) src(%arg9 : memref<128x128xf32, #tpu.memory_space<vmem>>) dst(%dma_wait3A_205 : memref<10112x128xf32, #tpu.memory_space<vmem_shared>>)
          tpu.yield
        }) : () -> ()
        %add3A_179 = arith.constant 4 : i32
        %add3A_180 = arith.addi %add3A_150, %add3A_179 : i32
        %lt3A_181 = arith.constant 79 : i32
        %lt3A_182 = arith.cmpi slt, %add3A_180, %lt3A_181 : i32
        %convert_element_type3A_183 = arith.extui %lt3A_182 : i1 to i32
        %cond3A_184 = arith.constant 0 : i32
        %cond3A_185 = arith.cmpi ne, %convert_element_type3A_183, %cond3A_184 : i32
        scf.if %cond3A_185 {
          %add3A_193 = arith.constant 4 : i32
          %add3A_194 = arith.addi %add3A_150, %add3A_193 : i32
          %dma_start3A_195 = arith.constant 1 : i32
          %dma_start3A_196 = arith.constant 0 : i32
          %dma_start3A_197 = arith.constant 0 : i32
          %dma_start3A_198 = tpu.memref_slice %arg7[%dma_start3A_195, %dma_start3A_196, %dma_start3A_197] : memref<4x2x128xi32, #tpu.memory_space<vmem>> -> memref<1x2x128xi32, #tpu.memory_space<vmem>>
          %dma_start3A_199 = tpu.memref_squeeze %dma_start3A_198 : memref<1x2x128xi32, #tpu.memory_space<vmem>> -> memref<2x128xi32, #tpu.memory_space<vmem>>
          %dma_start3A_200 = arith.constant 0 : i32
          %dma_start3A_201 = arith.constant 0 : i32
          %dma_start3A_202 = tpu.memref_slice %arg3[%add3A, %add3A_194, %dma_start3A_200, %dma_start3A_201] : memref<32x79x2x128xi32, #tpu.memory_space<hbm>> -> memref<1x1x2x128xi32, #tpu.memory_space<hbm>>
          %dma_start3A_203 = tpu.memref_squeeze %dma_start3A_202 : memref<1x1x2x128xi32, #tpu.memory_space<hbm>> -> memref<2x128xi32, #tpu.memory_space<hbm>>
          %dma_start3A_204 = arith.constant 0 : i32
          %dma_start3A_205 = arith.constant 0 : i32
          %dma_start3A_206 = tpu.memref_slice %arg7[%dma_start3A_195, %dma_start3A_204, %dma_start3A_205] : memref<4x2x128xi32, #tpu.memory_space<vmem>> -> memref<1x2x128xi32, #tpu.memory_space<vmem>>
          %dma_start3A_207 = tpu.memref_squeeze %dma_start3A_206 : memref<1x2x128xi32, #tpu.memory_space<vmem>> -> memref<2x128xi32, #tpu.memory_space<vmem>>
          %dma_start3A_208 = arith.constant 0 : i32
          %dma_start3A_209 = arith.constant 0 : i32
          %dma_start3A_210 = tpu.memref_slice %arg3[%add3A, %add3A_194, %dma_start3A_208, %dma_start3A_209] : memref<32x79x2x128xi32, #tpu.memory_space<hbm>> -> memref<1x1x2x128xi32, #tpu.memory_space<hbm>>
          %dma_start3A_211 = tpu.memref_squeeze %dma_start3A_210 : memref<1x1x2x128xi32, #tpu.memory_space<hbm>> -> memref<2x128xi32, #tpu.memory_space<hbm>>
          tpu.enqueue_dma source(%dma_start3A_211 : memref<2x128xi32, #tpu.memory_space<hbm>>) target(%dma_start3A_207 : memref<2x128xi32, #tpu.memory_space<vmem>>) target_semaphore(%arg14 : memref<!tpu.dma_semaphore, #tpu.memory_space<semaphore_mem>>)
        } else {
        }
        %add3A_186 = arith.constant 2 : i32
        %add3A_187 = arith.addi %add3A_150, %add3A_186 : i32
        %lt3A_188 = arith.constant 79 : i32
        %lt3A_189 = arith.cmpi slt, %add3A_187, %lt3A_188 : i32
        %convert_element_type3A_190 = arith.extui %lt3A_189 : i1 to i32
        %cond3A_191 = arith.constant 0 : i32
        %cond3A_192 = arith.cmpi ne, %convert_element_type3A_190, %cond3A_191 : i32
        scf.if %cond3A_192 {
          %dma_wait3A_193 = arith.constant 0 : i32
          %dma_wait3A_194 = arith.constant 3 : i32
          %dma_wait3A_195 = arith.constant 0 : i32
          %dma_wait3A_196 = arith.constant 0 : i32
          %dma_wait3A_197 = tpu.memref_slice %arg7[%dma_wait3A_194, %dma_wait3A_195, %dma_wait3A_196] : memref<4x2x128xi32, #tpu.memory_space<vmem>> -> memref<1x2x128xi32, #tpu.memory_space<vmem>>
          %dma_wait3A_198 = tpu.memref_squeeze %dma_wait3A_197 : memref<1x2x128xi32, #tpu.memory_space<vmem>> -> memref<2x128xi32, #tpu.memory_space<vmem>>
          %dma_wait3A_199 = arith.constant 0 : i32
          %dma_wait3A_200 = arith.constant 0 : i32
          %dma_wait3A_201 = tpu.memref_slice %arg3[%add3A, %dma_wait3A_193, %dma_wait3A_199, %dma_wait3A_200] : memref<32x79x2x128xi32, #tpu.memory_space<hbm>> -> memref<1x1x2x128xi32, #tpu.memory_space<hbm>>
          %dma_wait3A_202 = tpu.memref_squeeze %dma_wait3A_201 : memref<1x1x2x128xi32, #tpu.memory_space<hbm>> -> memref<2x128xi32, #tpu.memory_space<hbm>>
          %dma_wait3A_203 = arith.constant 0 : i32
          %dma_wait3A_204 = arith.constant 0 : i32
          %dma_wait3A_205 = tpu.memref_slice %arg7[%dma_wait3A_194, %dma_wait3A_203, %dma_wait3A_204] : memref<4x2x128xi32, #tpu.memory_space<vmem>> -> memref<1x2x128xi32, #tpu.memory_space<vmem>>
          %dma_wait3A_206 = tpu.memref_squeeze %dma_wait3A_205 : memref<1x2x128xi32, #tpu.memory_space<vmem>> -> memref<2x128xi32, #tpu.memory_space<vmem>>
          %dma_wait3A_207 = arith.constant 0 : i32
          %dma_wait3A_208 = arith.constant 0 : i32
          %dma_wait3A_209 = tpu.memref_slice %arg3[%add3A, %dma_wait3A_193, %dma_wait3A_207, %dma_wait3A_208] : memref<32x79x2x128xi32, #tpu.memory_space<hbm>> -> memref<1x1x2x128xi32, #tpu.memory_space<hbm>>
          %dma_wait3A_210 = tpu.memref_squeeze %dma_wait3A_209 : memref<1x1x2x128xi32, #tpu.memory_space<hbm>> -> memref<2x128xi32, #tpu.memory_space<hbm>>
          tpu.wait_dma2 semaphore(%arg16 : memref<!tpu.dma_semaphore, #tpu.memory_space<semaphore_mem>>) src(%dma_wait3A_210 : memref<2x128xi32, #tpu.memory_space<hbm>>) dst(%dma_wait3A_206 : memref<2x128xi32, #tpu.memory_space<vmem>>)
          %dma_start3A_211 = arith.constant 3 : i32
          %dma_start3A_212 = arith.constant 0 : i32
          %dma_start3A_213 = arith.constant 0 : i32
          %dma_start3A_214 = tpu.memref_slice %arg7[%dma_start3A_211, %dma_start3A_212, %dma_start3A_213] : memref<4x2x128xi32, #tpu.memory_space<vmem>> -> memref<1x1x128xi32, #tpu.memory_space<vmem>>
          %dma_start3A_215 = tpu.memref_squeeze %dma_start3A_214 : memref<1x1x128xi32, #tpu.memory_space<vmem>> -> memref<128xi32, #tpu.memory_space<vmem>>
          %dma_start3A_216 = arith.constant 0 : i32
          %dma_start3A_217 = arith.constant 0 : i32
          %dma_start3A_218 = tpu.memref_slice %arg2[%dma_start3A_216, %dma_start3A_217] : memref<10000x128xf32, #tpu.memory_space<hbm>> -> memref<10000x128xf32, #tpu.memory_space<hbm>>
          tpu.enqueue_indirect_dma source(%dma_start3A_218 : memref<10000x128xf32, #tpu.memory_space<hbm>>) target(%arg9 : memref<128x128xf32, #tpu.memory_space<vmem>>) offsets(%dma_start3A_215 : memref<128xi32, #tpu.memory_space<vmem>>) semaphore(%arg12 : memref<!tpu.dma_semaphore, #tpu.memory_space<semaphore_mem>>)
        } else {
        }
      } else {
      }
      %add3A_156 = arith.constant 2 : i32
      %add3A_157 = arith.addi %mul3A_142, %add3A_156 : i32
      %lt3A_158 = arith.constant 79 : i32
      %lt3A_159 = arith.cmpi slt, %add3A_157, %lt3A_158 : i32
      %convert_element_type3A_160 = arith.extui %lt3A_159 : i1 to i32
      %cond3A_161 = arith.constant 0 : i32
      %cond3A_162 = arith.cmpi ne, %convert_element_type3A_160, %cond3A_161 : i32
      scf.if %cond3A_162 {
        %dma_wait3A_170 = arith.constant 2 : i32
        %dma_wait3A_171 = arith.constant 0 : i32
        %dma_wait3A_172 = arith.constant 0 : i32
        %dma_wait3A_173 = tpu.memref_slice %arg7[%dma_wait3A_170, %dma_wait3A_171, %dma_wait3A_172] : memref<4x2x128xi32, #tpu.memory_space<vmem>> -> memref<1x1x128xi32, #tpu.memory_space<vmem>>
        %dma_wait3A_174 = tpu.memref_squeeze %dma_wait3A_173 : memref<1x1x128xi32, #tpu.memory_space<vmem>> -> memref<128xi32, #tpu.memory_space<vmem>>
        %dma_wait3A_175 = arith.constant 0 : i32
        %dma_wait3A_176 = arith.constant 0 : i32
        %dma_wait3A_177 = tpu.memref_slice %arg2[%dma_wait3A_175, %dma_wait3A_176] : memref<10000x128xf32, #tpu.memory_space<hbm>> -> memref<10000x128xf32, #tpu.memory_space<hbm>>
        tpu.wait_indirect_dma semaphore(%arg11 : memref<!tpu.dma_semaphore, #tpu.memory_space<semaphore_mem>>) src(%dma_wait3A_177 : memref<10000x128xf32, #tpu.memory_space<hbm>>) dst(%arg8 : memref<128x128xf32, #tpu.memory_space<vmem>>)
        %run_scoped3A = arith.constant 2 : i32
        %run_scoped3A_178 = arith.constant 1 : i32
        "tpu.region"() ({
          %run_scoped3A_193 = tpu.sem_alloc : memref<!tpu.dma_semaphore, #tpu.memory_space<semaphore_mem>>
          %dma_start3A_194 = arith.constant 0 : i32
          %dma_start3A_195 = tpu.memref_slice %arg7[%run_scoped3A, %run_scoped3A_178, %dma_start3A_194] : memref<4x2x128xi32, #tpu.memory_space<vmem>> -> memref<1x1x128xi32, #tpu.memory_space<vmem>>
          %dma_start3A_196 = tpu.memref_squeeze %dma_start3A_195 : memref<1x1x128xi32, #tpu.memory_space<vmem>> -> memref<128xi32, #tpu.memory_space<vmem>>
          %dma_start3A_197 = arith.constant 0 : i32
          %dma_start3A_198 = arith.constant 0 : i32
          %dma_start3A_199 = tpu.memref_slice %arg10[%dma_start3A_197, %dma_start3A_198] : memref<10112x128xf32, #tpu.memory_space<vmem_shared>> -> memref<10112x128xf32, #tpu.memory_space<vmem_shared>>
          tpu.enqueue_indirect_dma source(%arg8 : memref<128x128xf32, #tpu.memory_space<vmem>>) target(%dma_start3A_199 : memref<10112x128xf32, #tpu.memory_space<vmem_shared>>) offsets(%dma_start3A_196 : memref<128xi32, #tpu.memory_space<vmem>>) semaphore(%run_scoped3A_193 : memref<!tpu.dma_semaphore, #tpu.memory_space<semaphore_mem>>) {add = true}
          %dma_wait3A_200 = arith.constant 0 : i32
          %dma_wait3A_201 = tpu.memref_slice %arg7[%run_scoped3A, %run_scoped3A_178, %dma_wait3A_200] : memref<4x2x128xi32, #tpu.memory_space<vmem>> -> memref<1x1x128xi32, #tpu.memory_space<vmem>>
          %dma_wait3A_202 = tpu.memref_squeeze %dma_wait3A_201 : memref<1x1x128xi32, #tpu.memory_space<vmem>> -> memref<128xi32, #tpu.memory_space<vmem>>
          %dma_wait3A_203 = arith.constant 0 : i32
          %dma_wait3A_204 = arith.constant 0 : i32
          %dma_wait3A_205 = tpu.memref_slice %arg10[%dma_wait3A_203, %dma_wait3A_204] : memref<10112x128xf32, #tpu.memory_space<vmem_shared>> -> memref<10112x128xf32, #tpu.memory_space<vmem_shared>>
          tpu.wait_indirect_dma semaphore(%run_scoped3A_193 : memref<!tpu.dma_semaphore, #tpu.memory_space<semaphore_mem>>) src(%arg8 : memref<128x128xf32, #tpu.memory_space<vmem>>) dst(%dma_wait3A_205 : memref<10112x128xf32, #tpu.memory_space<vmem_shared>>)
          tpu.yield
        }) : () -> ()
        %add3A_179 = arith.constant 4 : i32
        %add3A_180 = arith.addi %add3A_157, %add3A_179 : i32
        %lt3A_181 = arith.constant 79 : i32
        %lt3A_182 = arith.cmpi slt, %add3A_180, %lt3A_181 : i32
        %convert_element_type3A_183 = arith.extui %lt3A_182 : i1 to i32
        %cond3A_184 = arith.constant 0 : i32
        %cond3A_185 = arith.cmpi ne, %convert_element_type3A_183, %cond3A_184 : i32
        scf.if %cond3A_185 {
          %add3A_193 = arith.constant 4 : i32
          %add3A_194 = arith.addi %add3A_157, %add3A_193 : i32
          %dma_start3A_195 = arith.constant 2 : i32
          %dma_start3A_196 = arith.constant 0 : i32
          %dma_start3A_197 = arith.constant 0 : i32
          %dma_start3A_198 = tpu.memref_slice %arg7[%dma_start3A_195, %dma_start3A_196, %dma_start3A_197] : memref<4x2x128xi32, #tpu.memory_space<vmem>> -> memref<1x2x128xi32, #tpu.memory_space<vmem>>
          %dma_start3A_199 = tpu.memref_squeeze %dma_start3A_198 : memref<1x2x128xi32, #tpu.memory_space<vmem>> -> memref<2x128xi32, #tpu.memory_space<vmem>>
          %dma_start3A_200 = arith.constant 0 : i32
          %dma_start3A_201 = arith.constant 0 : i32
          %dma_start3A_202 = tpu.memref_slice %arg3[%add3A, %add3A_194, %dma_start3A_200, %dma_start3A_201] : memref<32x79x2x128xi32, #tpu.memory_space<hbm>> -> memref<1x1x2x128xi32, #tpu.memory_space<hbm>>
          %dma_start3A_203 = tpu.memref_squeeze %dma_start3A_202 : memref<1x1x2x128xi32, #tpu.memory_space<hbm>> -> memref<2x128xi32, #tpu.memory_space<hbm>>
          %dma_start3A_204 = arith.constant 0 : i32
          %dma_start3A_205 = arith.constant 0 : i32
          %dma_start3A_206 = tpu.memref_slice %arg7[%dma_start3A_195, %dma_start3A_204, %dma_start3A_205] : memref<4x2x128xi32, #tpu.memory_space<vmem>> -> memref<1x2x128xi32, #tpu.memory_space<vmem>>
          %dma_start3A_207 = tpu.memref_squeeze %dma_start3A_206 : memref<1x2x128xi32, #tpu.memory_space<vmem>> -> memref<2x128xi32, #tpu.memory_space<vmem>>
          %dma_start3A_208 = arith.constant 0 : i32
          %dma_start3A_209 = arith.constant 0 : i32
          %dma_start3A_210 = tpu.memref_slice %arg3[%add3A, %add3A_194, %dma_start3A_208, %dma_start3A_209] : memref<32x79x2x128xi32, #tpu.memory_space<hbm>> -> memref<1x1x2x128xi32, #tpu.memory_space<hbm>>
          %dma_start3A_211 = tpu.memref_squeeze %dma_start3A_210 : memref<1x1x2x128xi32, #tpu.memory_space<hbm>> -> memref<2x128xi32, #tpu.memory_space<hbm>>
          tpu.enqueue_dma source(%dma_start3A_211 : memref<2x128xi32, #tpu.memory_space<hbm>>) target(%dma_start3A_207 : memref<2x128xi32, #tpu.memory_space<vmem>>) target_semaphore(%arg15 : memref<!tpu.dma_semaphore, #tpu.memory_space<semaphore_mem>>)
        } else {
        }
        %add3A_186 = arith.constant 2 : i32
        %add3A_187 = arith.addi %add3A_157, %add3A_186 : i32
        %lt3A_188 = arith.constant 79 : i32
        %lt3A_189 = arith.cmpi slt, %add3A_187, %lt3A_188 : i32
        %convert_element_type3A_190 = arith.extui %lt3A_189 : i1 to i32
        %cond3A_191 = arith.constant 0 : i32
        %cond3A_192 = arith.cmpi ne, %convert_element_type3A_190, %cond3A_191 : i32
        scf.if %cond3A_192 {
          %dma_wait3A_193 = arith.constant 0 : i32
          %dma_wait3A_194 = arith.constant 0 : i32
          %dma_wait3A_195 = arith.constant 0 : i32
          %dma_wait3A_196 = arith.constant 0 : i32
          %dma_wait3A_197 = tpu.memref_slice %arg7[%dma_wait3A_194, %dma_wait3A_195, %dma_wait3A_196] : memref<4x2x128xi32, #tpu.memory_space<vmem>> -> memref<1x2x128xi32, #tpu.memory_space<vmem>>
          %dma_wait3A_198 = tpu.memref_squeeze %dma_wait3A_197 : memref<1x2x128xi32, #tpu.memory_space<vmem>> -> memref<2x128xi32, #tpu.memory_space<vmem>>
          %dma_wait3A_199 = arith.constant 0 : i32
          %dma_wait3A_200 = arith.constant 0 : i32
          %dma_wait3A_201 = tpu.memref_slice %arg3[%add3A, %dma_wait3A_193, %dma_wait3A_199, %dma_wait3A_200] : memref<32x79x2x128xi32, #tpu.memory_space<hbm>> -> memref<1x1x2x128xi32, #tpu.memory_space<hbm>>
          %dma_wait3A_202 = tpu.memref_squeeze %dma_wait3A_201 : memref<1x1x2x128xi32, #tpu.memory_space<hbm>> -> memref<2x128xi32, #tpu.memory_space<hbm>>
          %dma_wait3A_203 = arith.constant 0 : i32
          %dma_wait3A_204 = arith.constant 0 : i32
          %dma_wait3A_205 = tpu.memref_slice %arg7[%dma_wait3A_194, %dma_wait3A_203, %dma_wait3A_204] : memref<4x2x128xi32, #tpu.memory_space<vmem>> -> memref<1x2x128xi32, #tpu.memory_space<vmem>>
          %dma_wait3A_206 = tpu.memref_squeeze %dma_wait3A_205 : memref<1x2x128xi32, #tpu.memory_space<vmem>> -> memref<2x128xi32, #tpu.memory_space<vmem>>
          %dma_wait3A_207 = arith.constant 0 : i32
          %dma_wait3A_208 = arith.constant 0 : i32
          %dma_wait3A_209 = tpu.memref_slice %arg3[%add3A, %dma_wait3A_193, %dma_wait3A_207, %dma_wait3A_208] : memref<32x79x2x128xi32, #tpu.memory_space<hbm>> -> memref<1x1x2x128xi32, #tpu.memory_space<hbm>>
          %dma_wait3A_210 = tpu.memref_squeeze %dma_wait3A_209 : memref<1x1x2x128xi32, #tpu.memory_space<hbm>> -> memref<2x128xi32, #tpu.memory_space<hbm>>
          tpu.wait_dma2 semaphore(%arg13 : memref<!tpu.dma_semaphore, #tpu.memory_space<semaphore_mem>>) src(%dma_wait3A_210 : memref<2x128xi32, #tpu.memory_space<hbm>>) dst(%dma_wait3A_206 : memref<2x128xi32, #tpu.memory_space<vmem>>)
          %dma_start3A_211 = arith.constant 0 : i32
          %dma_start3A_212 = arith.constant 0 : i32
          %dma_start3A_213 = arith.constant 0 : i32
          %dma_start3A_214 = tpu.memref_slice %arg7[%dma_start3A_211, %dma_start3A_212, %dma_start3A_213] : memref<4x2x128xi32, #tpu.memory_space<vmem>> -> memref<1x1x128xi32, #tpu.memory_space<vmem>>
          %dma_start3A_215 = tpu.memref_squeeze %dma_start3A_214 : memref<1x1x128xi32, #tpu.memory_space<vmem>> -> memref<128xi32, #tpu.memory_space<vmem>>
          %dma_start3A_216 = arith.constant 0 : i32
          %dma_start3A_217 = arith.constant 0 : i32
          %dma_start3A_218 = tpu.memref_slice %arg2[%dma_start3A_216, %dma_start3A_217] : memref<10000x128xf32, #tpu.memory_space<hbm>> -> memref<10000x128xf32, #tpu.memory_space<hbm>>
          tpu.enqueue_indirect_dma source(%dma_start3A_218 : memref<10000x128xf32, #tpu.memory_space<hbm>>) target(%arg8 : memref<128x128xf32, #tpu.memory_space<vmem>>) offsets(%dma_start3A_215 : memref<128xi32, #tpu.memory_space<vmem>>) semaphore(%arg11 : memref<!tpu.dma_semaphore, #tpu.memory_space<semaphore_mem>>)
        } else {
        }
      } else {
      }
      %add3A_163 = arith.constant 3 : i32
      %add3A_164 = arith.addi %mul3A_142, %add3A_163 : i32
      %lt3A_165 = arith.constant 79 : i32
      %lt3A_166 = arith.cmpi slt, %add3A_164, %lt3A_165 : i32
      %convert_element_type3A_167 = arith.extui %lt3A_166 : i1 to i32
      %cond3A_168 = arith.constant 0 : i32
      %cond3A_169 = arith.cmpi ne, %convert_element_type3A_167, %cond3A_168 : i32
      scf.if %cond3A_169 {
        %dma_wait3A_170 = arith.constant 3 : i32
        %dma_wait3A_171 = arith.constant 0 : i32
        %dma_wait3A_172 = arith.constant 0 : i32
        %dma_wait3A_173 = tpu.memref_slice %arg7[%dma_wait3A_170, %dma_wait3A_171, %dma_wait3A_172] : memref<4x2x128xi32, #tpu.memory_space<vmem>> -> memref<1x1x128xi32, #tpu.memory_space<vmem>>
        %dma_wait3A_174 = tpu.memref_squeeze %dma_wait3A_173 : memref<1x1x128xi32, #tpu.memory_space<vmem>> -> memref<128xi32, #tpu.memory_space<vmem>>
        %dma_wait3A_175 = arith.constant 0 : i32
        %dma_wait3A_176 = arith.constant 0 : i32
        %dma_wait3A_177 = tpu.memref_slice %arg2[%dma_wait3A_175, %dma_wait3A_176] : memref<10000x128xf32, #tpu.memory_space<hbm>> -> memref<10000x128xf32, #tpu.memory_space<hbm>>
        tpu.wait_indirect_dma semaphore(%arg12 : memref<!tpu.dma_semaphore, #tpu.memory_space<semaphore_mem>>) src(%dma_wait3A_177 : memref<10000x128xf32, #tpu.memory_space<hbm>>) dst(%arg9 : memref<128x128xf32, #tpu.memory_space<vmem>>)
        %run_scoped3A = arith.constant 3 : i32
        %run_scoped3A_178 = arith.constant 1 : i32
        "tpu.region"() ({
          %run_scoped3A_193 = tpu.sem_alloc : memref<!tpu.dma_semaphore, #tpu.memory_space<semaphore_mem>>
          %dma_start3A_194 = arith.constant 0 : i32
          %dma_start3A_195 = tpu.memref_slice %arg7[%run_scoped3A, %run_scoped3A_178, %dma_start3A_194] : memref<4x2x128xi32, #tpu.memory_space<vmem>> -> memref<1x1x128xi32, #tpu.memory_space<vmem>>
          %dma_start3A_196 = tpu.memref_squeeze %dma_start3A_195 : memref<1x1x128xi32, #tpu.memory_space<vmem>> -> memref<128xi32, #tpu.memory_space<vmem>>
          %dma_start3A_197 = arith.constant 0 : i32
          %dma_start3A_198 = arith.constant 0 : i32
          %dma_start3A_199 = tpu.memref_slice %arg10[%dma_start3A_197, %dma_start3A_198] : memref<10112x128xf32, #tpu.memory_space<vmem_shared>> -> memref<10112x128xf32, #tpu.memory_space<vmem_shared>>
          tpu.enqueue_indirect_dma source(%arg9 : memref<128x128xf32, #tpu.memory_space<vmem>>) target(%dma_start3A_199 : memref<10112x128xf32, #tpu.memory_space<vmem_shared>>) offsets(%dma_start3A_196 : memref<128xi32, #tpu.memory_space<vmem>>) semaphore(%run_scoped3A_193 : memref<!tpu.dma_semaphore, #tpu.memory_space<semaphore_mem>>) {add = true}
          %dma_wait3A_200 = arith.constant 0 : i32
          %dma_wait3A_201 = tpu.memref_slice %arg7[%run_scoped3A, %run_scoped3A_178, %dma_wait3A_200] : memref<4x2x128xi32, #tpu.memory_space<vmem>> -> memref<1x1x128xi32, #tpu.memory_space<vmem>>
          %dma_wait3A_202 = tpu.memref_squeeze %dma_wait3A_201 : memref<1x1x128xi32, #tpu.memory_space<vmem>> -> memref<128xi32, #tpu.memory_space<vmem>>
          %dma_wait3A_203 = arith.constant 0 : i32
          %dma_wait3A_204 = arith.constant 0 : i32
          %dma_wait3A_205 = tpu.memref_slice %arg10[%dma_wait3A_203, %dma_wait3A_204] : memref<10112x128xf32, #tpu.memory_space<vmem_shared>> -> memref<10112x128xf32, #tpu.memory_space<vmem_shared>>
          tpu.wait_indirect_dma semaphore(%run_scoped3A_193 : memref<!tpu.dma_semaphore, #tpu.memory_space<semaphore_mem>>) src(%arg9 : memref<128x128xf32, #tpu.memory_space<vmem>>) dst(%dma_wait3A_205 : memref<10112x128xf32, #tpu.memory_space<vmem_shared>>)
          tpu.yield
        }) : () -> ()
        %add3A_179 = arith.constant 4 : i32
        %add3A_180 = arith.addi %add3A_164, %add3A_179 : i32
        %lt3A_181 = arith.constant 79 : i32
        %lt3A_182 = arith.cmpi slt, %add3A_180, %lt3A_181 : i32
        %convert_element_type3A_183 = arith.extui %lt3A_182 : i1 to i32
        %cond3A_184 = arith.constant 0 : i32
        %cond3A_185 = arith.cmpi ne, %convert_element_type3A_183, %cond3A_184 : i32
        scf.if %cond3A_185 {
          %add3A_193 = arith.constant 4 : i32
          %add3A_194 = arith.addi %add3A_164, %add3A_193 : i32
          %dma_start3A_195 = arith.constant 3 : i32
          %dma_start3A_196 = arith.constant 0 : i32
          %dma_start3A_197 = arith.constant 0 : i32
          %dma_start3A_198 = tpu.memref_slice %arg7[%dma_start3A_195, %dma_start3A_196, %dma_start3A_197] : memref<4x2x128xi32, #tpu.memory_space<vmem>> -> memref<1x2x128xi32, #tpu.memory_space<vmem>>
          %dma_start3A_199 = tpu.memref_squeeze %dma_start3A_198 : memref<1x2x128xi32, #tpu.memory_space<vmem>> -> memref<2x128xi32, #tpu.memory_space<vmem>>
          %dma_start3A_200 = arith.constant 0 : i32
          %dma_start3A_201 = arith.constant 0 : i32
          %dma_start3A_202 = tpu.memref_slice %arg3[%add3A, %add3A_194, %dma_start3A_200, %dma_start3A_201] : memref<32x79x2x128xi32, #tpu.memory_space<hbm>> -> memref<1x1x2x128xi32, #tpu.memory_space<hbm>>
          %dma_start3A_203 = tpu.memref_squeeze %dma_start3A_202 : memref<1x1x2x128xi32, #tpu.memory_space<hbm>> -> memref<2x128xi32, #tpu.memory_space<hbm>>
          %dma_start3A_204 = arith.constant 0 : i32
          %dma_start3A_205 = arith.constant 0 : i32
          %dma_start3A_206 = tpu.memref_slice %arg7[%dma_start3A_195, %dma_start3A_204, %dma_start3A_205] : memref<4x2x128xi32, #tpu.memory_space<vmem>> -> memref<1x2x128xi32, #tpu.memory_space<vmem>>
          %dma_start3A_207 = tpu.memref_squeeze %dma_start3A_206 : memref<1x2x128xi32, #tpu.memory_space<vmem>> -> memref<2x128xi32, #tpu.memory_space<vmem>>
          %dma_start3A_208 = arith.constant 0 : i32
          %dma_start3A_209 = arith.constant 0 : i32
          %dma_start3A_210 = tpu.memref_slice %arg3[%add3A, %add3A_194, %dma_start3A_208, %dma_start3A_209] : memref<32x79x2x128xi32, #tpu.memory_space<hbm>> -> memref<1x1x2x128xi32, #tpu.memory_space<hbm>>
          %dma_start3A_211 = tpu.memref_squeeze %dma_start3A_210 : memref<1x1x2x128xi32, #tpu.memory_space<hbm>> -> memref<2x128xi32, #tpu.memory_space<hbm>>
          tpu.enqueue_dma source(%dma_start3A_211 : memref<2x128xi32, #tpu.memory_space<hbm>>) target(%dma_start3A_207 : memref<2x128xi32, #tpu.memory_space<vmem>>) target_semaphore(%arg16 : memref<!tpu.dma_semaphore, #tpu.memory_space<semaphore_mem>>)
        } else {
        }
        %add3A_186 = arith.constant 2 : i32
        %add3A_187 = arith.addi %add3A_164, %add3A_186 : i32
        %lt3A_188 = arith.constant 79 : i32
        %lt3A_189 = arith.cmpi slt, %add3A_187, %lt3A_188 : i32
        %convert_element_type3A_190 = arith.extui %lt3A_189 : i1 to i32
        %cond3A_191 = arith.constant 0 : i32
        %cond3A_192 = arith.cmpi ne, %convert_element_type3A_190, %cond3A_191 : i32
        scf.if %cond3A_192 {
          %dma_wait3A_193 = arith.constant 0 : i32
          %dma_wait3A_194 = arith.constant 1 : i32
          %dma_wait3A_195 = arith.constant 0 : i32
          %dma_wait3A_196 = arith.constant 0 : i32
          %dma_wait3A_197 = tpu.memref_slice %arg7[%dma_wait3A_194, %dma_wait3A_195, %dma_wait3A_196] : memref<4x2x128xi32, #tpu.memory_space<vmem>> -> memref<1x2x128xi32, #tpu.memory_space<vmem>>
          %dma_wait3A_198 = tpu.memref_squeeze %dma_wait3A_197 : memref<1x2x128xi32, #tpu.memory_space<vmem>> -> memref<2x128xi32, #tpu.memory_space<vmem>>
          %dma_wait3A_199 = arith.constant 0 : i32
          %dma_wait3A_200 = arith.constant 0 : i32
          %dma_wait3A_201 = tpu.memref_slice %arg3[%add3A, %dma_wait3A_193, %dma_wait3A_199, %dma_wait3A_200] : memref<32x79x2x128xi32, #tpu.memory_space<hbm>> -> memref<1x1x2x128xi32, #tpu.memory_space<hbm>>
          %dma_wait3A_202 = tpu.memref_squeeze %dma_wait3A_201 : memref<1x1x2x128xi32, #tpu.memory_space<hbm>> -> memref<2x128xi32, #tpu.memory_space<hbm>>
          %dma_wait3A_203 = arith.constant 0 : i32
          %dma_wait3A_204 = arith.constant 0 : i32
          %dma_wait3A_205 = tpu.memref_slice %arg7[%dma_wait3A_194, %dma_wait3A_203, %dma_wait3A_204] : memref<4x2x128xi32, #tpu.memory_space<vmem>> -> memref<1x2x128xi32, #tpu.memory_space<vmem>>
          %dma_wait3A_206 = tpu.memref_squeeze %dma_wait3A_205 : memref<1x2x128xi32, #tpu.memory_space<vmem>> -> memref<2x128xi32, #tpu.memory_space<vmem>>
          %dma_wait3A_207 = arith.constant 0 : i32
          %dma_wait3A_208 = arith.constant 0 : i32
          %dma_wait3A_209 = tpu.memref_slice %arg3[%add3A, %dma_wait3A_193, %dma_wait3A_207, %dma_wait3A_208] : memref<32x79x2x128xi32, #tpu.memory_space<hbm>> -> memref<1x1x2x128xi32, #tpu.memory_space<hbm>>
          %dma_wait3A_210 = tpu.memref_squeeze %dma_wait3A_209 : memref<1x1x2x128xi32, #tpu.memory_space<hbm>> -> memref<2x128xi32, #tpu.memory_space<hbm>>
          tpu.wait_dma2 semaphore(%arg14 : memref<!tpu.dma_semaphore, #tpu.memory_space<semaphore_mem>>) src(%dma_wait3A_210 : memref<2x128xi32, #tpu.memory_space<hbm>>) dst(%dma_wait3A_206 : memref<2x128xi32, #tpu.memory_space<vmem>>)
          %dma_start3A_211 = arith.constant 1 : i32
          %dma_start3A_212 = arith.constant 0 : i32
          %dma_start3A_213 = arith.constant 0 : i32
          %dma_start3A_214 = tpu.memref_slice %arg7[%dma_start3A_211, %dma_start3A_212, %dma_start3A_213] : memref<4x2x128xi32, #tpu.memory_space<vmem>> -> memref<1x1x128xi32, #tpu.memory_space<vmem>>
          %dma_start3A_215 = tpu.memref_squeeze %dma_start3A_214 : memref<1x1x128xi32, #tpu.memory_space<vmem>> -> memref<128xi32, #tpu.memory_space<vmem>>
          %dma_start3A_216 = arith.constant 0 : i32
          %dma_start3A_217 = arith.constant 0 : i32
          %dma_start3A_218 = tpu.memref_slice %arg2[%dma_start3A_216, %dma_start3A_217] : memref<10000x128xf32, #tpu.memory_space<hbm>> -> memref<10000x128xf32, #tpu.memory_space<hbm>>
          tpu.enqueue_indirect_dma source(%dma_start3A_218 : memref<10000x128xf32, #tpu.memory_space<hbm>>) target(%arg9 : memref<128x128xf32, #tpu.memory_space<vmem>>) offsets(%dma_start3A_215 : memref<128xi32, #tpu.memory_space<vmem>>) semaphore(%arg12 : memref<!tpu.dma_semaphore, #tpu.memory_space<semaphore_mem>>)
        } else {
        }
      } else {
      }
    }
    %scan3A_129 = arith.constant 20 : i32
    %barrier3A_130 = arith.constant 0 : index
    tpu.barrier barrier_id(%barrier3A_130)
    %mul3A_131 = arith.constant 632 : i32
    %mul3A_132 = arith.muli %arg1, %mul3A_131 : i32
    %eq3A = arith.constant 0 : i32
    %eq3A_133 = arith.cmpi eq, %arg0, %eq3A : i32
    %convert_element_type3A = arith.extui %eq3A_133 : i1 to i32
    %cond3A = arith.constant 0 : i32
    %cond3A_134 = arith.cmpi ne, %convert_element_type3A, %cond3A : i32
    scf.if %cond3A_134 {
      "tpu.region"() ({
        %run_scoped3A = tpu.sem_alloc : memref<!tpu.dma_semaphore, #tpu.memory_space<semaphore_mem>>
        %dma_start3A_140 = arith.constant 0 : i32
        %dma_start3A_141 = tpu.memref_slice %arg5[%mul3A_132, %dma_start3A_140] : memref<10112x128xf32, #tpu.memory_space<hbm>> -> memref<632x128xf32, #tpu.memory_space<hbm>>
        %dma_start3A_142 = arith.constant 0 : i32
        %dma_start3A_143 = tpu.memref_slice %arg10[%mul3A_132, %dma_start3A_142] : memref<10112x128xf32, #tpu.memory_space<vmem_shared>> -> memref<632x128xf32, #tpu.memory_space<vmem_shared>>
        tpu.enqueue_dma source(%dma_start3A_143 : memref<632x128xf32, #tpu.memory_space<vmem_shared>>) target(%dma_start3A_141 : memref<632x128xf32, #tpu.memory_space<hbm>>) target_semaphore(%run_scoped3A : memref<!tpu.dma_semaphore, #tpu.memory_space<semaphore_mem>>)
        %dma_wait3A_144 = arith.constant 0 : i32
        %dma_wait3A_145 = tpu.memref_slice %arg5[%mul3A_132, %dma_wait3A_144] : memref<10112x128xf32, #tpu.memory_space<hbm>> -> memref<632x128xf32, #tpu.memory_space<hbm>>
        %dma_wait3A_146 = arith.constant 0 : i32
        %dma_wait3A_147 = tpu.memref_slice %arg10[%mul3A_132, %dma_wait3A_146] : memref<10112x128xf32, #tpu.memory_space<vmem_shared>> -> memref<632x128xf32, #tpu.memory_space<vmem_shared>>
        tpu.wait_dma2 semaphore(%run_scoped3A : memref<!tpu.dma_semaphore, #tpu.memory_space<semaphore_mem>>) src(%dma_wait3A_147 : memref<632x128xf32, #tpu.memory_space<vmem_shared>>) dst(%dma_wait3A_145 : memref<632x128xf32, #tpu.memory_space<hbm>>)
        tpu.yield
      }) : () -> ()
    } else {
    }
    %eq3A_135 = arith.constant 1 : i32
    %eq3A_136 = arith.cmpi eq, %arg0, %eq3A_135 : i32
    %convert_element_type3A_137 = arith.extui %eq3A_136 : i1 to i32
    %cond3A_138 = arith.constant 0 : i32
    %cond3A_139 = arith.cmpi ne, %convert_element_type3A_137, %cond3A_138 : i32
    scf.if %cond3A_139 {
      "tpu.region"() ({
        %run_scoped3A = tpu.sem_alloc : memref<!tpu.dma_semaphore, #tpu.memory_space<semaphore_mem>>
        %dma_start3A_140 = arith.constant 0 : i32
        %dma_start3A_141 = tpu.memref_slice %arg6[%mul3A_132, %dma_start3A_140] : memref<10112x128xf32, #tpu.memory_space<hbm>> -> memref<632x128xf32, #tpu.memory_space<hbm>>
        %dma_start3A_142 = arith.constant 0 : i32
        %dma_start3A_143 = tpu.memref_slice %arg10[%mul3A_132, %dma_start3A_142] : memref<10112x128xf32, #tpu.memory_space<vmem_shared>> -> memref<632x128xf32, #tpu.memory_space<vmem_shared>>
        tpu.enqueue_dma source(%dma_start3A_143 : memref<632x128xf32, #tpu.memory_space<vmem_shared>>) target(%dma_start3A_141 : memref<632x128xf32, #tpu.memory_space<hbm>>) target_semaphore(%run_scoped3A : memref<!tpu.dma_semaphore, #tpu.memory_space<semaphore_mem>>)
        %dma_wait3A_144 = arith.constant 0 : i32
        %dma_wait3A_145 = tpu.memref_slice %arg6[%mul3A_132, %dma_wait3A_144] : memref<10112x128xf32, #tpu.memory_space<hbm>> -> memref<632x128xf32, #tpu.memory_space<hbm>>
        %dma_wait3A_146 = arith.constant 0 : i32
        %dma_wait3A_147 = tpu.memref_slice %arg10[%mul3A_132, %dma_wait3A_146] : memref<10112x128xf32, #tpu.memory_space<vmem_shared>> -> memref<632x128xf32, #tpu.memory_space<vmem_shared>>
        tpu.wait_dma2 semaphore(%run_scoped3A : memref<!tpu.dma_semaphore, #tpu.memory_space<semaphore_mem>>) src(%dma_wait3A_147 : memref<632x128xf32, #tpu.memory_space<vmem_shared>>) dst(%dma_wait3A_145 : memref<632x128xf32, #tpu.memory_space<hbm>>)
        tpu.yield
      }) : () -> ()
    } else {
    }
    return
  }
}

#map = affine_map<(d0, d1) -> (0, 0)>
#map1 = affine_map<(d0, d1) -> (0, 0, 0, 0)>
module attributes {stable_mosaic.version = 14 : i64} {
  func.func @_agg_sc(%arg0: i32, %arg1: i32, %arg2: memref<10000x128xf32, #tpu.memory_space<hbm>>, %arg3: memref<32x79x2x128xi32, #tpu.memory_space<hbm>>, %arg4: memref<632x128xf32, #tpu.memory_space<hbm>>, %arg5: memref<10112x128xf32, #tpu.memory_space<hbm>>, %arg6: memref<10112x128xf32, #tpu.memory_space<hbm>>, %arg7: memref<4x2x128xi32, #tpu.memory_space<vmem>>, %arg8: memref<128x128xf32, #tpu.memory_space<vmem>>, %arg9: memref<128x128xf32, #tpu.memory_space<vmem>>, %arg10: memref<10112x128xf32, #tpu.memory_space<vmem_shared>>, %arg11: memref<!tpu.dma_semaphore, #tpu.memory_space<semaphore_mem>>, %arg12: memref<!tpu.dma_semaphore, #tpu.memory_space<semaphore_mem>>, %arg13: memref<!tpu.dma_semaphore, #tpu.memory_space<semaphore_mem>>, %arg14: memref<!tpu.dma_semaphore, #tpu.memory_space<semaphore_mem>>, %arg15: memref<!tpu.dma_semaphore, #tpu.memory_space<semaphore_mem>>, %arg16: memref<!tpu.dma_semaphore, #tpu.memory_space<semaphore_mem>>) attributes {dimension_semantics = [#tpu.dimension_semantics<core_parallel>, #tpu.dimension_semantics<subcore_parallel>], iteration_bounds = array<i64: 2, 16>, scalar_prefetch = 0 : i64, scratch_operands = 10 : i64, tpu.core_type = #tpu.core_type<sc_vector_subcore>, window_params = [{transform_indices = #map}, {transform_indices = #map1}, {transform_indices = #map}, {transform_indices = #map}, {transform_indices = #map}]} {
    %mul3A = arith.constant 2 : i32
    %mul3A_0 = arith.muli %arg1, %mul3A : i32
    %add3A = arith.addi %mul3A_0, %arg0 : i32
    %mul3A_1 = arith.constant 632 : i32
    %mul3A_2 = arith.muli %arg1, %mul3A_1 : i32
    "tpu.region"() ({
      %run_scoped3A = tpu.sem_alloc : memref<!tpu.dma_semaphore, #tpu.memory_space<semaphore_mem>>
      %dma_start3A_140 = arith.constant 0 : i32
      %dma_start3A_141 = tpu.memref_slice %arg10[%mul3A_2, %dma_start3A_140] : memref<10112x128xf32, #tpu.memory_space<vmem_shared>> -> memref<632x128xf32, #tpu.memory_space<vmem_shared>>
      tpu.enqueue_dma source(%arg4 : memref<632x128xf32, #tpu.memory_space<hbm>>) target(%dma_start3A_141 : memref<632x128xf32, #tpu.memory_space<vmem_shared>>) target_semaphore(%run_scoped3A : memref<!tpu.dma_semaphore, #tpu.memory_space<semaphore_mem>>)
      %dma_wait3A_142 = arith.constant 0 : i32
      %dma_wait3A_143 = tpu.memref_slice %arg10[%mul3A_2, %dma_wait3A_142] : memref<10112x128xf32, #tpu.memory_space<vmem_shared>> -> memref<632x128xf32, #tpu.memory_space<vmem_shared>>
      tpu.wait_dma2 semaphore(%run_scoped3A : memref<!tpu.dma_semaphore, #tpu.memory_space<semaphore_mem>>) src(%arg4 : memref<632x128xf32, #tpu.memory_space<hbm>>) dst(%dma_wait3A_143 : memref<632x128xf32, #tpu.memory_space<vmem_shared>>)
      tpu.yield
    }) : () -> ()
    %barrier3A = arith.constant 0 : index
    tpu.barrier barrier_id(%barrier3A)
    %dma_start3A = arith.constant 0 : i32
    %dma_start3A_3 = arith.constant 0 : i32
    %dma_start3A_4 = arith.constant 0 : i32
    %dma_start3A_5 = arith.constant 0 : i32
    %dma_start3A_6 = tpu.memref_slice %arg7[%dma_start3A_3, %dma_start3A_4, %dma_start3A_5] : memref<4x2x128xi32, #tpu.memory_space<vmem>> -> memref<1x2x128xi32, #tpu.memory_space<vmem>>
    %dma_start3A_7 = tpu.memref_squeeze %dma_start3A_6 : memref<1x2x128xi32, #tpu.memory_space<vmem>> -> memref<2x128xi32, #tpu.memory_space<vmem>>
    %dma_start3A_8 = arith.constant 0 : i32
    %dma_start3A_9 = arith.constant 0 : i32
    %dma_start3A_10 = tpu.memref_slice %arg3[%add3A, %dma_start3A, %dma_start3A_8, %dma_start3A_9] : memref<32x79x2x128xi32, #tpu.memory_space<hbm>> -> memref<1x1x2x128xi32, #tpu.memory_space<hbm>>
    %dma_start3A_11 = tpu.memref_squeeze %dma_start3A_10 : memref<1x1x2x128xi32, #tpu.memory_space<hbm>> -> memref<2x128xi32, #tpu.memory_space<hbm>>
    %dma_start3A_12 = arith.constant 0 : i32
    %dma_start3A_13 = arith.constant 0 : i32
    %dma_start3A_14 = tpu.memref_slice %arg7[%dma_start3A_3, %dma_start3A_12, %dma_start3A_13] : memref<4x2x128xi32, #tpu.memory_space<vmem>> -> memref<1x2x128xi32, #tpu.memory_space<vmem>>
    %dma_start3A_15 = tpu.memref_squeeze %dma_start3A_14 : memref<1x2x128xi32, #tpu.memory_space<vmem>> -> memref<2x128xi32, #tpu.memory_space<vmem>>
    %dma_start3A_16 = arith.constant 0 : i32
    %dma_start3A_17 = arith.constant 0 : i32
    %dma_start3A_18 = tpu.memref_slice %arg3[%add3A, %dma_start3A, %dma_start3A_16, %dma_start3A_17] : memref<32x79x2x128xi32, #tpu.memory_space<hbm>> -> memref<1x1x2x128xi32, #tpu.memory_space<hbm>>
    %dma_start3A_19 = tpu.memref_squeeze %dma_start3A_18 : memref<1x1x2x128xi32, #tpu.memory_space<hbm>> -> memref<2x128xi32, #tpu.memory_space<hbm>>
    tpu.enqueue_dma source(%dma_start3A_19 : memref<2x128xi32, #tpu.memory_space<hbm>>) target(%dma_start3A_15 : memref<2x128xi32, #tpu.memory_space<vmem>>) target_semaphore(%arg13 : memref<!tpu.dma_semaphore, #tpu.memory_space<semaphore_mem>>)
    %dma_start3A_20 = arith.constant 1 : i32
    %dma_start3A_21 = arith.constant 1 : i32
    %dma_start3A_22 = arith.constant 0 : i32
    %dma_start3A_23 = arith.constant 0 : i32
    %dma_start3A_24 = tpu.memref_slice %arg7[%dma_start3A_21, %dma_start3A_22, %dma_start3A_23] : memref<4x2x128xi32, #tpu.memory_space<vmem>> -> memref<1x2x128xi32, #tpu.memory_space<vmem>>
    %dma_start3A_25 = tpu.memref_squeeze %dma_start3A_24 : memref<1x2x128xi32, #tpu.memory_space<vmem>> -> memref<2x128xi32, #tpu.memory_space<vmem>>
    %dma_start3A_26 = arith.constant 0 : i32
    %dma_start3A_27 = arith.constant 0 : i32
    %dma_start3A_28 = tpu.memref_slice %arg3[%add3A, %dma_start3A_20, %dma_start3A_26, %dma_start3A_27] : memref<32x79x2x128xi32, #tpu.memory_space<hbm>> -> memref<1x1x2x128xi32, #tpu.memory_space<hbm>>
    %dma_start3A_29 = tpu.memref_squeeze %dma_start3A_28 : memref<1x1x2x128xi32, #tpu.memory_space<hbm>> -> memref<2x128xi32, #tpu.memory_space<hbm>>
    %dma_start3A_30 = arith.constant 0 : i32
    %dma_start3A_31 = arith.constant 0 : i32
    %dma_start3A_32 = tpu.memref_slice %arg7[%dma_start3A_21, %dma_start3A_30, %dma_start3A_31] : memref<4x2x128xi32, #tpu.memory_space<vmem>> -> memref<1x2x128xi32, #tpu.memory_space<vmem>>
    %dma_start3A_33 = tpu.memref_squeeze %dma_start3A_32 : memref<1x2x128xi32, #tpu.memory_space<vmem>> -> memref<2x128xi32, #tpu.memory_space<vmem>>
    %dma_start3A_34 = arith.constant 0 : i32
    %dma_start3A_35 = arith.constant 0 : i32
    %dma_start3A_36 = tpu.memref_slice %arg3[%add3A, %dma_start3A_20, %dma_start3A_34, %dma_start3A_35] : memref<32x79x2x128xi32, #tpu.memory_space<hbm>> -> memref<1x1x2x128xi32, #tpu.memory_space<hbm>>
    %dma_start3A_37 = tpu.memref_squeeze %dma_start3A_36 : memref<1x1x2x128xi32, #tpu.memory_space<hbm>> -> memref<2x128xi32, #tpu.memory_space<hbm>>
    tpu.enqueue_dma source(%dma_start3A_37 : memref<2x128xi32, #tpu.memory_space<hbm>>) target(%dma_start3A_33 : memref<2x128xi32, #tpu.memory_space<vmem>>) target_semaphore(%arg14 : memref<!tpu.dma_semaphore, #tpu.memory_space<semaphore_mem>>)
    %dma_start3A_38 = arith.constant 2 : i32
    %dma_start3A_39 = arith.constant 2 : i32
    %dma_start3A_40 = arith.constant 0 : i32
    %dma_start3A_41 = arith.constant 0 : i32
    %dma_start3A_42 = tpu.memref_slice %arg7[%dma_start3A_39, %dma_start3A_40, %dma_start3A_41] : memref<4x2x128xi32, #tpu.memory_space<vmem>> -> memref<1x2x128xi32, #tpu.memory_space<vmem>>
    %dma_start3A_43 = tpu.memref_squeeze %dma_start3A_42 : memref<1x2x128xi32, #tpu.memory_space<vmem>> -> memref<2x128xi32, #tpu.memory_space<vmem>>
    %dma_start3A_44 = arith.constant 0 : i32
    %dma_start3A_45 = arith.constant 0 : i32
    %dma_start3A_46 = tpu.memref_slice %arg3[%add3A, %dma_start3A_38, %dma_start3A_44, %dma_start3A_45] : memref<32x79x2x128xi32, #tpu.memory_space<hbm>> -> memref<1x1x2x128xi32, #tpu.memory_space<hbm>>
    %dma_start3A_47 = tpu.memref_squeeze %dma_start3A_46 : memref<1x1x2x128xi32, #tpu.memory_space<hbm>> -> memref<2x128xi32, #tpu.memory_space<hbm>>
    %dma_start3A_48 = arith.constant 0 : i32
    %dma_start3A_49 = arith.constant 0 : i32
    %dma_start3A_50 = tpu.memref_slice %arg7[%dma_start3A_39, %dma_start3A_48, %dma_start3A_49] : memref<4x2x128xi32, #tpu.memory_space<vmem>> -> memref<1x2x128xi32, #tpu.memory_space<vmem>>
    %dma_start3A_51 = tpu.memref_squeeze %dma_start3A_50 : memref<1x2x128xi32, #tpu.memory_space<vmem>> -> memref<2x128xi32, #tpu.memory_space<vmem>>
    %dma_start3A_52 = arith.constant 0 : i32
    %dma_start3A_53 = arith.constant 0 : i32
    %dma_start3A_54 = tpu.memref_slice %arg3[%add3A, %dma_start3A_38, %dma_start3A_52, %dma_start3A_53] : memref<32x79x2x128xi32, #tpu.memory_space<hbm>> -> memref<1x1x2x128xi32, #tpu.memory_space<hbm>>
    %dma_start3A_55 = tpu.memref_squeeze %dma_start3A_54 : memref<1x1x2x128xi32, #tpu.memory_space<hbm>> -> memref<2x128xi32, #tpu.memory_space<hbm>>
    tpu.enqueue_dma source(%dma_start3A_55 : memref<2x128xi32, #tpu.memory_space<hbm>>) target(%dma_start3A_51 : memref<2x128xi32, #tpu.memory_space<vmem>>) target_semaphore(%arg15 : memref<!tpu.dma_semaphore, #tpu.memory_space<semaphore_mem>>)
    %dma_start3A_56 = arith.constant 3 : i32
    %dma_start3A_57 = arith.constant 3 : i32
    %dma_start3A_58 = arith.constant 0 : i32
    %dma_start3A_59 = arith.constant 0 : i32
    %dma_start3A_60 = tpu.memref_slice %arg7[%dma_start3A_57, %dma_start3A_58, %dma_start3A_59] : memref<4x2x128xi32, #tpu.memory_space<vmem>> -> memref<1x2x128xi32, #tpu.memory_space<vmem>>
    %dma_start3A_61 = tpu.memref_squeeze %dma_start3A_60 : memref<1x2x128xi32, #tpu.memory_space<vmem>> -> memref<2x128xi32, #tpu.memory_space<vmem>>
    %dma_start3A_62 = arith.constant 0 : i32
    %dma_start3A_63 = arith.constant 0 : i32
    %dma_start3A_64 = tpu.memref_slice %arg3[%add3A, %dma_start3A_56, %dma_start3A_62, %dma_start3A_63] : memref<32x79x2x128xi32, #tpu.memory_space<hbm>> -> memref<1x1x2x128xi32, #tpu.memory_space<hbm>>
    %dma_start3A_65 = tpu.memref_squeeze %dma_start3A_64 : memref<1x1x2x128xi32, #tpu.memory_space<hbm>> -> memref<2x128xi32, #tpu.memory_space<hbm>>
    %dma_start3A_66 = arith.constant 0 : i32
    %dma_start3A_67 = arith.constant 0 : i32
    %dma_start3A_68 = tpu.memref_slice %arg7[%dma_start3A_57, %dma_start3A_66, %dma_start3A_67] : memref<4x2x128xi32, #tpu.memory_space<vmem>> -> memref<1x2x128xi32, #tpu.memory_space<vmem>>
    %dma_start3A_69 = tpu.memref_squeeze %dma_start3A_68 : memref<1x2x128xi32, #tpu.memory_space<vmem>> -> memref<2x128xi32, #tpu.memory_space<vmem>>
    %dma_start3A_70 = arith.constant 0 : i32
    %dma_start3A_71 = arith.constant 0 : i32
    %dma_start3A_72 = tpu.memref_slice %arg3[%add3A, %dma_start3A_56, %dma_start3A_70, %dma_start3A_71] : memref<32x79x2x128xi32, #tpu.memory_space<hbm>> -> memref<1x1x2x128xi32, #tpu.memory_space<hbm>>
    %dma_start3A_73 = tpu.memref_squeeze %dma_start3A_72 : memref<1x1x2x128xi32, #tpu.memory_space<hbm>> -> memref<2x128xi32, #tpu.memory_space<hbm>>
    tpu.enqueue_dma source(%dma_start3A_73 : memref<2x128xi32, #tpu.memory_space<hbm>>) target(%dma_start3A_69 : memref<2x128xi32, #tpu.memory_space<vmem>>) target_semaphore(%arg16 : memref<!tpu.dma_semaphore, #tpu.memory_space<semaphore_mem>>)
    %dma_wait3A = arith.constant 0 : i32
    %dma_wait3A_74 = arith.constant 0 : i32
    %dma_wait3A_75 = arith.constant 0 : i32
    %dma_wait3A_76 = arith.constant 0 : i32
    %dma_wait3A_77 = tpu.memref_slice %arg7[%dma_wait3A_74, %dma_wait3A_75, %dma_wait3A_76] : memref<4x2x128xi32, #tpu.memory_space<vmem>> -> memref<1x2x128xi32, #tpu.memory_space<vmem>>
    %dma_wait3A_78 = tpu.memref_squeeze %dma_wait3A_77 : memref<1x2x128xi32, #tpu.memory_space<vmem>> -> memref<2x128xi32, #tpu.memory_space<vmem>>
    %dma_wait3A_79 = arith.constant 0 : i32
    %dma_wait3A_80 = arith.constant 0 : i32
    %dma_wait3A_81 = tpu.memref_slice %arg3[%add3A, %dma_wait3A, %dma_wait3A_79, %dma_wait3A_80] : memref<32x79x2x128xi32, #tpu.memory_space<hbm>> -> memref<1x1x2x128xi32, #tpu.memory_space<hbm>>
    %dma_wait3A_82 = tpu.memref_squeeze %dma_wait3A_81 : memref<1x1x2x128xi32, #tpu.memory_space<hbm>> -> memref<2x128xi32, #tpu.memory_space<hbm>>
    %dma_wait3A_83 = arith.constant 0 : i32
    %dma_wait3A_84 = arith.constant 0 : i32
    %dma_wait3A_85 = tpu.memref_slice %arg7[%dma_wait3A_74, %dma_wait3A_83, %dma_wait3A_84] : memref<4x2x128xi32, #tpu.memory_space<vmem>> -> memref<1x2x128xi32, #tpu.memory_space<vmem>>
    %dma_wait3A_86 = tpu.memref_squeeze %dma_wait3A_85 : memref<1x2x128xi32, #tpu.memory_space<vmem>> -> memref<2x128xi32, #tpu.memory_space<vmem>>
    %dma_wait3A_87 = arith.constant 0 : i32
    %dma_wait3A_88 = arith.constant 0 : i32
    %dma_wait3A_89 = tpu.memref_slice %arg3[%add3A, %dma_wait3A, %dma_wait3A_87, %dma_wait3A_88] : memref<32x79x2x128xi32, #tpu.memory_space<hbm>> -> memref<1x1x2x128xi32, #tpu.memory_space<hbm>>
    %dma_wait3A_90 = tpu.memref_squeeze %dma_wait3A_89 : memref<1x1x2x128xi32, #tpu.memory_space<hbm>> -> memref<2x128xi32, #tpu.memory_space<hbm>>
    tpu.wait_dma2 semaphore(%arg13 : memref<!tpu.dma_semaphore, #tpu.memory_space<semaphore_mem>>) src(%dma_wait3A_90 : memref<2x128xi32, #tpu.memory_space<hbm>>) dst(%dma_wait3A_86 : memref<2x128xi32, #tpu.memory_space<vmem>>)
    %dma_start3A_91 = arith.constant 0 : i32
    %dma_start3A_92 = arith.constant 0 : i32
    %dma_start3A_93 = arith.constant 0 : i32
    %dma_start3A_94 = tpu.memref_slice %arg7[%dma_start3A_91, %dma_start3A_92, %dma_start3A_93] : memref<4x2x128xi32, #tpu.memory_space<vmem>> -> memref<1x1x128xi32, #tpu.memory_space<vmem>>
    %dma_start3A_95 = tpu.memref_squeeze %dma_start3A_94 : memref<1x1x128xi32, #tpu.memory_space<vmem>> -> memref<128xi32, #tpu.memory_space<vmem>>
    %dma_start3A_96 = arith.constant 0 : i32
    %dma_start3A_97 = arith.constant 0 : i32
    %dma_start3A_98 = tpu.memref_slice %arg2[%dma_start3A_96, %dma_start3A_97] : memref<10000x128xf32, #tpu.memory_space<hbm>> -> memref<10000x128xf32, #tpu.memory_space<hbm>>
    tpu.enqueue_indirect_dma source(%dma_start3A_98 : memref<10000x128xf32, #tpu.memory_space<hbm>>) target(%arg8 : memref<128x128xf32, #tpu.memory_space<vmem>>) offsets(%dma_start3A_95 : memref<128xi32, #tpu.memory_space<vmem>>) semaphore(%arg11 : memref<!tpu.dma_semaphore, #tpu.memory_space<semaphore_mem>>)
    %dma_wait3A_99 = arith.constant 1 : i32
    %dma_wait3A_100 = arith.constant 1 : i32
    %dma_wait3A_101 = arith.constant 0 : i32
    %dma_wait3A_102 = arith.constant 0 : i32
    %dma_wait3A_103 = tpu.memref_slice %arg7[%dma_wait3A_100, %dma_wait3A_101, %dma_wait3A_102] : memref<4x2x128xi32, #tpu.memory_space<vmem>> -> memref<1x2x128xi32, #tpu.memory_space<vmem>>
    %dma_wait3A_104 = tpu.memref_squeeze %dma_wait3A_103 : memref<1x2x128xi32, #tpu.memory_space<vmem>> -> memref<2x128xi32, #tpu.memory_space<vmem>>
    %dma_wait3A_105 = arith.constant 0 : i32
    %dma_wait3A_106 = arith.constant 0 : i32
    %dma_wait3A_107 = tpu.memref_slice %arg3[%add3A, %dma_wait3A_99, %dma_wait3A_105, %dma_wait3A_106] : memref<32x79x2x128xi32, #tpu.memory_space<hbm>> -> memref<1x1x2x128xi32, #tpu.memory_space<hbm>>
    %dma_wait3A_108 = tpu.memref_squeeze %dma_wait3A_107 : memref<1x1x2x128xi32, #tpu.memory_space<hbm>> -> memref<2x128xi32, #tpu.memory_space<hbm>>
    %dma_wait3A_109 = arith.constant 0 : i32
    %dma_wait3A_110 = arith.constant 0 : i32
    %dma_wait3A_111 = tpu.memref_slice %arg7[%dma_wait3A_100, %dma_wait3A_109, %dma_wait3A_110] : memref<4x2x128xi32, #tpu.memory_space<vmem>> -> memref<1x2x128xi32, #tpu.memory_space<vmem>>
    %dma_wait3A_112 = tpu.memref_squeeze %dma_wait3A_111 : memref<1x2x128xi32, #tpu.memory_space<vmem>> -> memref<2x128xi32, #tpu.memory_space<vmem>>
    %dma_wait3A_113 = arith.constant 0 : i32
    %dma_wait3A_114 = arith.constant 0 : i32
    %dma_wait3A_115 = tpu.memref_slice %arg3[%add3A, %dma_wait3A_99, %dma_wait3A_113, %dma_wait3A_114] : memref<32x79x2x128xi32, #tpu.memory_space<hbm>> -> memref<1x1x2x128xi32, #tpu.memory_space<hbm>>
    %dma_wait3A_116 = tpu.memref_squeeze %dma_wait3A_115 : memref<1x1x2x128xi32, #tpu.memory_space<hbm>> -> memref<2x128xi32, #tpu.memory_space<hbm>>
    tpu.wait_dma2 semaphore(%arg14 : memref<!tpu.dma_semaphore, #tpu.memory_space<semaphore_mem>>) src(%dma_wait3A_116 : memref<2x128xi32, #tpu.memory_space<hbm>>) dst(%dma_wait3A_112 : memref<2x128xi32, #tpu.memory_space<vmem>>)
    %dma_start3A_117 = arith.constant 1 : i32
    %dma_start3A_118 = arith.constant 0 : i32
    %dma_start3A_119 = arith.constant 0 : i32
    %dma_start3A_120 = tpu.memref_slice %arg7[%dma_start3A_117, %dma_start3A_118, %dma_start3A_119] : memref<4x2x128xi32, #tpu.memory_space<vmem>> -> memref<1x1x128xi32, #tpu.memory_space<vmem>>
    %dma_start3A_121 = tpu.memref_squeeze %dma_start3A_120 : memref<1x1x128xi32, #tpu.memory_space<vmem>> -> memref<128xi32, #tpu.memory_space<vmem>>
    %dma_start3A_122 = arith.constant 0 : i32
    %dma_start3A_123 = arith.constant 0 : i32
    %dma_start3A_124 = tpu.memref_slice %arg2[%dma_start3A_122, %dma_start3A_123] : memref<10000x128xf32, #tpu.memory_space<hbm>> -> memref<10000x128xf32, #tpu.memory_space<hbm>>
    tpu.enqueue_indirect_dma source(%dma_start3A_124 : memref<10000x128xf32, #tpu.memory_space<hbm>>) target(%arg9 : memref<128x128xf32, #tpu.memory_space<vmem>>) offsets(%dma_start3A_121 : memref<128xi32, #tpu.memory_space<vmem>>) semaphore(%arg12 : memref<!tpu.dma_semaphore, #tpu.memory_space<semaphore_mem>>)
    %scan3A = arith.constant 0 : i32
    %scan3A_125 = arith.constant 0 : i32
    %scan3A_126 = arith.constant 20 : i32
    %scan3A_127 = arith.addi %scan3A_125, %scan3A_126 : i32
    %scan3A_128 = arith.constant 1 : i32
    scf.for %scan3A_140 = %scan3A_125 to %scan3A_127 step %scan3A_128  : i32 {
      %mul3A_141 = arith.constant 4 : i32
      %mul3A_142 = arith.muli %scan3A_140, %mul3A_141 : i32
      %add3A_143 = arith.constant 0 : i32
      %add3A_144 = arith.addi %mul3A_142, %add3A_143 : i32
      %lt3A = arith.constant 79 : i32
      %lt3A_145 = arith.cmpi slt, %add3A_144, %lt3A : i32
      %convert_element_type3A_146 = arith.extui %lt3A_145 : i1 to i32
      %cond3A_147 = arith.constant 0 : i32
      %cond3A_148 = arith.cmpi ne, %convert_element_type3A_146, %cond3A_147 : i32
      scf.if %cond3A_148 {
        %dma_wait3A_170 = arith.constant 0 : i32
        %dma_wait3A_171 = arith.constant 0 : i32
        %dma_wait3A_172 = arith.constant 0 : i32
        %dma_wait3A_173 = tpu.memref_slice %arg7[%dma_wait3A_170, %dma_wait3A_171, %dma_wait3A_172] : memref<4x2x128xi32, #tpu.memory_space<vmem>> -> memref<1x1x128xi32, #tpu.memory_space<vmem>>
        %dma_wait3A_174 = tpu.memref_squeeze %dma_wait3A_173 : memref<1x1x128xi32, #tpu.memory_space<vmem>> -> memref<128xi32, #tpu.memory_space<vmem>>
        %dma_wait3A_175 = arith.constant 0 : i32
        %dma_wait3A_176 = arith.constant 0 : i32
        %dma_wait3A_177 = tpu.memref_slice %arg2[%dma_wait3A_175, %dma_wait3A_176] : memref<10000x128xf32, #tpu.memory_space<hbm>> -> memref<10000x128xf32, #tpu.memory_space<hbm>>
        tpu.wait_indirect_dma semaphore(%arg11 : memref<!tpu.dma_semaphore, #tpu.memory_space<semaphore_mem>>) src(%dma_wait3A_177 : memref<10000x128xf32, #tpu.memory_space<hbm>>) dst(%arg8 : memref<128x128xf32, #tpu.memory_space<vmem>>)
        %run_scoped3A = arith.constant 0 : i32
        %run_scoped3A_178 = arith.constant 1 : i32
        "tpu.region"() ({
          %run_scoped3A_193 = tpu.sem_alloc : memref<!tpu.dma_semaphore, #tpu.memory_space<semaphore_mem>>
          %dma_start3A_194 = arith.constant 0 : i32
          %dma_start3A_195 = tpu.memref_slice %arg7[%run_scoped3A, %run_scoped3A_178, %dma_start3A_194] : memref<4x2x128xi32, #tpu.memory_space<vmem>> -> memref<1x1x128xi32, #tpu.memory_space<vmem>>
          %dma_start3A_196 = tpu.memref_squeeze %dma_start3A_195 : memref<1x1x128xi32, #tpu.memory_space<vmem>> -> memref<128xi32, #tpu.memory_space<vmem>>
          %dma_start3A_197 = arith.constant 0 : i32
          %dma_start3A_198 = arith.constant 0 : i32
          %dma_start3A_199 = tpu.memref_slice %arg10[%dma_start3A_197, %dma_start3A_198] : memref<10112x128xf32, #tpu.memory_space<vmem_shared>> -> memref<10112x128xf32, #tpu.memory_space<vmem_shared>>
          tpu.enqueue_indirect_dma source(%arg8 : memref<128x128xf32, #tpu.memory_space<vmem>>) target(%dma_start3A_199 : memref<10112x128xf32, #tpu.memory_space<vmem_shared>>) offsets(%dma_start3A_196 : memref<128xi32, #tpu.memory_space<vmem>>) semaphore(%run_scoped3A_193 : memref<!tpu.dma_semaphore, #tpu.memory_space<semaphore_mem>>) {add = true}
          %dma_wait3A_200 = arith.constant 0 : i32
          %dma_wait3A_201 = tpu.memref_slice %arg7[%run_scoped3A, %run_scoped3A_178, %dma_wait3A_200] : memref<4x2x128xi32, #tpu.memory_space<vmem>> -> memref<1x1x128xi32, #tpu.memory_space<vmem>>
          %dma_wait3A_202 = tpu.memref_squeeze %dma_wait3A_201 : memref<1x1x128xi32, #tpu.memory_space<vmem>> -> memref<128xi32, #tpu.memory_space<vmem>>
          %dma_wait3A_203 = arith.constant 0 : i32
          %dma_wait3A_204 = arith.constant 0 : i32
          %dma_wait3A_205 = tpu.memref_slice %arg10[%dma_wait3A_203, %dma_wait3A_204] : memref<10112x128xf32, #tpu.memory_space<vmem_shared>> -> memref<10112x128xf32, #tpu.memory_space<vmem_shared>>
          tpu.wait_indirect_dma semaphore(%run_scoped3A_193 : memref<!tpu.dma_semaphore, #tpu.memory_space<semaphore_mem>>) src(%arg8 : memref<128x128xf32, #tpu.memory_space<vmem>>) dst(%dma_wait3A_205 : memref<10112x128xf32, #tpu.memory_space<vmem_shared>>)
          tpu.yield
        }) : () -> ()
        %add3A_179 = arith.constant 4 : i32
        %add3A_180 = arith.addi %add3A_144, %add3A_179 : i32
        %lt3A_181 = arith.constant 79 : i32
        %lt3A_182 = arith.cmpi slt, %add3A_180, %lt3A_181 : i32
        %convert_element_type3A_183 = arith.extui %lt3A_182 : i1 to i32
        %cond3A_184 = arith.constant 0 : i32
        %cond3A_185 = arith.cmpi ne, %convert_element_type3A_183, %cond3A_184 : i32
        scf.if %cond3A_185 {
          %add3A_193 = arith.constant 4 : i32
          %add3A_194 = arith.addi %add3A_144, %add3A_193 : i32
          %dma_start3A_195 = arith.constant 0 : i32
          %dma_start3A_196 = arith.constant 0 : i32
          %dma_start3A_197 = arith.constant 0 : i32
          %dma_start3A_198 = tpu.memref_slice %arg7[%dma_start3A_195, %dma_start3A_196, %dma_start3A_197] : memref<4x2x128xi32, #tpu.memory_space<vmem>> -> memref<1x2x128xi32, #tpu.memory_space<vmem>>
          %dma_start3A_199 = tpu.memref_squeeze %dma_start3A_198 : memref<1x2x128xi32, #tpu.memory_space<vmem>> -> memref<2x128xi32, #tpu.memory_space<vmem>>
          %dma_start3A_200 = arith.constant 0 : i32
          %dma_start3A_201 = arith.constant 0 : i32
          %dma_start3A_202 = tpu.memref_slice %arg3[%add3A, %add3A_194, %dma_start3A_200, %dma_start3A_201] : memref<32x79x2x128xi32, #tpu.memory_space<hbm>> -> memref<1x1x2x128xi32, #tpu.memory_space<hbm>>
          %dma_start3A_203 = tpu.memref_squeeze %dma_start3A_202 : memref<1x1x2x128xi32, #tpu.memory_space<hbm>> -> memref<2x128xi32, #tpu.memory_space<hbm>>
          %dma_start3A_204 = arith.constant 0 : i32
          %dma_start3A_205 = arith.constant 0 : i32
          %dma_start3A_206 = tpu.memref_slice %arg7[%dma_start3A_195, %dma_start3A_204, %dma_start3A_205] : memref<4x2x128xi32, #tpu.memory_space<vmem>> -> memref<1x2x128xi32, #tpu.memory_space<vmem>>
          %dma_start3A_207 = tpu.memref_squeeze %dma_start3A_206 : memref<1x2x128xi32, #tpu.memory_space<vmem>> -> memref<2x128xi32, #tpu.memory_space<vmem>>
          %dma_start3A_208 = arith.constant 0 : i32
          %dma_start3A_209 = arith.constant 0 : i32
          %dma_start3A_210 = tpu.memref_slice %arg3[%add3A, %add3A_194, %dma_start3A_208, %dma_start3A_209] : memref<32x79x2x128xi32, #tpu.memory_space<hbm>> -> memref<1x1x2x128xi32, #tpu.memory_space<hbm>>
          %dma_start3A_211 = tpu.memref_squeeze %dma_start3A_210 : memref<1x1x2x128xi32, #tpu.memory_space<hbm>> -> memref<2x128xi32, #tpu.memory_space<hbm>>
          tpu.enqueue_dma source(%dma_start3A_211 : memref<2x128xi32, #tpu.memory_space<hbm>>) target(%dma_start3A_207 : memref<2x128xi32, #tpu.memory_space<vmem>>) target_semaphore(%arg13 : memref<!tpu.dma_semaphore, #tpu.memory_space<semaphore_mem>>)
        } else {
        }
        %add3A_186 = arith.constant 2 : i32
        %add3A_187 = arith.addi %add3A_144, %add3A_186 : i32
        %lt3A_188 = arith.constant 79 : i32
        %lt3A_189 = arith.cmpi slt, %add3A_187, %lt3A_188 : i32
        %convert_element_type3A_190 = arith.extui %lt3A_189 : i1 to i32
        %cond3A_191 = arith.constant 0 : i32
        %cond3A_192 = arith.cmpi ne, %convert_element_type3A_190, %cond3A_191 : i32
        scf.if %cond3A_192 {
          %dma_wait3A_193 = arith.constant 0 : i32
          %dma_wait3A_194 = arith.constant 2 : i32
          %dma_wait3A_195 = arith.constant 0 : i32
          %dma_wait3A_196 = arith.constant 0 : i32
          %dma_wait3A_197 = tpu.memref_slice %arg7[%dma_wait3A_194, %dma_wait3A_195, %dma_wait3A_196] : memref<4x2x128xi32, #tpu.memory_space<vmem>> -> memref<1x2x128xi32, #tpu.memory_space<vmem>>
          %dma_wait3A_198 = tpu.memref_squeeze %dma_wait3A_197 : memref<1x2x128xi32, #tpu.memory_space<vmem>> -> memref<2x128xi32, #tpu.memory_space<vmem>>
          %dma_wait3A_199 = arith.constant 0 : i32
          %dma_wait3A_200 = arith.constant 0 : i32
          %dma_wait3A_201 = tpu.memref_slice %arg3[%add3A, %dma_wait3A_193, %dma_wait3A_199, %dma_wait3A_200] : memref<32x79x2x128xi32, #tpu.memory_space<hbm>> -> memref<1x1x2x128xi32, #tpu.memory_space<hbm>>
          %dma_wait3A_202 = tpu.memref_squeeze %dma_wait3A_201 : memref<1x1x2x128xi32, #tpu.memory_space<hbm>> -> memref<2x128xi32, #tpu.memory_space<hbm>>
          %dma_wait3A_203 = arith.constant 0 : i32
          %dma_wait3A_204 = arith.constant 0 : i32
          %dma_wait3A_205 = tpu.memref_slice %arg7[%dma_wait3A_194, %dma_wait3A_203, %dma_wait3A_204] : memref<4x2x128xi32, #tpu.memory_space<vmem>> -> memref<1x2x128xi32, #tpu.memory_space<vmem>>
          %dma_wait3A_206 = tpu.memref_squeeze %dma_wait3A_205 : memref<1x2x128xi32, #tpu.memory_space<vmem>> -> memref<2x128xi32, #tpu.memory_space<vmem>>
          %dma_wait3A_207 = arith.constant 0 : i32
          %dma_wait3A_208 = arith.constant 0 : i32
          %dma_wait3A_209 = tpu.memref_slice %arg3[%add3A, %dma_wait3A_193, %dma_wait3A_207, %dma_wait3A_208] : memref<32x79x2x128xi32, #tpu.memory_space<hbm>> -> memref<1x1x2x128xi32, #tpu.memory_space<hbm>>
          %dma_wait3A_210 = tpu.memref_squeeze %dma_wait3A_209 : memref<1x1x2x128xi32, #tpu.memory_space<hbm>> -> memref<2x128xi32, #tpu.memory_space<hbm>>
          tpu.wait_dma2 semaphore(%arg15 : memref<!tpu.dma_semaphore, #tpu.memory_space<semaphore_mem>>) src(%dma_wait3A_210 : memref<2x128xi32, #tpu.memory_space<hbm>>) dst(%dma_wait3A_206 : memref<2x128xi32, #tpu.memory_space<vmem>>)
          %dma_start3A_211 = arith.constant 2 : i32
          %dma_start3A_212 = arith.constant 0 : i32
          %dma_start3A_213 = arith.constant 0 : i32
          %dma_start3A_214 = tpu.memref_slice %arg7[%dma_start3A_211, %dma_start3A_212, %dma_start3A_213] : memref<4x2x128xi32, #tpu.memory_space<vmem>> -> memref<1x1x128xi32, #tpu.memory_space<vmem>>
          %dma_start3A_215 = tpu.memref_squeeze %dma_start3A_214 : memref<1x1x128xi32, #tpu.memory_space<vmem>> -> memref<128xi32, #tpu.memory_space<vmem>>
          %dma_start3A_216 = arith.constant 0 : i32
          %dma_start3A_217 = arith.constant 0 : i32
          %dma_start3A_218 = tpu.memref_slice %arg2[%dma_start3A_216, %dma_start3A_217] : memref<10000x128xf32, #tpu.memory_space<hbm>> -> memref<10000x128xf32, #tpu.memory_space<hbm>>
          tpu.enqueue_indirect_dma source(%dma_start3A_218 : memref<10000x128xf32, #tpu.memory_space<hbm>>) target(%arg8 : memref<128x128xf32, #tpu.memory_space<vmem>>) offsets(%dma_start3A_215 : memref<128xi32, #tpu.memory_space<vmem>>) semaphore(%arg11 : memref<!tpu.dma_semaphore, #tpu.memory_space<semaphore_mem>>)
        } else {
        }
      } else {
      }
      %add3A_149 = arith.constant 1 : i32
      %add3A_150 = arith.addi %mul3A_142, %add3A_149 : i32
      %lt3A_151 = arith.constant 79 : i32
      %lt3A_152 = arith.cmpi slt, %add3A_150, %lt3A_151 : i32
      %convert_element_type3A_153 = arith.extui %lt3A_152 : i1 to i32
      %cond3A_154 = arith.constant 0 : i32
      %cond3A_155 = arith.cmpi ne, %convert_element_type3A_153, %cond3A_154 : i32
      scf.if %cond3A_155 {
        %dma_wait3A_170 = arith.constant 1 : i32
        %dma_wait3A_171 = arith.constant 0 : i32
        %dma_wait3A_172 = arith.constant 0 : i32
        %dma_wait3A_173 = tpu.memref_slice %arg7[%dma_wait3A_170, %dma_wait3A_171, %dma_wait3A_172] : memref<4x2x128xi32, #tpu.memory_space<vmem>> -> memref<1x1x128xi32, #tpu.memory_space<vmem>>
        %dma_wait3A_174 = tpu.memref_squeeze %dma_wait3A_173 : memref<1x1x128xi32, #tpu.memory_space<vmem>> -> memref<128xi32, #tpu.memory_space<vmem>>
        %dma_wait3A_175 = arith.constant 0 : i32
        %dma_wait3A_176 = arith.constant 0 : i32
        %dma_wait3A_177 = tpu.memref_slice %arg2[%dma_wait3A_175, %dma_wait3A_176] : memref<10000x128xf32, #tpu.memory_space<hbm>> -> memref<10000x128xf32, #tpu.memory_space<hbm>>
        tpu.wait_indirect_dma semaphore(%arg12 : memref<!tpu.dma_semaphore, #tpu.memory_space<semaphore_mem>>) src(%dma_wait3A_177 : memref<10000x128xf32, #tpu.memory_space<hbm>>) dst(%arg9 : memref<128x128xf32, #tpu.memory_space<vmem>>)
        %run_scoped3A = arith.constant 1 : i32
        %run_scoped3A_178 = arith.constant 1 : i32
        "tpu.region"() ({
          %run_scoped3A_193 = tpu.sem_alloc : memref<!tpu.dma_semaphore, #tpu.memory_space<semaphore_mem>>
          %dma_start3A_194 = arith.constant 0 : i32
          %dma_start3A_195 = tpu.memref_slice %arg7[%run_scoped3A, %run_scoped3A_178, %dma_start3A_194] : memref<4x2x128xi32, #tpu.memory_space<vmem>> -> memref<1x1x128xi32, #tpu.memory_space<vmem>>
          %dma_start3A_196 = tpu.memref_squeeze %dma_start3A_195 : memref<1x1x128xi32, #tpu.memory_space<vmem>> -> memref<128xi32, #tpu.memory_space<vmem>>
          %dma_start3A_197 = arith.constant 0 : i32
          %dma_start3A_198 = arith.constant 0 : i32
          %dma_start3A_199 = tpu.memref_slice %arg10[%dma_start3A_197, %dma_start3A_198] : memref<10112x128xf32, #tpu.memory_space<vmem_shared>> -> memref<10112x128xf32, #tpu.memory_space<vmem_shared>>
          tpu.enqueue_indirect_dma source(%arg9 : memref<128x128xf32, #tpu.memory_space<vmem>>) target(%dma_start3A_199 : memref<10112x128xf32, #tpu.memory_space<vmem_shared>>) offsets(%dma_start3A_196 : memref<128xi32, #tpu.memory_space<vmem>>) semaphore(%run_scoped3A_193 : memref<!tpu.dma_semaphore, #tpu.memory_space<semaphore_mem>>) {add = true}
          %dma_wait3A_200 = arith.constant 0 : i32
          %dma_wait3A_201 = tpu.memref_slice %arg7[%run_scoped3A, %run_scoped3A_178, %dma_wait3A_200] : memref<4x2x128xi32, #tpu.memory_space<vmem>> -> memref<1x1x128xi32, #tpu.memory_space<vmem>>
          %dma_wait3A_202 = tpu.memref_squeeze %dma_wait3A_201 : memref<1x1x128xi32, #tpu.memory_space<vmem>> -> memref<128xi32, #tpu.memory_space<vmem>>
          %dma_wait3A_203 = arith.constant 0 : i32
          %dma_wait3A_204 = arith.constant 0 : i32
          %dma_wait3A_205 = tpu.memref_slice %arg10[%dma_wait3A_203, %dma_wait3A_204] : memref<10112x128xf32, #tpu.memory_space<vmem_shared>> -> memref<10112x128xf32, #tpu.memory_space<vmem_shared>>
          tpu.wait_indirect_dma semaphore(%run_scoped3A_193 : memref<!tpu.dma_semaphore, #tpu.memory_space<semaphore_mem>>) src(%arg9 : memref<128x128xf32, #tpu.memory_space<vmem>>) dst(%dma_wait3A_205 : memref<10112x128xf32, #tpu.memory_space<vmem_shared>>)
          tpu.yield
        }) : () -> ()
        %add3A_179 = arith.constant 4 : i32
        %add3A_180 = arith.addi %add3A_150, %add3A_179 : i32
        %lt3A_181 = arith.constant 79 : i32
        %lt3A_182 = arith.cmpi slt, %add3A_180, %lt3A_181 : i32
        %convert_element_type3A_183 = arith.extui %lt3A_182 : i1 to i32
        %cond3A_184 = arith.constant 0 : i32
        %cond3A_185 = arith.cmpi ne, %convert_element_type3A_183, %cond3A_184 : i32
        scf.if %cond3A_185 {
          %add3A_193 = arith.constant 4 : i32
          %add3A_194 = arith.addi %add3A_150, %add3A_193 : i32
          %dma_start3A_195 = arith.constant 1 : i32
          %dma_start3A_196 = arith.constant 0 : i32
          %dma_start3A_197 = arith.constant 0 : i32
          %dma_start3A_198 = tpu.memref_slice %arg7[%dma_start3A_195, %dma_start3A_196, %dma_start3A_197] : memref<4x2x128xi32, #tpu.memory_space<vmem>> -> memref<1x2x128xi32, #tpu.memory_space<vmem>>
          %dma_start3A_199 = tpu.memref_squeeze %dma_start3A_198 : memref<1x2x128xi32, #tpu.memory_space<vmem>> -> memref<2x128xi32, #tpu.memory_space<vmem>>
          %dma_start3A_200 = arith.constant 0 : i32
          %dma_start3A_201 = arith.constant 0 : i32
          %dma_start3A_202 = tpu.memref_slice %arg3[%add3A, %add3A_194, %dma_start3A_200, %dma_start3A_201] : memref<32x79x2x128xi32, #tpu.memory_space<hbm>> -> memref<1x1x2x128xi32, #tpu.memory_space<hbm>>
          %dma_start3A_203 = tpu.memref_squeeze %dma_start3A_202 : memref<1x1x2x128xi32, #tpu.memory_space<hbm>> -> memref<2x128xi32, #tpu.memory_space<hbm>>
          %dma_start3A_204 = arith.constant 0 : i32
          %dma_start3A_205 = arith.constant 0 : i32
          %dma_start3A_206 = tpu.memref_slice %arg7[%dma_start3A_195, %dma_start3A_204, %dma_start3A_205] : memref<4x2x128xi32, #tpu.memory_space<vmem>> -> memref<1x2x128xi32, #tpu.memory_space<vmem>>
          %dma_start3A_207 = tpu.memref_squeeze %dma_start3A_206 : memref<1x2x128xi32, #tpu.memory_space<vmem>> -> memref<2x128xi32, #tpu.memory_space<vmem>>
          %dma_start3A_208 = arith.constant 0 : i32
          %dma_start3A_209 = arith.constant 0 : i32
          %dma_start3A_210 = tpu.memref_slice %arg3[%add3A, %add3A_194, %dma_start3A_208, %dma_start3A_209] : memref<32x79x2x128xi32, #tpu.memory_space<hbm>> -> memref<1x1x2x128xi32, #tpu.memory_space<hbm>>
          %dma_start3A_211 = tpu.memref_squeeze %dma_start3A_210 : memref<1x1x2x128xi32, #tpu.memory_space<hbm>> -> memref<2x128xi32, #tpu.memory_space<hbm>>
          tpu.enqueue_dma source(%dma_start3A_211 : memref<2x128xi32, #tpu.memory_space<hbm>>) target(%dma_start3A_207 : memref<2x128xi32, #tpu.memory_space<vmem>>) target_semaphore(%arg14 : memref<!tpu.dma_semaphore, #tpu.memory_space<semaphore_mem>>)
        } else {
        }
        %add3A_186 = arith.constant 2 : i32
        %add3A_187 = arith.addi %add3A_150, %add3A_186 : i32
        %lt3A_188 = arith.constant 79 : i32
        %lt3A_189 = arith.cmpi slt, %add3A_187, %lt3A_188 : i32
        %convert_element_type3A_190 = arith.extui %lt3A_189 : i1 to i32
        %cond3A_191 = arith.constant 0 : i32
        %cond3A_192 = arith.cmpi ne, %convert_element_type3A_190, %cond3A_191 : i32
        scf.if %cond3A_192 {
          %dma_wait3A_193 = arith.constant 0 : i32
          %dma_wait3A_194 = arith.constant 3 : i32
          %dma_wait3A_195 = arith.constant 0 : i32
          %dma_wait3A_196 = arith.constant 0 : i32
          %dma_wait3A_197 = tpu.memref_slice %arg7[%dma_wait3A_194, %dma_wait3A_195, %dma_wait3A_196] : memref<4x2x128xi32, #tpu.memory_space<vmem>> -> memref<1x2x128xi32, #tpu.memory_space<vmem>>
          %dma_wait3A_198 = tpu.memref_squeeze %dma_wait3A_197 : memref<1x2x128xi32, #tpu.memory_space<vmem>> -> memref<2x128xi32, #tpu.memory_space<vmem>>
          %dma_wait3A_199 = arith.constant 0 : i32
          %dma_wait3A_200 = arith.constant 0 : i32
          %dma_wait3A_201 = tpu.memref_slice %arg3[%add3A, %dma_wait3A_193, %dma_wait3A_199, %dma_wait3A_200] : memref<32x79x2x128xi32, #tpu.memory_space<hbm>> -> memref<1x1x2x128xi32, #tpu.memory_space<hbm>>
          %dma_wait3A_202 = tpu.memref_squeeze %dma_wait3A_201 : memref<1x1x2x128xi32, #tpu.memory_space<hbm>> -> memref<2x128xi32, #tpu.memory_space<hbm>>
          %dma_wait3A_203 = arith.constant 0 : i32
          %dma_wait3A_204 = arith.constant 0 : i32
          %dma_wait3A_205 = tpu.memref_slice %arg7[%dma_wait3A_194, %dma_wait3A_203, %dma_wait3A_204] : memref<4x2x128xi32, #tpu.memory_space<vmem>> -> memref<1x2x128xi32, #tpu.memory_space<vmem>>
          %dma_wait3A_206 = tpu.memref_squeeze %dma_wait3A_205 : memref<1x2x128xi32, #tpu.memory_space<vmem>> -> memref<2x128xi32, #tpu.memory_space<vmem>>
          %dma_wait3A_207 = arith.constant 0 : i32
          %dma_wait3A_208 = arith.constant 0 : i32
          %dma_wait3A_209 = tpu.memref_slice %arg3[%add3A, %dma_wait3A_193, %dma_wait3A_207, %dma_wait3A_208] : memref<32x79x2x128xi32, #tpu.memory_space<hbm>> -> memref<1x1x2x128xi32, #tpu.memory_space<hbm>>
          %dma_wait3A_210 = tpu.memref_squeeze %dma_wait3A_209 : memref<1x1x2x128xi32, #tpu.memory_space<hbm>> -> memref<2x128xi32, #tpu.memory_space<hbm>>
          tpu.wait_dma2 semaphore(%arg16 : memref<!tpu.dma_semaphore, #tpu.memory_space<semaphore_mem>>) src(%dma_wait3A_210 : memref<2x128xi32, #tpu.memory_space<hbm>>) dst(%dma_wait3A_206 : memref<2x128xi32, #tpu.memory_space<vmem>>)
          %dma_start3A_211 = arith.constant 3 : i32
          %dma_start3A_212 = arith.constant 0 : i32
          %dma_start3A_213 = arith.constant 0 : i32
          %dma_start3A_214 = tpu.memref_slice %arg7[%dma_start3A_211, %dma_start3A_212, %dma_start3A_213] : memref<4x2x128xi32, #tpu.memory_space<vmem>> -> memref<1x1x128xi32, #tpu.memory_space<vmem>>
          %dma_start3A_215 = tpu.memref_squeeze %dma_start3A_214 : memref<1x1x128xi32, #tpu.memory_space<vmem>> -> memref<128xi32, #tpu.memory_space<vmem>>
          %dma_start3A_216 = arith.constant 0 : i32
          %dma_start3A_217 = arith.constant 0 : i32
          %dma_start3A_218 = tpu.memref_slice %arg2[%dma_start3A_216, %dma_start3A_217] : memref<10000x128xf32, #tpu.memory_space<hbm>> -> memref<10000x128xf32, #tpu.memory_space<hbm>>
          tpu.enqueue_indirect_dma source(%dma_start3A_218 : memref<10000x128xf32, #tpu.memory_space<hbm>>) target(%arg9 : memref<128x128xf32, #tpu.memory_space<vmem>>) offsets(%dma_start3A_215 : memref<128xi32, #tpu.memory_space<vmem>>) semaphore(%arg12 : memref<!tpu.dma_semaphore, #tpu.memory_space<semaphore_mem>>)
        } else {
        }
      } else {
      }
      %add3A_156 = arith.constant 2 : i32
      %add3A_157 = arith.addi %mul3A_142, %add3A_156 : i32
      %lt3A_158 = arith.constant 79 : i32
      %lt3A_159 = arith.cmpi slt, %add3A_157, %lt3A_158 : i32
      %convert_element_type3A_160 = arith.extui %lt3A_159 : i1 to i32
      %cond3A_161 = arith.constant 0 : i32
      %cond3A_162 = arith.cmpi ne, %convert_element_type3A_160, %cond3A_161 : i32
      scf.if %cond3A_162 {
        %dma_wait3A_170 = arith.constant 2 : i32
        %dma_wait3A_171 = arith.constant 0 : i32
        %dma_wait3A_172 = arith.constant 0 : i32
        %dma_wait3A_173 = tpu.memref_slice %arg7[%dma_wait3A_170, %dma_wait3A_171, %dma_wait3A_172] : memref<4x2x128xi32, #tpu.memory_space<vmem>> -> memref<1x1x128xi32, #tpu.memory_space<vmem>>
        %dma_wait3A_174 = tpu.memref_squeeze %dma_wait3A_173 : memref<1x1x128xi32, #tpu.memory_space<vmem>> -> memref<128xi32, #tpu.memory_space<vmem>>
        %dma_wait3A_175 = arith.constant 0 : i32
        %dma_wait3A_176 = arith.constant 0 : i32
        %dma_wait3A_177 = tpu.memref_slice %arg2[%dma_wait3A_175, %dma_wait3A_176] : memref<10000x128xf32, #tpu.memory_space<hbm>> -> memref<10000x128xf32, #tpu.memory_space<hbm>>
        tpu.wait_indirect_dma semaphore(%arg11 : memref<!tpu.dma_semaphore, #tpu.memory_space<semaphore_mem>>) src(%dma_wait3A_177 : memref<10000x128xf32, #tpu.memory_space<hbm>>) dst(%arg8 : memref<128x128xf32, #tpu.memory_space<vmem>>)
        %run_scoped3A = arith.constant 2 : i32
        %run_scoped3A_178 = arith.constant 1 : i32
        "tpu.region"() ({
          %run_scoped3A_193 = tpu.sem_alloc : memref<!tpu.dma_semaphore, #tpu.memory_space<semaphore_mem>>
          %dma_start3A_194 = arith.constant 0 : i32
          %dma_start3A_195 = tpu.memref_slice %arg7[%run_scoped3A, %run_scoped3A_178, %dma_start3A_194] : memref<4x2x128xi32, #tpu.memory_space<vmem>> -> memref<1x1x128xi32, #tpu.memory_space<vmem>>
          %dma_start3A_196 = tpu.memref_squeeze %dma_start3A_195 : memref<1x1x128xi32, #tpu.memory_space<vmem>> -> memref<128xi32, #tpu.memory_space<vmem>>
          %dma_start3A_197 = arith.constant 0 : i32
          %dma_start3A_198 = arith.constant 0 : i32
          %dma_start3A_199 = tpu.memref_slice %arg10[%dma_start3A_197, %dma_start3A_198] : memref<10112x128xf32, #tpu.memory_space<vmem_shared>> -> memref<10112x128xf32, #tpu.memory_space<vmem_shared>>
          tpu.enqueue_indirect_dma source(%arg8 : memref<128x128xf32, #tpu.memory_space<vmem>>) target(%dma_start3A_199 : memref<10112x128xf32, #tpu.memory_space<vmem_shared>>) offsets(%dma_start3A_196 : memref<128xi32, #tpu.memory_space<vmem>>) semaphore(%run_scoped3A_193 : memref<!tpu.dma_semaphore, #tpu.memory_space<semaphore_mem>>) {add = true}
          %dma_wait3A_200 = arith.constant 0 : i32
          %dma_wait3A_201 = tpu.memref_slice %arg7[%run_scoped3A, %run_scoped3A_178, %dma_wait3A_200] : memref<4x2x128xi32, #tpu.memory_space<vmem>> -> memref<1x1x128xi32, #tpu.memory_space<vmem>>
          %dma_wait3A_202 = tpu.memref_squeeze %dma_wait3A_201 : memref<1x1x128xi32, #tpu.memory_space<vmem>> -> memref<128xi32, #tpu.memory_space<vmem>>
          %dma_wait3A_203 = arith.constant 0 : i32
          %dma_wait3A_204 = arith.constant 0 : i32
          %dma_wait3A_205 = tpu.memref_slice %arg10[%dma_wait3A_203, %dma_wait3A_204] : memref<10112x128xf32, #tpu.memory_space<vmem_shared>> -> memref<10112x128xf32, #tpu.memory_space<vmem_shared>>
          tpu.wait_indirect_dma semaphore(%run_scoped3A_193 : memref<!tpu.dma_semaphore, #tpu.memory_space<semaphore_mem>>) src(%arg8 : memref<128x128xf32, #tpu.memory_space<vmem>>) dst(%dma_wait3A_205 : memref<10112x128xf32, #tpu.memory_space<vmem_shared>>)
          tpu.yield
        }) : () -> ()
        %add3A_179 = arith.constant 4 : i32
        %add3A_180 = arith.addi %add3A_157, %add3A_179 : i32
        %lt3A_181 = arith.constant 79 : i32
        %lt3A_182 = arith.cmpi slt, %add3A_180, %lt3A_181 : i32
        %convert_element_type3A_183 = arith.extui %lt3A_182 : i1 to i32
        %cond3A_184 = arith.constant 0 : i32
        %cond3A_185 = arith.cmpi ne, %convert_element_type3A_183, %cond3A_184 : i32
        scf.if %cond3A_185 {
          %add3A_193 = arith.constant 4 : i32
          %add3A_194 = arith.addi %add3A_157, %add3A_193 : i32
          %dma_start3A_195 = arith.constant 2 : i32
          %dma_start3A_196 = arith.constant 0 : i32
          %dma_start3A_197 = arith.constant 0 : i32
          %dma_start3A_198 = tpu.memref_slice %arg7[%dma_start3A_195, %dma_start3A_196, %dma_start3A_197] : memref<4x2x128xi32, #tpu.memory_space<vmem>> -> memref<1x2x128xi32, #tpu.memory_space<vmem>>
          %dma_start3A_199 = tpu.memref_squeeze %dma_start3A_198 : memref<1x2x128xi32, #tpu.memory_space<vmem>> -> memref<2x128xi32, #tpu.memory_space<vmem>>
          %dma_start3A_200 = arith.constant 0 : i32
          %dma_start3A_201 = arith.constant 0 : i32
          %dma_start3A_202 = tpu.memref_slice %arg3[%add3A, %add3A_194, %dma_start3A_200, %dma_start3A_201] : memref<32x79x2x128xi32, #tpu.memory_space<hbm>> -> memref<1x1x2x128xi32, #tpu.memory_space<hbm>>
          %dma_start3A_203 = tpu.memref_squeeze %dma_start3A_202 : memref<1x1x2x128xi32, #tpu.memory_space<hbm>> -> memref<2x128xi32, #tpu.memory_space<hbm>>
          %dma_start3A_204 = arith.constant 0 : i32
          %dma_start3A_205 = arith.constant 0 : i32
          %dma_start3A_206 = tpu.memref_slice %arg7[%dma_start3A_195, %dma_start3A_204, %dma_start3A_205] : memref<4x2x128xi32, #tpu.memory_space<vmem>> -> memref<1x2x128xi32, #tpu.memory_space<vmem>>
          %dma_start3A_207 = tpu.memref_squeeze %dma_start3A_206 : memref<1x2x128xi32, #tpu.memory_space<vmem>> -> memref<2x128xi32, #tpu.memory_space<vmem>>
          %dma_start3A_208 = arith.constant 0 : i32
          %dma_start3A_209 = arith.constant 0 : i32
          %dma_start3A_210 = tpu.memref_slice %arg3[%add3A, %add3A_194, %dma_start3A_208, %dma_start3A_209] : memref<32x79x2x128xi32, #tpu.memory_space<hbm>> -> memref<1x1x2x128xi32, #tpu.memory_space<hbm>>
          %dma_start3A_211 = tpu.memref_squeeze %dma_start3A_210 : memref<1x1x2x128xi32, #tpu.memory_space<hbm>> -> memref<2x128xi32, #tpu.memory_space<hbm>>
          tpu.enqueue_dma source(%dma_start3A_211 : memref<2x128xi32, #tpu.memory_space<hbm>>) target(%dma_start3A_207 : memref<2x128xi32, #tpu.memory_space<vmem>>) target_semaphore(%arg15 : memref<!tpu.dma_semaphore, #tpu.memory_space<semaphore_mem>>)
        } else {
        }
        %add3A_186 = arith.constant 2 : i32
        %add3A_187 = arith.addi %add3A_157, %add3A_186 : i32
        %lt3A_188 = arith.constant 79 : i32
        %lt3A_189 = arith.cmpi slt, %add3A_187, %lt3A_188 : i32
        %convert_element_type3A_190 = arith.extui %lt3A_189 : i1 to i32
        %cond3A_191 = arith.constant 0 : i32
        %cond3A_192 = arith.cmpi ne, %convert_element_type3A_190, %cond3A_191 : i32
        scf.if %cond3A_192 {
          %dma_wait3A_193 = arith.constant 0 : i32
          %dma_wait3A_194 = arith.constant 0 : i32
          %dma_wait3A_195 = arith.constant 0 : i32
          %dma_wait3A_196 = arith.constant 0 : i32
          %dma_wait3A_197 = tpu.memref_slice %arg7[%dma_wait3A_194, %dma_wait3A_195, %dma_wait3A_196] : memref<4x2x128xi32, #tpu.memory_space<vmem>> -> memref<1x2x128xi32, #tpu.memory_space<vmem>>
          %dma_wait3A_198 = tpu.memref_squeeze %dma_wait3A_197 : memref<1x2x128xi32, #tpu.memory_space<vmem>> -> memref<2x128xi32, #tpu.memory_space<vmem>>
          %dma_wait3A_199 = arith.constant 0 : i32
          %dma_wait3A_200 = arith.constant 0 : i32
          %dma_wait3A_201 = tpu.memref_slice %arg3[%add3A, %dma_wait3A_193, %dma_wait3A_199, %dma_wait3A_200] : memref<32x79x2x128xi32, #tpu.memory_space<hbm>> -> memref<1x1x2x128xi32, #tpu.memory_space<hbm>>
          %dma_wait3A_202 = tpu.memref_squeeze %dma_wait3A_201 : memref<1x1x2x128xi32, #tpu.memory_space<hbm>> -> memref<2x128xi32, #tpu.memory_space<hbm>>
          %dma_wait3A_203 = arith.constant 0 : i32
          %dma_wait3A_204 = arith.constant 0 : i32
          %dma_wait3A_205 = tpu.memref_slice %arg7[%dma_wait3A_194, %dma_wait3A_203, %dma_wait3A_204] : memref<4x2x128xi32, #tpu.memory_space<vmem>> -> memref<1x2x128xi32, #tpu.memory_space<vmem>>
          %dma_wait3A_206 = tpu.memref_squeeze %dma_wait3A_205 : memref<1x2x128xi32, #tpu.memory_space<vmem>> -> memref<2x128xi32, #tpu.memory_space<vmem>>
          %dma_wait3A_207 = arith.constant 0 : i32
          %dma_wait3A_208 = arith.constant 0 : i32
          %dma_wait3A_209 = tpu.memref_slice %arg3[%add3A, %dma_wait3A_193, %dma_wait3A_207, %dma_wait3A_208] : memref<32x79x2x128xi32, #tpu.memory_space<hbm>> -> memref<1x1x2x128xi32, #tpu.memory_space<hbm>>
          %dma_wait3A_210 = tpu.memref_squeeze %dma_wait3A_209 : memref<1x1x2x128xi32, #tpu.memory_space<hbm>> -> memref<2x128xi32, #tpu.memory_space<hbm>>
          tpu.wait_dma2 semaphore(%arg13 : memref<!tpu.dma_semaphore, #tpu.memory_space<semaphore_mem>>) src(%dma_wait3A_210 : memref<2x128xi32, #tpu.memory_space<hbm>>) dst(%dma_wait3A_206 : memref<2x128xi32, #tpu.memory_space<vmem>>)
          %dma_start3A_211 = arith.constant 0 : i32
          %dma_start3A_212 = arith.constant 0 : i32
          %dma_start3A_213 = arith.constant 0 : i32
          %dma_start3A_214 = tpu.memref_slice %arg7[%dma_start3A_211, %dma_start3A_212, %dma_start3A_213] : memref<4x2x128xi32, #tpu.memory_space<vmem>> -> memref<1x1x128xi32, #tpu.memory_space<vmem>>
          %dma_start3A_215 = tpu.memref_squeeze %dma_start3A_214 : memref<1x1x128xi32, #tpu.memory_space<vmem>> -> memref<128xi32, #tpu.memory_space<vmem>>
          %dma_start3A_216 = arith.constant 0 : i32
          %dma_start3A_217 = arith.constant 0 : i32
          %dma_start3A_218 = tpu.memref_slice %arg2[%dma_start3A_216, %dma_start3A_217] : memref<10000x128xf32, #tpu.memory_space<hbm>> -> memref<10000x128xf32, #tpu.memory_space<hbm>>
          tpu.enqueue_indirect_dma source(%dma_start3A_218 : memref<10000x128xf32, #tpu.memory_space<hbm>>) target(%arg8 : memref<128x128xf32, #tpu.memory_space<vmem>>) offsets(%dma_start3A_215 : memref<128xi32, #tpu.memory_space<vmem>>) semaphore(%arg11 : memref<!tpu.dma_semaphore, #tpu.memory_space<semaphore_mem>>)
        } else {
        }
      } else {
      }
      %add3A_163 = arith.constant 3 : i32
      %add3A_164 = arith.addi %mul3A_142, %add3A_163 : i32
      %lt3A_165 = arith.constant 79 : i32
      %lt3A_166 = arith.cmpi slt, %add3A_164, %lt3A_165 : i32
      %convert_element_type3A_167 = arith.extui %lt3A_166 : i1 to i32
      %cond3A_168 = arith.constant 0 : i32
      %cond3A_169 = arith.cmpi ne, %convert_element_type3A_167, %cond3A_168 : i32
      scf.if %cond3A_169 {
        %dma_wait3A_170 = arith.constant 3 : i32
        %dma_wait3A_171 = arith.constant 0 : i32
        %dma_wait3A_172 = arith.constant 0 : i32
        %dma_wait3A_173 = tpu.memref_slice %arg7[%dma_wait3A_170, %dma_wait3A_171, %dma_wait3A_172] : memref<4x2x128xi32, #tpu.memory_space<vmem>> -> memref<1x1x128xi32, #tpu.memory_space<vmem>>
        %dma_wait3A_174 = tpu.memref_squeeze %dma_wait3A_173 : memref<1x1x128xi32, #tpu.memory_space<vmem>> -> memref<128xi32, #tpu.memory_space<vmem>>
        %dma_wait3A_175 = arith.constant 0 : i32
        %dma_wait3A_176 = arith.constant 0 : i32
        %dma_wait3A_177 = tpu.memref_slice %arg2[%dma_wait3A_175, %dma_wait3A_176] : memref<10000x128xf32, #tpu.memory_space<hbm>> -> memref<10000x128xf32, #tpu.memory_space<hbm>>
        tpu.wait_indirect_dma semaphore(%arg12 : memref<!tpu.dma_semaphore, #tpu.memory_space<semaphore_mem>>) src(%dma_wait3A_177 : memref<10000x128xf32, #tpu.memory_space<hbm>>) dst(%arg9 : memref<128x128xf32, #tpu.memory_space<vmem>>)
        %run_scoped3A = arith.constant 3 : i32
        %run_scoped3A_178 = arith.constant 1 : i32
        "tpu.region"() ({
          %run_scoped3A_193 = tpu.sem_alloc : memref<!tpu.dma_semaphore, #tpu.memory_space<semaphore_mem>>
          %dma_start3A_194 = arith.constant 0 : i32
          %dma_start3A_195 = tpu.memref_slice %arg7[%run_scoped3A, %run_scoped3A_178, %dma_start3A_194] : memref<4x2x128xi32, #tpu.memory_space<vmem>> -> memref<1x1x128xi32, #tpu.memory_space<vmem>>
          %dma_start3A_196 = tpu.memref_squeeze %dma_start3A_195 : memref<1x1x128xi32, #tpu.memory_space<vmem>> -> memref<128xi32, #tpu.memory_space<vmem>>
          %dma_start3A_197 = arith.constant 0 : i32
          %dma_start3A_198 = arith.constant 0 : i32
          %dma_start3A_199 = tpu.memref_slice %arg10[%dma_start3A_197, %dma_start3A_198] : memref<10112x128xf32, #tpu.memory_space<vmem_shared>> -> memref<10112x128xf32, #tpu.memory_space<vmem_shared>>
          tpu.enqueue_indirect_dma source(%arg9 : memref<128x128xf32, #tpu.memory_space<vmem>>) target(%dma_start3A_199 : memref<10112x128xf32, #tpu.memory_space<vmem_shared>>) offsets(%dma_start3A_196 : memref<128xi32, #tpu.memory_space<vmem>>) semaphore(%run_scoped3A_193 : memref<!tpu.dma_semaphore, #tpu.memory_space<semaphore_mem>>) {add = true}
          %dma_wait3A_200 = arith.constant 0 : i32
          %dma_wait3A_201 = tpu.memref_slice %arg7[%run_scoped3A, %run_scoped3A_178, %dma_wait3A_200] : memref<4x2x128xi32, #tpu.memory_space<vmem>> -> memref<1x1x128xi32, #tpu.memory_space<vmem>>
          %dma_wait3A_202 = tpu.memref_squeeze %dma_wait3A_201 : memref<1x1x128xi32, #tpu.memory_space<vmem>> -> memref<128xi32, #tpu.memory_space<vmem>>
          %dma_wait3A_203 = arith.constant 0 : i32
          %dma_wait3A_204 = arith.constant 0 : i32
          %dma_wait3A_205 = tpu.memref_slice %arg10[%dma_wait3A_203, %dma_wait3A_204] : memref<10112x128xf32, #tpu.memory_space<vmem_shared>> -> memref<10112x128xf32, #tpu.memory_space<vmem_shared>>
          tpu.wait_indirect_dma semaphore(%run_scoped3A_193 : memref<!tpu.dma_semaphore, #tpu.memory_space<semaphore_mem>>) src(%arg9 : memref<128x128xf32, #tpu.memory_space<vmem>>) dst(%dma_wait3A_205 : memref<10112x128xf32, #tpu.memory_space<vmem_shared>>)
          tpu.yield
        }) : () -> ()
        %add3A_179 = arith.constant 4 : i32
        %add3A_180 = arith.addi %add3A_164, %add3A_179 : i32
        %lt3A_181 = arith.constant 79 : i32
        %lt3A_182 = arith.cmpi slt, %add3A_180, %lt3A_181 : i32
        %convert_element_type3A_183 = arith.extui %lt3A_182 : i1 to i32
        %cond3A_184 = arith.constant 0 : i32
        %cond3A_185 = arith.cmpi ne, %convert_element_type3A_183, %cond3A_184 : i32
        scf.if %cond3A_185 {
          %add3A_193 = arith.constant 4 : i32
          %add3A_194 = arith.addi %add3A_164, %add3A_193 : i32
          %dma_start3A_195 = arith.constant 3 : i32
          %dma_start3A_196 = arith.constant 0 : i32
          %dma_start3A_197 = arith.constant 0 : i32
          %dma_start3A_198 = tpu.memref_slice %arg7[%dma_start3A_195, %dma_start3A_196, %dma_start3A_197] : memref<4x2x128xi32, #tpu.memory_space<vmem>> -> memref<1x2x128xi32, #tpu.memory_space<vmem>>
          %dma_start3A_199 = tpu.memref_squeeze %dma_start3A_198 : memref<1x2x128xi32, #tpu.memory_space<vmem>> -> memref<2x128xi32, #tpu.memory_space<vmem>>
          %dma_start3A_200 = arith.constant 0 : i32
          %dma_start3A_201 = arith.constant 0 : i32
          %dma_start3A_202 = tpu.memref_slice %arg3[%add3A, %add3A_194, %dma_start3A_200, %dma_start3A_201] : memref<32x79x2x128xi32, #tpu.memory_space<hbm>> -> memref<1x1x2x128xi32, #tpu.memory_space<hbm>>
          %dma_start3A_203 = tpu.memref_squeeze %dma_start3A_202 : memref<1x1x2x128xi32, #tpu.memory_space<hbm>> -> memref<2x128xi32, #tpu.memory_space<hbm>>
          %dma_start3A_204 = arith.constant 0 : i32
          %dma_start3A_205 = arith.constant 0 : i32
          %dma_start3A_206 = tpu.memref_slice %arg7[%dma_start3A_195, %dma_start3A_204, %dma_start3A_205] : memref<4x2x128xi32, #tpu.memory_space<vmem>> -> memref<1x2x128xi32, #tpu.memory_space<vmem>>
          %dma_start3A_207 = tpu.memref_squeeze %dma_start3A_206 : memref<1x2x128xi32, #tpu.memory_space<vmem>> -> memref<2x128xi32, #tpu.memory_space<vmem>>
          %dma_start3A_208 = arith.constant 0 : i32
          %dma_start3A_209 = arith.constant 0 : i32
          %dma_start3A_210 = tpu.memref_slice %arg3[%add3A, %add3A_194, %dma_start3A_208, %dma_start3A_209] : memref<32x79x2x128xi32, #tpu.memory_space<hbm>> -> memref<1x1x2x128xi32, #tpu.memory_space<hbm>>
          %dma_start3A_211 = tpu.memref_squeeze %dma_start3A_210 : memref<1x1x2x128xi32, #tpu.memory_space<hbm>> -> memref<2x128xi32, #tpu.memory_space<hbm>>
          tpu.enqueue_dma source(%dma_start3A_211 : memref<2x128xi32, #tpu.memory_space<hbm>>) target(%dma_start3A_207 : memref<2x128xi32, #tpu.memory_space<vmem>>) target_semaphore(%arg16 : memref<!tpu.dma_semaphore, #tpu.memory_space<semaphore_mem>>)
        } else {
        }
        %add3A_186 = arith.constant 2 : i32
        %add3A_187 = arith.addi %add3A_164, %add3A_186 : i32
        %lt3A_188 = arith.constant 79 : i32
        %lt3A_189 = arith.cmpi slt, %add3A_187, %lt3A_188 : i32
        %convert_element_type3A_190 = arith.extui %lt3A_189 : i1 to i32
        %cond3A_191 = arith.constant 0 : i32
        %cond3A_192 = arith.cmpi ne, %convert_element_type3A_190, %cond3A_191 : i32
        scf.if %cond3A_192 {
          %dma_wait3A_193 = arith.constant 0 : i32
          %dma_wait3A_194 = arith.constant 1 : i32
          %dma_wait3A_195 = arith.constant 0 : i32
          %dma_wait3A_196 = arith.constant 0 : i32
          %dma_wait3A_197 = tpu.memref_slice %arg7[%dma_wait3A_194, %dma_wait3A_195, %dma_wait3A_196] : memref<4x2x128xi32, #tpu.memory_space<vmem>> -> memref<1x2x128xi32, #tpu.memory_space<vmem>>
          %dma_wait3A_198 = tpu.memref_squeeze %dma_wait3A_197 : memref<1x2x128xi32, #tpu.memory_space<vmem>> -> memref<2x128xi32, #tpu.memory_space<vmem>>
          %dma_wait3A_199 = arith.constant 0 : i32
          %dma_wait3A_200 = arith.constant 0 : i32
          %dma_wait3A_201 = tpu.memref_slice %arg3[%add3A, %dma_wait3A_193, %dma_wait3A_199, %dma_wait3A_200] : memref<32x79x2x128xi32, #tpu.memory_space<hbm>> -> memref<1x1x2x128xi32, #tpu.memory_space<hbm>>
          %dma_wait3A_202 = tpu.memref_squeeze %dma_wait3A_201 : memref<1x1x2x128xi32, #tpu.memory_space<hbm>> -> memref<2x128xi32, #tpu.memory_space<hbm>>
          %dma_wait3A_203 = arith.constant 0 : i32
          %dma_wait3A_204 = arith.constant 0 : i32
          %dma_wait3A_205 = tpu.memref_slice %arg7[%dma_wait3A_194, %dma_wait3A_203, %dma_wait3A_204] : memref<4x2x128xi32, #tpu.memory_space<vmem>> -> memref<1x2x128xi32, #tpu.memory_space<vmem>>
          %dma_wait3A_206 = tpu.memref_squeeze %dma_wait3A_205 : memref<1x2x128xi32, #tpu.memory_space<vmem>> -> memref<2x128xi32, #tpu.memory_space<vmem>>
          %dma_wait3A_207 = arith.constant 0 : i32
          %dma_wait3A_208 = arith.constant 0 : i32
          %dma_wait3A_209 = tpu.memref_slice %arg3[%add3A, %dma_wait3A_193, %dma_wait3A_207, %dma_wait3A_208] : memref<32x79x2x128xi32, #tpu.memory_space<hbm>> -> memref<1x1x2x128xi32, #tpu.memory_space<hbm>>
          %dma_wait3A_210 = tpu.memref_squeeze %dma_wait3A_209 : memref<1x1x2x128xi32, #tpu.memory_space<hbm>> -> memref<2x128xi32, #tpu.memory_space<hbm>>
          tpu.wait_dma2 semaphore(%arg14 : memref<!tpu.dma_semaphore, #tpu.memory_space<semaphore_mem>>) src(%dma_wait3A_210 : memref<2x128xi32, #tpu.memory_space<hbm>>) dst(%dma_wait3A_206 : memref<2x128xi32, #tpu.memory_space<vmem>>)
          %dma_start3A_211 = arith.constant 1 : i32
          %dma_start3A_212 = arith.constant 0 : i32
          %dma_start3A_213 = arith.constant 0 : i32
          %dma_start3A_214 = tpu.memref_slice %arg7[%dma_start3A_211, %dma_start3A_212, %dma_start3A_213] : memref<4x2x128xi32, #tpu.memory_space<vmem>> -> memref<1x1x128xi32, #tpu.memory_space<vmem>>
          %dma_start3A_215 = tpu.memref_squeeze %dma_start3A_214 : memref<1x1x128xi32, #tpu.memory_space<vmem>> -> memref<128xi32, #tpu.memory_space<vmem>>
          %dma_start3A_216 = arith.constant 0 : i32
          %dma_start3A_217 = arith.constant 0 : i32
          %dma_start3A_218 = tpu.memref_slice %arg2[%dma_start3A_216, %dma_start3A_217] : memref<10000x128xf32, #tpu.memory_space<hbm>> -> memref<10000x128xf32, #tpu.memory_space<hbm>>
          tpu.enqueue_indirect_dma source(%dma_start3A_218 : memref<10000x128xf32, #tpu.memory_space<hbm>>) target(%arg9 : memref<128x128xf32, #tpu.memory_space<vmem>>) offsets(%dma_start3A_215 : memref<128xi32, #tpu.memory_space<vmem>>) semaphore(%arg12 : memref<!tpu.dma_semaphore, #tpu.memory_space<semaphore_mem>>)
        } else {
        }
      } else {
      }
    }
    %scan3A_129 = arith.constant 20 : i32
    %barrier3A_130 = arith.constant 0 : index
    tpu.barrier barrier_id(%barrier3A_130)
    %mul3A_131 = arith.constant 632 : i32
    %mul3A_132 = arith.muli %arg1, %mul3A_131 : i32
    %eq3A = arith.constant 0 : i32
    %eq3A_133 = arith.cmpi eq, %arg0, %eq3A : i32
    %convert_element_type3A = arith.extui %eq3A_133 : i1 to i32
    %cond3A = arith.constant 0 : i32
    %cond3A_134 = arith.cmpi ne, %convert_element_type3A, %cond3A : i32
    scf.if %cond3A_134 {
      "tpu.region"() ({
        %run_scoped3A = tpu.sem_alloc : memref<!tpu.dma_semaphore, #tpu.memory_space<semaphore_mem>>
        %dma_start3A_140 = arith.constant 0 : i32
        %dma_start3A_141 = tpu.memref_slice %arg5[%mul3A_132, %dma_start3A_140] : memref<10112x128xf32, #tpu.memory_space<hbm>> -> memref<632x128xf32, #tpu.memory_space<hbm>>
        %dma_start3A_142 = arith.constant 0 : i32
        %dma_start3A_143 = tpu.memref_slice %arg10[%mul3A_132, %dma_start3A_142] : memref<10112x128xf32, #tpu.memory_space<vmem_shared>> -> memref<632x128xf32, #tpu.memory_space<vmem_shared>>
        tpu.enqueue_dma source(%dma_start3A_143 : memref<632x128xf32, #tpu.memory_space<vmem_shared>>) target(%dma_start3A_141 : memref<632x128xf32, #tpu.memory_space<hbm>>) target_semaphore(%run_scoped3A : memref<!tpu.dma_semaphore, #tpu.memory_space<semaphore_mem>>)
        %dma_wait3A_144 = arith.constant 0 : i32
        %dma_wait3A_145 = tpu.memref_slice %arg5[%mul3A_132, %dma_wait3A_144] : memref<10112x128xf32, #tpu.memory_space<hbm>> -> memref<632x128xf32, #tpu.memory_space<hbm>>
        %dma_wait3A_146 = arith.constant 0 : i32
        %dma_wait3A_147 = tpu.memref_slice %arg10[%mul3A_132, %dma_wait3A_146] : memref<10112x128xf32, #tpu.memory_space<vmem_shared>> -> memref<632x128xf32, #tpu.memory_space<vmem_shared>>
        tpu.wait_dma2 semaphore(%run_scoped3A : memref<!tpu.dma_semaphore, #tpu.memory_space<semaphore_mem>>) src(%dma_wait3A_147 : memref<632x128xf32, #tpu.memory_space<vmem_shared>>) dst(%dma_wait3A_145 : memref<632x128xf32, #tpu.memory_space<hbm>>)
        tpu.yield
      }) : () -> ()
    } else {
    }
    %eq3A_135 = arith.constant 1 : i32
    %eq3A_136 = arith.cmpi eq, %arg0, %eq3A_135 : i32
    %convert_element_type3A_137 = arith.extui %eq3A_136 : i1 to i32
    %cond3A_138 = arith.constant 0 : i32
    %cond3A_139 = arith.cmpi ne, %convert_element_type3A_137, %cond3A_138 : i32
    scf.if %cond3A_139 {
      "tpu.region"() ({
        %run_scoped3A = tpu.sem_alloc : memref<!tpu.dma_semaphore, #tpu.memory_space<semaphore_mem>>
        %dma_start3A_140 = arith.constant 0 : i32
        %dma_start3A_141 = tpu.memref_slice %arg6[%mul3A_132, %dma_start3A_140] : memref<10112x128xf32, #tpu.memory_space<hbm>> -> memref<632x128xf32, #tpu.memory_space<hbm>>
        %dma_start3A_142 = arith.constant 0 : i32
        %dma_start3A_143 = tpu.memref_slice %arg10[%mul3A_132, %dma_start3A_142] : memref<10112x128xf32, #tpu.memory_space<vmem_shared>> -> memref<632x128xf32, #tpu.memory_space<vmem_shared>>
        tpu.enqueue_dma source(%dma_start3A_143 : memref<632x128xf32, #tpu.memory_space<vmem_shared>>) target(%dma_start3A_141 : memref<632x128xf32, #tpu.memory_space<hbm>>) target_semaphore(%run_scoped3A : memref<!tpu.dma_semaphore, #tpu.memory_space<semaphore_mem>>)
        %dma_wait3A_144 = arith.constant 0 : i32
        %dma_wait3A_145 = tpu.memref_slice %arg6[%mul3A_132, %dma_wait3A_144] : memref<10112x128xf32, #tpu.memory_space<hbm>> -> memref<632x128xf32, #tpu.memory_space<hbm>>
        %dma_wait3A_146 = arith.constant 0 : i32
        %dma_wait3A_147 = tpu.memref_slice %arg10[%mul3A_132, %dma_wait3A_146] : memref<10112x128xf32, #tpu.memory_space<vmem_shared>> -> memref<632x128xf32, #tpu.memory_space<vmem_shared>>
        tpu.wait_dma2 semaphore(%run_scoped3A : memref<!tpu.dma_semaphore, #tpu.memory_space<semaphore_mem>>) src(%dma_wait3A_147 : memref<632x128xf32, #tpu.memory_space<vmem_shared>>) dst(%dma_wait3A_145 : memref<632x128xf32, #tpu.memory_space<hbm>>)
        tpu.yield
      }) : () -> ()
    } else {
    }
    return
  }
}

#map = affine_map<(d0, d1) -> (0, 0, 0, 0)>
#map1 = affine_map<(d0, d1) -> (0)>
module attributes {stable_mosaic.version = 14 : i64} {
  func.func @_deg_sc(%arg0: i32, %arg1: i32, %arg2: memref<32x79x2x128xi32, #tpu.memory_space<hbm>>, %arg3: memref<10240xf32, #tpu.memory_space<hbm>>, %arg4: memref<10240xf32, #tpu.memory_space<hbm>>, %arg5: memref<79x2x128xi32, #tpu.memory_space<vmem>>, %arg6: memref<128xf32, #tpu.memory_space<vmem>>, %arg7: memref<640xf32, #tpu.memory_space<vmem>>, %arg8: memref<10240xf32, #tpu.memory_space<vmem_shared>>) attributes {dimension_semantics = [#tpu.dimension_semantics<core_parallel>, #tpu.dimension_semantics<subcore_parallel>], iteration_bounds = array<i64: 2, 16>, scalar_prefetch = 0 : i64, scratch_operands = 4 : i64, tpu.core_type = #tpu.core_type<sc_vector_subcore>, window_params = [{transform_indices = #map}, {transform_indices = #map1}, {transform_indices = #map1}]} {
    %mul3A = arith.constant 2 : i32
    %mul3A_0 = arith.muli %arg1, %mul3A : i32
    %add3A = arith.addi %mul3A_0, %arg0 : i32
    "tpu.region"() ({
      %run_scoped3A = tpu.sem_alloc : memref<!tpu.dma_semaphore, #tpu.memory_space<semaphore_mem>>
      %dma_start3A = arith.constant 0 : i32
      %dma_start3A_304 = arith.constant 0 : i32
      %dma_start3A_305 = arith.constant 0 : i32
      %dma_start3A_306 = tpu.memref_slice %arg2[%add3A, %dma_start3A, %dma_start3A_304, %dma_start3A_305] : memref<32x79x2x128xi32, #tpu.memory_space<hbm>> -> memref<1x79x2x128xi32, #tpu.memory_space<hbm>>
      %dma_start3A_307 = tpu.memref_squeeze %dma_start3A_306 : memref<1x79x2x128xi32, #tpu.memory_space<hbm>> -> memref<79x2x128xi32, #tpu.memory_space<hbm>>
      %dma_start3A_308 = arith.constant 0 : i32
      %dma_start3A_309 = arith.constant 0 : i32
      %dma_start3A_310 = arith.constant 0 : i32
      %dma_start3A_311 = tpu.memref_slice %arg2[%add3A, %dma_start3A_308, %dma_start3A_309, %dma_start3A_310] : memref<32x79x2x128xi32, #tpu.memory_space<hbm>> -> memref<1x79x2x128xi32, #tpu.memory_space<hbm>>
      %dma_start3A_312 = tpu.memref_squeeze %dma_start3A_311 : memref<1x79x2x128xi32, #tpu.memory_space<hbm>> -> memref<79x2x128xi32, #tpu.memory_space<hbm>>
      tpu.enqueue_dma source(%dma_start3A_312 : memref<79x2x128xi32, #tpu.memory_space<hbm>>) target(%arg5 : memref<79x2x128xi32, #tpu.memory_space<vmem>>) target_semaphore(%run_scoped3A : memref<!tpu.dma_semaphore, #tpu.memory_space<semaphore_mem>>)
      %dma_wait3A = arith.constant 0 : i32
      %dma_wait3A_313 = arith.constant 0 : i32
      %dma_wait3A_314 = arith.constant 0 : i32
      %dma_wait3A_315 = tpu.memref_slice %arg2[%add3A, %dma_wait3A, %dma_wait3A_313, %dma_wait3A_314] : memref<32x79x2x128xi32, #tpu.memory_space<hbm>> -> memref<1x79x2x128xi32, #tpu.memory_space<hbm>>
      %dma_wait3A_316 = tpu.memref_squeeze %dma_wait3A_315 : memref<1x79x2x128xi32, #tpu.memory_space<hbm>> -> memref<79x2x128xi32, #tpu.memory_space<hbm>>
      %dma_wait3A_317 = arith.constant 0 : i32
      %dma_wait3A_318 = arith.constant 0 : i32
      %dma_wait3A_319 = arith.constant 0 : i32
      %dma_wait3A_320 = tpu.memref_slice %arg2[%add3A, %dma_wait3A_317, %dma_wait3A_318, %dma_wait3A_319] : memref<32x79x2x128xi32, #tpu.memory_space<hbm>> -> memref<1x79x2x128xi32, #tpu.memory_space<hbm>>
      %dma_wait3A_321 = tpu.memref_squeeze %dma_wait3A_320 : memref<1x79x2x128xi32, #tpu.memory_space<hbm>> -> memref<79x2x128xi32, #tpu.memory_space<hbm>>
      tpu.wait_dma2 semaphore(%run_scoped3A : memref<!tpu.dma_semaphore, #tpu.memory_space<semaphore_mem>>) src(%dma_wait3A_321 : memref<79x2x128xi32, #tpu.memory_space<hbm>>) dst(%arg5 : memref<79x2x128xi32, #tpu.memory_space<vmem>>)
      tpu.yield
    }) : () -> ()
    %broadcast_in_dim3A = arith.constant 1.000000e+00 : f32
    %broadcast_in_dim3A_1 = vector.broadcast %broadcast_in_dim3A : f32 to vector<16xf32>
    %swap3A = arith.constant 0 : index
    %swap3A_2 = tpu.vector_load %arg6[%swap3A] {strides = array<i32>} : memref<128xf32, #tpu.memory_space<vmem>>, vector<16xf32>,
    %swap3A_3 = vector.shape_cast %swap3A_2 : vector<16xf32> to vector<16xf32>
    %swap3A_4 = vector.shape_cast %broadcast_in_dim3A_1 : vector<16xf32> to vector<16xf32>
    tpu.vector_store %arg6[%swap3A], %swap3A_4 {strides = array<i32>} : memref<128xf32, #tpu.memory_space<vmem>>, vector<16xf32>,
    %broadcast_in_dim3A_5 = arith.constant 1.000000e+00 : f32
    %broadcast_in_dim3A_6 = vector.broadcast %broadcast_in_dim3A_5 : f32 to vector<16xf32>
    %swap3A_7 = arith.constant 16 : index
    %swap3A_8 = tpu.vector_load %arg6[%swap3A_7] {strides = array<i32>} : memref<128xf32, #tpu.memory_space<vmem>>, vector<16xf32>,
    %swap3A_9 = vector.shape_cast %swap3A_8 : vector<16xf32> to vector<16xf32>
    %swap3A_10 = vector.shape_cast %broadcast_in_dim3A_6 : vector<16xf32> to vector<16xf32>
    tpu.vector_store %arg6[%swap3A_7], %swap3A_10 {strides = array<i32>} : memref<128xf32, #tpu.memory_space<vmem>>, vector<16xf32>,
    %broadcast_in_dim3A_11 = arith.constant 1.000000e+00 : f32
    %broadcast_in_dim3A_12 = vector.broadcast %broadcast_in_dim3A_11 : f32 to vector<16xf32>
    %swap3A_13 = arith.constant 32 : index
    %swap3A_14 = tpu.vector_load %arg6[%swap3A_13] {strides = array<i32>} : memref<128xf32, #tpu.memory_space<vmem>>, vector<16xf32>,
    %swap3A_15 = vector.shape_cast %swap3A_14 : vector<16xf32> to vector<16xf32>
    %swap3A_16 = vector.shape_cast %broadcast_in_dim3A_12 : vector<16xf32> to vector<16xf32>
    tpu.vector_store %arg6[%swap3A_13], %swap3A_16 {strides = array<i32>} : memref<128xf32, #tpu.memory_space<vmem>>, vector<16xf32>,
    %broadcast_in_dim3A_17 = arith.constant 1.000000e+00 : f32
    %broadcast_in_dim3A_18 = vector.broadcast %broadcast_in_dim3A_17 : f32 to vector<16xf32>
    %swap3A_19 = arith.constant 48 : index
    %swap3A_20 = tpu.vector_load %arg6[%swap3A_19] {strides = array<i32>} : memref<128xf32, #tpu.memory_space<vmem>>, vector<16xf32>,
    %swap3A_21 = vector.shape_cast %swap3A_20 : vector<16xf32> to vector<16xf32>
    %swap3A_22 = vector.shape_cast %broadcast_in_dim3A_18 : vector<16xf32> to vector<16xf32>
    tpu.vector_store %arg6[%swap3A_19], %swap3A_22 {strides = array<i32>} : memref<128xf32, #tpu.memory_space<vmem>>, vector<16xf32>,
    %broadcast_in_dim3A_23 = arith.constant 1.000000e+00 : f32
    %broadcast_in_dim3A_24 = vector.broadcast %broadcast_in_dim3A_23 : f32 to vector<16xf32>
    %swap3A_25 = arith.constant 64 : index
    %swap3A_26 = tpu.vector_load %arg6[%swap3A_25] {strides = array<i32>} : memref<128xf32, #tpu.memory_space<vmem>>, vector<16xf32>,
    %swap3A_27 = vector.shape_cast %swap3A_26 : vector<16xf32> to vector<16xf32>
    %swap3A_28 = vector.shape_cast %broadcast_in_dim3A_24 : vector<16xf32> to vector<16xf32>
    tpu.vector_store %arg6[%swap3A_25], %swap3A_28 {strides = array<i32>} : memref<128xf32, #tpu.memory_space<vmem>>, vector<16xf32>,
    %broadcast_in_dim3A_29 = arith.constant 1.000000e+00 : f32
    %broadcast_in_dim3A_30 = vector.broadcast %broadcast_in_dim3A_29 : f32 to vector<16xf32>
    %swap3A_31 = arith.constant 80 : index
    %swap3A_32 = tpu.vector_load %arg6[%swap3A_31] {strides = array<i32>} : memref<128xf32, #tpu.memory_space<vmem>>, vector<16xf32>,
    %swap3A_33 = vector.shape_cast %swap3A_32 : vector<16xf32> to vector<16xf32>
    %swap3A_34 = vector.shape_cast %broadcast_in_dim3A_30 : vector<16xf32> to vector<16xf32>
    tpu.vector_store %arg6[%swap3A_31], %swap3A_34 {strides = array<i32>} : memref<128xf32, #tpu.memory_space<vmem>>, vector<16xf32>,
    %broadcast_in_dim3A_35 = arith.constant 1.000000e+00 : f32
    %broadcast_in_dim3A_36 = vector.broadcast %broadcast_in_dim3A_35 : f32 to vector<16xf32>
    %swap3A_37 = arith.constant 96 : index
    %swap3A_38 = tpu.vector_load %arg6[%swap3A_37] {strides = array<i32>} : memref<128xf32, #tpu.memory_space<vmem>>, vector<16xf32>,
    %swap3A_39 = vector.shape_cast %swap3A_38 : vector<16xf32> to vector<16xf32>
    %swap3A_40 = vector.shape_cast %broadcast_in_dim3A_36 : vector<16xf32> to vector<16xf32>
    tpu.vector_store %arg6[%swap3A_37], %swap3A_40 {strides = array<i32>} : memref<128xf32, #tpu.memory_space<vmem>>, vector<16xf32>,
    %broadcast_in_dim3A_41 = arith.constant 1.000000e+00 : f32
    %broadcast_in_dim3A_42 = vector.broadcast %broadcast_in_dim3A_41 : f32 to vector<16xf32>
    %swap3A_43 = arith.constant 112 : index
    %swap3A_44 = tpu.vector_load %arg6[%swap3A_43] {strides = array<i32>} : memref<128xf32, #tpu.memory_space<vmem>>, vector<16xf32>,
    %swap3A_45 = vector.shape_cast %swap3A_44 : vector<16xf32> to vector<16xf32>
    %swap3A_46 = vector.shape_cast %broadcast_in_dim3A_42 : vector<16xf32> to vector<16xf32>
    tpu.vector_store %arg6[%swap3A_43], %swap3A_46 {strides = array<i32>} : memref<128xf32, #tpu.memory_space<vmem>>, vector<16xf32>,
    %broadcast_in_dim3A_47 = arith.constant 0.000000e+00 : f32
    %broadcast_in_dim3A_48 = vector.broadcast %broadcast_in_dim3A_47 : f32 to vector<16xf32>
    %swap3A_49 = arith.constant 0 : index
    %swap3A_50 = tpu.vector_load %arg7[%swap3A_49] {strides = array<i32>} : memref<640xf32, #tpu.memory_space<vmem>>, vector<16xf32>,
    %swap3A_51 = vector.shape_cast %swap3A_50 : vector<16xf32> to vector<16xf32>
    %swap3A_52 = vector.shape_cast %broadcast_in_dim3A_48 : vector<16xf32> to vector<16xf32>
    tpu.vector_store %arg7[%swap3A_49], %swap3A_52 {strides = array<i32>} : memref<640xf32, #tpu.memory_space<vmem>>, vector<16xf32>,
    %broadcast_in_dim3A_53 = arith.constant 0.000000e+00 : f32
    %broadcast_in_dim3A_54 = vector.broadcast %broadcast_in_dim3A_53 : f32 to vector<16xf32>
    %swap3A_55 = arith.constant 16 : index
    %swap3A_56 = tpu.vector_load %arg7[%swap3A_55] {strides = array<i32>} : memref<640xf32, #tpu.memory_space<vmem>>, vector<16xf32>,
    %swap3A_57 = vector.shape_cast %swap3A_56 : vector<16xf32> to vector<16xf32>
    %swap3A_58 = vector.shape_cast %broadcast_in_dim3A_54 : vector<16xf32> to vector<16xf32>
    tpu.vector_store %arg7[%swap3A_55], %swap3A_58 {strides = array<i32>} : memref<640xf32, #tpu.memory_space<vmem>>, vector<16xf32>,
    %broadcast_in_dim3A_59 = arith.constant 0.000000e+00 : f32
    %broadcast_in_dim3A_60 = vector.broadcast %broadcast_in_dim3A_59 : f32 to vector<16xf32>
    %swap3A_61 = arith.constant 32 : index
    %swap3A_62 = tpu.vector_load %arg7[%swap3A_61] {strides = array<i32>} : memref<640xf32, #tpu.memory_space<vmem>>, vector<16xf32>,
    %swap3A_63 = vector.shape_cast %swap3A_62 : vector<16xf32> to vector<16xf32>
    %swap3A_64 = vector.shape_cast %broadcast_in_dim3A_60 : vector<16xf32> to vector<16xf32>
    tpu.vector_store %arg7[%swap3A_61], %swap3A_64 {strides = array<i32>} : memref<640xf32, #tpu.memory_space<vmem>>, vector<16xf32>,
    %broadcast_in_dim3A_65 = arith.constant 0.000000e+00 : f32
    %broadcast_in_dim3A_66 = vector.broadcast %broadcast_in_dim3A_65 : f32 to vector<16xf32>
    %swap3A_67 = arith.constant 48 : index
    %swap3A_68 = tpu.vector_load %arg7[%swap3A_67] {strides = array<i32>} : memref<640xf32, #tpu.memory_space<vmem>>, vector<16xf32>,
    %swap3A_69 = vector.shape_cast %swap3A_68 : vector<16xf32> to vector<16xf32>
    %swap3A_70 = vector.shape_cast %broadcast_in_dim3A_66 : vector<16xf32> to vector<16xf32>
    tpu.vector_store %arg7[%swap3A_67], %swap3A_70 {strides = array<i32>} : memref<640xf32, #tpu.memory_space<vmem>>, vector<16xf32>,
    %broadcast_in_dim3A_71 = arith.constant 0.000000e+00 : f32
    %broadcast_in_dim3A_72 = vector.broadcast %broadcast_in_dim3A_71 : f32 to vector<16xf32>
    %swap3A_73 = arith.constant 64 : index
    %swap3A_74 = tpu.vector_load %arg7[%swap3A_73] {strides = array<i32>} : memref<640xf32, #tpu.memory_space<vmem>>, vector<16xf32>,
    %swap3A_75 = vector.shape_cast %swap3A_74 : vector<16xf32> to vector<16xf32>
    %swap3A_76 = vector.shape_cast %broadcast_in_dim3A_72 : vector<16xf32> to vector<16xf32>
    tpu.vector_store %arg7[%swap3A_73], %swap3A_76 {strides = array<i32>} : memref<640xf32, #tpu.memory_space<vmem>>, vector<16xf32>,
    %broadcast_in_dim3A_77 = arith.constant 0.000000e+00 : f32
    %broadcast_in_dim3A_78 = vector.broadcast %broadcast_in_dim3A_77 : f32 to vector<16xf32>
    %swap3A_79 = arith.constant 80 : index
    %swap3A_80 = tpu.vector_load %arg7[%swap3A_79] {strides = array<i32>} : memref<640xf32, #tpu.memory_space<vmem>>, vector<16xf32>,
    %swap3A_81 = vector.shape_cast %swap3A_80 : vector<16xf32> to vector<16xf32>
    %swap3A_82 = vector.shape_cast %broadcast_in_dim3A_78 : vector<16xf32> to vector<16xf32>
    tpu.vector_store %arg7[%swap3A_79], %swap3A_82 {strides = array<i32>} : memref<640xf32, #tpu.memory_space<vmem>>, vector<16xf32>,
    %broadcast_in_dim3A_83 = arith.constant 0.000000e+00 : f32
    %broadcast_in_dim3A_84 = vector.broadcast %broadcast_in_dim3A_83 : f32 to vector<16xf32>
    %swap3A_85 = arith.constant 96 : index
    %swap3A_86 = tpu.vector_load %arg7[%swap3A_85] {strides = array<i32>} : memref<640xf32, #tpu.memory_space<vmem>>, vector<16xf32>,
    %swap3A_87 = vector.shape_cast %swap3A_86 : vector<16xf32> to vector<16xf32>
    %swap3A_88 = vector.shape_cast %broadcast_in_dim3A_84 : vector<16xf32> to vector<16xf32>
    tpu.vector_store %arg7[%swap3A_85], %swap3A_88 {strides = array<i32>} : memref<640xf32, #tpu.memory_space<vmem>>, vector<16xf32>,
    %broadcast_in_dim3A_89 = arith.constant 0.000000e+00 : f32
    %broadcast_in_dim3A_90 = vector.broadcast %broadcast_in_dim3A_89 : f32 to vector<16xf32>
    %swap3A_91 = arith.constant 112 : index
    %swap3A_92 = tpu.vector_load %arg7[%swap3A_91] {strides = array<i32>} : memref<640xf32, #tpu.memory_space<vmem>>, vector<16xf32>,
    %swap3A_93 = vector.shape_cast %swap3A_92 : vector<16xf32> to vector<16xf32>
    %swap3A_94 = vector.shape_cast %broadcast_in_dim3A_90 : vector<16xf32> to vector<16xf32>
    tpu.vector_store %arg7[%swap3A_91], %swap3A_94 {strides = array<i32>} : memref<640xf32, #tpu.memory_space<vmem>>, vector<16xf32>,
    %broadcast_in_dim3A_95 = arith.constant 0.000000e+00 : f32
    %broadcast_in_dim3A_96 = vector.broadcast %broadcast_in_dim3A_95 : f32 to vector<16xf32>
    %swap3A_97 = arith.constant 128 : index
    %swap3A_98 = tpu.vector_load %arg7[%swap3A_97] {strides = array<i32>} : memref<640xf32, #tpu.memory_space<vmem>>, vector<16xf32>,
    %swap3A_99 = vector.shape_cast %swap3A_98 : vector<16xf32> to vector<16xf32>
    %swap3A_100 = vector.shape_cast %broadcast_in_dim3A_96 : vector<16xf32> to vector<16xf32>
    tpu.vector_store %arg7[%swap3A_97], %swap3A_100 {strides = array<i32>} : memref<640xf32, #tpu.memory_space<vmem>>, vector<16xf32>,
    %broadcast_in_dim3A_101 = arith.constant 0.000000e+00 : f32
    %broadcast_in_dim3A_102 = vector.broadcast %broadcast_in_dim3A_101 : f32 to vector<16xf32>
    %swap3A_103 = arith.constant 144 : index
    %swap3A_104 = tpu.vector_load %arg7[%swap3A_103] {strides = array<i32>} : memref<640xf32, #tpu.memory_space<vmem>>, vector<16xf32>,
    %swap3A_105 = vector.shape_cast %swap3A_104 : vector<16xf32> to vector<16xf32>
    %swap3A_106 = vector.shape_cast %broadcast_in_dim3A_102 : vector<16xf32> to vector<16xf32>
    tpu.vector_store %arg7[%swap3A_103], %swap3A_106 {strides = array<i32>} : memref<640xf32, #tpu.memory_space<vmem>>, vector<16xf32>,
    %broadcast_in_dim3A_107 = arith.constant 0.000000e+00 : f32
    %broadcast_in_dim3A_108 = vector.broadcast %broadcast_in_dim3A_107 : f32 to vector<16xf32>
    %swap3A_109 = arith.constant 160 : index
    %swap3A_110 = tpu.vector_load %arg7[%swap3A_109] {strides = array<i32>} : memref<640xf32, #tpu.memory_space<vmem>>, vector<16xf32>,
    %swap3A_111 = vector.shape_cast %swap3A_110 : vector<16xf32> to vector<16xf32>
    %swap3A_112 = vector.shape_cast %broadcast_in_dim3A_108 : vector<16xf32> to vector<16xf32>
    tpu.vector_store %arg7[%swap3A_109], %swap3A_112 {strides = array<i32>} : memref<640xf32, #tpu.memory_space<vmem>>, vector<16xf32>,
    %broadcast_in_dim3A_113 = arith.constant 0.000000e+00 : f32
    %broadcast_in_dim3A_114 = vector.broadcast %broadcast_in_dim3A_113 : f32 to vector<16xf32>
    %swap3A_115 = arith.constant 176 : index
    %swap3A_116 = tpu.vector_load %arg7[%swap3A_115] {strides = array<i32>} : memref<640xf32, #tpu.memory_space<vmem>>, vector<16xf32>,
    %swap3A_117 = vector.shape_cast %swap3A_116 : vector<16xf32> to vector<16xf32>
    %swap3A_118 = vector.shape_cast %broadcast_in_dim3A_114 : vector<16xf32> to vector<16xf32>
    tpu.vector_store %arg7[%swap3A_115], %swap3A_118 {strides = array<i32>} : memref<640xf32, #tpu.memory_space<vmem>>, vector<16xf32>,
    %broadcast_in_dim3A_119 = arith.constant 0.000000e+00 : f32
    %broadcast_in_dim3A_120 = vector.broadcast %broadcast_in_dim3A_119 : f32 to vector<16xf32>
    %swap3A_121 = arith.constant 192 : index
    %swap3A_122 = tpu.vector_load %arg7[%swap3A_121] {strides = array<i32>} : memref<640xf32, #tpu.memory_space<vmem>>, vector<16xf32>,
    %swap3A_123 = vector.shape_cast %swap3A_122 : vector<16xf32> to vector<16xf32>
    %swap3A_124 = vector.shape_cast %broadcast_in_dim3A_120 : vector<16xf32> to vector<16xf32>
    tpu.vector_store %arg7[%swap3A_121], %swap3A_124 {strides = array<i32>} : memref<640xf32, #tpu.memory_space<vmem>>, vector<16xf32>,
    %broadcast_in_dim3A_125 = arith.constant 0.000000e+00 : f32
    %broadcast_in_dim3A_126 = vector.broadcast %broadcast_in_dim3A_125 : f32 to vector<16xf32>
    %swap3A_127 = arith.constant 208 : index
    %swap3A_128 = tpu.vector_load %arg7[%swap3A_127] {strides = array<i32>} : memref<640xf32, #tpu.memory_space<vmem>>, vector<16xf32>,
    %swap3A_129 = vector.shape_cast %swap3A_128 : vector<16xf32> to vector<16xf32>
    %swap3A_130 = vector.shape_cast %broadcast_in_dim3A_126 : vector<16xf32> to vector<16xf32>
    tpu.vector_store %arg7[%swap3A_127], %swap3A_130 {strides = array<i32>} : memref<640xf32, #tpu.memory_space<vmem>>, vector<16xf32>,
    %broadcast_in_dim3A_131 = arith.constant 0.000000e+00 : f32
    %broadcast_in_dim3A_132 = vector.broadcast %broadcast_in_dim3A_131 : f32 to vector<16xf32>
    %swap3A_133 = arith.constant 224 : index
    %swap3A_134 = tpu.vector_load %arg7[%swap3A_133] {strides = array<i32>} : memref<640xf32, #tpu.memory_space<vmem>>, vector<16xf32>,
    %swap3A_135 = vector.shape_cast %swap3A_134 : vector<16xf32> to vector<16xf32>
    %swap3A_136 = vector.shape_cast %broadcast_in_dim3A_132 : vector<16xf32> to vector<16xf32>
    tpu.vector_store %arg7[%swap3A_133], %swap3A_136 {strides = array<i32>} : memref<640xf32, #tpu.memory_space<vmem>>, vector<16xf32>,
    %broadcast_in_dim3A_137 = arith.constant 0.000000e+00 : f32
    %broadcast_in_dim3A_138 = vector.broadcast %broadcast_in_dim3A_137 : f32 to vector<16xf32>
    %swap3A_139 = arith.constant 240 : index
    %swap3A_140 = tpu.vector_load %arg7[%swap3A_139] {strides = array<i32>} : memref<640xf32, #tpu.memory_space<vmem>>, vector<16xf32>,
    %swap3A_141 = vector.shape_cast %swap3A_140 : vector<16xf32> to vector<16xf32>
    %swap3A_142 = vector.shape_cast %broadcast_in_dim3A_138 : vector<16xf32> to vector<16xf32>
    tpu.vector_store %arg7[%swap3A_139], %swap3A_142 {strides = array<i32>} : memref<640xf32, #tpu.memory_space<vmem>>, vector<16xf32>,
    %broadcast_in_dim3A_143 = arith.constant 0.000000e+00 : f32
    %broadcast_in_dim3A_144 = vector.broadcast %broadcast_in_dim3A_143 : f32 to vector<16xf32>
    %swap3A_145 = arith.constant 256 : index
    %swap3A_146 = tpu.vector_load %arg7[%swap3A_145] {strides = array<i32>} : memref<640xf32, #tpu.memory_space<vmem>>, vector<16xf32>,
    %swap3A_147 = vector.shape_cast %swap3A_146 : vector<16xf32> to vector<16xf32>
    %swap3A_148 = vector.shape_cast %broadcast_in_dim3A_144 : vector<16xf32> to vector<16xf32>
    tpu.vector_store %arg7[%swap3A_145], %swap3A_148 {strides = array<i32>} : memref<640xf32, #tpu.memory_space<vmem>>, vector<16xf32>,
    %broadcast_in_dim3A_149 = arith.constant 0.000000e+00 : f32
    %broadcast_in_dim3A_150 = vector.broadcast %broadcast_in_dim3A_149 : f32 to vector<16xf32>
    %swap3A_151 = arith.constant 272 : index
    %swap3A_152 = tpu.vector_load %arg7[%swap3A_151] {strides = array<i32>} : memref<640xf32, #tpu.memory_space<vmem>>, vector<16xf32>,
    %swap3A_153 = vector.shape_cast %swap3A_152 : vector<16xf32> to vector<16xf32>
    %swap3A_154 = vector.shape_cast %broadcast_in_dim3A_150 : vector<16xf32> to vector<16xf32>
    tpu.vector_store %arg7[%swap3A_151], %swap3A_154 {strides = array<i32>} : memref<640xf32, #tpu.memory_space<vmem>>, vector<16xf32>,
    %broadcast_in_dim3A_155 = arith.constant 0.000000e+00 : f32
    %broadcast_in_dim3A_156 = vector.broadcast %broadcast_in_dim3A_155 : f32 to vector<16xf32>
    %swap3A_157 = arith.constant 288 : index
    %swap3A_158 = tpu.vector_load %arg7[%swap3A_157] {strides = array<i32>} : memref<640xf32, #tpu.memory_space<vmem>>, vector<16xf32>,
    %swap3A_159 = vector.shape_cast %swap3A_158 : vector<16xf32> to vector<16xf32>
    %swap3A_160 = vector.shape_cast %broadcast_in_dim3A_156 : vector<16xf32> to vector<16xf32>
    tpu.vector_store %arg7[%swap3A_157], %swap3A_160 {strides = array<i32>} : memref<640xf32, #tpu.memory_space<vmem>>, vector<16xf32>,
    %broadcast_in_dim3A_161 = arith.constant 0.000000e+00 : f32
    %broadcast_in_dim3A_162 = vector.broadcast %broadcast_in_dim3A_161 : f32 to vector<16xf32>
    %swap3A_163 = arith.constant 304 : index
    %swap3A_164 = tpu.vector_load %arg7[%swap3A_163] {strides = array<i32>} : memref<640xf32, #tpu.memory_space<vmem>>, vector<16xf32>,
    %swap3A_165 = vector.shape_cast %swap3A_164 : vector<16xf32> to vector<16xf32>
    %swap3A_166 = vector.shape_cast %broadcast_in_dim3A_162 : vector<16xf32> to vector<16xf32>
    tpu.vector_store %arg7[%swap3A_163], %swap3A_166 {strides = array<i32>} : memref<640xf32, #tpu.memory_space<vmem>>, vector<16xf32>,
    %broadcast_in_dim3A_167 = arith.constant 0.000000e+00 : f32
    %broadcast_in_dim3A_168 = vector.broadcast %broadcast_in_dim3A_167 : f32 to vector<16xf32>
    %swap3A_169 = arith.constant 320 : index
    %swap3A_170 = tpu.vector_load %arg7[%swap3A_169] {strides = array<i32>} : memref<640xf32, #tpu.memory_space<vmem>>, vector<16xf32>,
    %swap3A_171 = vector.shape_cast %swap3A_170 : vector<16xf32> to vector<16xf32>
    %swap3A_172 = vector.shape_cast %broadcast_in_dim3A_168 : vector<16xf32> to vector<16xf32>
    tpu.vector_store %arg7[%swap3A_169], %swap3A_172 {strides = array<i32>} : memref<640xf32, #tpu.memory_space<vmem>>, vector<16xf32>,
    %broadcast_in_dim3A_173 = arith.constant 0.000000e+00 : f32
    %broadcast_in_dim3A_174 = vector.broadcast %broadcast_in_dim3A_173 : f32 to vector<16xf32>
    %swap3A_175 = arith.constant 336 : index
    %swap3A_176 = tpu.vector_load %arg7[%swap3A_175] {strides = array<i32>} : memref<640xf32, #tpu.memory_space<vmem>>, vector<16xf32>,
    %swap3A_177 = vector.shape_cast %swap3A_176 : vector<16xf32> to vector<16xf32>
    %swap3A_178 = vector.shape_cast %broadcast_in_dim3A_174 : vector<16xf32> to vector<16xf32>
    tpu.vector_store %arg7[%swap3A_175], %swap3A_178 {strides = array<i32>} : memref<640xf32, #tpu.memory_space<vmem>>, vector<16xf32>,
    %broadcast_in_dim3A_179 = arith.constant 0.000000e+00 : f32
    %broadcast_in_dim3A_180 = vector.broadcast %broadcast_in_dim3A_179 : f32 to vector<16xf32>
    %swap3A_181 = arith.constant 352 : index
    %swap3A_182 = tpu.vector_load %arg7[%swap3A_181] {strides = array<i32>} : memref<640xf32, #tpu.memory_space<vmem>>, vector<16xf32>,
    %swap3A_183 = vector.shape_cast %swap3A_182 : vector<16xf32> to vector<16xf32>
    %swap3A_184 = vector.shape_cast %broadcast_in_dim3A_180 : vector<16xf32> to vector<16xf32>
    tpu.vector_store %arg7[%swap3A_181], %swap3A_184 {strides = array<i32>} : memref<640xf32, #tpu.memory_space<vmem>>, vector<16xf32>,
    %broadcast_in_dim3A_185 = arith.constant 0.000000e+00 : f32
    %broadcast_in_dim3A_186 = vector.broadcast %broadcast_in_dim3A_185 : f32 to vector<16xf32>
    %swap3A_187 = arith.constant 368 : index
    %swap3A_188 = tpu.vector_load %arg7[%swap3A_187] {strides = array<i32>} : memref<640xf32, #tpu.memory_space<vmem>>, vector<16xf32>,
    %swap3A_189 = vector.shape_cast %swap3A_188 : vector<16xf32> to vector<16xf32>
    %swap3A_190 = vector.shape_cast %broadcast_in_dim3A_186 : vector<16xf32> to vector<16xf32>
    tpu.vector_store %arg7[%swap3A_187], %swap3A_190 {strides = array<i32>} : memref<640xf32, #tpu.memory_space<vmem>>, vector<16xf32>,
    %broadcast_in_dim3A_191 = arith.constant 0.000000e+00 : f32
    %broadcast_in_dim3A_192 = vector.broadcast %broadcast_in_dim3A_191 : f32 to vector<16xf32>
    %swap3A_193 = arith.constant 384 : index
    %swap3A_194 = tpu.vector_load %arg7[%swap3A_193] {strides = array<i32>} : memref<640xf32, #tpu.memory_space<vmem>>, vector<16xf32>,
    %swap3A_195 = vector.shape_cast %swap3A_194 : vector<16xf32> to vector<16xf32>
    %swap3A_196 = vector.shape_cast %broadcast_in_dim3A_192 : vector<16xf32> to vector<16xf32>
    tpu.vector_store %arg7[%swap3A_193], %swap3A_196 {strides = array<i32>} : memref<640xf32, #tpu.memory_space<vmem>>, vector<16xf32>,
    %broadcast_in_dim3A_197 = arith.constant 0.000000e+00 : f32
    %broadcast_in_dim3A_198 = vector.broadcast %broadcast_in_dim3A_197 : f32 to vector<16xf32>
    %swap3A_199 = arith.constant 400 : index
    %swap3A_200 = tpu.vector_load %arg7[%swap3A_199] {strides = array<i32>} : memref<640xf32, #tpu.memory_space<vmem>>, vector<16xf32>,
    %swap3A_201 = vector.shape_cast %swap3A_200 : vector<16xf32> to vector<16xf32>
    %swap3A_202 = vector.shape_cast %broadcast_in_dim3A_198 : vector<16xf32> to vector<16xf32>
    tpu.vector_store %arg7[%swap3A_199], %swap3A_202 {strides = array<i32>} : memref<640xf32, #tpu.memory_space<vmem>>, vector<16xf32>,
    %broadcast_in_dim3A_203 = arith.constant 0.000000e+00 : f32
    %broadcast_in_dim3A_204 = vector.broadcast %broadcast_in_dim3A_203 : f32 to vector<16xf32>
    %swap3A_205 = arith.constant 416 : index
    %swap3A_206 = tpu.vector_load %arg7[%swap3A_205] {strides = array<i32>} : memref<640xf32, #tpu.memory_space<vmem>>, vector<16xf32>,
    %swap3A_207 = vector.shape_cast %swap3A_206 : vector<16xf32> to vector<16xf32>
    %swap3A_208 = vector.shape_cast %broadcast_in_dim3A_204 : vector<16xf32> to vector<16xf32>
    tpu.vector_store %arg7[%swap3A_205], %swap3A_208 {strides = array<i32>} : memref<640xf32, #tpu.memory_space<vmem>>, vector<16xf32>,
    %broadcast_in_dim3A_209 = arith.constant 0.000000e+00 : f32
    %broadcast_in_dim3A_210 = vector.broadcast %broadcast_in_dim3A_209 : f32 to vector<16xf32>
    %swap3A_211 = arith.constant 432 : index
    %swap3A_212 = tpu.vector_load %arg7[%swap3A_211] {strides = array<i32>} : memref<640xf32, #tpu.memory_space<vmem>>, vector<16xf32>,
    %swap3A_213 = vector.shape_cast %swap3A_212 : vector<16xf32> to vector<16xf32>
    %swap3A_214 = vector.shape_cast %broadcast_in_dim3A_210 : vector<16xf32> to vector<16xf32>
    tpu.vector_store %arg7[%swap3A_211], %swap3A_214 {strides = array<i32>} : memref<640xf32, #tpu.memory_space<vmem>>, vector<16xf32>,
    %broadcast_in_dim3A_215 = arith.constant 0.000000e+00 : f32
    %broadcast_in_dim3A_216 = vector.broadcast %broadcast_in_dim3A_215 : f32 to vector<16xf32>
    %swap3A_217 = arith.constant 448 : index
    %swap3A_218 = tpu.vector_load %arg7[%swap3A_217] {strides = array<i32>} : memref<640xf32, #tpu.memory_space<vmem>>, vector<16xf32>,
    %swap3A_219 = vector.shape_cast %swap3A_218 : vector<16xf32> to vector<16xf32>
    %swap3A_220 = vector.shape_cast %broadcast_in_dim3A_216 : vector<16xf32> to vector<16xf32>
    tpu.vector_store %arg7[%swap3A_217], %swap3A_220 {strides = array<i32>} : memref<640xf32, #tpu.memory_space<vmem>>, vector<16xf32>,
    %broadcast_in_dim3A_221 = arith.constant 0.000000e+00 : f32
    %broadcast_in_dim3A_222 = vector.broadcast %broadcast_in_dim3A_221 : f32 to vector<16xf32>
    %swap3A_223 = arith.constant 464 : index
    %swap3A_224 = tpu.vector_load %arg7[%swap3A_223] {strides = array<i32>} : memref<640xf32, #tpu.memory_space<vmem>>, vector<16xf32>,
    %swap3A_225 = vector.shape_cast %swap3A_224 : vector<16xf32> to vector<16xf32>
    %swap3A_226 = vector.shape_cast %broadcast_in_dim3A_222 : vector<16xf32> to vector<16xf32>
    tpu.vector_store %arg7[%swap3A_223], %swap3A_226 {strides = array<i32>} : memref<640xf32, #tpu.memory_space<vmem>>, vector<16xf32>,
    %broadcast_in_dim3A_227 = arith.constant 0.000000e+00 : f32
    %broadcast_in_dim3A_228 = vector.broadcast %broadcast_in_dim3A_227 : f32 to vector<16xf32>
    %swap3A_229 = arith.constant 480 : index
    %swap3A_230 = tpu.vector_load %arg7[%swap3A_229] {strides = array<i32>} : memref<640xf32, #tpu.memory_space<vmem>>, vector<16xf32>,
    %swap3A_231 = vector.shape_cast %swap3A_230 : vector<16xf32> to vector<16xf32>
    %swap3A_232 = vector.shape_cast %broadcast_in_dim3A_228 : vector<16xf32> to vector<16xf32>
    tpu.vector_store %arg7[%swap3A_229], %swap3A_232 {strides = array<i32>} : memref<640xf32, #tpu.memory_space<vmem>>, vector<16xf32>,
    %broadcast_in_dim3A_233 = arith.constant 0.000000e+00 : f32
    %broadcast_in_dim3A_234 = vector.broadcast %broadcast_in_dim3A_233 : f32 to vector<16xf32>
    %swap3A_235 = arith.constant 496 : index
    %swap3A_236 = tpu.vector_load %arg7[%swap3A_235] {strides = array<i32>} : memref<640xf32, #tpu.memory_space<vmem>>, vector<16xf32>,
    %swap3A_237 = vector.shape_cast %swap3A_236 : vector<16xf32> to vector<16xf32>
    %swap3A_238 = vector.shape_cast %broadcast_in_dim3A_234 : vector<16xf32> to vector<16xf32>
    tpu.vector_store %arg7[%swap3A_235], %swap3A_238 {strides = array<i32>} : memref<640xf32, #tpu.memory_space<vmem>>, vector<16xf32>,
    %broadcast_in_dim3A_239 = arith.constant 0.000000e+00 : f32
    %broadcast_in_dim3A_240 = vector.broadcast %broadcast_in_dim3A_239 : f32 to vector<16xf32>
    %swap3A_241 = arith.constant 512 : index
    %swap3A_242 = tpu.vector_load %arg7[%swap3A_241] {strides = array<i32>} : memref<640xf32, #tpu.memory_space<vmem>>, vector<16xf32>,
    %swap3A_243 = vector.shape_cast %swap3A_242 : vector<16xf32> to vector<16xf32>
    %swap3A_244 = vector.shape_cast %broadcast_in_dim3A_240 : vector<16xf32> to vector<16xf32>
    tpu.vector_store %arg7[%swap3A_241], %swap3A_244 {strides = array<i32>} : memref<640xf32, #tpu.memory_space<vmem>>, vector<16xf32>,
    %broadcast_in_dim3A_245 = arith.constant 0.000000e+00 : f32
    %broadcast_in_dim3A_246 = vector.broadcast %broadcast_in_dim3A_245 : f32 to vector<16xf32>
    %swap3A_247 = arith.constant 528 : index
    %swap3A_248 = tpu.vector_load %arg7[%swap3A_247] {strides = array<i32>} : memref<640xf32, #tpu.memory_space<vmem>>, vector<16xf32>,
    %swap3A_249 = vector.shape_cast %swap3A_248 : vector<16xf32> to vector<16xf32>
    %swap3A_250 = vector.shape_cast %broadcast_in_dim3A_246 : vector<16xf32> to vector<16xf32>
    tpu.vector_store %arg7[%swap3A_247], %swap3A_250 {strides = array<i32>} : memref<640xf32, #tpu.memory_space<vmem>>, vector<16xf32>,
    %broadcast_in_dim3A_251 = arith.constant 0.000000e+00 : f32
    %broadcast_in_dim3A_252 = vector.broadcast %broadcast_in_dim3A_251 : f32 to vector<16xf32>
    %swap3A_253 = arith.constant 544 : index
    %swap3A_254 = tpu.vector_load %arg7[%swap3A_253] {strides = array<i32>} : memref<640xf32, #tpu.memory_space<vmem>>, vector<16xf32>,
    %swap3A_255 = vector.shape_cast %swap3A_254 : vector<16xf32> to vector<16xf32>
    %swap3A_256 = vector.shape_cast %broadcast_in_dim3A_252 : vector<16xf32> to vector<16xf32>
    tpu.vector_store %arg7[%swap3A_253], %swap3A_256 {strides = array<i32>} : memref<640xf32, #tpu.memory_space<vmem>>, vector<16xf32>,
    %broadcast_in_dim3A_257 = arith.constant 0.000000e+00 : f32
    %broadcast_in_dim3A_258 = vector.broadcast %broadcast_in_dim3A_257 : f32 to vector<16xf32>
    %swap3A_259 = arith.constant 560 : index
    %swap3A_260 = tpu.vector_load %arg7[%swap3A_259] {strides = array<i32>} : memref<640xf32, #tpu.memory_space<vmem>>, vector<16xf32>,
    %swap3A_261 = vector.shape_cast %swap3A_260 : vector<16xf32> to vector<16xf32>
    %swap3A_262 = vector.shape_cast %broadcast_in_dim3A_258 : vector<16xf32> to vector<16xf32>
    tpu.vector_store %arg7[%swap3A_259], %swap3A_262 {strides = array<i32>} : memref<640xf32, #tpu.memory_space<vmem>>, vector<16xf32>,
    %broadcast_in_dim3A_263 = arith.constant 0.000000e+00 : f32
    %broadcast_in_dim3A_264 = vector.broadcast %broadcast_in_dim3A_263 : f32 to vector<16xf32>
    %swap3A_265 = arith.constant 576 : index
    %swap3A_266 = tpu.vector_load %arg7[%swap3A_265] {strides = array<i32>} : memref<640xf32, #tpu.memory_space<vmem>>, vector<16xf32>,
    %swap3A_267 = vector.shape_cast %swap3A_266 : vector<16xf32> to vector<16xf32>
    %swap3A_268 = vector.shape_cast %broadcast_in_dim3A_264 : vector<16xf32> to vector<16xf32>
    tpu.vector_store %arg7[%swap3A_265], %swap3A_268 {strides = array<i32>} : memref<640xf32, #tpu.memory_space<vmem>>, vector<16xf32>,
    %broadcast_in_dim3A_269 = arith.constant 0.000000e+00 : f32
    %broadcast_in_dim3A_270 = vector.broadcast %broadcast_in_dim3A_269 : f32 to vector<16xf32>
    %swap3A_271 = arith.constant 592 : index
    %swap3A_272 = tpu.vector_load %arg7[%swap3A_271] {strides = array<i32>} : memref<640xf32, #tpu.memory_space<vmem>>, vector<16xf32>,
    %swap3A_273 = vector.shape_cast %swap3A_272 : vector<16xf32> to vector<16xf32>
    %swap3A_274 = vector.shape_cast %broadcast_in_dim3A_270 : vector<16xf32> to vector<16xf32>
    tpu.vector_store %arg7[%swap3A_271], %swap3A_274 {strides = array<i32>} : memref<640xf32, #tpu.memory_space<vmem>>, vector<16xf32>,
    %broadcast_in_dim3A_275 = arith.constant 0.000000e+00 : f32
    %broadcast_in_dim3A_276 = vector.broadcast %broadcast_in_dim3A_275 : f32 to vector<16xf32>
    %swap3A_277 = arith.constant 608 : index
    %swap3A_278 = tpu.vector_load %arg7[%swap3A_277] {strides = array<i32>} : memref<640xf32, #tpu.memory_space<vmem>>, vector<16xf32>,
    %swap3A_279 = vector.shape_cast %swap3A_278 : vector<16xf32> to vector<16xf32>
    %swap3A_280 = vector.shape_cast %broadcast_in_dim3A_276 : vector<16xf32> to vector<16xf32>
    tpu.vector_store %arg7[%swap3A_277], %swap3A_280 {strides = array<i32>} : memref<640xf32, #tpu.memory_space<vmem>>, vector<16xf32>,
    %broadcast_in_dim3A_281 = arith.constant 0.000000e+00 : f32
    %broadcast_in_dim3A_282 = vector.broadcast %broadcast_in_dim3A_281 : f32 to vector<16xf32>
    %swap3A_283 = arith.constant 624 : index
    %swap3A_284 = tpu.vector_load %arg7[%swap3A_283] {strides = array<i32>} : memref<640xf32, #tpu.memory_space<vmem>>, vector<16xf32>,
    %swap3A_285 = vector.shape_cast %swap3A_284 : vector<16xf32> to vector<16xf32>
    %swap3A_286 = vector.shape_cast %broadcast_in_dim3A_282 : vector<16xf32> to vector<16xf32>
    tpu.vector_store %arg7[%swap3A_283], %swap3A_286 {strides = array<i32>} : memref<640xf32, #tpu.memory_space<vmem>>, vector<16xf32>,
    %mul3A_287 = arith.constant 640 : i32
    %mul3A_288 = arith.muli %arg1, %mul3A_287 : i32
    "tpu.region"() ({
      %run_scoped3A = tpu.sem_alloc : memref<!tpu.dma_semaphore, #tpu.memory_space<semaphore_mem>>
      %dma_start3A = tpu.memref_slice %arg8[%mul3A_288] : memref<10240xf32, #tpu.memory_space<vmem_shared>> -> memref<640xf32, #tpu.memory_space<vmem_shared>>
      %dma_start3A_304 = tpu.memref_slice %arg8[%mul3A_288] : memref<10240xf32, #tpu.memory_space<vmem_shared>> -> memref<640xf32, #tpu.memory_space<vmem_shared>>
      tpu.enqueue_dma source(%arg7 : memref<640xf32, #tpu.memory_space<vmem>>) target(%dma_start3A_304 : memref<640xf32, #tpu.memory_space<vmem_shared>>) target_semaphore(%run_scoped3A : memref<!tpu.dma_semaphore, #tpu.memory_space<semaphore_mem>>)
      %dma_wait3A = tpu.memref_slice %arg8[%mul3A_288] : memref<10240xf32, #tpu.memory_space<vmem_shared>> -> memref<640xf32, #tpu.memory_space<vmem_shared>>
      %dma_wait3A_305 = tpu.memref_slice %arg8[%mul3A_288] : memref<10240xf32, #tpu.memory_space<vmem_shared>> -> memref<640xf32, #tpu.memory_space<vmem_shared>>
      tpu.wait_dma2 semaphore(%run_scoped3A : memref<!tpu.dma_semaphore, #tpu.memory_space<semaphore_mem>>) src(%arg7 : memref<640xf32, #tpu.memory_space<vmem>>) dst(%dma_wait3A_305 : memref<640xf32, #tpu.memory_space<vmem_shared>>)
      tpu.yield
    }) : () -> ()
    %barrier3A = arith.constant 0 : index
    tpu.barrier barrier_id(%barrier3A)
    %scan3A = arith.constant 0 : i32
    %scan3A_289 = arith.constant 0 : i32
    %scan3A_290 = arith.constant 79 : i32
    %scan3A_291 = arith.addi %scan3A_289, %scan3A_290 : i32
    %scan3A_292 = arith.constant 1 : i32
    scf.for %scan3A_304 = %scan3A_289 to %scan3A_291 step %scan3A_292  : i32 {
      %run_scoped3A = arith.constant 1 : i32
      "tpu.region"() ({
        %run_scoped3A_305 = tpu.sem_alloc : memref<!tpu.dma_semaphore, #tpu.memory_space<semaphore_mem>>
        %dma_start3A = arith.constant 0 : i32
        %dma_start3A_306 = tpu.memref_slice %arg5[%scan3A_304, %run_scoped3A, %dma_start3A] : memref<79x2x128xi32, #tpu.memory_space<vmem>> -> memref<1x1x128xi32, #tpu.memory_space<vmem>>
        %dma_start3A_307 = tpu.memref_squeeze %dma_start3A_306 : memref<1x1x128xi32, #tpu.memory_space<vmem>> -> memref<128xi32, #tpu.memory_space<vmem>>
        %dma_start3A_308 = arith.constant 0 : i32
        %dma_start3A_309 = tpu.memref_slice %arg8[%dma_start3A_308] : memref<10240xf32, #tpu.memory_space<vmem_shared>> -> memref<10240xf32, #tpu.memory_space<vmem_shared>>
        tpu.enqueue_indirect_dma source(%arg6 : memref<128xf32, #tpu.memory_space<vmem>>) target(%dma_start3A_309 : memref<10240xf32, #tpu.memory_space<vmem_shared>>) offsets(%dma_start3A_307 : memref<128xi32, #tpu.memory_space<vmem>>) semaphore(%run_scoped3A_305 : memref<!tpu.dma_semaphore, #tpu.memory_space<semaphore_mem>>) {add = true}
        %dma_wait3A = arith.constant 0 : i32
        %dma_wait3A_310 = tpu.memref_slice %arg5[%scan3A_304, %run_scoped3A, %dma_wait3A] : memref<79x2x128xi32, #tpu.memory_space<vmem>> -> memref<1x1x128xi32, #tpu.memory_space<vmem>>
        %dma_wait3A_311 = tpu.memref_squeeze %dma_wait3A_310 : memref<1x1x128xi32, #tpu.memory_space<vmem>> -> memref<128xi32, #tpu.memory_space<vmem>>
        %dma_wait3A_312 = arith.constant 0 : i32
        %dma_wait3A_313 = tpu.memref_slice %arg8[%dma_wait3A_312] : memref<10240xf32, #tpu.memory_space<vmem_shared>> -> memref<10240xf32, #tpu.memory_space<vmem_shared>>
        tpu.wait_indirect_dma semaphore(%run_scoped3A_305 : memref<!tpu.dma_semaphore, #tpu.memory_space<semaphore_mem>>) src(%arg6 : memref<128xf32, #tpu.memory_space<vmem>>) dst(%dma_wait3A_313 : memref<10240xf32, #tpu.memory_space<vmem_shared>>)
        tpu.yield
      }) : () -> ()
    }
    %scan3A_293 = arith.constant 79 : i32
    %barrier3A_294 = arith.constant 0 : index
    tpu.barrier barrier_id(%barrier3A_294)
    %mul3A_295 = arith.constant 640 : i32
    %mul3A_296 = arith.muli %arg1, %mul3A_295 : i32
    %eq3A = arith.constant 0 : i32
    %eq3A_297 = arith.cmpi eq, %arg0, %eq3A : i32
    %convert_element_type3A = arith.extui %eq3A_297 : i1 to i32
    %cond3A = arith.constant 0 : i32
    %cond3A_298 = arith.cmpi ne, %convert_element_type3A, %cond3A : i32
    scf.if %cond3A_298 {
      "tpu.region"() ({
        %run_scoped3A = tpu.sem_alloc : memref<!tpu.dma_semaphore, #tpu.memory_space<semaphore_mem>>
        %dma_start3A = tpu.memref_slice %arg3[%mul3A_296] : memref<10240xf32, #tpu.memory_space<hbm>> -> memref<640xf32, #tpu.memory_space<hbm>>
        %dma_start3A_304 = tpu.memref_slice %arg8[%mul3A_296] : memref<10240xf32, #tpu.memory_space<vmem_shared>> -> memref<640xf32, #tpu.memory_space<vmem_shared>>
        tpu.enqueue_dma source(%dma_start3A_304 : memref<640xf32, #tpu.memory_space<vmem_shared>>) target(%dma_start3A : memref<640xf32, #tpu.memory_space<hbm>>) target_semaphore(%run_scoped3A : memref<!tpu.dma_semaphore, #tpu.memory_space<semaphore_mem>>)
        %dma_wait3A = tpu.memref_slice %arg3[%mul3A_296] : memref<10240xf32, #tpu.memory_space<hbm>> -> memref<640xf32, #tpu.memory_space<hbm>>
        %dma_wait3A_305 = tpu.memref_slice %arg8[%mul3A_296] : memref<10240xf32, #tpu.memory_space<vmem_shared>> -> memref<640xf32, #tpu.memory_space<vmem_shared>>
        tpu.wait_dma2 semaphore(%run_scoped3A : memref<!tpu.dma_semaphore, #tpu.memory_space<semaphore_mem>>) src(%dma_wait3A_305 : memref<640xf32, #tpu.memory_space<vmem_shared>>) dst(%dma_wait3A : memref<640xf32, #tpu.memory_space<hbm>>)
        tpu.yield
      }) : () -> ()
    } else {
    }
    %eq3A_299 = arith.constant 1 : i32
    %eq3A_300 = arith.cmpi eq, %arg0, %eq3A_299 : i32
    %convert_element_type3A_301 = arith.extui %eq3A_300 : i1 to i32
    %cond3A_302 = arith.constant 0 : i32
    %cond3A_303 = arith.cmpi ne, %convert_element_type3A_301, %cond3A_302 : i32
    scf.if %cond3A_303 {
      "tpu.region"() ({
        %run_scoped3A = tpu.sem_alloc : memref<!tpu.dma_semaphore, #tpu.memory_space<semaphore_mem>>
        %dma_start3A = tpu.memref_slice %arg4[%mul3A_296] : memref<10240xf32, #tpu.memory_space<hbm>> -> memref<640xf32, #tpu.memory_space<hbm>>
        %dma_start3A_304 = tpu.memref_slice %arg8[%mul3A_296] : memref<10240xf32, #tpu.memory_space<vmem_shared>> -> memref<640xf32, #tpu.memory_space<vmem_shared>>
        tpu.enqueue_dma source(%dma_start3A_304 : memref<640xf32, #tpu.memory_space<vmem_shared>>) target(%dma_start3A : memref<640xf32, #tpu.memory_space<hbm>>) target_semaphore(%run_scoped3A : memref<!tpu.dma_semaphore, #tpu.memory_space<semaphore_mem>>)
        %dma_wait3A = tpu.memref_slice %arg4[%mul3A_296] : memref<10240xf32, #tpu.memory_space<hbm>> -> memref<640xf32, #tpu.memory_space<hbm>>
        %dma_wait3A_305 = tpu.memref_slice %arg8[%mul3A_296] : memref<10240xf32, #tpu.memory_space<vmem_shared>> -> memref<640xf32, #tpu.memory_space<vmem_shared>>
        tpu.wait_dma2 semaphore(%run_scoped3A : memref<!tpu.dma_semaphore, #tpu.memory_space<semaphore_mem>>) src(%dma_wait3A_305 : memref<640xf32, #tpu.memory_space<vmem_shared>>) dst(%dma_wait3A : memref<640xf32, #tpu.memory_space<hbm>>)
        tpu.yield
      }) : () -> ()
    } else {
    }
    return
  }
}

#map = affine_map<(d0, d1) -> (0, 0)>
#map1 = affine_map<(d0, d1) -> (0, 0, 0, 0)>
module attributes {stable_mosaic.version = 14 : i64} {
  func.func @_agg_sc(%arg0: i32, %arg1: i32, %arg2: memref<10000x128xf32, #tpu.memory_space<hbm>>, %arg3: memref<32x79x2x128xi32, #tpu.memory_space<hbm>>, %arg4: memref<632x128xf32, #tpu.memory_space<hbm>>, %arg5: memref<10112x128xf32, #tpu.memory_space<hbm>>, %arg6: memref<10112x128xf32, #tpu.memory_space<hbm>>, %arg7: memref<4x2x128xi32, #tpu.memory_space<vmem>>, %arg8: memref<128x128xf32, #tpu.memory_space<vmem>>, %arg9: memref<128x128xf32, #tpu.memory_space<vmem>>, %arg10: memref<10112x128xf32, #tpu.memory_space<vmem_shared>>, %arg11: memref<!tpu.dma_semaphore, #tpu.memory_space<semaphore_mem>>, %arg12: memref<!tpu.dma_semaphore, #tpu.memory_space<semaphore_mem>>, %arg13: memref<!tpu.dma_semaphore, #tpu.memory_space<semaphore_mem>>, %arg14: memref<!tpu.dma_semaphore, #tpu.memory_space<semaphore_mem>>, %arg15: memref<!tpu.dma_semaphore, #tpu.memory_space<semaphore_mem>>, %arg16: memref<!tpu.dma_semaphore, #tpu.memory_space<semaphore_mem>>) attributes {dimension_semantics = [#tpu.dimension_semantics<core_parallel>, #tpu.dimension_semantics<subcore_parallel>], iteration_bounds = array<i64: 2, 16>, scalar_prefetch = 0 : i64, scratch_operands = 10 : i64, tpu.core_type = #tpu.core_type<sc_vector_subcore>, window_params = [{transform_indices = #map}, {transform_indices = #map1}, {transform_indices = #map}, {transform_indices = #map}, {transform_indices = #map}]} {
    %mul3A = arith.constant 2 : i32
    %mul3A_0 = arith.muli %arg1, %mul3A : i32
    %add3A = arith.addi %mul3A_0, %arg0 : i32
    %mul3A_1 = arith.constant 632 : i32
    %mul3A_2 = arith.muli %arg1, %mul3A_1 : i32
    "tpu.region"() ({
      %run_scoped3A = tpu.sem_alloc : memref<!tpu.dma_semaphore, #tpu.memory_space<semaphore_mem>>
      %dma_start3A_140 = arith.constant 0 : i32
      %dma_start3A_141 = tpu.memref_slice %arg10[%mul3A_2, %dma_start3A_140] : memref<10112x128xf32, #tpu.memory_space<vmem_shared>> -> memref<632x128xf32, #tpu.memory_space<vmem_shared>>
      tpu.enqueue_dma source(%arg4 : memref<632x128xf32, #tpu.memory_space<hbm>>) target(%dma_start3A_141 : memref<632x128xf32, #tpu.memory_space<vmem_shared>>) target_semaphore(%run_scoped3A : memref<!tpu.dma_semaphore, #tpu.memory_space<semaphore_mem>>)
      %dma_wait3A_142 = arith.constant 0 : i32
      %dma_wait3A_143 = tpu.memref_slice %arg10[%mul3A_2, %dma_wait3A_142] : memref<10112x128xf32, #tpu.memory_space<vmem_shared>> -> memref<632x128xf32, #tpu.memory_space<vmem_shared>>
      tpu.wait_dma2 semaphore(%run_scoped3A : memref<!tpu.dma_semaphore, #tpu.memory_space<semaphore_mem>>) src(%arg4 : memref<632x128xf32, #tpu.memory_space<hbm>>) dst(%dma_wait3A_143 : memref<632x128xf32, #tpu.memory_space<vmem_shared>>)
      tpu.yield
    }) : () -> ()
    %barrier3A = arith.constant 0 : index
    tpu.barrier barrier_id(%barrier3A)
    %dma_start3A = arith.constant 0 : i32
    %dma_start3A_3 = arith.constant 0 : i32
    %dma_start3A_4 = arith.constant 0 : i32
    %dma_start3A_5 = arith.constant 0 : i32
    %dma_start3A_6 = tpu.memref_slice %arg7[%dma_start3A_3, %dma_start3A_4, %dma_start3A_5] : memref<4x2x128xi32, #tpu.memory_space<vmem>> -> memref<1x2x128xi32, #tpu.memory_space<vmem>>
    %dma_start3A_7 = tpu.memref_squeeze %dma_start3A_6 : memref<1x2x128xi32, #tpu.memory_space<vmem>> -> memref<2x128xi32, #tpu.memory_space<vmem>>
    %dma_start3A_8 = arith.constant 0 : i32
    %dma_start3A_9 = arith.constant 0 : i32
    %dma_start3A_10 = tpu.memref_slice %arg3[%add3A, %dma_start3A, %dma_start3A_8, %dma_start3A_9] : memref<32x79x2x128xi32, #tpu.memory_space<hbm>> -> memref<1x1x2x128xi32, #tpu.memory_space<hbm>>
    %dma_start3A_11 = tpu.memref_squeeze %dma_start3A_10 : memref<1x1x2x128xi32, #tpu.memory_space<hbm>> -> memref<2x128xi32, #tpu.memory_space<hbm>>
    %dma_start3A_12 = arith.constant 0 : i32
    %dma_start3A_13 = arith.constant 0 : i32
    %dma_start3A_14 = tpu.memref_slice %arg7[%dma_start3A_3, %dma_start3A_12, %dma_start3A_13] : memref<4x2x128xi32, #tpu.memory_space<vmem>> -> memref<1x2x128xi32, #tpu.memory_space<vmem>>
    %dma_start3A_15 = tpu.memref_squeeze %dma_start3A_14 : memref<1x2x128xi32, #tpu.memory_space<vmem>> -> memref<2x128xi32, #tpu.memory_space<vmem>>
    %dma_start3A_16 = arith.constant 0 : i32
    %dma_start3A_17 = arith.constant 0 : i32
    %dma_start3A_18 = tpu.memref_slice %arg3[%add3A, %dma_start3A, %dma_start3A_16, %dma_start3A_17] : memref<32x79x2x128xi32, #tpu.memory_space<hbm>> -> memref<1x1x2x128xi32, #tpu.memory_space<hbm>>
    %dma_start3A_19 = tpu.memref_squeeze %dma_start3A_18 : memref<1x1x2x128xi32, #tpu.memory_space<hbm>> -> memref<2x128xi32, #tpu.memory_space<hbm>>
    tpu.enqueue_dma source(%dma_start3A_19 : memref<2x128xi32, #tpu.memory_space<hbm>>) target(%dma_start3A_15 : memref<2x128xi32, #tpu.memory_space<vmem>>) target_semaphore(%arg13 : memref<!tpu.dma_semaphore, #tpu.memory_space<semaphore_mem>>)
    %dma_start3A_20 = arith.constant 1 : i32
    %dma_start3A_21 = arith.constant 1 : i32
    %dma_start3A_22 = arith.constant 0 : i32
    %dma_start3A_23 = arith.constant 0 : i32
    %dma_start3A_24 = tpu.memref_slice %arg7[%dma_start3A_21, %dma_start3A_22, %dma_start3A_23] : memref<4x2x128xi32, #tpu.memory_space<vmem>> -> memref<1x2x128xi32, #tpu.memory_space<vmem>>
    %dma_start3A_25 = tpu.memref_squeeze %dma_start3A_24 : memref<1x2x128xi32, #tpu.memory_space<vmem>> -> memref<2x128xi32, #tpu.memory_space<vmem>>
    %dma_start3A_26 = arith.constant 0 : i32
    %dma_start3A_27 = arith.constant 0 : i32
    %dma_start3A_28 = tpu.memref_slice %arg3[%add3A, %dma_start3A_20, %dma_start3A_26, %dma_start3A_27] : memref<32x79x2x128xi32, #tpu.memory_space<hbm>> -> memref<1x1x2x128xi32, #tpu.memory_space<hbm>>
    %dma_start3A_29 = tpu.memref_squeeze %dma_start3A_28 : memref<1x1x2x128xi32, #tpu.memory_space<hbm>> -> memref<2x128xi32, #tpu.memory_space<hbm>>
    %dma_start3A_30 = arith.constant 0 : i32
    %dma_start3A_31 = arith.constant 0 : i32
    %dma_start3A_32 = tpu.memref_slice %arg7[%dma_start3A_21, %dma_start3A_30, %dma_start3A_31] : memref<4x2x128xi32, #tpu.memory_space<vmem>> -> memref<1x2x128xi32, #tpu.memory_space<vmem>>
    %dma_start3A_33 = tpu.memref_squeeze %dma_start3A_32 : memref<1x2x128xi32, #tpu.memory_space<vmem>> -> memref<2x128xi32, #tpu.memory_space<vmem>>
    %dma_start3A_34 = arith.constant 0 : i32
    %dma_start3A_35 = arith.constant 0 : i32
    %dma_start3A_36 = tpu.memref_slice %arg3[%add3A, %dma_start3A_20, %dma_start3A_34, %dma_start3A_35] : memref<32x79x2x128xi32, #tpu.memory_space<hbm>> -> memref<1x1x2x128xi32, #tpu.memory_space<hbm>>
    %dma_start3A_37 = tpu.memref_squeeze %dma_start3A_36 : memref<1x1x2x128xi32, #tpu.memory_space<hbm>> -> memref<2x128xi32, #tpu.memory_space<hbm>>
    tpu.enqueue_dma source(%dma_start3A_37 : memref<2x128xi32, #tpu.memory_space<hbm>>) target(%dma_start3A_33 : memref<2x128xi32, #tpu.memory_space<vmem>>) target_semaphore(%arg14 : memref<!tpu.dma_semaphore, #tpu.memory_space<semaphore_mem>>)
    %dma_start3A_38 = arith.constant 2 : i32
    %dma_start3A_39 = arith.constant 2 : i32
    %dma_start3A_40 = arith.constant 0 : i32
    %dma_start3A_41 = arith.constant 0 : i32
    %dma_start3A_42 = tpu.memref_slice %arg7[%dma_start3A_39, %dma_start3A_40, %dma_start3A_41] : memref<4x2x128xi32, #tpu.memory_space<vmem>> -> memref<1x2x128xi32, #tpu.memory_space<vmem>>
    %dma_start3A_43 = tpu.memref_squeeze %dma_start3A_42 : memref<1x2x128xi32, #tpu.memory_space<vmem>> -> memref<2x128xi32, #tpu.memory_space<vmem>>
    %dma_start3A_44 = arith.constant 0 : i32
    %dma_start3A_45 = arith.constant 0 : i32
    %dma_start3A_46 = tpu.memref_slice %arg3[%add3A, %dma_start3A_38, %dma_start3A_44, %dma_start3A_45] : memref<32x79x2x128xi32, #tpu.memory_space<hbm>> -> memref<1x1x2x128xi32, #tpu.memory_space<hbm>>
    %dma_start3A_47 = tpu.memref_squeeze %dma_start3A_46 : memref<1x1x2x128xi32, #tpu.memory_space<hbm>> -> memref<2x128xi32, #tpu.memory_space<hbm>>
    %dma_start3A_48 = arith.constant 0 : i32
    %dma_start3A_49 = arith.constant 0 : i32
    %dma_start3A_50 = tpu.memref_slice %arg7[%dma_start3A_39, %dma_start3A_48, %dma_start3A_49] : memref<4x2x128xi32, #tpu.memory_space<vmem>> -> memref<1x2x128xi32, #tpu.memory_space<vmem>>
    %dma_start3A_51 = tpu.memref_squeeze %dma_start3A_50 : memref<1x2x128xi32, #tpu.memory_space<vmem>> -> memref<2x128xi32, #tpu.memory_space<vmem>>
    %dma_start3A_52 = arith.constant 0 : i32
    %dma_start3A_53 = arith.constant 0 : i32
    %dma_start3A_54 = tpu.memref_slice %arg3[%add3A, %dma_start3A_38, %dma_start3A_52, %dma_start3A_53] : memref<32x79x2x128xi32, #tpu.memory_space<hbm>> -> memref<1x1x2x128xi32, #tpu.memory_space<hbm>>
    %dma_start3A_55 = tpu.memref_squeeze %dma_start3A_54 : memref<1x1x2x128xi32, #tpu.memory_space<hbm>> -> memref<2x128xi32, #tpu.memory_space<hbm>>
    tpu.enqueue_dma source(%dma_start3A_55 : memref<2x128xi32, #tpu.memory_space<hbm>>) target(%dma_start3A_51 : memref<2x128xi32, #tpu.memory_space<vmem>>) target_semaphore(%arg15 : memref<!tpu.dma_semaphore, #tpu.memory_space<semaphore_mem>>)
    %dma_start3A_56 = arith.constant 3 : i32
    %dma_start3A_57 = arith.constant 3 : i32
    %dma_start3A_58 = arith.constant 0 : i32
    %dma_start3A_59 = arith.constant 0 : i32
    %dma_start3A_60 = tpu.memref_slice %arg7[%dma_start3A_57, %dma_start3A_58, %dma_start3A_59] : memref<4x2x128xi32, #tpu.memory_space<vmem>> -> memref<1x2x128xi32, #tpu.memory_space<vmem>>
    %dma_start3A_61 = tpu.memref_squeeze %dma_start3A_60 : memref<1x2x128xi32, #tpu.memory_space<vmem>> -> memref<2x128xi32, #tpu.memory_space<vmem>>
    %dma_start3A_62 = arith.constant 0 : i32
    %dma_start3A_63 = arith.constant 0 : i32
    %dma_start3A_64 = tpu.memref_slice %arg3[%add3A, %dma_start3A_56, %dma_start3A_62, %dma_start3A_63] : memref<32x79x2x128xi32, #tpu.memory_space<hbm>> -> memref<1x1x2x128xi32, #tpu.memory_space<hbm>>
    %dma_start3A_65 = tpu.memref_squeeze %dma_start3A_64 : memref<1x1x2x128xi32, #tpu.memory_space<hbm>> -> memref<2x128xi32, #tpu.memory_space<hbm>>
    %dma_start3A_66 = arith.constant 0 : i32
    %dma_start3A_67 = arith.constant 0 : i32
    %dma_start3A_68 = tpu.memref_slice %arg7[%dma_start3A_57, %dma_start3A_66, %dma_start3A_67] : memref<4x2x128xi32, #tpu.memory_space<vmem>> -> memref<1x2x128xi32, #tpu.memory_space<vmem>>
    %dma_start3A_69 = tpu.memref_squeeze %dma_start3A_68 : memref<1x2x128xi32, #tpu.memory_space<vmem>> -> memref<2x128xi32, #tpu.memory_space<vmem>>
    %dma_start3A_70 = arith.constant 0 : i32
    %dma_start3A_71 = arith.constant 0 : i32
    %dma_start3A_72 = tpu.memref_slice %arg3[%add3A, %dma_start3A_56, %dma_start3A_70, %dma_start3A_71] : memref<32x79x2x128xi32, #tpu.memory_space<hbm>> -> memref<1x1x2x128xi32, #tpu.memory_space<hbm>>
    %dma_start3A_73 = tpu.memref_squeeze %dma_start3A_72 : memref<1x1x2x128xi32, #tpu.memory_space<hbm>> -> memref<2x128xi32, #tpu.memory_space<hbm>>
    tpu.enqueue_dma source(%dma_start3A_73 : memref<2x128xi32, #tpu.memory_space<hbm>>) target(%dma_start3A_69 : memref<2x128xi32, #tpu.memory_space<vmem>>) target_semaphore(%arg16 : memref<!tpu.dma_semaphore, #tpu.memory_space<semaphore_mem>>)
    %dma_wait3A = arith.constant 0 : i32
    %dma_wait3A_74 = arith.constant 0 : i32
    %dma_wait3A_75 = arith.constant 0 : i32
    %dma_wait3A_76 = arith.constant 0 : i32
    %dma_wait3A_77 = tpu.memref_slice %arg7[%dma_wait3A_74, %dma_wait3A_75, %dma_wait3A_76] : memref<4x2x128xi32, #tpu.memory_space<vmem>> -> memref<1x2x128xi32, #tpu.memory_space<vmem>>
    %dma_wait3A_78 = tpu.memref_squeeze %dma_wait3A_77 : memref<1x2x128xi32, #tpu.memory_space<vmem>> -> memref<2x128xi32, #tpu.memory_space<vmem>>
    %dma_wait3A_79 = arith.constant 0 : i32
    %dma_wait3A_80 = arith.constant 0 : i32
    %dma_wait3A_81 = tpu.memref_slice %arg3[%add3A, %dma_wait3A, %dma_wait3A_79, %dma_wait3A_80] : memref<32x79x2x128xi32, #tpu.memory_space<hbm>> -> memref<1x1x2x128xi32, #tpu.memory_space<hbm>>
    %dma_wait3A_82 = tpu.memref_squeeze %dma_wait3A_81 : memref<1x1x2x128xi32, #tpu.memory_space<hbm>> -> memref<2x128xi32, #tpu.memory_space<hbm>>
    %dma_wait3A_83 = arith.constant 0 : i32
    %dma_wait3A_84 = arith.constant 0 : i32
    %dma_wait3A_85 = tpu.memref_slice %arg7[%dma_wait3A_74, %dma_wait3A_83, %dma_wait3A_84] : memref<4x2x128xi32, #tpu.memory_space<vmem>> -> memref<1x2x128xi32, #tpu.memory_space<vmem>>
    %dma_wait3A_86 = tpu.memref_squeeze %dma_wait3A_85 : memref<1x2x128xi32, #tpu.memory_space<vmem>> -> memref<2x128xi32, #tpu.memory_space<vmem>>
    %dma_wait3A_87 = arith.constant 0 : i32
    %dma_wait3A_88 = arith.constant 0 : i32
    %dma_wait3A_89 = tpu.memref_slice %arg3[%add3A, %dma_wait3A, %dma_wait3A_87, %dma_wait3A_88] : memref<32x79x2x128xi32, #tpu.memory_space<hbm>> -> memref<1x1x2x128xi32, #tpu.memory_space<hbm>>
    %dma_wait3A_90 = tpu.memref_squeeze %dma_wait3A_89 : memref<1x1x2x128xi32, #tpu.memory_space<hbm>> -> memref<2x128xi32, #tpu.memory_space<hbm>>
    tpu.wait_dma2 semaphore(%arg13 : memref<!tpu.dma_semaphore, #tpu.memory_space<semaphore_mem>>) src(%dma_wait3A_90 : memref<2x128xi32, #tpu.memory_space<hbm>>) dst(%dma_wait3A_86 : memref<2x128xi32, #tpu.memory_space<vmem>>)
    %dma_start3A_91 = arith.constant 0 : i32
    %dma_start3A_92 = arith.constant 0 : i32
    %dma_start3A_93 = arith.constant 0 : i32
    %dma_start3A_94 = tpu.memref_slice %arg7[%dma_start3A_91, %dma_start3A_92, %dma_start3A_93] : memref<4x2x128xi32, #tpu.memory_space<vmem>> -> memref<1x1x128xi32, #tpu.memory_space<vmem>>
    %dma_start3A_95 = tpu.memref_squeeze %dma_start3A_94 : memref<1x1x128xi32, #tpu.memory_space<vmem>> -> memref<128xi32, #tpu.memory_space<vmem>>
    %dma_start3A_96 = arith.constant 0 : i32
    %dma_start3A_97 = arith.constant 0 : i32
    %dma_start3A_98 = tpu.memref_slice %arg2[%dma_start3A_96, %dma_start3A_97] : memref<10000x128xf32, #tpu.memory_space<hbm>> -> memref<10000x128xf32, #tpu.memory_space<hbm>>
    tpu.enqueue_indirect_dma source(%dma_start3A_98 : memref<10000x128xf32, #tpu.memory_space<hbm>>) target(%arg8 : memref<128x128xf32, #tpu.memory_space<vmem>>) offsets(%dma_start3A_95 : memref<128xi32, #tpu.memory_space<vmem>>) semaphore(%arg11 : memref<!tpu.dma_semaphore, #tpu.memory_space<semaphore_mem>>)
    %dma_wait3A_99 = arith.constant 1 : i32
    %dma_wait3A_100 = arith.constant 1 : i32
    %dma_wait3A_101 = arith.constant 0 : i32
    %dma_wait3A_102 = arith.constant 0 : i32
    %dma_wait3A_103 = tpu.memref_slice %arg7[%dma_wait3A_100, %dma_wait3A_101, %dma_wait3A_102] : memref<4x2x128xi32, #tpu.memory_space<vmem>> -> memref<1x2x128xi32, #tpu.memory_space<vmem>>
    %dma_wait3A_104 = tpu.memref_squeeze %dma_wait3A_103 : memref<1x2x128xi32, #tpu.memory_space<vmem>> -> memref<2x128xi32, #tpu.memory_space<vmem>>
    %dma_wait3A_105 = arith.constant 0 : i32
    %dma_wait3A_106 = arith.constant 0 : i32
    %dma_wait3A_107 = tpu.memref_slice %arg3[%add3A, %dma_wait3A_99, %dma_wait3A_105, %dma_wait3A_106] : memref<32x79x2x128xi32, #tpu.memory_space<hbm>> -> memref<1x1x2x128xi32, #tpu.memory_space<hbm>>
    %dma_wait3A_108 = tpu.memref_squeeze %dma_wait3A_107 : memref<1x1x2x128xi32, #tpu.memory_space<hbm>> -> memref<2x128xi32, #tpu.memory_space<hbm>>
    %dma_wait3A_109 = arith.constant 0 : i32
    %dma_wait3A_110 = arith.constant 0 : i32
    %dma_wait3A_111 = tpu.memref_slice %arg7[%dma_wait3A_100, %dma_wait3A_109, %dma_wait3A_110] : memref<4x2x128xi32, #tpu.memory_space<vmem>> -> memref<1x2x128xi32, #tpu.memory_space<vmem>>
    %dma_wait3A_112 = tpu.memref_squeeze %dma_wait3A_111 : memref<1x2x128xi32, #tpu.memory_space<vmem>> -> memref<2x128xi32, #tpu.memory_space<vmem>>
    %dma_wait3A_113 = arith.constant 0 : i32
    %dma_wait3A_114 = arith.constant 0 : i32
    %dma_wait3A_115 = tpu.memref_slice %arg3[%add3A, %dma_wait3A_99, %dma_wait3A_113, %dma_wait3A_114] : memref<32x79x2x128xi32, #tpu.memory_space<hbm>> -> memref<1x1x2x128xi32, #tpu.memory_space<hbm>>
    %dma_wait3A_116 = tpu.memref_squeeze %dma_wait3A_115 : memref<1x1x2x128xi32, #tpu.memory_space<hbm>> -> memref<2x128xi32, #tpu.memory_space<hbm>>
    tpu.wait_dma2 semaphore(%arg14 : memref<!tpu.dma_semaphore, #tpu.memory_space<semaphore_mem>>) src(%dma_wait3A_116 : memref<2x128xi32, #tpu.memory_space<hbm>>) dst(%dma_wait3A_112 : memref<2x128xi32, #tpu.memory_space<vmem>>)
    %dma_start3A_117 = arith.constant 1 : i32
    %dma_start3A_118 = arith.constant 0 : i32
    %dma_start3A_119 = arith.constant 0 : i32
    %dma_start3A_120 = tpu.memref_slice %arg7[%dma_start3A_117, %dma_start3A_118, %dma_start3A_119] : memref<4x2x128xi32, #tpu.memory_space<vmem>> -> memref<1x1x128xi32, #tpu.memory_space<vmem>>
    %dma_start3A_121 = tpu.memref_squeeze %dma_start3A_120 : memref<1x1x128xi32, #tpu.memory_space<vmem>> -> memref<128xi32, #tpu.memory_space<vmem>>
    %dma_start3A_122 = arith.constant 0 : i32
    %dma_start3A_123 = arith.constant 0 : i32
    %dma_start3A_124 = tpu.memref_slice %arg2[%dma_start3A_122, %dma_start3A_123] : memref<10000x128xf32, #tpu.memory_space<hbm>> -> memref<10000x128xf32, #tpu.memory_space<hbm>>
    tpu.enqueue_indirect_dma source(%dma_start3A_124 : memref<10000x128xf32, #tpu.memory_space<hbm>>) target(%arg9 : memref<128x128xf32, #tpu.memory_space<vmem>>) offsets(%dma_start3A_121 : memref<128xi32, #tpu.memory_space<vmem>>) semaphore(%arg12 : memref<!tpu.dma_semaphore, #tpu.memory_space<semaphore_mem>>)
    %scan3A = arith.constant 0 : i32
    %scan3A_125 = arith.constant 0 : i32
    %scan3A_126 = arith.constant 20 : i32
    %scan3A_127 = arith.addi %scan3A_125, %scan3A_126 : i32
    %scan3A_128 = arith.constant 1 : i32
    scf.for %scan3A_140 = %scan3A_125 to %scan3A_127 step %scan3A_128  : i32 {
      %mul3A_141 = arith.constant 4 : i32
      %mul3A_142 = arith.muli %scan3A_140, %mul3A_141 : i32
      %add3A_143 = arith.constant 0 : i32
      %add3A_144 = arith.addi %mul3A_142, %add3A_143 : i32
      %lt3A = arith.constant 79 : i32
      %lt3A_145 = arith.cmpi slt, %add3A_144, %lt3A : i32
      %convert_element_type3A_146 = arith.extui %lt3A_145 : i1 to i32
      %cond3A_147 = arith.constant 0 : i32
      %cond3A_148 = arith.cmpi ne, %convert_element_type3A_146, %cond3A_147 : i32
      scf.if %cond3A_148 {
        %dma_wait3A_170 = arith.constant 0 : i32
        %dma_wait3A_171 = arith.constant 0 : i32
        %dma_wait3A_172 = arith.constant 0 : i32
        %dma_wait3A_173 = tpu.memref_slice %arg7[%dma_wait3A_170, %dma_wait3A_171, %dma_wait3A_172] : memref<4x2x128xi32, #tpu.memory_space<vmem>> -> memref<1x1x128xi32, #tpu.memory_space<vmem>>
        %dma_wait3A_174 = tpu.memref_squeeze %dma_wait3A_173 : memref<1x1x128xi32, #tpu.memory_space<vmem>> -> memref<128xi32, #tpu.memory_space<vmem>>
        %dma_wait3A_175 = arith.constant 0 : i32
        %dma_wait3A_176 = arith.constant 0 : i32
        %dma_wait3A_177 = tpu.memref_slice %arg2[%dma_wait3A_175, %dma_wait3A_176] : memref<10000x128xf32, #tpu.memory_space<hbm>> -> memref<10000x128xf32, #tpu.memory_space<hbm>>
        tpu.wait_indirect_dma semaphore(%arg11 : memref<!tpu.dma_semaphore, #tpu.memory_space<semaphore_mem>>) src(%dma_wait3A_177 : memref<10000x128xf32, #tpu.memory_space<hbm>>) dst(%arg8 : memref<128x128xf32, #tpu.memory_space<vmem>>)
        %run_scoped3A = arith.constant 0 : i32
        %run_scoped3A_178 = arith.constant 1 : i32
        "tpu.region"() ({
          %run_scoped3A_193 = tpu.sem_alloc : memref<!tpu.dma_semaphore, #tpu.memory_space<semaphore_mem>>
          %dma_start3A_194 = arith.constant 0 : i32
          %dma_start3A_195 = tpu.memref_slice %arg7[%run_scoped3A, %run_scoped3A_178, %dma_start3A_194] : memref<4x2x128xi32, #tpu.memory_space<vmem>> -> memref<1x1x128xi32, #tpu.memory_space<vmem>>
          %dma_start3A_196 = tpu.memref_squeeze %dma_start3A_195 : memref<1x1x128xi32, #tpu.memory_space<vmem>> -> memref<128xi32, #tpu.memory_space<vmem>>
          %dma_start3A_197 = arith.constant 0 : i32
          %dma_start3A_198 = arith.constant 0 : i32
          %dma_start3A_199 = tpu.memref_slice %arg10[%dma_start3A_197, %dma_start3A_198] : memref<10112x128xf32, #tpu.memory_space<vmem_shared>> -> memref<10112x128xf32, #tpu.memory_space<vmem_shared>>
          tpu.enqueue_indirect_dma source(%arg8 : memref<128x128xf32, #tpu.memory_space<vmem>>) target(%dma_start3A_199 : memref<10112x128xf32, #tpu.memory_space<vmem_shared>>) offsets(%dma_start3A_196 : memref<128xi32, #tpu.memory_space<vmem>>) semaphore(%run_scoped3A_193 : memref<!tpu.dma_semaphore, #tpu.memory_space<semaphore_mem>>) {add = true}
          %dma_wait3A_200 = arith.constant 0 : i32
          %dma_wait3A_201 = tpu.memref_slice %arg7[%run_scoped3A, %run_scoped3A_178, %dma_wait3A_200] : memref<4x2x128xi32, #tpu.memory_space<vmem>> -> memref<1x1x128xi32, #tpu.memory_space<vmem>>
          %dma_wait3A_202 = tpu.memref_squeeze %dma_wait3A_201 : memref<1x1x128xi32, #tpu.memory_space<vmem>> -> memref<128xi32, #tpu.memory_space<vmem>>
          %dma_wait3A_203 = arith.constant 0 : i32
          %dma_wait3A_204 = arith.constant 0 : i32
          %dma_wait3A_205 = tpu.memref_slice %arg10[%dma_wait3A_203, %dma_wait3A_204] : memref<10112x128xf32, #tpu.memory_space<vmem_shared>> -> memref<10112x128xf32, #tpu.memory_space<vmem_shared>>
          tpu.wait_indirect_dma semaphore(%run_scoped3A_193 : memref<!tpu.dma_semaphore, #tpu.memory_space<semaphore_mem>>) src(%arg8 : memref<128x128xf32, #tpu.memory_space<vmem>>) dst(%dma_wait3A_205 : memref<10112x128xf32, #tpu.memory_space<vmem_shared>>)
          tpu.yield
        }) : () -> ()
        %add3A_179 = arith.constant 4 : i32
        %add3A_180 = arith.addi %add3A_144, %add3A_179 : i32
        %lt3A_181 = arith.constant 79 : i32
        %lt3A_182 = arith.cmpi slt, %add3A_180, %lt3A_181 : i32
        %convert_element_type3A_183 = arith.extui %lt3A_182 : i1 to i32
        %cond3A_184 = arith.constant 0 : i32
        %cond3A_185 = arith.cmpi ne, %convert_element_type3A_183, %cond3A_184 : i32
        scf.if %cond3A_185 {
          %add3A_193 = arith.constant 4 : i32
          %add3A_194 = arith.addi %add3A_144, %add3A_193 : i32
          %dma_start3A_195 = arith.constant 0 : i32
          %dma_start3A_196 = arith.constant 0 : i32
          %dma_start3A_197 = arith.constant 0 : i32
          %dma_start3A_198 = tpu.memref_slice %arg7[%dma_start3A_195, %dma_start3A_196, %dma_start3A_197] : memref<4x2x128xi32, #tpu.memory_space<vmem>> -> memref<1x2x128xi32, #tpu.memory_space<vmem>>
          %dma_start3A_199 = tpu.memref_squeeze %dma_start3A_198 : memref<1x2x128xi32, #tpu.memory_space<vmem>> -> memref<2x128xi32, #tpu.memory_space<vmem>>
          %dma_start3A_200 = arith.constant 0 : i32
          %dma_start3A_201 = arith.constant 0 : i32
          %dma_start3A_202 = tpu.memref_slice %arg3[%add3A, %add3A_194, %dma_start3A_200, %dma_start3A_201] : memref<32x79x2x128xi32, #tpu.memory_space<hbm>> -> memref<1x1x2x128xi32, #tpu.memory_space<hbm>>
          %dma_start3A_203 = tpu.memref_squeeze %dma_start3A_202 : memref<1x1x2x128xi32, #tpu.memory_space<hbm>> -> memref<2x128xi32, #tpu.memory_space<hbm>>
          %dma_start3A_204 = arith.constant 0 : i32
          %dma_start3A_205 = arith.constant 0 : i32
          %dma_start3A_206 = tpu.memref_slice %arg7[%dma_start3A_195, %dma_start3A_204, %dma_start3A_205] : memref<4x2x128xi32, #tpu.memory_space<vmem>> -> memref<1x2x128xi32, #tpu.memory_space<vmem>>
          %dma_start3A_207 = tpu.memref_squeeze %dma_start3A_206 : memref<1x2x128xi32, #tpu.memory_space<vmem>> -> memref<2x128xi32, #tpu.memory_space<vmem>>
          %dma_start3A_208 = arith.constant 0 : i32
          %dma_start3A_209 = arith.constant 0 : i32
          %dma_start3A_210 = tpu.memref_slice %arg3[%add3A, %add3A_194, %dma_start3A_208, %dma_start3A_209] : memref<32x79x2x128xi32, #tpu.memory_space<hbm>> -> memref<1x1x2x128xi32, #tpu.memory_space<hbm>>
          %dma_start3A_211 = tpu.memref_squeeze %dma_start3A_210 : memref<1x1x2x128xi32, #tpu.memory_space<hbm>> -> memref<2x128xi32, #tpu.memory_space<hbm>>
          tpu.enqueue_dma source(%dma_start3A_211 : memref<2x128xi32, #tpu.memory_space<hbm>>) target(%dma_start3A_207 : memref<2x128xi32, #tpu.memory_space<vmem>>) target_semaphore(%arg13 : memref<!tpu.dma_semaphore, #tpu.memory_space<semaphore_mem>>)
        } else {
        }
        %add3A_186 = arith.constant 2 : i32
        %add3A_187 = arith.addi %add3A_144, %add3A_186 : i32
        %lt3A_188 = arith.constant 79 : i32
        %lt3A_189 = arith.cmpi slt, %add3A_187, %lt3A_188 : i32
        %convert_element_type3A_190 = arith.extui %lt3A_189 : i1 to i32
        %cond3A_191 = arith.constant 0 : i32
        %cond3A_192 = arith.cmpi ne, %convert_element_type3A_190, %cond3A_191 : i32
        scf.if %cond3A_192 {
          %dma_wait3A_193 = arith.constant 0 : i32
          %dma_wait3A_194 = arith.constant 2 : i32
          %dma_wait3A_195 = arith.constant 0 : i32
          %dma_wait3A_196 = arith.constant 0 : i32
          %dma_wait3A_197 = tpu.memref_slice %arg7[%dma_wait3A_194, %dma_wait3A_195, %dma_wait3A_196] : memref<4x2x128xi32, #tpu.memory_space<vmem>> -> memref<1x2x128xi32, #tpu.memory_space<vmem>>
          %dma_wait3A_198 = tpu.memref_squeeze %dma_wait3A_197 : memref<1x2x128xi32, #tpu.memory_space<vmem>> -> memref<2x128xi32, #tpu.memory_space<vmem>>
          %dma_wait3A_199 = arith.constant 0 : i32
          %dma_wait3A_200 = arith.constant 0 : i32
          %dma_wait3A_201 = tpu.memref_slice %arg3[%add3A, %dma_wait3A_193, %dma_wait3A_199, %dma_wait3A_200] : memref<32x79x2x128xi32, #tpu.memory_space<hbm>> -> memref<1x1x2x128xi32, #tpu.memory_space<hbm>>
          %dma_wait3A_202 = tpu.memref_squeeze %dma_wait3A_201 : memref<1x1x2x128xi32, #tpu.memory_space<hbm>> -> memref<2x128xi32, #tpu.memory_space<hbm>>
          %dma_wait3A_203 = arith.constant 0 : i32
          %dma_wait3A_204 = arith.constant 0 : i32
          %dma_wait3A_205 = tpu.memref_slice %arg7[%dma_wait3A_194, %dma_wait3A_203, %dma_wait3A_204] : memref<4x2x128xi32, #tpu.memory_space<vmem>> -> memref<1x2x128xi32, #tpu.memory_space<vmem>>
          %dma_wait3A_206 = tpu.memref_squeeze %dma_wait3A_205 : memref<1x2x128xi32, #tpu.memory_space<vmem>> -> memref<2x128xi32, #tpu.memory_space<vmem>>
          %dma_wait3A_207 = arith.constant 0 : i32
          %dma_wait3A_208 = arith.constant 0 : i32
          %dma_wait3A_209 = tpu.memref_slice %arg3[%add3A, %dma_wait3A_193, %dma_wait3A_207, %dma_wait3A_208] : memref<32x79x2x128xi32, #tpu.memory_space<hbm>> -> memref<1x1x2x128xi32, #tpu.memory_space<hbm>>
          %dma_wait3A_210 = tpu.memref_squeeze %dma_wait3A_209 : memref<1x1x2x128xi32, #tpu.memory_space<hbm>> -> memref<2x128xi32, #tpu.memory_space<hbm>>
          tpu.wait_dma2 semaphore(%arg15 : memref<!tpu.dma_semaphore, #tpu.memory_space<semaphore_mem>>) src(%dma_wait3A_210 : memref<2x128xi32, #tpu.memory_space<hbm>>) dst(%dma_wait3A_206 : memref<2x128xi32, #tpu.memory_space<vmem>>)
          %dma_start3A_211 = arith.constant 2 : i32
          %dma_start3A_212 = arith.constant 0 : i32
          %dma_start3A_213 = arith.constant 0 : i32
          %dma_start3A_214 = tpu.memref_slice %arg7[%dma_start3A_211, %dma_start3A_212, %dma_start3A_213] : memref<4x2x128xi32, #tpu.memory_space<vmem>> -> memref<1x1x128xi32, #tpu.memory_space<vmem>>
          %dma_start3A_215 = tpu.memref_squeeze %dma_start3A_214 : memref<1x1x128xi32, #tpu.memory_space<vmem>> -> memref<128xi32, #tpu.memory_space<vmem>>
          %dma_start3A_216 = arith.constant 0 : i32
          %dma_start3A_217 = arith.constant 0 : i32
          %dma_start3A_218 = tpu.memref_slice %arg2[%dma_start3A_216, %dma_start3A_217] : memref<10000x128xf32, #tpu.memory_space<hbm>> -> memref<10000x128xf32, #tpu.memory_space<hbm>>
          tpu.enqueue_indirect_dma source(%dma_start3A_218 : memref<10000x128xf32, #tpu.memory_space<hbm>>) target(%arg8 : memref<128x128xf32, #tpu.memory_space<vmem>>) offsets(%dma_start3A_215 : memref<128xi32, #tpu.memory_space<vmem>>) semaphore(%arg11 : memref<!tpu.dma_semaphore, #tpu.memory_space<semaphore_mem>>)
        } else {
        }
      } else {
      }
      %add3A_149 = arith.constant 1 : i32
      %add3A_150 = arith.addi %mul3A_142, %add3A_149 : i32
      %lt3A_151 = arith.constant 79 : i32
      %lt3A_152 = arith.cmpi slt, %add3A_150, %lt3A_151 : i32
      %convert_element_type3A_153 = arith.extui %lt3A_152 : i1 to i32
      %cond3A_154 = arith.constant 0 : i32
      %cond3A_155 = arith.cmpi ne, %convert_element_type3A_153, %cond3A_154 : i32
      scf.if %cond3A_155 {
        %dma_wait3A_170 = arith.constant 1 : i32
        %dma_wait3A_171 = arith.constant 0 : i32
        %dma_wait3A_172 = arith.constant 0 : i32
        %dma_wait3A_173 = tpu.memref_slice %arg7[%dma_wait3A_170, %dma_wait3A_171, %dma_wait3A_172] : memref<4x2x128xi32, #tpu.memory_space<vmem>> -> memref<1x1x128xi32, #tpu.memory_space<vmem>>
        %dma_wait3A_174 = tpu.memref_squeeze %dma_wait3A_173 : memref<1x1x128xi32, #tpu.memory_space<vmem>> -> memref<128xi32, #tpu.memory_space<vmem>>
        %dma_wait3A_175 = arith.constant 0 : i32
        %dma_wait3A_176 = arith.constant 0 : i32
        %dma_wait3A_177 = tpu.memref_slice %arg2[%dma_wait3A_175, %dma_wait3A_176] : memref<10000x128xf32, #tpu.memory_space<hbm>> -> memref<10000x128xf32, #tpu.memory_space<hbm>>
        tpu.wait_indirect_dma semaphore(%arg12 : memref<!tpu.dma_semaphore, #tpu.memory_space<semaphore_mem>>) src(%dma_wait3A_177 : memref<10000x128xf32, #tpu.memory_space<hbm>>) dst(%arg9 : memref<128x128xf32, #tpu.memory_space<vmem>>)
        %run_scoped3A = arith.constant 1 : i32
        %run_scoped3A_178 = arith.constant 1 : i32
        "tpu.region"() ({
          %run_scoped3A_193 = tpu.sem_alloc : memref<!tpu.dma_semaphore, #tpu.memory_space<semaphore_mem>>
          %dma_start3A_194 = arith.constant 0 : i32
          %dma_start3A_195 = tpu.memref_slice %arg7[%run_scoped3A, %run_scoped3A_178, %dma_start3A_194] : memref<4x2x128xi32, #tpu.memory_space<vmem>> -> memref<1x1x128xi32, #tpu.memory_space<vmem>>
          %dma_start3A_196 = tpu.memref_squeeze %dma_start3A_195 : memref<1x1x128xi32, #tpu.memory_space<vmem>> -> memref<128xi32, #tpu.memory_space<vmem>>
          %dma_start3A_197 = arith.constant 0 : i32
          %dma_start3A_198 = arith.constant 0 : i32
          %dma_start3A_199 = tpu.memref_slice %arg10[%dma_start3A_197, %dma_start3A_198] : memref<10112x128xf32, #tpu.memory_space<vmem_shared>> -> memref<10112x128xf32, #tpu.memory_space<vmem_shared>>
          tpu.enqueue_indirect_dma source(%arg9 : memref<128x128xf32, #tpu.memory_space<vmem>>) target(%dma_start3A_199 : memref<10112x128xf32, #tpu.memory_space<vmem_shared>>) offsets(%dma_start3A_196 : memref<128xi32, #tpu.memory_space<vmem>>) semaphore(%run_scoped3A_193 : memref<!tpu.dma_semaphore, #tpu.memory_space<semaphore_mem>>) {add = true}
          %dma_wait3A_200 = arith.constant 0 : i32
          %dma_wait3A_201 = tpu.memref_slice %arg7[%run_scoped3A, %run_scoped3A_178, %dma_wait3A_200] : memref<4x2x128xi32, #tpu.memory_space<vmem>> -> memref<1x1x128xi32, #tpu.memory_space<vmem>>
          %dma_wait3A_202 = tpu.memref_squeeze %dma_wait3A_201 : memref<1x1x128xi32, #tpu.memory_space<vmem>> -> memref<128xi32, #tpu.memory_space<vmem>>
          %dma_wait3A_203 = arith.constant 0 : i32
          %dma_wait3A_204 = arith.constant 0 : i32
          %dma_wait3A_205 = tpu.memref_slice %arg10[%dma_wait3A_203, %dma_wait3A_204] : memref<10112x128xf32, #tpu.memory_space<vmem_shared>> -> memref<10112x128xf32, #tpu.memory_space<vmem_shared>>
          tpu.wait_indirect_dma semaphore(%run_scoped3A_193 : memref<!tpu.dma_semaphore, #tpu.memory_space<semaphore_mem>>) src(%arg9 : memref<128x128xf32, #tpu.memory_space<vmem>>) dst(%dma_wait3A_205 : memref<10112x128xf32, #tpu.memory_space<vmem_shared>>)
          tpu.yield
        }) : () -> ()
        %add3A_179 = arith.constant 4 : i32
        %add3A_180 = arith.addi %add3A_150, %add3A_179 : i32
        %lt3A_181 = arith.constant 79 : i32
        %lt3A_182 = arith.cmpi slt, %add3A_180, %lt3A_181 : i32
        %convert_element_type3A_183 = arith.extui %lt3A_182 : i1 to i32
        %cond3A_184 = arith.constant 0 : i32
        %cond3A_185 = arith.cmpi ne, %convert_element_type3A_183, %cond3A_184 : i32
        scf.if %cond3A_185 {
          %add3A_193 = arith.constant 4 : i32
          %add3A_194 = arith.addi %add3A_150, %add3A_193 : i32
          %dma_start3A_195 = arith.constant 1 : i32
          %dma_start3A_196 = arith.constant 0 : i32
          %dma_start3A_197 = arith.constant 0 : i32
          %dma_start3A_198 = tpu.memref_slice %arg7[%dma_start3A_195, %dma_start3A_196, %dma_start3A_197] : memref<4x2x128xi32, #tpu.memory_space<vmem>> -> memref<1x2x128xi32, #tpu.memory_space<vmem>>
          %dma_start3A_199 = tpu.memref_squeeze %dma_start3A_198 : memref<1x2x128xi32, #tpu.memory_space<vmem>> -> memref<2x128xi32, #tpu.memory_space<vmem>>
          %dma_start3A_200 = arith.constant 0 : i32
          %dma_start3A_201 = arith.constant 0 : i32
          %dma_start3A_202 = tpu.memref_slice %arg3[%add3A, %add3A_194, %dma_start3A_200, %dma_start3A_201] : memref<32x79x2x128xi32, #tpu.memory_space<hbm>> -> memref<1x1x2x128xi32, #tpu.memory_space<hbm>>
          %dma_start3A_203 = tpu.memref_squeeze %dma_start3A_202 : memref<1x1x2x128xi32, #tpu.memory_space<hbm>> -> memref<2x128xi32, #tpu.memory_space<hbm>>
          %dma_start3A_204 = arith.constant 0 : i32
          %dma_start3A_205 = arith.constant 0 : i32
          %dma_start3A_206 = tpu.memref_slice %arg7[%dma_start3A_195, %dma_start3A_204, %dma_start3A_205] : memref<4x2x128xi32, #tpu.memory_space<vmem>> -> memref<1x2x128xi32, #tpu.memory_space<vmem>>
          %dma_start3A_207 = tpu.memref_squeeze %dma_start3A_206 : memref<1x2x128xi32, #tpu.memory_space<vmem>> -> memref<2x128xi32, #tpu.memory_space<vmem>>
          %dma_start3A_208 = arith.constant 0 : i32
          %dma_start3A_209 = arith.constant 0 : i32
          %dma_start3A_210 = tpu.memref_slice %arg3[%add3A, %add3A_194, %dma_start3A_208, %dma_start3A_209] : memref<32x79x2x128xi32, #tpu.memory_space<hbm>> -> memref<1x1x2x128xi32, #tpu.memory_space<hbm>>
          %dma_start3A_211 = tpu.memref_squeeze %dma_start3A_210 : memref<1x1x2x128xi32, #tpu.memory_space<hbm>> -> memref<2x128xi32, #tpu.memory_space<hbm>>
          tpu.enqueue_dma source(%dma_start3A_211 : memref<2x128xi32, #tpu.memory_space<hbm>>) target(%dma_start3A_207 : memref<2x128xi32, #tpu.memory_space<vmem>>) target_semaphore(%arg14 : memref<!tpu.dma_semaphore, #tpu.memory_space<semaphore_mem>>)
        } else {
        }
        %add3A_186 = arith.constant 2 : i32
        %add3A_187 = arith.addi %add3A_150, %add3A_186 : i32
        %lt3A_188 = arith.constant 79 : i32
        %lt3A_189 = arith.cmpi slt, %add3A_187, %lt3A_188 : i32
        %convert_element_type3A_190 = arith.extui %lt3A_189 : i1 to i32
        %cond3A_191 = arith.constant 0 : i32
        %cond3A_192 = arith.cmpi ne, %convert_element_type3A_190, %cond3A_191 : i32
        scf.if %cond3A_192 {
          %dma_wait3A_193 = arith.constant 0 : i32
          %dma_wait3A_194 = arith.constant 3 : i32
          %dma_wait3A_195 = arith.constant 0 : i32
          %dma_wait3A_196 = arith.constant 0 : i32
          %dma_wait3A_197 = tpu.memref_slice %arg7[%dma_wait3A_194, %dma_wait3A_195, %dma_wait3A_196] : memref<4x2x128xi32, #tpu.memory_space<vmem>> -> memref<1x2x128xi32, #tpu.memory_space<vmem>>
          %dma_wait3A_198 = tpu.memref_squeeze %dma_wait3A_197 : memref<1x2x128xi32, #tpu.memory_space<vmem>> -> memref<2x128xi32, #tpu.memory_space<vmem>>
          %dma_wait3A_199 = arith.constant 0 : i32
          %dma_wait3A_200 = arith.constant 0 : i32
          %dma_wait3A_201 = tpu.memref_slice %arg3[%add3A, %dma_wait3A_193, %dma_wait3A_199, %dma_wait3A_200] : memref<32x79x2x128xi32, #tpu.memory_space<hbm>> -> memref<1x1x2x128xi32, #tpu.memory_space<hbm>>
          %dma_wait3A_202 = tpu.memref_squeeze %dma_wait3A_201 : memref<1x1x2x128xi32, #tpu.memory_space<hbm>> -> memref<2x128xi32, #tpu.memory_space<hbm>>
          %dma_wait3A_203 = arith.constant 0 : i32
          %dma_wait3A_204 = arith.constant 0 : i32
          %dma_wait3A_205 = tpu.memref_slice %arg7[%dma_wait3A_194, %dma_wait3A_203, %dma_wait3A_204] : memref<4x2x128xi32, #tpu.memory_space<vmem>> -> memref<1x2x128xi32, #tpu.memory_space<vmem>>
          %dma_wait3A_206 = tpu.memref_squeeze %dma_wait3A_205 : memref<1x2x128xi32, #tpu.memory_space<vmem>> -> memref<2x128xi32, #tpu.memory_space<vmem>>
          %dma_wait3A_207 = arith.constant 0 : i32
          %dma_wait3A_208 = arith.constant 0 : i32
          %dma_wait3A_209 = tpu.memref_slice %arg3[%add3A, %dma_wait3A_193, %dma_wait3A_207, %dma_wait3A_208] : memref<32x79x2x128xi32, #tpu.memory_space<hbm>> -> memref<1x1x2x128xi32, #tpu.memory_space<hbm>>
          %dma_wait3A_210 = tpu.memref_squeeze %dma_wait3A_209 : memref<1x1x2x128xi32, #tpu.memory_space<hbm>> -> memref<2x128xi32, #tpu.memory_space<hbm>>
          tpu.wait_dma2 semaphore(%arg16 : memref<!tpu.dma_semaphore, #tpu.memory_space<semaphore_mem>>) src(%dma_wait3A_210 : memref<2x128xi32, #tpu.memory_space<hbm>>) dst(%dma_wait3A_206 : memref<2x128xi32, #tpu.memory_space<vmem>>)
          %dma_start3A_211 = arith.constant 3 : i32
          %dma_start3A_212 = arith.constant 0 : i32
          %dma_start3A_213 = arith.constant 0 : i32
          %dma_start3A_214 = tpu.memref_slice %arg7[%dma_start3A_211, %dma_start3A_212, %dma_start3A_213] : memref<4x2x128xi32, #tpu.memory_space<vmem>> -> memref<1x1x128xi32, #tpu.memory_space<vmem>>
          %dma_start3A_215 = tpu.memref_squeeze %dma_start3A_214 : memref<1x1x128xi32, #tpu.memory_space<vmem>> -> memref<128xi32, #tpu.memory_space<vmem>>
          %dma_start3A_216 = arith.constant 0 : i32
          %dma_start3A_217 = arith.constant 0 : i32
          %dma_start3A_218 = tpu.memref_slice %arg2[%dma_start3A_216, %dma_start3A_217] : memref<10000x128xf32, #tpu.memory_space<hbm>> -> memref<10000x128xf32, #tpu.memory_space<hbm>>
          tpu.enqueue_indirect_dma source(%dma_start3A_218 : memref<10000x128xf32, #tpu.memory_space<hbm>>) target(%arg9 : memref<128x128xf32, #tpu.memory_space<vmem>>) offsets(%dma_start3A_215 : memref<128xi32, #tpu.memory_space<vmem>>) semaphore(%arg12 : memref<!tpu.dma_semaphore, #tpu.memory_space<semaphore_mem>>)
        } else {
        }
      } else {
      }
      %add3A_156 = arith.constant 2 : i32
      %add3A_157 = arith.addi %mul3A_142, %add3A_156 : i32
      %lt3A_158 = arith.constant 79 : i32
      %lt3A_159 = arith.cmpi slt, %add3A_157, %lt3A_158 : i32
      %convert_element_type3A_160 = arith.extui %lt3A_159 : i1 to i32
      %cond3A_161 = arith.constant 0 : i32
      %cond3A_162 = arith.cmpi ne, %convert_element_type3A_160, %cond3A_161 : i32
      scf.if %cond3A_162 {
        %dma_wait3A_170 = arith.constant 2 : i32
        %dma_wait3A_171 = arith.constant 0 : i32
        %dma_wait3A_172 = arith.constant 0 : i32
        %dma_wait3A_173 = tpu.memref_slice %arg7[%dma_wait3A_170, %dma_wait3A_171, %dma_wait3A_172] : memref<4x2x128xi32, #tpu.memory_space<vmem>> -> memref<1x1x128xi32, #tpu.memory_space<vmem>>
        %dma_wait3A_174 = tpu.memref_squeeze %dma_wait3A_173 : memref<1x1x128xi32, #tpu.memory_space<vmem>> -> memref<128xi32, #tpu.memory_space<vmem>>
        %dma_wait3A_175 = arith.constant 0 : i32
        %dma_wait3A_176 = arith.constant 0 : i32
        %dma_wait3A_177 = tpu.memref_slice %arg2[%dma_wait3A_175, %dma_wait3A_176] : memref<10000x128xf32, #tpu.memory_space<hbm>> -> memref<10000x128xf32, #tpu.memory_space<hbm>>
        tpu.wait_indirect_dma semaphore(%arg11 : memref<!tpu.dma_semaphore, #tpu.memory_space<semaphore_mem>>) src(%dma_wait3A_177 : memref<10000x128xf32, #tpu.memory_space<hbm>>) dst(%arg8 : memref<128x128xf32, #tpu.memory_space<vmem>>)
        %run_scoped3A = arith.constant 2 : i32
        %run_scoped3A_178 = arith.constant 1 : i32
        "tpu.region"() ({
          %run_scoped3A_193 = tpu.sem_alloc : memref<!tpu.dma_semaphore, #tpu.memory_space<semaphore_mem>>
          %dma_start3A_194 = arith.constant 0 : i32
          %dma_start3A_195 = tpu.memref_slice %arg7[%run_scoped3A, %run_scoped3A_178, %dma_start3A_194] : memref<4x2x128xi32, #tpu.memory_space<vmem>> -> memref<1x1x128xi32, #tpu.memory_space<vmem>>
          %dma_start3A_196 = tpu.memref_squeeze %dma_start3A_195 : memref<1x1x128xi32, #tpu.memory_space<vmem>> -> memref<128xi32, #tpu.memory_space<vmem>>
          %dma_start3A_197 = arith.constant 0 : i32
          %dma_start3A_198 = arith.constant 0 : i32
          %dma_start3A_199 = tpu.memref_slice %arg10[%dma_start3A_197, %dma_start3A_198] : memref<10112x128xf32, #tpu.memory_space<vmem_shared>> -> memref<10112x128xf32, #tpu.memory_space<vmem_shared>>
          tpu.enqueue_indirect_dma source(%arg8 : memref<128x128xf32, #tpu.memory_space<vmem>>) target(%dma_start3A_199 : memref<10112x128xf32, #tpu.memory_space<vmem_shared>>) offsets(%dma_start3A_196 : memref<128xi32, #tpu.memory_space<vmem>>) semaphore(%run_scoped3A_193 : memref<!tpu.dma_semaphore, #tpu.memory_space<semaphore_mem>>) {add = true}
          %dma_wait3A_200 = arith.constant 0 : i32
          %dma_wait3A_201 = tpu.memref_slice %arg7[%run_scoped3A, %run_scoped3A_178, %dma_wait3A_200] : memref<4x2x128xi32, #tpu.memory_space<vmem>> -> memref<1x1x128xi32, #tpu.memory_space<vmem>>
          %dma_wait3A_202 = tpu.memref_squeeze %dma_wait3A_201 : memref<1x1x128xi32, #tpu.memory_space<vmem>> -> memref<128xi32, #tpu.memory_space<vmem>>
          %dma_wait3A_203 = arith.constant 0 : i32
          %dma_wait3A_204 = arith.constant 0 : i32
          %dma_wait3A_205 = tpu.memref_slice %arg10[%dma_wait3A_203, %dma_wait3A_204] : memref<10112x128xf32, #tpu.memory_space<vmem_shared>> -> memref<10112x128xf32, #tpu.memory_space<vmem_shared>>
          tpu.wait_indirect_dma semaphore(%run_scoped3A_193 : memref<!tpu.dma_semaphore, #tpu.memory_space<semaphore_mem>>) src(%arg8 : memref<128x128xf32, #tpu.memory_space<vmem>>) dst(%dma_wait3A_205 : memref<10112x128xf32, #tpu.memory_space<vmem_shared>>)
          tpu.yield
        }) : () -> ()
        %add3A_179 = arith.constant 4 : i32
        %add3A_180 = arith.addi %add3A_157, %add3A_179 : i32
        %lt3A_181 = arith.constant 79 : i32
        %lt3A_182 = arith.cmpi slt, %add3A_180, %lt3A_181 : i32
        %convert_element_type3A_183 = arith.extui %lt3A_182 : i1 to i32
        %cond3A_184 = arith.constant 0 : i32
        %cond3A_185 = arith.cmpi ne, %convert_element_type3A_183, %cond3A_184 : i32
        scf.if %cond3A_185 {
          %add3A_193 = arith.constant 4 : i32
          %add3A_194 = arith.addi %add3A_157, %add3A_193 : i32
          %dma_start3A_195 = arith.constant 2 : i32
          %dma_start3A_196 = arith.constant 0 : i32
          %dma_start3A_197 = arith.constant 0 : i32
          %dma_start3A_198 = tpu.memref_slice %arg7[%dma_start3A_195, %dma_start3A_196, %dma_start3A_197] : memref<4x2x128xi32, #tpu.memory_space<vmem>> -> memref<1x2x128xi32, #tpu.memory_space<vmem>>
          %dma_start3A_199 = tpu.memref_squeeze %dma_start3A_198 : memref<1x2x128xi32, #tpu.memory_space<vmem>> -> memref<2x128xi32, #tpu.memory_space<vmem>>
          %dma_start3A_200 = arith.constant 0 : i32
          %dma_start3A_201 = arith.constant 0 : i32
          %dma_start3A_202 = tpu.memref_slice %arg3[%add3A, %add3A_194, %dma_start3A_200, %dma_start3A_201] : memref<32x79x2x128xi32, #tpu.memory_space<hbm>> -> memref<1x1x2x128xi32, #tpu.memory_space<hbm>>
          %dma_start3A_203 = tpu.memref_squeeze %dma_start3A_202 : memref<1x1x2x128xi32, #tpu.memory_space<hbm>> -> memref<2x128xi32, #tpu.memory_space<hbm>>
          %dma_start3A_204 = arith.constant 0 : i32
          %dma_start3A_205 = arith.constant 0 : i32
          %dma_start3A_206 = tpu.memref_slice %arg7[%dma_start3A_195, %dma_start3A_204, %dma_start3A_205] : memref<4x2x128xi32, #tpu.memory_space<vmem>> -> memref<1x2x128xi32, #tpu.memory_space<vmem>>
          %dma_start3A_207 = tpu.memref_squeeze %dma_start3A_206 : memref<1x2x128xi32, #tpu.memory_space<vmem>> -> memref<2x128xi32, #tpu.memory_space<vmem>>
          %dma_start3A_208 = arith.constant 0 : i32
          %dma_start3A_209 = arith.constant 0 : i32
          %dma_start3A_210 = tpu.memref_slice %arg3[%add3A, %add3A_194, %dma_start3A_208, %dma_start3A_209] : memref<32x79x2x128xi32, #tpu.memory_space<hbm>> -> memref<1x1x2x128xi32, #tpu.memory_space<hbm>>
          %dma_start3A_211 = tpu.memref_squeeze %dma_start3A_210 : memref<1x1x2x128xi32, #tpu.memory_space<hbm>> -> memref<2x128xi32, #tpu.memory_space<hbm>>
          tpu.enqueue_dma source(%dma_start3A_211 : memref<2x128xi32, #tpu.memory_space<hbm>>) target(%dma_start3A_207 : memref<2x128xi32, #tpu.memory_space<vmem>>) target_semaphore(%arg15 : memref<!tpu.dma_semaphore, #tpu.memory_space<semaphore_mem>>)
        } else {
        }
        %add3A_186 = arith.constant 2 : i32
        %add3A_187 = arith.addi %add3A_157, %add3A_186 : i32
        %lt3A_188 = arith.constant 79 : i32
        %lt3A_189 = arith.cmpi slt, %add3A_187, %lt3A_188 : i32
        %convert_element_type3A_190 = arith.extui %lt3A_189 : i1 to i32
        %cond3A_191 = arith.constant 0 : i32
        %cond3A_192 = arith.cmpi ne, %convert_element_type3A_190, %cond3A_191 : i32
        scf.if %cond3A_192 {
          %dma_wait3A_193 = arith.constant 0 : i32
          %dma_wait3A_194 = arith.constant 0 : i32
          %dma_wait3A_195 = arith.constant 0 : i32
          %dma_wait3A_196 = arith.constant 0 : i32
          %dma_wait3A_197 = tpu.memref_slice %arg7[%dma_wait3A_194, %dma_wait3A_195, %dma_wait3A_196] : memref<4x2x128xi32, #tpu.memory_space<vmem>> -> memref<1x2x128xi32, #tpu.memory_space<vmem>>
          %dma_wait3A_198 = tpu.memref_squeeze %dma_wait3A_197 : memref<1x2x128xi32, #tpu.memory_space<vmem>> -> memref<2x128xi32, #tpu.memory_space<vmem>>
          %dma_wait3A_199 = arith.constant 0 : i32
          %dma_wait3A_200 = arith.constant 0 : i32
          %dma_wait3A_201 = tpu.memref_slice %arg3[%add3A, %dma_wait3A_193, %dma_wait3A_199, %dma_wait3A_200] : memref<32x79x2x128xi32, #tpu.memory_space<hbm>> -> memref<1x1x2x128xi32, #tpu.memory_space<hbm>>
          %dma_wait3A_202 = tpu.memref_squeeze %dma_wait3A_201 : memref<1x1x2x128xi32, #tpu.memory_space<hbm>> -> memref<2x128xi32, #tpu.memory_space<hbm>>
          %dma_wait3A_203 = arith.constant 0 : i32
          %dma_wait3A_204 = arith.constant 0 : i32
          %dma_wait3A_205 = tpu.memref_slice %arg7[%dma_wait3A_194, %dma_wait3A_203, %dma_wait3A_204] : memref<4x2x128xi32, #tpu.memory_space<vmem>> -> memref<1x2x128xi32, #tpu.memory_space<vmem>>
          %dma_wait3A_206 = tpu.memref_squeeze %dma_wait3A_205 : memref<1x2x128xi32, #tpu.memory_space<vmem>> -> memref<2x128xi32, #tpu.memory_space<vmem>>
          %dma_wait3A_207 = arith.constant 0 : i32
          %dma_wait3A_208 = arith.constant 0 : i32
          %dma_wait3A_209 = tpu.memref_slice %arg3[%add3A, %dma_wait3A_193, %dma_wait3A_207, %dma_wait3A_208] : memref<32x79x2x128xi32, #tpu.memory_space<hbm>> -> memref<1x1x2x128xi32, #tpu.memory_space<hbm>>
          %dma_wait3A_210 = tpu.memref_squeeze %dma_wait3A_209 : memref<1x1x2x128xi32, #tpu.memory_space<hbm>> -> memref<2x128xi32, #tpu.memory_space<hbm>>
          tpu.wait_dma2 semaphore(%arg13 : memref<!tpu.dma_semaphore, #tpu.memory_space<semaphore_mem>>) src(%dma_wait3A_210 : memref<2x128xi32, #tpu.memory_space<hbm>>) dst(%dma_wait3A_206 : memref<2x128xi32, #tpu.memory_space<vmem>>)
          %dma_start3A_211 = arith.constant 0 : i32
          %dma_start3A_212 = arith.constant 0 : i32
          %dma_start3A_213 = arith.constant 0 : i32
          %dma_start3A_214 = tpu.memref_slice %arg7[%dma_start3A_211, %dma_start3A_212, %dma_start3A_213] : memref<4x2x128xi32, #tpu.memory_space<vmem>> -> memref<1x1x128xi32, #tpu.memory_space<vmem>>
          %dma_start3A_215 = tpu.memref_squeeze %dma_start3A_214 : memref<1x1x128xi32, #tpu.memory_space<vmem>> -> memref<128xi32, #tpu.memory_space<vmem>>
          %dma_start3A_216 = arith.constant 0 : i32
          %dma_start3A_217 = arith.constant 0 : i32
          %dma_start3A_218 = tpu.memref_slice %arg2[%dma_start3A_216, %dma_start3A_217] : memref<10000x128xf32, #tpu.memory_space<hbm>> -> memref<10000x128xf32, #tpu.memory_space<hbm>>
          tpu.enqueue_indirect_dma source(%dma_start3A_218 : memref<10000x128xf32, #tpu.memory_space<hbm>>) target(%arg8 : memref<128x128xf32, #tpu.memory_space<vmem>>) offsets(%dma_start3A_215 : memref<128xi32, #tpu.memory_space<vmem>>) semaphore(%arg11 : memref<!tpu.dma_semaphore, #tpu.memory_space<semaphore_mem>>)
        } else {
        }
      } else {
      }
      %add3A_163 = arith.constant 3 : i32
      %add3A_164 = arith.addi %mul3A_142, %add3A_163 : i32
      %lt3A_165 = arith.constant 79 : i32
      %lt3A_166 = arith.cmpi slt, %add3A_164, %lt3A_165 : i32
      %convert_element_type3A_167 = arith.extui %lt3A_166 : i1 to i32
      %cond3A_168 = arith.constant 0 : i32
      %cond3A_169 = arith.cmpi ne, %convert_element_type3A_167, %cond3A_168 : i32
      scf.if %cond3A_169 {
        %dma_wait3A_170 = arith.constant 3 : i32
        %dma_wait3A_171 = arith.constant 0 : i32
        %dma_wait3A_172 = arith.constant 0 : i32
        %dma_wait3A_173 = tpu.memref_slice %arg7[%dma_wait3A_170, %dma_wait3A_171, %dma_wait3A_172] : memref<4x2x128xi32, #tpu.memory_space<vmem>> -> memref<1x1x128xi32, #tpu.memory_space<vmem>>
        %dma_wait3A_174 = tpu.memref_squeeze %dma_wait3A_173 : memref<1x1x128xi32, #tpu.memory_space<vmem>> -> memref<128xi32, #tpu.memory_space<vmem>>
        %dma_wait3A_175 = arith.constant 0 : i32
        %dma_wait3A_176 = arith.constant 0 : i32
        %dma_wait3A_177 = tpu.memref_slice %arg2[%dma_wait3A_175, %dma_wait3A_176] : memref<10000x128xf32, #tpu.memory_space<hbm>> -> memref<10000x128xf32, #tpu.memory_space<hbm>>
        tpu.wait_indirect_dma semaphore(%arg12 : memref<!tpu.dma_semaphore, #tpu.memory_space<semaphore_mem>>) src(%dma_wait3A_177 : memref<10000x128xf32, #tpu.memory_space<hbm>>) dst(%arg9 : memref<128x128xf32, #tpu.memory_space<vmem>>)
        %run_scoped3A = arith.constant 3 : i32
        %run_scoped3A_178 = arith.constant 1 : i32
        "tpu.region"() ({
          %run_scoped3A_193 = tpu.sem_alloc : memref<!tpu.dma_semaphore, #tpu.memory_space<semaphore_mem>>
          %dma_start3A_194 = arith.constant 0 : i32
          %dma_start3A_195 = tpu.memref_slice %arg7[%run_scoped3A, %run_scoped3A_178, %dma_start3A_194] : memref<4x2x128xi32, #tpu.memory_space<vmem>> -> memref<1x1x128xi32, #tpu.memory_space<vmem>>
          %dma_start3A_196 = tpu.memref_squeeze %dma_start3A_195 : memref<1x1x128xi32, #tpu.memory_space<vmem>> -> memref<128xi32, #tpu.memory_space<vmem>>
          %dma_start3A_197 = arith.constant 0 : i32
          %dma_start3A_198 = arith.constant 0 : i32
          %dma_start3A_199 = tpu.memref_slice %arg10[%dma_start3A_197, %dma_start3A_198] : memref<10112x128xf32, #tpu.memory_space<vmem_shared>> -> memref<10112x128xf32, #tpu.memory_space<vmem_shared>>
          tpu.enqueue_indirect_dma source(%arg9 : memref<128x128xf32, #tpu.memory_space<vmem>>) target(%dma_start3A_199 : memref<10112x128xf32, #tpu.memory_space<vmem_shared>>) offsets(%dma_start3A_196 : memref<128xi32, #tpu.memory_space<vmem>>) semaphore(%run_scoped3A_193 : memref<!tpu.dma_semaphore, #tpu.memory_space<semaphore_mem>>) {add = true}
          %dma_wait3A_200 = arith.constant 0 : i32
          %dma_wait3A_201 = tpu.memref_slice %arg7[%run_scoped3A, %run_scoped3A_178, %dma_wait3A_200] : memref<4x2x128xi32, #tpu.memory_space<vmem>> -> memref<1x1x128xi32, #tpu.memory_space<vmem>>
          %dma_wait3A_202 = tpu.memref_squeeze %dma_wait3A_201 : memref<1x1x128xi32, #tpu.memory_space<vmem>> -> memref<128xi32, #tpu.memory_space<vmem>>
          %dma_wait3A_203 = arith.constant 0 : i32
          %dma_wait3A_204 = arith.constant 0 : i32
          %dma_wait3A_205 = tpu.memref_slice %arg10[%dma_wait3A_203, %dma_wait3A_204] : memref<10112x128xf32, #tpu.memory_space<vmem_shared>> -> memref<10112x128xf32, #tpu.memory_space<vmem_shared>>
          tpu.wait_indirect_dma semaphore(%run_scoped3A_193 : memref<!tpu.dma_semaphore, #tpu.memory_space<semaphore_mem>>) src(%arg9 : memref<128x128xf32, #tpu.memory_space<vmem>>) dst(%dma_wait3A_205 : memref<10112x128xf32, #tpu.memory_space<vmem_shared>>)
          tpu.yield
        }) : () -> ()
        %add3A_179 = arith.constant 4 : i32
        %add3A_180 = arith.addi %add3A_164, %add3A_179 : i32
        %lt3A_181 = arith.constant 79 : i32
        %lt3A_182 = arith.cmpi slt, %add3A_180, %lt3A_181 : i32
        %convert_element_type3A_183 = arith.extui %lt3A_182 : i1 to i32
        %cond3A_184 = arith.constant 0 : i32
        %cond3A_185 = arith.cmpi ne, %convert_element_type3A_183, %cond3A_184 : i32
        scf.if %cond3A_185 {
          %add3A_193 = arith.constant 4 : i32
          %add3A_194 = arith.addi %add3A_164, %add3A_193 : i32
          %dma_start3A_195 = arith.constant 3 : i32
          %dma_start3A_196 = arith.constant 0 : i32
          %dma_start3A_197 = arith.constant 0 : i32
          %dma_start3A_198 = tpu.memref_slice %arg7[%dma_start3A_195, %dma_start3A_196, %dma_start3A_197] : memref<4x2x128xi32, #tpu.memory_space<vmem>> -> memref<1x2x128xi32, #tpu.memory_space<vmem>>
          %dma_start3A_199 = tpu.memref_squeeze %dma_start3A_198 : memref<1x2x128xi32, #tpu.memory_space<vmem>> -> memref<2x128xi32, #tpu.memory_space<vmem>>
          %dma_start3A_200 = arith.constant 0 : i32
          %dma_start3A_201 = arith.constant 0 : i32
          %dma_start3A_202 = tpu.memref_slice %arg3[%add3A, %add3A_194, %dma_start3A_200, %dma_start3A_201] : memref<32x79x2x128xi32, #tpu.memory_space<hbm>> -> memref<1x1x2x128xi32, #tpu.memory_space<hbm>>
          %dma_start3A_203 = tpu.memref_squeeze %dma_start3A_202 : memref<1x1x2x128xi32, #tpu.memory_space<hbm>> -> memref<2x128xi32, #tpu.memory_space<hbm>>
          %dma_start3A_204 = arith.constant 0 : i32
          %dma_start3A_205 = arith.constant 0 : i32
          %dma_start3A_206 = tpu.memref_slice %arg7[%dma_start3A_195, %dma_start3A_204, %dma_start3A_205] : memref<4x2x128xi32, #tpu.memory_space<vmem>> -> memref<1x2x128xi32, #tpu.memory_space<vmem>>
          %dma_start3A_207 = tpu.memref_squeeze %dma_start3A_206 : memref<1x2x128xi32, #tpu.memory_space<vmem>> -> memref<2x128xi32, #tpu.memory_space<vmem>>
          %dma_start3A_208 = arith.constant 0 : i32
          %dma_start3A_209 = arith.constant 0 : i32
          %dma_start3A_210 = tpu.memref_slice %arg3[%add3A, %add3A_194, %dma_start3A_208, %dma_start3A_209] : memref<32x79x2x128xi32, #tpu.memory_space<hbm>> -> memref<1x1x2x128xi32, #tpu.memory_space<hbm>>
          %dma_start3A_211 = tpu.memref_squeeze %dma_start3A_210 : memref<1x1x2x128xi32, #tpu.memory_space<hbm>> -> memref<2x128xi32, #tpu.memory_space<hbm>>
          tpu.enqueue_dma source(%dma_start3A_211 : memref<2x128xi32, #tpu.memory_space<hbm>>) target(%dma_start3A_207 : memref<2x128xi32, #tpu.memory_space<vmem>>) target_semaphore(%arg16 : memref<!tpu.dma_semaphore, #tpu.memory_space<semaphore_mem>>)
        } else {
        }
        %add3A_186 = arith.constant 2 : i32
        %add3A_187 = arith.addi %add3A_164, %add3A_186 : i32
        %lt3A_188 = arith.constant 79 : i32
        %lt3A_189 = arith.cmpi slt, %add3A_187, %lt3A_188 : i32
        %convert_element_type3A_190 = arith.extui %lt3A_189 : i1 to i32
        %cond3A_191 = arith.constant 0 : i32
        %cond3A_192 = arith.cmpi ne, %convert_element_type3A_190, %cond3A_191 : i32
        scf.if %cond3A_192 {
          %dma_wait3A_193 = arith.constant 0 : i32
          %dma_wait3A_194 = arith.constant 1 : i32
          %dma_wait3A_195 = arith.constant 0 : i32
          %dma_wait3A_196 = arith.constant 0 : i32
          %dma_wait3A_197 = tpu.memref_slice %arg7[%dma_wait3A_194, %dma_wait3A_195, %dma_wait3A_196] : memref<4x2x128xi32, #tpu.memory_space<vmem>> -> memref<1x2x128xi32, #tpu.memory_space<vmem>>
          %dma_wait3A_198 = tpu.memref_squeeze %dma_wait3A_197 : memref<1x2x128xi32, #tpu.memory_space<vmem>> -> memref<2x128xi32, #tpu.memory_space<vmem>>
          %dma_wait3A_199 = arith.constant 0 : i32
          %dma_wait3A_200 = arith.constant 0 : i32
          %dma_wait3A_201 = tpu.memref_slice %arg3[%add3A, %dma_wait3A_193, %dma_wait3A_199, %dma_wait3A_200] : memref<32x79x2x128xi32, #tpu.memory_space<hbm>> -> memref<1x1x2x128xi32, #tpu.memory_space<hbm>>
          %dma_wait3A_202 = tpu.memref_squeeze %dma_wait3A_201 : memref<1x1x2x128xi32, #tpu.memory_space<hbm>> -> memref<2x128xi32, #tpu.memory_space<hbm>>
          %dma_wait3A_203 = arith.constant 0 : i32
          %dma_wait3A_204 = arith.constant 0 : i32
          %dma_wait3A_205 = tpu.memref_slice %arg7[%dma_wait3A_194, %dma_wait3A_203, %dma_wait3A_204] : memref<4x2x128xi32, #tpu.memory_space<vmem>> -> memref<1x2x128xi32, #tpu.memory_space<vmem>>
          %dma_wait3A_206 = tpu.memref_squeeze %dma_wait3A_205 : memref<1x2x128xi32, #tpu.memory_space<vmem>> -> memref<2x128xi32, #tpu.memory_space<vmem>>
          %dma_wait3A_207 = arith.constant 0 : i32
          %dma_wait3A_208 = arith.constant 0 : i32
          %dma_wait3A_209 = tpu.memref_slice %arg3[%add3A, %dma_wait3A_193, %dma_wait3A_207, %dma_wait3A_208] : memref<32x79x2x128xi32, #tpu.memory_space<hbm>> -> memref<1x1x2x128xi32, #tpu.memory_space<hbm>>
          %dma_wait3A_210 = tpu.memref_squeeze %dma_wait3A_209 : memref<1x1x2x128xi32, #tpu.memory_space<hbm>> -> memref<2x128xi32, #tpu.memory_space<hbm>>
          tpu.wait_dma2 semaphore(%arg14 : memref<!tpu.dma_semaphore, #tpu.memory_space<semaphore_mem>>) src(%dma_wait3A_210 : memref<2x128xi32, #tpu.memory_space<hbm>>) dst(%dma_wait3A_206 : memref<2x128xi32, #tpu.memory_space<vmem>>)
          %dma_start3A_211 = arith.constant 1 : i32
          %dma_start3A_212 = arith.constant 0 : i32
          %dma_start3A_213 = arith.constant 0 : i32
          %dma_start3A_214 = tpu.memref_slice %arg7[%dma_start3A_211, %dma_start3A_212, %dma_start3A_213] : memref<4x2x128xi32, #tpu.memory_space<vmem>> -> memref<1x1x128xi32, #tpu.memory_space<vmem>>
          %dma_start3A_215 = tpu.memref_squeeze %dma_start3A_214 : memref<1x1x128xi32, #tpu.memory_space<vmem>> -> memref<128xi32, #tpu.memory_space<vmem>>
          %dma_start3A_216 = arith.constant 0 : i32
          %dma_start3A_217 = arith.constant 0 : i32
          %dma_start3A_218 = tpu.memref_slice %arg2[%dma_start3A_216, %dma_start3A_217] : memref<10000x128xf32, #tpu.memory_space<hbm>> -> memref<10000x128xf32, #tpu.memory_space<hbm>>
          tpu.enqueue_indirect_dma source(%dma_start3A_218 : memref<10000x128xf32, #tpu.memory_space<hbm>>) target(%arg9 : memref<128x128xf32, #tpu.memory_space<vmem>>) offsets(%dma_start3A_215 : memref<128xi32, #tpu.memory_space<vmem>>) semaphore(%arg12 : memref<!tpu.dma_semaphore, #tpu.memory_space<semaphore_mem>>)
        } else {
        }
      } else {
      }
    }
    %scan3A_129 = arith.constant 20 : i32
    %barrier3A_130 = arith.constant 0 : index
    tpu.barrier barrier_id(%barrier3A_130)
    %mul3A_131 = arith.constant 632 : i32
    %mul3A_132 = arith.muli %arg1, %mul3A_131 : i32
    %eq3A = arith.constant 0 : i32
    %eq3A_133 = arith.cmpi eq, %arg0, %eq3A : i32
    %convert_element_type3A = arith.extui %eq3A_133 : i1 to i32
    %cond3A = arith.constant 0 : i32
    %cond3A_134 = arith.cmpi ne, %convert_element_type3A, %cond3A : i32
    scf.if %cond3A_134 {
      "tpu.region"() ({
        %run_scoped3A = tpu.sem_alloc : memref<!tpu.dma_semaphore, #tpu.memory_space<semaphore_mem>>
        %dma_start3A_140 = arith.constant 0 : i32
        %dma_start3A_141 = tpu.memref_slice %arg5[%mul3A_132, %dma_start3A_140] : memref<10112x128xf32, #tpu.memory_space<hbm>> -> memref<632x128xf32, #tpu.memory_space<hbm>>
        %dma_start3A_142 = arith.constant 0 : i32
        %dma_start3A_143 = tpu.memref_slice %arg10[%mul3A_132, %dma_start3A_142] : memref<10112x128xf32, #tpu.memory_space<vmem_shared>> -> memref<632x128xf32, #tpu.memory_space<vmem_shared>>
        tpu.enqueue_dma source(%dma_start3A_143 : memref<632x128xf32, #tpu.memory_space<vmem_shared>>) target(%dma_start3A_141 : memref<632x128xf32, #tpu.memory_space<hbm>>) target_semaphore(%run_scoped3A : memref<!tpu.dma_semaphore, #tpu.memory_space<semaphore_mem>>)
        %dma_wait3A_144 = arith.constant 0 : i32
        %dma_wait3A_145 = tpu.memref_slice %arg5[%mul3A_132, %dma_wait3A_144] : memref<10112x128xf32, #tpu.memory_space<hbm>> -> memref<632x128xf32, #tpu.memory_space<hbm>>
        %dma_wait3A_146 = arith.constant 0 : i32
        %dma_wait3A_147 = tpu.memref_slice %arg10[%mul3A_132, %dma_wait3A_146] : memref<10112x128xf32, #tpu.memory_space<vmem_shared>> -> memref<632x128xf32, #tpu.memory_space<vmem_shared>>
        tpu.wait_dma2 semaphore(%run_scoped3A : memref<!tpu.dma_semaphore, #tpu.memory_space<semaphore_mem>>) src(%dma_wait3A_147 : memref<632x128xf32, #tpu.memory_space<vmem_shared>>) dst(%dma_wait3A_145 : memref<632x128xf32, #tpu.memory_space<hbm>>)
        tpu.yield
      }) : () -> ()
    } else {
    }
    %eq3A_135 = arith.constant 1 : i32
    %eq3A_136 = arith.cmpi eq, %arg0, %eq3A_135 : i32
    %convert_element_type3A_137 = arith.extui %eq3A_136 : i1 to i32
    %cond3A_138 = arith.constant 0 : i32
    %cond3A_139 = arith.cmpi ne, %convert_element_type3A_137, %cond3A_138 : i32
    scf.if %cond3A_139 {
      "tpu.region"() ({
        %run_scoped3A = tpu.sem_alloc : memref<!tpu.dma_semaphore, #tpu.memory_space<semaphore_mem>>
        %dma_start3A_140 = arith.constant 0 : i32
        %dma_start3A_141 = tpu.memref_slice %arg6[%mul3A_132, %dma_start3A_140] : memref<10112x128xf32, #tpu.memory_space<hbm>> -> memref<632x128xf32, #tpu.memory_space<hbm>>
        %dma_start3A_142 = arith.constant 0 : i32
        %dma_start3A_143 = tpu.memref_slice %arg10[%mul3A_132, %dma_start3A_142] : memref<10112x128xf32, #tpu.memory_space<vmem_shared>> -> memref<632x128xf32, #tpu.memory_space<vmem_shared>>
        tpu.enqueue_dma source(%dma_start3A_143 : memref<632x128xf32, #tpu.memory_space<vmem_shared>>) target(%dma_start3A_141 : memref<632x128xf32, #tpu.memory_space<hbm>>) target_semaphore(%run_scoped3A : memref<!tpu.dma_semaphore, #tpu.memory_space<semaphore_mem>>)
        %dma_wait3A_144 = arith.constant 0 : i32
        %dma_wait3A_145 = tpu.memref_slice %arg6[%mul3A_132, %dma_wait3A_144] : memref<10112x128xf32, #tpu.memory_space<hbm>> -> memref<632x128xf32, #tpu.memory_space<hbm>>
        %dma_wait3A_146 = arith.constant 0 : i32
        %dma_wait3A_147 = tpu.memref_slice %arg10[%mul3A_132, %dma_wait3A_146] : memref<10112x128xf32, #tpu.memory_space<vmem_shared>> -> memref<632x128xf32, #tpu.memory_space<vmem_shared>>
        tpu.wait_dma2 semaphore(%run_scoped3A : memref<!tpu.dma_semaphore, #tpu.memory_space<semaphore_mem>>) src(%dma_wait3A_147 : memref<632x128xf32, #tpu.memory_space<vmem_shared>>) dst(%dma_wait3A_145 : memref<632x128xf32, #tpu.memory_space<hbm>>)
        tpu.yield
      }) : () -> ()
    } else {
    }
    return
  }
}

#map = affine_map<(d0, d1) -> (0, 0)>
#map1 = affine_map<(d0, d1) -> (0, 0, 0, 0)>
module attributes {stable_mosaic.version = 14 : i64} {
  func.func @_agg_sc(%arg0: i32, %arg1: i32, %arg2: memref<10000x128xf32, #tpu.memory_space<hbm>>, %arg3: memref<32x79x2x128xi32, #tpu.memory_space<hbm>>, %arg4: memref<632x128xf32, #tpu.memory_space<hbm>>, %arg5: memref<10112x128xf32, #tpu.memory_space<hbm>>, %arg6: memref<10112x128xf32, #tpu.memory_space<hbm>>, %arg7: memref<4x2x128xi32, #tpu.memory_space<vmem>>, %arg8: memref<128x128xf32, #tpu.memory_space<vmem>>, %arg9: memref<128x128xf32, #tpu.memory_space<vmem>>, %arg10: memref<10112x128xf32, #tpu.memory_space<vmem_shared>>, %arg11: memref<!tpu.dma_semaphore, #tpu.memory_space<semaphore_mem>>, %arg12: memref<!tpu.dma_semaphore, #tpu.memory_space<semaphore_mem>>, %arg13: memref<!tpu.dma_semaphore, #tpu.memory_space<semaphore_mem>>, %arg14: memref<!tpu.dma_semaphore, #tpu.memory_space<semaphore_mem>>, %arg15: memref<!tpu.dma_semaphore, #tpu.memory_space<semaphore_mem>>, %arg16: memref<!tpu.dma_semaphore, #tpu.memory_space<semaphore_mem>>) attributes {dimension_semantics = [#tpu.dimension_semantics<core_parallel>, #tpu.dimension_semantics<subcore_parallel>], iteration_bounds = array<i64: 2, 16>, scalar_prefetch = 0 : i64, scratch_operands = 10 : i64, tpu.core_type = #tpu.core_type<sc_vector_subcore>, window_params = [{transform_indices = #map}, {transform_indices = #map1}, {transform_indices = #map}, {transform_indices = #map}, {transform_indices = #map}]} {
    %mul3A = arith.constant 2 : i32
    %mul3A_0 = arith.muli %arg1, %mul3A : i32
    %add3A = arith.addi %mul3A_0, %arg0 : i32
    %mul3A_1 = arith.constant 632 : i32
    %mul3A_2 = arith.muli %arg1, %mul3A_1 : i32
    "tpu.region"() ({
      %run_scoped3A = tpu.sem_alloc : memref<!tpu.dma_semaphore, #tpu.memory_space<semaphore_mem>>
      %dma_start3A_140 = arith.constant 0 : i32
      %dma_start3A_141 = tpu.memref_slice %arg10[%mul3A_2, %dma_start3A_140] : memref<10112x128xf32, #tpu.memory_space<vmem_shared>> -> memref<632x128xf32, #tpu.memory_space<vmem_shared>>
      tpu.enqueue_dma source(%arg4 : memref<632x128xf32, #tpu.memory_space<hbm>>) target(%dma_start3A_141 : memref<632x128xf32, #tpu.memory_space<vmem_shared>>) target_semaphore(%run_scoped3A : memref<!tpu.dma_semaphore, #tpu.memory_space<semaphore_mem>>)
      %dma_wait3A_142 = arith.constant 0 : i32
      %dma_wait3A_143 = tpu.memref_slice %arg10[%mul3A_2, %dma_wait3A_142] : memref<10112x128xf32, #tpu.memory_space<vmem_shared>> -> memref<632x128xf32, #tpu.memory_space<vmem_shared>>
      tpu.wait_dma2 semaphore(%run_scoped3A : memref<!tpu.dma_semaphore, #tpu.memory_space<semaphore_mem>>) src(%arg4 : memref<632x128xf32, #tpu.memory_space<hbm>>) dst(%dma_wait3A_143 : memref<632x128xf32, #tpu.memory_space<vmem_shared>>)
      tpu.yield
    }) : () -> ()
    %barrier3A = arith.constant 0 : index
    tpu.barrier barrier_id(%barrier3A)
    %dma_start3A = arith.constant 0 : i32
    %dma_start3A_3 = arith.constant 0 : i32
    %dma_start3A_4 = arith.constant 0 : i32
    %dma_start3A_5 = arith.constant 0 : i32
    %dma_start3A_6 = tpu.memref_slice %arg7[%dma_start3A_3, %dma_start3A_4, %dma_start3A_5] : memref<4x2x128xi32, #tpu.memory_space<vmem>> -> memref<1x2x128xi32, #tpu.memory_space<vmem>>
    %dma_start3A_7 = tpu.memref_squeeze %dma_start3A_6 : memref<1x2x128xi32, #tpu.memory_space<vmem>> -> memref<2x128xi32, #tpu.memory_space<vmem>>
    %dma_start3A_8 = arith.constant 0 : i32
    %dma_start3A_9 = arith.constant 0 : i32
    %dma_start3A_10 = tpu.memref_slice %arg3[%add3A, %dma_start3A, %dma_start3A_8, %dma_start3A_9] : memref<32x79x2x128xi32, #tpu.memory_space<hbm>> -> memref<1x1x2x128xi32, #tpu.memory_space<hbm>>
    %dma_start3A_11 = tpu.memref_squeeze %dma_start3A_10 : memref<1x1x2x128xi32, #tpu.memory_space<hbm>> -> memref<2x128xi32, #tpu.memory_space<hbm>>
    %dma_start3A_12 = arith.constant 0 : i32
    %dma_start3A_13 = arith.constant 0 : i32
    %dma_start3A_14 = tpu.memref_slice %arg7[%dma_start3A_3, %dma_start3A_12, %dma_start3A_13] : memref<4x2x128xi32, #tpu.memory_space<vmem>> -> memref<1x2x128xi32, #tpu.memory_space<vmem>>
    %dma_start3A_15 = tpu.memref_squeeze %dma_start3A_14 : memref<1x2x128xi32, #tpu.memory_space<vmem>> -> memref<2x128xi32, #tpu.memory_space<vmem>>
    %dma_start3A_16 = arith.constant 0 : i32
    %dma_start3A_17 = arith.constant 0 : i32
    %dma_start3A_18 = tpu.memref_slice %arg3[%add3A, %dma_start3A, %dma_start3A_16, %dma_start3A_17] : memref<32x79x2x128xi32, #tpu.memory_space<hbm>> -> memref<1x1x2x128xi32, #tpu.memory_space<hbm>>
    %dma_start3A_19 = tpu.memref_squeeze %dma_start3A_18 : memref<1x1x2x128xi32, #tpu.memory_space<hbm>> -> memref<2x128xi32, #tpu.memory_space<hbm>>
    tpu.enqueue_dma source(%dma_start3A_19 : memref<2x128xi32, #tpu.memory_space<hbm>>) target(%dma_start3A_15 : memref<2x128xi32, #tpu.memory_space<vmem>>) target_semaphore(%arg13 : memref<!tpu.dma_semaphore, #tpu.memory_space<semaphore_mem>>)
    %dma_start3A_20 = arith.constant 1 : i32
    %dma_start3A_21 = arith.constant 1 : i32
    %dma_start3A_22 = arith.constant 0 : i32
    %dma_start3A_23 = arith.constant 0 : i32
    %dma_start3A_24 = tpu.memref_slice %arg7[%dma_start3A_21, %dma_start3A_22, %dma_start3A_23] : memref<4x2x128xi32, #tpu.memory_space<vmem>> -> memref<1x2x128xi32, #tpu.memory_space<vmem>>
    %dma_start3A_25 = tpu.memref_squeeze %dma_start3A_24 : memref<1x2x128xi32, #tpu.memory_space<vmem>> -> memref<2x128xi32, #tpu.memory_space<vmem>>
    %dma_start3A_26 = arith.constant 0 : i32
    %dma_start3A_27 = arith.constant 0 : i32
    %dma_start3A_28 = tpu.memref_slice %arg3[%add3A, %dma_start3A_20, %dma_start3A_26, %dma_start3A_27] : memref<32x79x2x128xi32, #tpu.memory_space<hbm>> -> memref<1x1x2x128xi32, #tpu.memory_space<hbm>>
    %dma_start3A_29 = tpu.memref_squeeze %dma_start3A_28 : memref<1x1x2x128xi32, #tpu.memory_space<hbm>> -> memref<2x128xi32, #tpu.memory_space<hbm>>
    %dma_start3A_30 = arith.constant 0 : i32
    %dma_start3A_31 = arith.constant 0 : i32
    %dma_start3A_32 = tpu.memref_slice %arg7[%dma_start3A_21, %dma_start3A_30, %dma_start3A_31] : memref<4x2x128xi32, #tpu.memory_space<vmem>> -> memref<1x2x128xi32, #tpu.memory_space<vmem>>
    %dma_start3A_33 = tpu.memref_squeeze %dma_start3A_32 : memref<1x2x128xi32, #tpu.memory_space<vmem>> -> memref<2x128xi32, #tpu.memory_space<vmem>>
    %dma_start3A_34 = arith.constant 0 : i32
    %dma_start3A_35 = arith.constant 0 : i32
    %dma_start3A_36 = tpu.memref_slice %arg3[%add3A, %dma_start3A_20, %dma_start3A_34, %dma_start3A_35] : memref<32x79x2x128xi32, #tpu.memory_space<hbm>> -> memref<1x1x2x128xi32, #tpu.memory_space<hbm>>
    %dma_start3A_37 = tpu.memref_squeeze %dma_start3A_36 : memref<1x1x2x128xi32, #tpu.memory_space<hbm>> -> memref<2x128xi32, #tpu.memory_space<hbm>>
    tpu.enqueue_dma source(%dma_start3A_37 : memref<2x128xi32, #tpu.memory_space<hbm>>) target(%dma_start3A_33 : memref<2x128xi32, #tpu.memory_space<vmem>>) target_semaphore(%arg14 : memref<!tpu.dma_semaphore, #tpu.memory_space<semaphore_mem>>)
    %dma_start3A_38 = arith.constant 2 : i32
    %dma_start3A_39 = arith.constant 2 : i32
    %dma_start3A_40 = arith.constant 0 : i32
    %dma_start3A_41 = arith.constant 0 : i32
    %dma_start3A_42 = tpu.memref_slice %arg7[%dma_start3A_39, %dma_start3A_40, %dma_start3A_41] : memref<4x2x128xi32, #tpu.memory_space<vmem>> -> memref<1x2x128xi32, #tpu.memory_space<vmem>>
    %dma_start3A_43 = tpu.memref_squeeze %dma_start3A_42 : memref<1x2x128xi32, #tpu.memory_space<vmem>> -> memref<2x128xi32, #tpu.memory_space<vmem>>
    %dma_start3A_44 = arith.constant 0 : i32
    %dma_start3A_45 = arith.constant 0 : i32
    %dma_start3A_46 = tpu.memref_slice %arg3[%add3A, %dma_start3A_38, %dma_start3A_44, %dma_start3A_45] : memref<32x79x2x128xi32, #tpu.memory_space<hbm>> -> memref<1x1x2x128xi32, #tpu.memory_space<hbm>>
    %dma_start3A_47 = tpu.memref_squeeze %dma_start3A_46 : memref<1x1x2x128xi32, #tpu.memory_space<hbm>> -> memref<2x128xi32, #tpu.memory_space<hbm>>
    %dma_start3A_48 = arith.constant 0 : i32
    %dma_start3A_49 = arith.constant 0 : i32
    %dma_start3A_50 = tpu.memref_slice %arg7[%dma_start3A_39, %dma_start3A_48, %dma_start3A_49] : memref<4x2x128xi32, #tpu.memory_space<vmem>> -> memref<1x2x128xi32, #tpu.memory_space<vmem>>
    %dma_start3A_51 = tpu.memref_squeeze %dma_start3A_50 : memref<1x2x128xi32, #tpu.memory_space<vmem>> -> memref<2x128xi32, #tpu.memory_space<vmem>>
    %dma_start3A_52 = arith.constant 0 : i32
    %dma_start3A_53 = arith.constant 0 : i32
    %dma_start3A_54 = tpu.memref_slice %arg3[%add3A, %dma_start3A_38, %dma_start3A_52, %dma_start3A_53] : memref<32x79x2x128xi32, #tpu.memory_space<hbm>> -> memref<1x1x2x128xi32, #tpu.memory_space<hbm>>
    %dma_start3A_55 = tpu.memref_squeeze %dma_start3A_54 : memref<1x1x2x128xi32, #tpu.memory_space<hbm>> -> memref<2x128xi32, #tpu.memory_space<hbm>>
    tpu.enqueue_dma source(%dma_start3A_55 : memref<2x128xi32, #tpu.memory_space<hbm>>) target(%dma_start3A_51 : memref<2x128xi32, #tpu.memory_space<vmem>>) target_semaphore(%arg15 : memref<!tpu.dma_semaphore, #tpu.memory_space<semaphore_mem>>)
    %dma_start3A_56 = arith.constant 3 : i32
    %dma_start3A_57 = arith.constant 3 : i32
    %dma_start3A_58 = arith.constant 0 : i32
    %dma_start3A_59 = arith.constant 0 : i32
    %dma_start3A_60 = tpu.memref_slice %arg7[%dma_start3A_57, %dma_start3A_58, %dma_start3A_59] : memref<4x2x128xi32, #tpu.memory_space<vmem>> -> memref<1x2x128xi32, #tpu.memory_space<vmem>>
    %dma_start3A_61 = tpu.memref_squeeze %dma_start3A_60 : memref<1x2x128xi32, #tpu.memory_space<vmem>> -> memref<2x128xi32, #tpu.memory_space<vmem>>
    %dma_start3A_62 = arith.constant 0 : i32
    %dma_start3A_63 = arith.constant 0 : i32
    %dma_start3A_64 = tpu.memref_slice %arg3[%add3A, %dma_start3A_56, %dma_start3A_62, %dma_start3A_63] : memref<32x79x2x128xi32, #tpu.memory_space<hbm>> -> memref<1x1x2x128xi32, #tpu.memory_space<hbm>>
    %dma_start3A_65 = tpu.memref_squeeze %dma_start3A_64 : memref<1x1x2x128xi32, #tpu.memory_space<hbm>> -> memref<2x128xi32, #tpu.memory_space<hbm>>
    %dma_start3A_66 = arith.constant 0 : i32
    %dma_start3A_67 = arith.constant 0 : i32
    %dma_start3A_68 = tpu.memref_slice %arg7[%dma_start3A_57, %dma_start3A_66, %dma_start3A_67] : memref<4x2x128xi32, #tpu.memory_space<vmem>> -> memref<1x2x128xi32, #tpu.memory_space<vmem>>
    %dma_start3A_69 = tpu.memref_squeeze %dma_start3A_68 : memref<1x2x128xi32, #tpu.memory_space<vmem>> -> memref<2x128xi32, #tpu.memory_space<vmem>>
    %dma_start3A_70 = arith.constant 0 : i32
    %dma_start3A_71 = arith.constant 0 : i32
    %dma_start3A_72 = tpu.memref_slice %arg3[%add3A, %dma_start3A_56, %dma_start3A_70, %dma_start3A_71] : memref<32x79x2x128xi32, #tpu.memory_space<hbm>> -> memref<1x1x2x128xi32, #tpu.memory_space<hbm>>
    %dma_start3A_73 = tpu.memref_squeeze %dma_start3A_72 : memref<1x1x2x128xi32, #tpu.memory_space<hbm>> -> memref<2x128xi32, #tpu.memory_space<hbm>>
    tpu.enqueue_dma source(%dma_start3A_73 : memref<2x128xi32, #tpu.memory_space<hbm>>) target(%dma_start3A_69 : memref<2x128xi32, #tpu.memory_space<vmem>>) target_semaphore(%arg16 : memref<!tpu.dma_semaphore, #tpu.memory_space<semaphore_mem>>)
    %dma_wait3A = arith.constant 0 : i32
    %dma_wait3A_74 = arith.constant 0 : i32
    %dma_wait3A_75 = arith.constant 0 : i32
    %dma_wait3A_76 = arith.constant 0 : i32
    %dma_wait3A_77 = tpu.memref_slice %arg7[%dma_wait3A_74, %dma_wait3A_75, %dma_wait3A_76] : memref<4x2x128xi32, #tpu.memory_space<vmem>> -> memref<1x2x128xi32, #tpu.memory_space<vmem>>
    %dma_wait3A_78 = tpu.memref_squeeze %dma_wait3A_77 : memref<1x2x128xi32, #tpu.memory_space<vmem>> -> memref<2x128xi32, #tpu.memory_space<vmem>>
    %dma_wait3A_79 = arith.constant 0 : i32
    %dma_wait3A_80 = arith.constant 0 : i32
    %dma_wait3A_81 = tpu.memref_slice %arg3[%add3A, %dma_wait3A, %dma_wait3A_79, %dma_wait3A_80] : memref<32x79x2x128xi32, #tpu.memory_space<hbm>> -> memref<1x1x2x128xi32, #tpu.memory_space<hbm>>
    %dma_wait3A_82 = tpu.memref_squeeze %dma_wait3A_81 : memref<1x1x2x128xi32, #tpu.memory_space<hbm>> -> memref<2x128xi32, #tpu.memory_space<hbm>>
    %dma_wait3A_83 = arith.constant 0 : i32
    %dma_wait3A_84 = arith.constant 0 : i32
    %dma_wait3A_85 = tpu.memref_slice %arg7[%dma_wait3A_74, %dma_wait3A_83, %dma_wait3A_84] : memref<4x2x128xi32, #tpu.memory_space<vmem>> -> memref<1x2x128xi32, #tpu.memory_space<vmem>>
    %dma_wait3A_86 = tpu.memref_squeeze %dma_wait3A_85 : memref<1x2x128xi32, #tpu.memory_space<vmem>> -> memref<2x128xi32, #tpu.memory_space<vmem>>
    %dma_wait3A_87 = arith.constant 0 : i32
    %dma_wait3A_88 = arith.constant 0 : i32
    %dma_wait3A_89 = tpu.memref_slice %arg3[%add3A, %dma_wait3A, %dma_wait3A_87, %dma_wait3A_88] : memref<32x79x2x128xi32, #tpu.memory_space<hbm>> -> memref<1x1x2x128xi32, #tpu.memory_space<hbm>>
    %dma_wait3A_90 = tpu.memref_squeeze %dma_wait3A_89 : memref<1x1x2x128xi32, #tpu.memory_space<hbm>> -> memref<2x128xi32, #tpu.memory_space<hbm>>
    tpu.wait_dma2 semaphore(%arg13 : memref<!tpu.dma_semaphore, #tpu.memory_space<semaphore_mem>>) src(%dma_wait3A_90 : memref<2x128xi32, #tpu.memory_space<hbm>>) dst(%dma_wait3A_86 : memref<2x128xi32, #tpu.memory_space<vmem>>)
    %dma_start3A_91 = arith.constant 0 : i32
    %dma_start3A_92 = arith.constant 0 : i32
    %dma_start3A_93 = arith.constant 0 : i32
    %dma_start3A_94 = tpu.memref_slice %arg7[%dma_start3A_91, %dma_start3A_92, %dma_start3A_93] : memref<4x2x128xi32, #tpu.memory_space<vmem>> -> memref<1x1x128xi32, #tpu.memory_space<vmem>>
    %dma_start3A_95 = tpu.memref_squeeze %dma_start3A_94 : memref<1x1x128xi32, #tpu.memory_space<vmem>> -> memref<128xi32, #tpu.memory_space<vmem>>
    %dma_start3A_96 = arith.constant 0 : i32
    %dma_start3A_97 = arith.constant 0 : i32
    %dma_start3A_98 = tpu.memref_slice %arg2[%dma_start3A_96, %dma_start3A_97] : memref<10000x128xf32, #tpu.memory_space<hbm>> -> memref<10000x128xf32, #tpu.memory_space<hbm>>
    tpu.enqueue_indirect_dma source(%dma_start3A_98 : memref<10000x128xf32, #tpu.memory_space<hbm>>) target(%arg8 : memref<128x128xf32, #tpu.memory_space<vmem>>) offsets(%dma_start3A_95 : memref<128xi32, #tpu.memory_space<vmem>>) semaphore(%arg11 : memref<!tpu.dma_semaphore, #tpu.memory_space<semaphore_mem>>)
    %dma_wait3A_99 = arith.constant 1 : i32
    %dma_wait3A_100 = arith.constant 1 : i32
    %dma_wait3A_101 = arith.constant 0 : i32
    %dma_wait3A_102 = arith.constant 0 : i32
    %dma_wait3A_103 = tpu.memref_slice %arg7[%dma_wait3A_100, %dma_wait3A_101, %dma_wait3A_102] : memref<4x2x128xi32, #tpu.memory_space<vmem>> -> memref<1x2x128xi32, #tpu.memory_space<vmem>>
    %dma_wait3A_104 = tpu.memref_squeeze %dma_wait3A_103 : memref<1x2x128xi32, #tpu.memory_space<vmem>> -> memref<2x128xi32, #tpu.memory_space<vmem>>
    %dma_wait3A_105 = arith.constant 0 : i32
    %dma_wait3A_106 = arith.constant 0 : i32
    %dma_wait3A_107 = tpu.memref_slice %arg3[%add3A, %dma_wait3A_99, %dma_wait3A_105, %dma_wait3A_106] : memref<32x79x2x128xi32, #tpu.memory_space<hbm>> -> memref<1x1x2x128xi32, #tpu.memory_space<hbm>>
    %dma_wait3A_108 = tpu.memref_squeeze %dma_wait3A_107 : memref<1x1x2x128xi32, #tpu.memory_space<hbm>> -> memref<2x128xi32, #tpu.memory_space<hbm>>
    %dma_wait3A_109 = arith.constant 0 : i32
    %dma_wait3A_110 = arith.constant 0 : i32
    %dma_wait3A_111 = tpu.memref_slice %arg7[%dma_wait3A_100, %dma_wait3A_109, %dma_wait3A_110] : memref<4x2x128xi32, #tpu.memory_space<vmem>> -> memref<1x2x128xi32, #tpu.memory_space<vmem>>
    %dma_wait3A_112 = tpu.memref_squeeze %dma_wait3A_111 : memref<1x2x128xi32, #tpu.memory_space<vmem>> -> memref<2x128xi32, #tpu.memory_space<vmem>>
    %dma_wait3A_113 = arith.constant 0 : i32
    %dma_wait3A_114 = arith.constant 0 : i32
    %dma_wait3A_115 = tpu.memref_slice %arg3[%add3A, %dma_wait3A_99, %dma_wait3A_113, %dma_wait3A_114] : memref<32x79x2x128xi32, #tpu.memory_space<hbm>> -> memref<1x1x2x128xi32, #tpu.memory_space<hbm>>
    %dma_wait3A_116 = tpu.memref_squeeze %dma_wait3A_115 : memref<1x1x2x128xi32, #tpu.memory_space<hbm>> -> memref<2x128xi32, #tpu.memory_space<hbm>>
    tpu.wait_dma2 semaphore(%arg14 : memref<!tpu.dma_semaphore, #tpu.memory_space<semaphore_mem>>) src(%dma_wait3A_116 : memref<2x128xi32, #tpu.memory_space<hbm>>) dst(%dma_wait3A_112 : memref<2x128xi32, #tpu.memory_space<vmem>>)
    %dma_start3A_117 = arith.constant 1 : i32
    %dma_start3A_118 = arith.constant 0 : i32
    %dma_start3A_119 = arith.constant 0 : i32
    %dma_start3A_120 = tpu.memref_slice %arg7[%dma_start3A_117, %dma_start3A_118, %dma_start3A_119] : memref<4x2x128xi32, #tpu.memory_space<vmem>> -> memref<1x1x128xi32, #tpu.memory_space<vmem>>
    %dma_start3A_121 = tpu.memref_squeeze %dma_start3A_120 : memref<1x1x128xi32, #tpu.memory_space<vmem>> -> memref<128xi32, #tpu.memory_space<vmem>>
    %dma_start3A_122 = arith.constant 0 : i32
    %dma_start3A_123 = arith.constant 0 : i32
    %dma_start3A_124 = tpu.memref_slice %arg2[%dma_start3A_122, %dma_start3A_123] : memref<10000x128xf32, #tpu.memory_space<hbm>> -> memref<10000x128xf32, #tpu.memory_space<hbm>>
    tpu.enqueue_indirect_dma source(%dma_start3A_124 : memref<10000x128xf32, #tpu.memory_space<hbm>>) target(%arg9 : memref<128x128xf32, #tpu.memory_space<vmem>>) offsets(%dma_start3A_121 : memref<128xi32, #tpu.memory_space<vmem>>) semaphore(%arg12 : memref<!tpu.dma_semaphore, #tpu.memory_space<semaphore_mem>>)
    %scan3A = arith.constant 0 : i32
    %scan3A_125 = arith.constant 0 : i32
    %scan3A_126 = arith.constant 20 : i32
    %scan3A_127 = arith.addi %scan3A_125, %scan3A_126 : i32
    %scan3A_128 = arith.constant 1 : i32
    scf.for %scan3A_140 = %scan3A_125 to %scan3A_127 step %scan3A_128  : i32 {
      %mul3A_141 = arith.constant 4 : i32
      %mul3A_142 = arith.muli %scan3A_140, %mul3A_141 : i32
      %add3A_143 = arith.constant 0 : i32
      %add3A_144 = arith.addi %mul3A_142, %add3A_143 : i32
      %lt3A = arith.constant 79 : i32
      %lt3A_145 = arith.cmpi slt, %add3A_144, %lt3A : i32
      %convert_element_type3A_146 = arith.extui %lt3A_145 : i1 to i32
      %cond3A_147 = arith.constant 0 : i32
      %cond3A_148 = arith.cmpi ne, %convert_element_type3A_146, %cond3A_147 : i32
      scf.if %cond3A_148 {
        %dma_wait3A_170 = arith.constant 0 : i32
        %dma_wait3A_171 = arith.constant 0 : i32
        %dma_wait3A_172 = arith.constant 0 : i32
        %dma_wait3A_173 = tpu.memref_slice %arg7[%dma_wait3A_170, %dma_wait3A_171, %dma_wait3A_172] : memref<4x2x128xi32, #tpu.memory_space<vmem>> -> memref<1x1x128xi32, #tpu.memory_space<vmem>>
        %dma_wait3A_174 = tpu.memref_squeeze %dma_wait3A_173 : memref<1x1x128xi32, #tpu.memory_space<vmem>> -> memref<128xi32, #tpu.memory_space<vmem>>
        %dma_wait3A_175 = arith.constant 0 : i32
        %dma_wait3A_176 = arith.constant 0 : i32
        %dma_wait3A_177 = tpu.memref_slice %arg2[%dma_wait3A_175, %dma_wait3A_176] : memref<10000x128xf32, #tpu.memory_space<hbm>> -> memref<10000x128xf32, #tpu.memory_space<hbm>>
        tpu.wait_indirect_dma semaphore(%arg11 : memref<!tpu.dma_semaphore, #tpu.memory_space<semaphore_mem>>) src(%dma_wait3A_177 : memref<10000x128xf32, #tpu.memory_space<hbm>>) dst(%arg8 : memref<128x128xf32, #tpu.memory_space<vmem>>)
        %run_scoped3A = arith.constant 0 : i32
        %run_scoped3A_178 = arith.constant 1 : i32
        "tpu.region"() ({
          %run_scoped3A_193 = tpu.sem_alloc : memref<!tpu.dma_semaphore, #tpu.memory_space<semaphore_mem>>
          %dma_start3A_194 = arith.constant 0 : i32
          %dma_start3A_195 = tpu.memref_slice %arg7[%run_scoped3A, %run_scoped3A_178, %dma_start3A_194] : memref<4x2x128xi32, #tpu.memory_space<vmem>> -> memref<1x1x128xi32, #tpu.memory_space<vmem>>
          %dma_start3A_196 = tpu.memref_squeeze %dma_start3A_195 : memref<1x1x128xi32, #tpu.memory_space<vmem>> -> memref<128xi32, #tpu.memory_space<vmem>>
          %dma_start3A_197 = arith.constant 0 : i32
          %dma_start3A_198 = arith.constant 0 : i32
          %dma_start3A_199 = tpu.memref_slice %arg10[%dma_start3A_197, %dma_start3A_198] : memref<10112x128xf32, #tpu.memory_space<vmem_shared>> -> memref<10112x128xf32, #tpu.memory_space<vmem_shared>>
          tpu.enqueue_indirect_dma source(%arg8 : memref<128x128xf32, #tpu.memory_space<vmem>>) target(%dma_start3A_199 : memref<10112x128xf32, #tpu.memory_space<vmem_shared>>) offsets(%dma_start3A_196 : memref<128xi32, #tpu.memory_space<vmem>>) semaphore(%run_scoped3A_193 : memref<!tpu.dma_semaphore, #tpu.memory_space<semaphore_mem>>) {add = true}
          %dma_wait3A_200 = arith.constant 0 : i32
          %dma_wait3A_201 = tpu.memref_slice %arg7[%run_scoped3A, %run_scoped3A_178, %dma_wait3A_200] : memref<4x2x128xi32, #tpu.memory_space<vmem>> -> memref<1x1x128xi32, #tpu.memory_space<vmem>>
          %dma_wait3A_202 = tpu.memref_squeeze %dma_wait3A_201 : memref<1x1x128xi32, #tpu.memory_space<vmem>> -> memref<128xi32, #tpu.memory_space<vmem>>
          %dma_wait3A_203 = arith.constant 0 : i32
          %dma_wait3A_204 = arith.constant 0 : i32
          %dma_wait3A_205 = tpu.memref_slice %arg10[%dma_wait3A_203, %dma_wait3A_204] : memref<10112x128xf32, #tpu.memory_space<vmem_shared>> -> memref<10112x128xf32, #tpu.memory_space<vmem_shared>>
          tpu.wait_indirect_dma semaphore(%run_scoped3A_193 : memref<!tpu.dma_semaphore, #tpu.memory_space<semaphore_mem>>) src(%arg8 : memref<128x128xf32, #tpu.memory_space<vmem>>) dst(%dma_wait3A_205 : memref<10112x128xf32, #tpu.memory_space<vmem_shared>>)
          tpu.yield
        }) : () -> ()
        %add3A_179 = arith.constant 4 : i32
        %add3A_180 = arith.addi %add3A_144, %add3A_179 : i32
        %lt3A_181 = arith.constant 79 : i32
        %lt3A_182 = arith.cmpi slt, %add3A_180, %lt3A_181 : i32
        %convert_element_type3A_183 = arith.extui %lt3A_182 : i1 to i32
        %cond3A_184 = arith.constant 0 : i32
        %cond3A_185 = arith.cmpi ne, %convert_element_type3A_183, %cond3A_184 : i32
        scf.if %cond3A_185 {
          %add3A_193 = arith.constant 4 : i32
          %add3A_194 = arith.addi %add3A_144, %add3A_193 : i32
          %dma_start3A_195 = arith.constant 0 : i32
          %dma_start3A_196 = arith.constant 0 : i32
          %dma_start3A_197 = arith.constant 0 : i32
          %dma_start3A_198 = tpu.memref_slice %arg7[%dma_start3A_195, %dma_start3A_196, %dma_start3A_197] : memref<4x2x128xi32, #tpu.memory_space<vmem>> -> memref<1x2x128xi32, #tpu.memory_space<vmem>>
          %dma_start3A_199 = tpu.memref_squeeze %dma_start3A_198 : memref<1x2x128xi32, #tpu.memory_space<vmem>> -> memref<2x128xi32, #tpu.memory_space<vmem>>
          %dma_start3A_200 = arith.constant 0 : i32
          %dma_start3A_201 = arith.constant 0 : i32
          %dma_start3A_202 = tpu.memref_slice %arg3[%add3A, %add3A_194, %dma_start3A_200, %dma_start3A_201] : memref<32x79x2x128xi32, #tpu.memory_space<hbm>> -> memref<1x1x2x128xi32, #tpu.memory_space<hbm>>
          %dma_start3A_203 = tpu.memref_squeeze %dma_start3A_202 : memref<1x1x2x128xi32, #tpu.memory_space<hbm>> -> memref<2x128xi32, #tpu.memory_space<hbm>>
          %dma_start3A_204 = arith.constant 0 : i32
          %dma_start3A_205 = arith.constant 0 : i32
          %dma_start3A_206 = tpu.memref_slice %arg7[%dma_start3A_195, %dma_start3A_204, %dma_start3A_205] : memref<4x2x128xi32, #tpu.memory_space<vmem>> -> memref<1x2x128xi32, #tpu.memory_space<vmem>>
          %dma_start3A_207 = tpu.memref_squeeze %dma_start3A_206 : memref<1x2x128xi32, #tpu.memory_space<vmem>> -> memref<2x128xi32, #tpu.memory_space<vmem>>
          %dma_start3A_208 = arith.constant 0 : i32
          %dma_start3A_209 = arith.constant 0 : i32
          %dma_start3A_210 = tpu.memref_slice %arg3[%add3A, %add3A_194, %dma_start3A_208, %dma_start3A_209] : memref<32x79x2x128xi32, #tpu.memory_space<hbm>> -> memref<1x1x2x128xi32, #tpu.memory_space<hbm>>
          %dma_start3A_211 = tpu.memref_squeeze %dma_start3A_210 : memref<1x1x2x128xi32, #tpu.memory_space<hbm>> -> memref<2x128xi32, #tpu.memory_space<hbm>>
          tpu.enqueue_dma source(%dma_start3A_211 : memref<2x128xi32, #tpu.memory_space<hbm>>) target(%dma_start3A_207 : memref<2x128xi32, #tpu.memory_space<vmem>>) target_semaphore(%arg13 : memref<!tpu.dma_semaphore, #tpu.memory_space<semaphore_mem>>)
        } else {
        }
        %add3A_186 = arith.constant 2 : i32
        %add3A_187 = arith.addi %add3A_144, %add3A_186 : i32
        %lt3A_188 = arith.constant 79 : i32
        %lt3A_189 = arith.cmpi slt, %add3A_187, %lt3A_188 : i32
        %convert_element_type3A_190 = arith.extui %lt3A_189 : i1 to i32
        %cond3A_191 = arith.constant 0 : i32
        %cond3A_192 = arith.cmpi ne, %convert_element_type3A_190, %cond3A_191 : i32
        scf.if %cond3A_192 {
          %dma_wait3A_193 = arith.constant 0 : i32
          %dma_wait3A_194 = arith.constant 2 : i32
          %dma_wait3A_195 = arith.constant 0 : i32
          %dma_wait3A_196 = arith.constant 0 : i32
          %dma_wait3A_197 = tpu.memref_slice %arg7[%dma_wait3A_194, %dma_wait3A_195, %dma_wait3A_196] : memref<4x2x128xi32, #tpu.memory_space<vmem>> -> memref<1x2x128xi32, #tpu.memory_space<vmem>>
          %dma_wait3A_198 = tpu.memref_squeeze %dma_wait3A_197 : memref<1x2x128xi32, #tpu.memory_space<vmem>> -> memref<2x128xi32, #tpu.memory_space<vmem>>
          %dma_wait3A_199 = arith.constant 0 : i32
          %dma_wait3A_200 = arith.constant 0 : i32
          %dma_wait3A_201 = tpu.memref_slice %arg3[%add3A, %dma_wait3A_193, %dma_wait3A_199, %dma_wait3A_200] : memref<32x79x2x128xi32, #tpu.memory_space<hbm>> -> memref<1x1x2x128xi32, #tpu.memory_space<hbm>>
          %dma_wait3A_202 = tpu.memref_squeeze %dma_wait3A_201 : memref<1x1x2x128xi32, #tpu.memory_space<hbm>> -> memref<2x128xi32, #tpu.memory_space<hbm>>
          %dma_wait3A_203 = arith.constant 0 : i32
          %dma_wait3A_204 = arith.constant 0 : i32
          %dma_wait3A_205 = tpu.memref_slice %arg7[%dma_wait3A_194, %dma_wait3A_203, %dma_wait3A_204] : memref<4x2x128xi32, #tpu.memory_space<vmem>> -> memref<1x2x128xi32, #tpu.memory_space<vmem>>
          %dma_wait3A_206 = tpu.memref_squeeze %dma_wait3A_205 : memref<1x2x128xi32, #tpu.memory_space<vmem>> -> memref<2x128xi32, #tpu.memory_space<vmem>>
          %dma_wait3A_207 = arith.constant 0 : i32
          %dma_wait3A_208 = arith.constant 0 : i32
          %dma_wait3A_209 = tpu.memref_slice %arg3[%add3A, %dma_wait3A_193, %dma_wait3A_207, %dma_wait3A_208] : memref<32x79x2x128xi32, #tpu.memory_space<hbm>> -> memref<1x1x2x128xi32, #tpu.memory_space<hbm>>
          %dma_wait3A_210 = tpu.memref_squeeze %dma_wait3A_209 : memref<1x1x2x128xi32, #tpu.memory_space<hbm>> -> memref<2x128xi32, #tpu.memory_space<hbm>>
          tpu.wait_dma2 semaphore(%arg15 : memref<!tpu.dma_semaphore, #tpu.memory_space<semaphore_mem>>) src(%dma_wait3A_210 : memref<2x128xi32, #tpu.memory_space<hbm>>) dst(%dma_wait3A_206 : memref<2x128xi32, #tpu.memory_space<vmem>>)
          %dma_start3A_211 = arith.constant 2 : i32
          %dma_start3A_212 = arith.constant 0 : i32
          %dma_start3A_213 = arith.constant 0 : i32
          %dma_start3A_214 = tpu.memref_slice %arg7[%dma_start3A_211, %dma_start3A_212, %dma_start3A_213] : memref<4x2x128xi32, #tpu.memory_space<vmem>> -> memref<1x1x128xi32, #tpu.memory_space<vmem>>
          %dma_start3A_215 = tpu.memref_squeeze %dma_start3A_214 : memref<1x1x128xi32, #tpu.memory_space<vmem>> -> memref<128xi32, #tpu.memory_space<vmem>>
          %dma_start3A_216 = arith.constant 0 : i32
          %dma_start3A_217 = arith.constant 0 : i32
          %dma_start3A_218 = tpu.memref_slice %arg2[%dma_start3A_216, %dma_start3A_217] : memref<10000x128xf32, #tpu.memory_space<hbm>> -> memref<10000x128xf32, #tpu.memory_space<hbm>>
          tpu.enqueue_indirect_dma source(%dma_start3A_218 : memref<10000x128xf32, #tpu.memory_space<hbm>>) target(%arg8 : memref<128x128xf32, #tpu.memory_space<vmem>>) offsets(%dma_start3A_215 : memref<128xi32, #tpu.memory_space<vmem>>) semaphore(%arg11 : memref<!tpu.dma_semaphore, #tpu.memory_space<semaphore_mem>>)
        } else {
        }
      } else {
      }
      %add3A_149 = arith.constant 1 : i32
      %add3A_150 = arith.addi %mul3A_142, %add3A_149 : i32
      %lt3A_151 = arith.constant 79 : i32
      %lt3A_152 = arith.cmpi slt, %add3A_150, %lt3A_151 : i32
      %convert_element_type3A_153 = arith.extui %lt3A_152 : i1 to i32
      %cond3A_154 = arith.constant 0 : i32
      %cond3A_155 = arith.cmpi ne, %convert_element_type3A_153, %cond3A_154 : i32
      scf.if %cond3A_155 {
        %dma_wait3A_170 = arith.constant 1 : i32
        %dma_wait3A_171 = arith.constant 0 : i32
        %dma_wait3A_172 = arith.constant 0 : i32
        %dma_wait3A_173 = tpu.memref_slice %arg7[%dma_wait3A_170, %dma_wait3A_171, %dma_wait3A_172] : memref<4x2x128xi32, #tpu.memory_space<vmem>> -> memref<1x1x128xi32, #tpu.memory_space<vmem>>
        %dma_wait3A_174 = tpu.memref_squeeze %dma_wait3A_173 : memref<1x1x128xi32, #tpu.memory_space<vmem>> -> memref<128xi32, #tpu.memory_space<vmem>>
        %dma_wait3A_175 = arith.constant 0 : i32
        %dma_wait3A_176 = arith.constant 0 : i32
        %dma_wait3A_177 = tpu.memref_slice %arg2[%dma_wait3A_175, %dma_wait3A_176] : memref<10000x128xf32, #tpu.memory_space<hbm>> -> memref<10000x128xf32, #tpu.memory_space<hbm>>
        tpu.wait_indirect_dma semaphore(%arg12 : memref<!tpu.dma_semaphore, #tpu.memory_space<semaphore_mem>>) src(%dma_wait3A_177 : memref<10000x128xf32, #tpu.memory_space<hbm>>) dst(%arg9 : memref<128x128xf32, #tpu.memory_space<vmem>>)
        %run_scoped3A = arith.constant 1 : i32
        %run_scoped3A_178 = arith.constant 1 : i32
        "tpu.region"() ({
          %run_scoped3A_193 = tpu.sem_alloc : memref<!tpu.dma_semaphore, #tpu.memory_space<semaphore_mem>>
          %dma_start3A_194 = arith.constant 0 : i32
          %dma_start3A_195 = tpu.memref_slice %arg7[%run_scoped3A, %run_scoped3A_178, %dma_start3A_194] : memref<4x2x128xi32, #tpu.memory_space<vmem>> -> memref<1x1x128xi32, #tpu.memory_space<vmem>>
          %dma_start3A_196 = tpu.memref_squeeze %dma_start3A_195 : memref<1x1x128xi32, #tpu.memory_space<vmem>> -> memref<128xi32, #tpu.memory_space<vmem>>
          %dma_start3A_197 = arith.constant 0 : i32
          %dma_start3A_198 = arith.constant 0 : i32
          %dma_start3A_199 = tpu.memref_slice %arg10[%dma_start3A_197, %dma_start3A_198] : memref<10112x128xf32, #tpu.memory_space<vmem_shared>> -> memref<10112x128xf32, #tpu.memory_space<vmem_shared>>
          tpu.enqueue_indirect_dma source(%arg9 : memref<128x128xf32, #tpu.memory_space<vmem>>) target(%dma_start3A_199 : memref<10112x128xf32, #tpu.memory_space<vmem_shared>>) offsets(%dma_start3A_196 : memref<128xi32, #tpu.memory_space<vmem>>) semaphore(%run_scoped3A_193 : memref<!tpu.dma_semaphore, #tpu.memory_space<semaphore_mem>>) {add = true}
          %dma_wait3A_200 = arith.constant 0 : i32
          %dma_wait3A_201 = tpu.memref_slice %arg7[%run_scoped3A, %run_scoped3A_178, %dma_wait3A_200] : memref<4x2x128xi32, #tpu.memory_space<vmem>> -> memref<1x1x128xi32, #tpu.memory_space<vmem>>
          %dma_wait3A_202 = tpu.memref_squeeze %dma_wait3A_201 : memref<1x1x128xi32, #tpu.memory_space<vmem>> -> memref<128xi32, #tpu.memory_space<vmem>>
          %dma_wait3A_203 = arith.constant 0 : i32
          %dma_wait3A_204 = arith.constant 0 : i32
          %dma_wait3A_205 = tpu.memref_slice %arg10[%dma_wait3A_203, %dma_wait3A_204] : memref<10112x128xf32, #tpu.memory_space<vmem_shared>> -> memref<10112x128xf32, #tpu.memory_space<vmem_shared>>
          tpu.wait_indirect_dma semaphore(%run_scoped3A_193 : memref<!tpu.dma_semaphore, #tpu.memory_space<semaphore_mem>>) src(%arg9 : memref<128x128xf32, #tpu.memory_space<vmem>>) dst(%dma_wait3A_205 : memref<10112x128xf32, #tpu.memory_space<vmem_shared>>)
          tpu.yield
        }) : () -> ()
        %add3A_179 = arith.constant 4 : i32
        %add3A_180 = arith.addi %add3A_150, %add3A_179 : i32
        %lt3A_181 = arith.constant 79 : i32
        %lt3A_182 = arith.cmpi slt, %add3A_180, %lt3A_181 : i32
        %convert_element_type3A_183 = arith.extui %lt3A_182 : i1 to i32
        %cond3A_184 = arith.constant 0 : i32
        %cond3A_185 = arith.cmpi ne, %convert_element_type3A_183, %cond3A_184 : i32
        scf.if %cond3A_185 {
          %add3A_193 = arith.constant 4 : i32
          %add3A_194 = arith.addi %add3A_150, %add3A_193 : i32
          %dma_start3A_195 = arith.constant 1 : i32
          %dma_start3A_196 = arith.constant 0 : i32
          %dma_start3A_197 = arith.constant 0 : i32
          %dma_start3A_198 = tpu.memref_slice %arg7[%dma_start3A_195, %dma_start3A_196, %dma_start3A_197] : memref<4x2x128xi32, #tpu.memory_space<vmem>> -> memref<1x2x128xi32, #tpu.memory_space<vmem>>
          %dma_start3A_199 = tpu.memref_squeeze %dma_start3A_198 : memref<1x2x128xi32, #tpu.memory_space<vmem>> -> memref<2x128xi32, #tpu.memory_space<vmem>>
          %dma_start3A_200 = arith.constant 0 : i32
          %dma_start3A_201 = arith.constant 0 : i32
          %dma_start3A_202 = tpu.memref_slice %arg3[%add3A, %add3A_194, %dma_start3A_200, %dma_start3A_201] : memref<32x79x2x128xi32, #tpu.memory_space<hbm>> -> memref<1x1x2x128xi32, #tpu.memory_space<hbm>>
          %dma_start3A_203 = tpu.memref_squeeze %dma_start3A_202 : memref<1x1x2x128xi32, #tpu.memory_space<hbm>> -> memref<2x128xi32, #tpu.memory_space<hbm>>
          %dma_start3A_204 = arith.constant 0 : i32
          %dma_start3A_205 = arith.constant 0 : i32
          %dma_start3A_206 = tpu.memref_slice %arg7[%dma_start3A_195, %dma_start3A_204, %dma_start3A_205] : memref<4x2x128xi32, #tpu.memory_space<vmem>> -> memref<1x2x128xi32, #tpu.memory_space<vmem>>
          %dma_start3A_207 = tpu.memref_squeeze %dma_start3A_206 : memref<1x2x128xi32, #tpu.memory_space<vmem>> -> memref<2x128xi32, #tpu.memory_space<vmem>>
          %dma_start3A_208 = arith.constant 0 : i32
          %dma_start3A_209 = arith.constant 0 : i32
          %dma_start3A_210 = tpu.memref_slice %arg3[%add3A, %add3A_194, %dma_start3A_208, %dma_start3A_209] : memref<32x79x2x128xi32, #tpu.memory_space<hbm>> -> memref<1x1x2x128xi32, #tpu.memory_space<hbm>>
          %dma_start3A_211 = tpu.memref_squeeze %dma_start3A_210 : memref<1x1x2x128xi32, #tpu.memory_space<hbm>> -> memref<2x128xi32, #tpu.memory_space<hbm>>
          tpu.enqueue_dma source(%dma_start3A_211 : memref<2x128xi32, #tpu.memory_space<hbm>>) target(%dma_start3A_207 : memref<2x128xi32, #tpu.memory_space<vmem>>) target_semaphore(%arg14 : memref<!tpu.dma_semaphore, #tpu.memory_space<semaphore_mem>>)
        } else {
        }
        %add3A_186 = arith.constant 2 : i32
        %add3A_187 = arith.addi %add3A_150, %add3A_186 : i32
        %lt3A_188 = arith.constant 79 : i32
        %lt3A_189 = arith.cmpi slt, %add3A_187, %lt3A_188 : i32
        %convert_element_type3A_190 = arith.extui %lt3A_189 : i1 to i32
        %cond3A_191 = arith.constant 0 : i32
        %cond3A_192 = arith.cmpi ne, %convert_element_type3A_190, %cond3A_191 : i32
        scf.if %cond3A_192 {
          %dma_wait3A_193 = arith.constant 0 : i32
          %dma_wait3A_194 = arith.constant 3 : i32
          %dma_wait3A_195 = arith.constant 0 : i32
          %dma_wait3A_196 = arith.constant 0 : i32
          %dma_wait3A_197 = tpu.memref_slice %arg7[%dma_wait3A_194, %dma_wait3A_195, %dma_wait3A_196] : memref<4x2x128xi32, #tpu.memory_space<vmem>> -> memref<1x2x128xi32, #tpu.memory_space<vmem>>
          %dma_wait3A_198 = tpu.memref_squeeze %dma_wait3A_197 : memref<1x2x128xi32, #tpu.memory_space<vmem>> -> memref<2x128xi32, #tpu.memory_space<vmem>>
          %dma_wait3A_199 = arith.constant 0 : i32
          %dma_wait3A_200 = arith.constant 0 : i32
          %dma_wait3A_201 = tpu.memref_slice %arg3[%add3A, %dma_wait3A_193, %dma_wait3A_199, %dma_wait3A_200] : memref<32x79x2x128xi32, #tpu.memory_space<hbm>> -> memref<1x1x2x128xi32, #tpu.memory_space<hbm>>
          %dma_wait3A_202 = tpu.memref_squeeze %dma_wait3A_201 : memref<1x1x2x128xi32, #tpu.memory_space<hbm>> -> memref<2x128xi32, #tpu.memory_space<hbm>>
          %dma_wait3A_203 = arith.constant 0 : i32
          %dma_wait3A_204 = arith.constant 0 : i32
          %dma_wait3A_205 = tpu.memref_slice %arg7[%dma_wait3A_194, %dma_wait3A_203, %dma_wait3A_204] : memref<4x2x128xi32, #tpu.memory_space<vmem>> -> memref<1x2x128xi32, #tpu.memory_space<vmem>>
          %dma_wait3A_206 = tpu.memref_squeeze %dma_wait3A_205 : memref<1x2x128xi32, #tpu.memory_space<vmem>> -> memref<2x128xi32, #tpu.memory_space<vmem>>
          %dma_wait3A_207 = arith.constant 0 : i32
          %dma_wait3A_208 = arith.constant 0 : i32
          %dma_wait3A_209 = tpu.memref_slice %arg3[%add3A, %dma_wait3A_193, %dma_wait3A_207, %dma_wait3A_208] : memref<32x79x2x128xi32, #tpu.memory_space<hbm>> -> memref<1x1x2x128xi32, #tpu.memory_space<hbm>>
          %dma_wait3A_210 = tpu.memref_squeeze %dma_wait3A_209 : memref<1x1x2x128xi32, #tpu.memory_space<hbm>> -> memref<2x128xi32, #tpu.memory_space<hbm>>
          tpu.wait_dma2 semaphore(%arg16 : memref<!tpu.dma_semaphore, #tpu.memory_space<semaphore_mem>>) src(%dma_wait3A_210 : memref<2x128xi32, #tpu.memory_space<hbm>>) dst(%dma_wait3A_206 : memref<2x128xi32, #tpu.memory_space<vmem>>)
          %dma_start3A_211 = arith.constant 3 : i32
          %dma_start3A_212 = arith.constant 0 : i32
          %dma_start3A_213 = arith.constant 0 : i32
          %dma_start3A_214 = tpu.memref_slice %arg7[%dma_start3A_211, %dma_start3A_212, %dma_start3A_213] : memref<4x2x128xi32, #tpu.memory_space<vmem>> -> memref<1x1x128xi32, #tpu.memory_space<vmem>>
          %dma_start3A_215 = tpu.memref_squeeze %dma_start3A_214 : memref<1x1x128xi32, #tpu.memory_space<vmem>> -> memref<128xi32, #tpu.memory_space<vmem>>
          %dma_start3A_216 = arith.constant 0 : i32
          %dma_start3A_217 = arith.constant 0 : i32
          %dma_start3A_218 = tpu.memref_slice %arg2[%dma_start3A_216, %dma_start3A_217] : memref<10000x128xf32, #tpu.memory_space<hbm>> -> memref<10000x128xf32, #tpu.memory_space<hbm>>
          tpu.enqueue_indirect_dma source(%dma_start3A_218 : memref<10000x128xf32, #tpu.memory_space<hbm>>) target(%arg9 : memref<128x128xf32, #tpu.memory_space<vmem>>) offsets(%dma_start3A_215 : memref<128xi32, #tpu.memory_space<vmem>>) semaphore(%arg12 : memref<!tpu.dma_semaphore, #tpu.memory_space<semaphore_mem>>)
        } else {
        }
      } else {
      }
      %add3A_156 = arith.constant 2 : i32
      %add3A_157 = arith.addi %mul3A_142, %add3A_156 : i32
      %lt3A_158 = arith.constant 79 : i32
      %lt3A_159 = arith.cmpi slt, %add3A_157, %lt3A_158 : i32
      %convert_element_type3A_160 = arith.extui %lt3A_159 : i1 to i32
      %cond3A_161 = arith.constant 0 : i32
      %cond3A_162 = arith.cmpi ne, %convert_element_type3A_160, %cond3A_161 : i32
      scf.if %cond3A_162 {
        %dma_wait3A_170 = arith.constant 2 : i32
        %dma_wait3A_171 = arith.constant 0 : i32
        %dma_wait3A_172 = arith.constant 0 : i32
        %dma_wait3A_173 = tpu.memref_slice %arg7[%dma_wait3A_170, %dma_wait3A_171, %dma_wait3A_172] : memref<4x2x128xi32, #tpu.memory_space<vmem>> -> memref<1x1x128xi32, #tpu.memory_space<vmem>>
        %dma_wait3A_174 = tpu.memref_squeeze %dma_wait3A_173 : memref<1x1x128xi32, #tpu.memory_space<vmem>> -> memref<128xi32, #tpu.memory_space<vmem>>
        %dma_wait3A_175 = arith.constant 0 : i32
        %dma_wait3A_176 = arith.constant 0 : i32
        %dma_wait3A_177 = tpu.memref_slice %arg2[%dma_wait3A_175, %dma_wait3A_176] : memref<10000x128xf32, #tpu.memory_space<hbm>> -> memref<10000x128xf32, #tpu.memory_space<hbm>>
        tpu.wait_indirect_dma semaphore(%arg11 : memref<!tpu.dma_semaphore, #tpu.memory_space<semaphore_mem>>) src(%dma_wait3A_177 : memref<10000x128xf32, #tpu.memory_space<hbm>>) dst(%arg8 : memref<128x128xf32, #tpu.memory_space<vmem>>)
        %run_scoped3A = arith.constant 2 : i32
        %run_scoped3A_178 = arith.constant 1 : i32
        "tpu.region"() ({
          %run_scoped3A_193 = tpu.sem_alloc : memref<!tpu.dma_semaphore, #tpu.memory_space<semaphore_mem>>
          %dma_start3A_194 = arith.constant 0 : i32
          %dma_start3A_195 = tpu.memref_slice %arg7[%run_scoped3A, %run_scoped3A_178, %dma_start3A_194] : memref<4x2x128xi32, #tpu.memory_space<vmem>> -> memref<1x1x128xi32, #tpu.memory_space<vmem>>
          %dma_start3A_196 = tpu.memref_squeeze %dma_start3A_195 : memref<1x1x128xi32, #tpu.memory_space<vmem>> -> memref<128xi32, #tpu.memory_space<vmem>>
          %dma_start3A_197 = arith.constant 0 : i32
          %dma_start3A_198 = arith.constant 0 : i32
          %dma_start3A_199 = tpu.memref_slice %arg10[%dma_start3A_197, %dma_start3A_198] : memref<10112x128xf32, #tpu.memory_space<vmem_shared>> -> memref<10112x128xf32, #tpu.memory_space<vmem_shared>>
          tpu.enqueue_indirect_dma source(%arg8 : memref<128x128xf32, #tpu.memory_space<vmem>>) target(%dma_start3A_199 : memref<10112x128xf32, #tpu.memory_space<vmem_shared>>) offsets(%dma_start3A_196 : memref<128xi32, #tpu.memory_space<vmem>>) semaphore(%run_scoped3A_193 : memref<!tpu.dma_semaphore, #tpu.memory_space<semaphore_mem>>) {add = true}
          %dma_wait3A_200 = arith.constant 0 : i32
          %dma_wait3A_201 = tpu.memref_slice %arg7[%run_scoped3A, %run_scoped3A_178, %dma_wait3A_200] : memref<4x2x128xi32, #tpu.memory_space<vmem>> -> memref<1x1x128xi32, #tpu.memory_space<vmem>>
          %dma_wait3A_202 = tpu.memref_squeeze %dma_wait3A_201 : memref<1x1x128xi32, #tpu.memory_space<vmem>> -> memref<128xi32, #tpu.memory_space<vmem>>
          %dma_wait3A_203 = arith.constant 0 : i32
          %dma_wait3A_204 = arith.constant 0 : i32
          %dma_wait3A_205 = tpu.memref_slice %arg10[%dma_wait3A_203, %dma_wait3A_204] : memref<10112x128xf32, #tpu.memory_space<vmem_shared>> -> memref<10112x128xf32, #tpu.memory_space<vmem_shared>>
          tpu.wait_indirect_dma semaphore(%run_scoped3A_193 : memref<!tpu.dma_semaphore, #tpu.memory_space<semaphore_mem>>) src(%arg8 : memref<128x128xf32, #tpu.memory_space<vmem>>) dst(%dma_wait3A_205 : memref<10112x128xf32, #tpu.memory_space<vmem_shared>>)
          tpu.yield
        }) : () -> ()
        %add3A_179 = arith.constant 4 : i32
        %add3A_180 = arith.addi %add3A_157, %add3A_179 : i32
        %lt3A_181 = arith.constant 79 : i32
        %lt3A_182 = arith.cmpi slt, %add3A_180, %lt3A_181 : i32
        %convert_element_type3A_183 = arith.extui %lt3A_182 : i1 to i32
        %cond3A_184 = arith.constant 0 : i32
        %cond3A_185 = arith.cmpi ne, %convert_element_type3A_183, %cond3A_184 : i32
        scf.if %cond3A_185 {
          %add3A_193 = arith.constant 4 : i32
          %add3A_194 = arith.addi %add3A_157, %add3A_193 : i32
          %dma_start3A_195 = arith.constant 2 : i32
          %dma_start3A_196 = arith.constant 0 : i32
          %dma_start3A_197 = arith.constant 0 : i32
          %dma_start3A_198 = tpu.memref_slice %arg7[%dma_start3A_195, %dma_start3A_196, %dma_start3A_197] : memref<4x2x128xi32, #tpu.memory_space<vmem>> -> memref<1x2x128xi32, #tpu.memory_space<vmem>>
          %dma_start3A_199 = tpu.memref_squeeze %dma_start3A_198 : memref<1x2x128xi32, #tpu.memory_space<vmem>> -> memref<2x128xi32, #tpu.memory_space<vmem>>
          %dma_start3A_200 = arith.constant 0 : i32
          %dma_start3A_201 = arith.constant 0 : i32
          %dma_start3A_202 = tpu.memref_slice %arg3[%add3A, %add3A_194, %dma_start3A_200, %dma_start3A_201] : memref<32x79x2x128xi32, #tpu.memory_space<hbm>> -> memref<1x1x2x128xi32, #tpu.memory_space<hbm>>
          %dma_start3A_203 = tpu.memref_squeeze %dma_start3A_202 : memref<1x1x2x128xi32, #tpu.memory_space<hbm>> -> memref<2x128xi32, #tpu.memory_space<hbm>>
          %dma_start3A_204 = arith.constant 0 : i32
          %dma_start3A_205 = arith.constant 0 : i32
          %dma_start3A_206 = tpu.memref_slice %arg7[%dma_start3A_195, %dma_start3A_204, %dma_start3A_205] : memref<4x2x128xi32, #tpu.memory_space<vmem>> -> memref<1x2x128xi32, #tpu.memory_space<vmem>>
          %dma_start3A_207 = tpu.memref_squeeze %dma_start3A_206 : memref<1x2x128xi32, #tpu.memory_space<vmem>> -> memref<2x128xi32, #tpu.memory_space<vmem>>
          %dma_start3A_208 = arith.constant 0 : i32
          %dma_start3A_209 = arith.constant 0 : i32
          %dma_start3A_210 = tpu.memref_slice %arg3[%add3A, %add3A_194, %dma_start3A_208, %dma_start3A_209] : memref<32x79x2x128xi32, #tpu.memory_space<hbm>> -> memref<1x1x2x128xi32, #tpu.memory_space<hbm>>
          %dma_start3A_211 = tpu.memref_squeeze %dma_start3A_210 : memref<1x1x2x128xi32, #tpu.memory_space<hbm>> -> memref<2x128xi32, #tpu.memory_space<hbm>>
          tpu.enqueue_dma source(%dma_start3A_211 : memref<2x128xi32, #tpu.memory_space<hbm>>) target(%dma_start3A_207 : memref<2x128xi32, #tpu.memory_space<vmem>>) target_semaphore(%arg15 : memref<!tpu.dma_semaphore, #tpu.memory_space<semaphore_mem>>)
        } else {
        }
        %add3A_186 = arith.constant 2 : i32
        %add3A_187 = arith.addi %add3A_157, %add3A_186 : i32
        %lt3A_188 = arith.constant 79 : i32
        %lt3A_189 = arith.cmpi slt, %add3A_187, %lt3A_188 : i32
        %convert_element_type3A_190 = arith.extui %lt3A_189 : i1 to i32
        %cond3A_191 = arith.constant 0 : i32
        %cond3A_192 = arith.cmpi ne, %convert_element_type3A_190, %cond3A_191 : i32
        scf.if %cond3A_192 {
          %dma_wait3A_193 = arith.constant 0 : i32
          %dma_wait3A_194 = arith.constant 0 : i32
          %dma_wait3A_195 = arith.constant 0 : i32
          %dma_wait3A_196 = arith.constant 0 : i32
          %dma_wait3A_197 = tpu.memref_slice %arg7[%dma_wait3A_194, %dma_wait3A_195, %dma_wait3A_196] : memref<4x2x128xi32, #tpu.memory_space<vmem>> -> memref<1x2x128xi32, #tpu.memory_space<vmem>>
          %dma_wait3A_198 = tpu.memref_squeeze %dma_wait3A_197 : memref<1x2x128xi32, #tpu.memory_space<vmem>> -> memref<2x128xi32, #tpu.memory_space<vmem>>
          %dma_wait3A_199 = arith.constant 0 : i32
          %dma_wait3A_200 = arith.constant 0 : i32
          %dma_wait3A_201 = tpu.memref_slice %arg3[%add3A, %dma_wait3A_193, %dma_wait3A_199, %dma_wait3A_200] : memref<32x79x2x128xi32, #tpu.memory_space<hbm>> -> memref<1x1x2x128xi32, #tpu.memory_space<hbm>>
          %dma_wait3A_202 = tpu.memref_squeeze %dma_wait3A_201 : memref<1x1x2x128xi32, #tpu.memory_space<hbm>> -> memref<2x128xi32, #tpu.memory_space<hbm>>
          %dma_wait3A_203 = arith.constant 0 : i32
          %dma_wait3A_204 = arith.constant 0 : i32
          %dma_wait3A_205 = tpu.memref_slice %arg7[%dma_wait3A_194, %dma_wait3A_203, %dma_wait3A_204] : memref<4x2x128xi32, #tpu.memory_space<vmem>> -> memref<1x2x128xi32, #tpu.memory_space<vmem>>
          %dma_wait3A_206 = tpu.memref_squeeze %dma_wait3A_205 : memref<1x2x128xi32, #tpu.memory_space<vmem>> -> memref<2x128xi32, #tpu.memory_space<vmem>>
          %dma_wait3A_207 = arith.constant 0 : i32
          %dma_wait3A_208 = arith.constant 0 : i32
          %dma_wait3A_209 = tpu.memref_slice %arg3[%add3A, %dma_wait3A_193, %dma_wait3A_207, %dma_wait3A_208] : memref<32x79x2x128xi32, #tpu.memory_space<hbm>> -> memref<1x1x2x128xi32, #tpu.memory_space<hbm>>
          %dma_wait3A_210 = tpu.memref_squeeze %dma_wait3A_209 : memref<1x1x2x128xi32, #tpu.memory_space<hbm>> -> memref<2x128xi32, #tpu.memory_space<hbm>>
          tpu.wait_dma2 semaphore(%arg13 : memref<!tpu.dma_semaphore, #tpu.memory_space<semaphore_mem>>) src(%dma_wait3A_210 : memref<2x128xi32, #tpu.memory_space<hbm>>) dst(%dma_wait3A_206 : memref<2x128xi32, #tpu.memory_space<vmem>>)
          %dma_start3A_211 = arith.constant 0 : i32
          %dma_start3A_212 = arith.constant 0 : i32
          %dma_start3A_213 = arith.constant 0 : i32
          %dma_start3A_214 = tpu.memref_slice %arg7[%dma_start3A_211, %dma_start3A_212, %dma_start3A_213] : memref<4x2x128xi32, #tpu.memory_space<vmem>> -> memref<1x1x128xi32, #tpu.memory_space<vmem>>
          %dma_start3A_215 = tpu.memref_squeeze %dma_start3A_214 : memref<1x1x128xi32, #tpu.memory_space<vmem>> -> memref<128xi32, #tpu.memory_space<vmem>>
          %dma_start3A_216 = arith.constant 0 : i32
          %dma_start3A_217 = arith.constant 0 : i32
          %dma_start3A_218 = tpu.memref_slice %arg2[%dma_start3A_216, %dma_start3A_217] : memref<10000x128xf32, #tpu.memory_space<hbm>> -> memref<10000x128xf32, #tpu.memory_space<hbm>>
          tpu.enqueue_indirect_dma source(%dma_start3A_218 : memref<10000x128xf32, #tpu.memory_space<hbm>>) target(%arg8 : memref<128x128xf32, #tpu.memory_space<vmem>>) offsets(%dma_start3A_215 : memref<128xi32, #tpu.memory_space<vmem>>) semaphore(%arg11 : memref<!tpu.dma_semaphore, #tpu.memory_space<semaphore_mem>>)
        } else {
        }
      } else {
      }
      %add3A_163 = arith.constant 3 : i32
      %add3A_164 = arith.addi %mul3A_142, %add3A_163 : i32
      %lt3A_165 = arith.constant 79 : i32
      %lt3A_166 = arith.cmpi slt, %add3A_164, %lt3A_165 : i32
      %convert_element_type3A_167 = arith.extui %lt3A_166 : i1 to i32
      %cond3A_168 = arith.constant 0 : i32
      %cond3A_169 = arith.cmpi ne, %convert_element_type3A_167, %cond3A_168 : i32
      scf.if %cond3A_169 {
        %dma_wait3A_170 = arith.constant 3 : i32
        %dma_wait3A_171 = arith.constant 0 : i32
        %dma_wait3A_172 = arith.constant 0 : i32
        %dma_wait3A_173 = tpu.memref_slice %arg7[%dma_wait3A_170, %dma_wait3A_171, %dma_wait3A_172] : memref<4x2x128xi32, #tpu.memory_space<vmem>> -> memref<1x1x128xi32, #tpu.memory_space<vmem>>
        %dma_wait3A_174 = tpu.memref_squeeze %dma_wait3A_173 : memref<1x1x128xi32, #tpu.memory_space<vmem>> -> memref<128xi32, #tpu.memory_space<vmem>>
        %dma_wait3A_175 = arith.constant 0 : i32
        %dma_wait3A_176 = arith.constant 0 : i32
        %dma_wait3A_177 = tpu.memref_slice %arg2[%dma_wait3A_175, %dma_wait3A_176] : memref<10000x128xf32, #tpu.memory_space<hbm>> -> memref<10000x128xf32, #tpu.memory_space<hbm>>
        tpu.wait_indirect_dma semaphore(%arg12 : memref<!tpu.dma_semaphore, #tpu.memory_space<semaphore_mem>>) src(%dma_wait3A_177 : memref<10000x128xf32, #tpu.memory_space<hbm>>) dst(%arg9 : memref<128x128xf32, #tpu.memory_space<vmem>>)
        %run_scoped3A = arith.constant 3 : i32
        %run_scoped3A_178 = arith.constant 1 : i32
        "tpu.region"() ({
          %run_scoped3A_193 = tpu.sem_alloc : memref<!tpu.dma_semaphore, #tpu.memory_space<semaphore_mem>>
          %dma_start3A_194 = arith.constant 0 : i32
          %dma_start3A_195 = tpu.memref_slice %arg7[%run_scoped3A, %run_scoped3A_178, %dma_start3A_194] : memref<4x2x128xi32, #tpu.memory_space<vmem>> -> memref<1x1x128xi32, #tpu.memory_space<vmem>>
          %dma_start3A_196 = tpu.memref_squeeze %dma_start3A_195 : memref<1x1x128xi32, #tpu.memory_space<vmem>> -> memref<128xi32, #tpu.memory_space<vmem>>
          %dma_start3A_197 = arith.constant 0 : i32
          %dma_start3A_198 = arith.constant 0 : i32
          %dma_start3A_199 = tpu.memref_slice %arg10[%dma_start3A_197, %dma_start3A_198] : memref<10112x128xf32, #tpu.memory_space<vmem_shared>> -> memref<10112x128xf32, #tpu.memory_space<vmem_shared>>
          tpu.enqueue_indirect_dma source(%arg9 : memref<128x128xf32, #tpu.memory_space<vmem>>) target(%dma_start3A_199 : memref<10112x128xf32, #tpu.memory_space<vmem_shared>>) offsets(%dma_start3A_196 : memref<128xi32, #tpu.memory_space<vmem>>) semaphore(%run_scoped3A_193 : memref<!tpu.dma_semaphore, #tpu.memory_space<semaphore_mem>>) {add = true}
          %dma_wait3A_200 = arith.constant 0 : i32
          %dma_wait3A_201 = tpu.memref_slice %arg7[%run_scoped3A, %run_scoped3A_178, %dma_wait3A_200] : memref<4x2x128xi32, #tpu.memory_space<vmem>> -> memref<1x1x128xi32, #tpu.memory_space<vmem>>
          %dma_wait3A_202 = tpu.memref_squeeze %dma_wait3A_201 : memref<1x1x128xi32, #tpu.memory_space<vmem>> -> memref<128xi32, #tpu.memory_space<vmem>>
          %dma_wait3A_203 = arith.constant 0 : i32
          %dma_wait3A_204 = arith.constant 0 : i32
          %dma_wait3A_205 = tpu.memref_slice %arg10[%dma_wait3A_203, %dma_wait3A_204] : memref<10112x128xf32, #tpu.memory_space<vmem_shared>> -> memref<10112x128xf32, #tpu.memory_space<vmem_shared>>
          tpu.wait_indirect_dma semaphore(%run_scoped3A_193 : memref<!tpu.dma_semaphore, #tpu.memory_space<semaphore_mem>>) src(%arg9 : memref<128x128xf32, #tpu.memory_space<vmem>>) dst(%dma_wait3A_205 : memref<10112x128xf32, #tpu.memory_space<vmem_shared>>)
          tpu.yield
        }) : () -> ()
        %add3A_179 = arith.constant 4 : i32
        %add3A_180 = arith.addi %add3A_164, %add3A_179 : i32
        %lt3A_181 = arith.constant 79 : i32
        %lt3A_182 = arith.cmpi slt, %add3A_180, %lt3A_181 : i32
        %convert_element_type3A_183 = arith.extui %lt3A_182 : i1 to i32
        %cond3A_184 = arith.constant 0 : i32
        %cond3A_185 = arith.cmpi ne, %convert_element_type3A_183, %cond3A_184 : i32
        scf.if %cond3A_185 {
          %add3A_193 = arith.constant 4 : i32
          %add3A_194 = arith.addi %add3A_164, %add3A_193 : i32
          %dma_start3A_195 = arith.constant 3 : i32
          %dma_start3A_196 = arith.constant 0 : i32
          %dma_start3A_197 = arith.constant 0 : i32
          %dma_start3A_198 = tpu.memref_slice %arg7[%dma_start3A_195, %dma_start3A_196, %dma_start3A_197] : memref<4x2x128xi32, #tpu.memory_space<vmem>> -> memref<1x2x128xi32, #tpu.memory_space<vmem>>
          %dma_start3A_199 = tpu.memref_squeeze %dma_start3A_198 : memref<1x2x128xi32, #tpu.memory_space<vmem>> -> memref<2x128xi32, #tpu.memory_space<vmem>>
          %dma_start3A_200 = arith.constant 0 : i32
          %dma_start3A_201 = arith.constant 0 : i32
          %dma_start3A_202 = tpu.memref_slice %arg3[%add3A, %add3A_194, %dma_start3A_200, %dma_start3A_201] : memref<32x79x2x128xi32, #tpu.memory_space<hbm>> -> memref<1x1x2x128xi32, #tpu.memory_space<hbm>>
          %dma_start3A_203 = tpu.memref_squeeze %dma_start3A_202 : memref<1x1x2x128xi32, #tpu.memory_space<hbm>> -> memref<2x128xi32, #tpu.memory_space<hbm>>
          %dma_start3A_204 = arith.constant 0 : i32
          %dma_start3A_205 = arith.constant 0 : i32
          %dma_start3A_206 = tpu.memref_slice %arg7[%dma_start3A_195, %dma_start3A_204, %dma_start3A_205] : memref<4x2x128xi32, #tpu.memory_space<vmem>> -> memref<1x2x128xi32, #tpu.memory_space<vmem>>
          %dma_start3A_207 = tpu.memref_squeeze %dma_start3A_206 : memref<1x2x128xi32, #tpu.memory_space<vmem>> -> memref<2x128xi32, #tpu.memory_space<vmem>>
          %dma_start3A_208 = arith.constant 0 : i32
          %dma_start3A_209 = arith.constant 0 : i32
          %dma_start3A_210 = tpu.memref_slice %arg3[%add3A, %add3A_194, %dma_start3A_208, %dma_start3A_209] : memref<32x79x2x128xi32, #tpu.memory_space<hbm>> -> memref<1x1x2x128xi32, #tpu.memory_space<hbm>>
          %dma_start3A_211 = tpu.memref_squeeze %dma_start3A_210 : memref<1x1x2x128xi32, #tpu.memory_space<hbm>> -> memref<2x128xi32, #tpu.memory_space<hbm>>
          tpu.enqueue_dma source(%dma_start3A_211 : memref<2x128xi32, #tpu.memory_space<hbm>>) target(%dma_start3A_207 : memref<2x128xi32, #tpu.memory_space<vmem>>) target_semaphore(%arg16 : memref<!tpu.dma_semaphore, #tpu.memory_space<semaphore_mem>>)
        } else {
        }
        %add3A_186 = arith.constant 2 : i32
        %add3A_187 = arith.addi %add3A_164, %add3A_186 : i32
        %lt3A_188 = arith.constant 79 : i32
        %lt3A_189 = arith.cmpi slt, %add3A_187, %lt3A_188 : i32
        %convert_element_type3A_190 = arith.extui %lt3A_189 : i1 to i32
        %cond3A_191 = arith.constant 0 : i32
        %cond3A_192 = arith.cmpi ne, %convert_element_type3A_190, %cond3A_191 : i32
        scf.if %cond3A_192 {
          %dma_wait3A_193 = arith.constant 0 : i32
          %dma_wait3A_194 = arith.constant 1 : i32
          %dma_wait3A_195 = arith.constant 0 : i32
          %dma_wait3A_196 = arith.constant 0 : i32
          %dma_wait3A_197 = tpu.memref_slice %arg7[%dma_wait3A_194, %dma_wait3A_195, %dma_wait3A_196] : memref<4x2x128xi32, #tpu.memory_space<vmem>> -> memref<1x2x128xi32, #tpu.memory_space<vmem>>
          %dma_wait3A_198 = tpu.memref_squeeze %dma_wait3A_197 : memref<1x2x128xi32, #tpu.memory_space<vmem>> -> memref<2x128xi32, #tpu.memory_space<vmem>>
          %dma_wait3A_199 = arith.constant 0 : i32
          %dma_wait3A_200 = arith.constant 0 : i32
          %dma_wait3A_201 = tpu.memref_slice %arg3[%add3A, %dma_wait3A_193, %dma_wait3A_199, %dma_wait3A_200] : memref<32x79x2x128xi32, #tpu.memory_space<hbm>> -> memref<1x1x2x128xi32, #tpu.memory_space<hbm>>
          %dma_wait3A_202 = tpu.memref_squeeze %dma_wait3A_201 : memref<1x1x2x128xi32, #tpu.memory_space<hbm>> -> memref<2x128xi32, #tpu.memory_space<hbm>>
          %dma_wait3A_203 = arith.constant 0 : i32
          %dma_wait3A_204 = arith.constant 0 : i32
          %dma_wait3A_205 = tpu.memref_slice %arg7[%dma_wait3A_194, %dma_wait3A_203, %dma_wait3A_204] : memref<4x2x128xi32, #tpu.memory_space<vmem>> -> memref<1x2x128xi32, #tpu.memory_space<vmem>>
          %dma_wait3A_206 = tpu.memref_squeeze %dma_wait3A_205 : memref<1x2x128xi32, #tpu.memory_space<vmem>> -> memref<2x128xi32, #tpu.memory_space<vmem>>
          %dma_wait3A_207 = arith.constant 0 : i32
          %dma_wait3A_208 = arith.constant 0 : i32
          %dma_wait3A_209 = tpu.memref_slice %arg3[%add3A, %dma_wait3A_193, %dma_wait3A_207, %dma_wait3A_208] : memref<32x79x2x128xi32, #tpu.memory_space<hbm>> -> memref<1x1x2x128xi32, #tpu.memory_space<hbm>>
          %dma_wait3A_210 = tpu.memref_squeeze %dma_wait3A_209 : memref<1x1x2x128xi32, #tpu.memory_space<hbm>> -> memref<2x128xi32, #tpu.memory_space<hbm>>
          tpu.wait_dma2 semaphore(%arg14 : memref<!tpu.dma_semaphore, #tpu.memory_space<semaphore_mem>>) src(%dma_wait3A_210 : memref<2x128xi32, #tpu.memory_space<hbm>>) dst(%dma_wait3A_206 : memref<2x128xi32, #tpu.memory_space<vmem>>)
          %dma_start3A_211 = arith.constant 1 : i32
          %dma_start3A_212 = arith.constant 0 : i32
          %dma_start3A_213 = arith.constant 0 : i32
          %dma_start3A_214 = tpu.memref_slice %arg7[%dma_start3A_211, %dma_start3A_212, %dma_start3A_213] : memref<4x2x128xi32, #tpu.memory_space<vmem>> -> memref<1x1x128xi32, #tpu.memory_space<vmem>>
          %dma_start3A_215 = tpu.memref_squeeze %dma_start3A_214 : memref<1x1x128xi32, #tpu.memory_space<vmem>> -> memref<128xi32, #tpu.memory_space<vmem>>
          %dma_start3A_216 = arith.constant 0 : i32
          %dma_start3A_217 = arith.constant 0 : i32
          %dma_start3A_218 = tpu.memref_slice %arg2[%dma_start3A_216, %dma_start3A_217] : memref<10000x128xf32, #tpu.memory_space<hbm>> -> memref<10000x128xf32, #tpu.memory_space<hbm>>
          tpu.enqueue_indirect_dma source(%dma_start3A_218 : memref<10000x128xf32, #tpu.memory_space<hbm>>) target(%arg9 : memref<128x128xf32, #tpu.memory_space<vmem>>) offsets(%dma_start3A_215 : memref<128xi32, #tpu.memory_space<vmem>>) semaphore(%arg12 : memref<!tpu.dma_semaphore, #tpu.memory_space<semaphore_mem>>)
        } else {
        }
      } else {
      }
    }
    %scan3A_129 = arith.constant 20 : i32
    %barrier3A_130 = arith.constant 0 : index
    tpu.barrier barrier_id(%barrier3A_130)
    %mul3A_131 = arith.constant 632 : i32
    %mul3A_132 = arith.muli %arg1, %mul3A_131 : i32
    %eq3A = arith.constant 0 : i32
    %eq3A_133 = arith.cmpi eq, %arg0, %eq3A : i32
    %convert_element_type3A = arith.extui %eq3A_133 : i1 to i32
    %cond3A = arith.constant 0 : i32
    %cond3A_134 = arith.cmpi ne, %convert_element_type3A, %cond3A : i32
    scf.if %cond3A_134 {
      "tpu.region"() ({
        %run_scoped3A = tpu.sem_alloc : memref<!tpu.dma_semaphore, #tpu.memory_space<semaphore_mem>>
        %dma_start3A_140 = arith.constant 0 : i32
        %dma_start3A_141 = tpu.memref_slice %arg5[%mul3A_132, %dma_start3A_140] : memref<10112x128xf32, #tpu.memory_space<hbm>> -> memref<632x128xf32, #tpu.memory_space<hbm>>
        %dma_start3A_142 = arith.constant 0 : i32
        %dma_start3A_143 = tpu.memref_slice %arg10[%mul3A_132, %dma_start3A_142] : memref<10112x128xf32, #tpu.memory_space<vmem_shared>> -> memref<632x128xf32, #tpu.memory_space<vmem_shared>>
        tpu.enqueue_dma source(%dma_start3A_143 : memref<632x128xf32, #tpu.memory_space<vmem_shared>>) target(%dma_start3A_141 : memref<632x128xf32, #tpu.memory_space<hbm>>) target_semaphore(%run_scoped3A : memref<!tpu.dma_semaphore, #tpu.memory_space<semaphore_mem>>)
        %dma_wait3A_144 = arith.constant 0 : i32
        %dma_wait3A_145 = tpu.memref_slice %arg5[%mul3A_132, %dma_wait3A_144] : memref<10112x128xf32, #tpu.memory_space<hbm>> -> memref<632x128xf32, #tpu.memory_space<hbm>>
        %dma_wait3A_146 = arith.constant 0 : i32
        %dma_wait3A_147 = tpu.memref_slice %arg10[%mul3A_132, %dma_wait3A_146] : memref<10112x128xf32, #tpu.memory_space<vmem_shared>> -> memref<632x128xf32, #tpu.memory_space<vmem_shared>>
        tpu.wait_dma2 semaphore(%run_scoped3A : memref<!tpu.dma_semaphore, #tpu.memory_space<semaphore_mem>>) src(%dma_wait3A_147 : memref<632x128xf32, #tpu.memory_space<vmem_shared>>) dst(%dma_wait3A_145 : memref<632x128xf32, #tpu.memory_space<hbm>>)
        tpu.yield
      }) : () -> ()
    } else {
    }
    %eq3A_135 = arith.constant 1 : i32
    %eq3A_136 = arith.cmpi eq, %arg0, %eq3A_135 : i32
    %convert_element_type3A_137 = arith.extui %eq3A_136 : i1 to i32
    %cond3A_138 = arith.constant 0 : i32
    %cond3A_139 = arith.cmpi ne, %convert_element_type3A_137, %cond3A_138 : i32
    scf.if %cond3A_139 {
      "tpu.region"() ({
        %run_scoped3A = tpu.sem_alloc : memref<!tpu.dma_semaphore, #tpu.memory_space<semaphore_mem>>
        %dma_start3A_140 = arith.constant 0 : i32
        %dma_start3A_141 = tpu.memref_slice %arg6[%mul3A_132, %dma_start3A_140] : memref<10112x128xf32, #tpu.memory_space<hbm>> -> memref<632x128xf32, #tpu.memory_space<hbm>>
        %dma_start3A_142 = arith.constant 0 : i32
        %dma_start3A_143 = tpu.memref_slice %arg10[%mul3A_132, %dma_start3A_142] : memref<10112x128xf32, #tpu.memory_space<vmem_shared>> -> memref<632x128xf32, #tpu.memory_space<vmem_shared>>
        tpu.enqueue_dma source(%dma_start3A_143 : memref<632x128xf32, #tpu.memory_space<vmem_shared>>) target(%dma_start3A_141 : memref<632x128xf32, #tpu.memory_space<hbm>>) target_semaphore(%run_scoped3A : memref<!tpu.dma_semaphore, #tpu.memory_space<semaphore_mem>>)
        %dma_wait3A_144 = arith.constant 0 : i32
        %dma_wait3A_145 = tpu.memref_slice %arg6[%mul3A_132, %dma_wait3A_144] : memref<10112x128xf32, #tpu.memory_space<hbm>> -> memref<632x128xf32, #tpu.memory_space<hbm>>
        %dma_wait3A_146 = arith.constant 0 : i32
        %dma_wait3A_147 = tpu.memref_slice %arg10[%mul3A_132, %dma_wait3A_146] : memref<10112x128xf32, #tpu.memory_space<vmem_shared>> -> memref<632x128xf32, #tpu.memory_space<vmem_shared>>
        tpu.wait_dma2 semaphore(%run_scoped3A : memref<!tpu.dma_semaphore, #tpu.memory_space<semaphore_mem>>) src(%dma_wait3A_147 : memref<632x128xf32, #tpu.memory_space<vmem_shared>>) dst(%dma_wait3A_145 : memref<632x128xf32, #tpu.memory_space<hbm>>)
        tpu.yield
      }) : () -> ()
    } else {
    }
    return
  }
}

#map = affine_map<(d0, d1) -> (0, 0)>
#map1 = affine_map<(d0, d1) -> (0, 0, 0, 0)>
module attributes {stable_mosaic.version = 14 : i64} {
  func.func @_agg_sc(%arg0: i32, %arg1: i32, %arg2: memref<10000x128xf32, #tpu.memory_space<hbm>>, %arg3: memref<32x79x2x128xi32, #tpu.memory_space<hbm>>, %arg4: memref<632x128xf32, #tpu.memory_space<hbm>>, %arg5: memref<10112x128xf32, #tpu.memory_space<hbm>>, %arg6: memref<10112x128xf32, #tpu.memory_space<hbm>>, %arg7: memref<4x2x128xi32, #tpu.memory_space<vmem>>, %arg8: memref<128x128xf32, #tpu.memory_space<vmem>>, %arg9: memref<128x128xf32, #tpu.memory_space<vmem>>, %arg10: memref<10112x128xf32, #tpu.memory_space<vmem_shared>>, %arg11: memref<!tpu.dma_semaphore, #tpu.memory_space<semaphore_mem>>, %arg12: memref<!tpu.dma_semaphore, #tpu.memory_space<semaphore_mem>>, %arg13: memref<!tpu.dma_semaphore, #tpu.memory_space<semaphore_mem>>, %arg14: memref<!tpu.dma_semaphore, #tpu.memory_space<semaphore_mem>>, %arg15: memref<!tpu.dma_semaphore, #tpu.memory_space<semaphore_mem>>, %arg16: memref<!tpu.dma_semaphore, #tpu.memory_space<semaphore_mem>>) attributes {dimension_semantics = [#tpu.dimension_semantics<core_parallel>, #tpu.dimension_semantics<subcore_parallel>], iteration_bounds = array<i64: 2, 16>, scalar_prefetch = 0 : i64, scratch_operands = 10 : i64, tpu.core_type = #tpu.core_type<sc_vector_subcore>, window_params = [{transform_indices = #map}, {transform_indices = #map1}, {transform_indices = #map}, {transform_indices = #map}, {transform_indices = #map}]} {
    %mul3A = arith.constant 2 : i32
    %mul3A_0 = arith.muli %arg1, %mul3A : i32
    %add3A = arith.addi %mul3A_0, %arg0 : i32
    %mul3A_1 = arith.constant 632 : i32
    %mul3A_2 = arith.muli %arg1, %mul3A_1 : i32
    "tpu.region"() ({
      %run_scoped3A = tpu.sem_alloc : memref<!tpu.dma_semaphore, #tpu.memory_space<semaphore_mem>>
      %dma_start3A_140 = arith.constant 0 : i32
      %dma_start3A_141 = tpu.memref_slice %arg10[%mul3A_2, %dma_start3A_140] : memref<10112x128xf32, #tpu.memory_space<vmem_shared>> -> memref<632x128xf32, #tpu.memory_space<vmem_shared>>
      tpu.enqueue_dma source(%arg4 : memref<632x128xf32, #tpu.memory_space<hbm>>) target(%dma_start3A_141 : memref<632x128xf32, #tpu.memory_space<vmem_shared>>) target_semaphore(%run_scoped3A : memref<!tpu.dma_semaphore, #tpu.memory_space<semaphore_mem>>)
      %dma_wait3A_142 = arith.constant 0 : i32
      %dma_wait3A_143 = tpu.memref_slice %arg10[%mul3A_2, %dma_wait3A_142] : memref<10112x128xf32, #tpu.memory_space<vmem_shared>> -> memref<632x128xf32, #tpu.memory_space<vmem_shared>>
      tpu.wait_dma2 semaphore(%run_scoped3A : memref<!tpu.dma_semaphore, #tpu.memory_space<semaphore_mem>>) src(%arg4 : memref<632x128xf32, #tpu.memory_space<hbm>>) dst(%dma_wait3A_143 : memref<632x128xf32, #tpu.memory_space<vmem_shared>>)
      tpu.yield
    }) : () -> ()
    %barrier3A = arith.constant 0 : index
    tpu.barrier barrier_id(%barrier3A)
    %dma_start3A = arith.constant 0 : i32
    %dma_start3A_3 = arith.constant 0 : i32
    %dma_start3A_4 = arith.constant 0 : i32
    %dma_start3A_5 = arith.constant 0 : i32
    %dma_start3A_6 = tpu.memref_slice %arg7[%dma_start3A_3, %dma_start3A_4, %dma_start3A_5] : memref<4x2x128xi32, #tpu.memory_space<vmem>> -> memref<1x2x128xi32, #tpu.memory_space<vmem>>
    %dma_start3A_7 = tpu.memref_squeeze %dma_start3A_6 : memref<1x2x128xi32, #tpu.memory_space<vmem>> -> memref<2x128xi32, #tpu.memory_space<vmem>>
    %dma_start3A_8 = arith.constant 0 : i32
    %dma_start3A_9 = arith.constant 0 : i32
    %dma_start3A_10 = tpu.memref_slice %arg3[%add3A, %dma_start3A, %dma_start3A_8, %dma_start3A_9] : memref<32x79x2x128xi32, #tpu.memory_space<hbm>> -> memref<1x1x2x128xi32, #tpu.memory_space<hbm>>
    %dma_start3A_11 = tpu.memref_squeeze %dma_start3A_10 : memref<1x1x2x128xi32, #tpu.memory_space<hbm>> -> memref<2x128xi32, #tpu.memory_space<hbm>>
    %dma_start3A_12 = arith.constant 0 : i32
    %dma_start3A_13 = arith.constant 0 : i32
    %dma_start3A_14 = tpu.memref_slice %arg7[%dma_start3A_3, %dma_start3A_12, %dma_start3A_13] : memref<4x2x128xi32, #tpu.memory_space<vmem>> -> memref<1x2x128xi32, #tpu.memory_space<vmem>>
    %dma_start3A_15 = tpu.memref_squeeze %dma_start3A_14 : memref<1x2x128xi32, #tpu.memory_space<vmem>> -> memref<2x128xi32, #tpu.memory_space<vmem>>
    %dma_start3A_16 = arith.constant 0 : i32
    %dma_start3A_17 = arith.constant 0 : i32
    %dma_start3A_18 = tpu.memref_slice %arg3[%add3A, %dma_start3A, %dma_start3A_16, %dma_start3A_17] : memref<32x79x2x128xi32, #tpu.memory_space<hbm>> -> memref<1x1x2x128xi32, #tpu.memory_space<hbm>>
    %dma_start3A_19 = tpu.memref_squeeze %dma_start3A_18 : memref<1x1x2x128xi32, #tpu.memory_space<hbm>> -> memref<2x128xi32, #tpu.memory_space<hbm>>
    tpu.enqueue_dma source(%dma_start3A_19 : memref<2x128xi32, #tpu.memory_space<hbm>>) target(%dma_start3A_15 : memref<2x128xi32, #tpu.memory_space<vmem>>) target_semaphore(%arg13 : memref<!tpu.dma_semaphore, #tpu.memory_space<semaphore_mem>>)
    %dma_start3A_20 = arith.constant 1 : i32
    %dma_start3A_21 = arith.constant 1 : i32
    %dma_start3A_22 = arith.constant 0 : i32
    %dma_start3A_23 = arith.constant 0 : i32
    %dma_start3A_24 = tpu.memref_slice %arg7[%dma_start3A_21, %dma_start3A_22, %dma_start3A_23] : memref<4x2x128xi32, #tpu.memory_space<vmem>> -> memref<1x2x128xi32, #tpu.memory_space<vmem>>
    %dma_start3A_25 = tpu.memref_squeeze %dma_start3A_24 : memref<1x2x128xi32, #tpu.memory_space<vmem>> -> memref<2x128xi32, #tpu.memory_space<vmem>>
    %dma_start3A_26 = arith.constant 0 : i32
    %dma_start3A_27 = arith.constant 0 : i32
    %dma_start3A_28 = tpu.memref_slice %arg3[%add3A, %dma_start3A_20, %dma_start3A_26, %dma_start3A_27] : memref<32x79x2x128xi32, #tpu.memory_space<hbm>> -> memref<1x1x2x128xi32, #tpu.memory_space<hbm>>
    %dma_start3A_29 = tpu.memref_squeeze %dma_start3A_28 : memref<1x1x2x128xi32, #tpu.memory_space<hbm>> -> memref<2x128xi32, #tpu.memory_space<hbm>>
    %dma_start3A_30 = arith.constant 0 : i32
    %dma_start3A_31 = arith.constant 0 : i32
    %dma_start3A_32 = tpu.memref_slice %arg7[%dma_start3A_21, %dma_start3A_30, %dma_start3A_31] : memref<4x2x128xi32, #tpu.memory_space<vmem>> -> memref<1x2x128xi32, #tpu.memory_space<vmem>>
    %dma_start3A_33 = tpu.memref_squeeze %dma_start3A_32 : memref<1x2x128xi32, #tpu.memory_space<vmem>> -> memref<2x128xi32, #tpu.memory_space<vmem>>
    %dma_start3A_34 = arith.constant 0 : i32
    %dma_start3A_35 = arith.constant 0 : i32
    %dma_start3A_36 = tpu.memref_slice %arg3[%add3A, %dma_start3A_20, %dma_start3A_34, %dma_start3A_35] : memref<32x79x2x128xi32, #tpu.memory_space<hbm>> -> memref<1x1x2x128xi32, #tpu.memory_space<hbm>>
    %dma_start3A_37 = tpu.memref_squeeze %dma_start3A_36 : memref<1x1x2x128xi32, #tpu.memory_space<hbm>> -> memref<2x128xi32, #tpu.memory_space<hbm>>
    tpu.enqueue_dma source(%dma_start3A_37 : memref<2x128xi32, #tpu.memory_space<hbm>>) target(%dma_start3A_33 : memref<2x128xi32, #tpu.memory_space<vmem>>) target_semaphore(%arg14 : memref<!tpu.dma_semaphore, #tpu.memory_space<semaphore_mem>>)
    %dma_start3A_38 = arith.constant 2 : i32
    %dma_start3A_39 = arith.constant 2 : i32
    %dma_start3A_40 = arith.constant 0 : i32
    %dma_start3A_41 = arith.constant 0 : i32
    %dma_start3A_42 = tpu.memref_slice %arg7[%dma_start3A_39, %dma_start3A_40, %dma_start3A_41] : memref<4x2x128xi32, #tpu.memory_space<vmem>> -> memref<1x2x128xi32, #tpu.memory_space<vmem>>
    %dma_start3A_43 = tpu.memref_squeeze %dma_start3A_42 : memref<1x2x128xi32, #tpu.memory_space<vmem>> -> memref<2x128xi32, #tpu.memory_space<vmem>>
    %dma_start3A_44 = arith.constant 0 : i32
    %dma_start3A_45 = arith.constant 0 : i32
    %dma_start3A_46 = tpu.memref_slice %arg3[%add3A, %dma_start3A_38, %dma_start3A_44, %dma_start3A_45] : memref<32x79x2x128xi32, #tpu.memory_space<hbm>> -> memref<1x1x2x128xi32, #tpu.memory_space<hbm>>
    %dma_start3A_47 = tpu.memref_squeeze %dma_start3A_46 : memref<1x1x2x128xi32, #tpu.memory_space<hbm>> -> memref<2x128xi32, #tpu.memory_space<hbm>>
    %dma_start3A_48 = arith.constant 0 : i32
    %dma_start3A_49 = arith.constant 0 : i32
    %dma_start3A_50 = tpu.memref_slice %arg7[%dma_start3A_39, %dma_start3A_48, %dma_start3A_49] : memref<4x2x128xi32, #tpu.memory_space<vmem>> -> memref<1x2x128xi32, #tpu.memory_space<vmem>>
    %dma_start3A_51 = tpu.memref_squeeze %dma_start3A_50 : memref<1x2x128xi32, #tpu.memory_space<vmem>> -> memref<2x128xi32, #tpu.memory_space<vmem>>
    %dma_start3A_52 = arith.constant 0 : i32
    %dma_start3A_53 = arith.constant 0 : i32
    %dma_start3A_54 = tpu.memref_slice %arg3[%add3A, %dma_start3A_38, %dma_start3A_52, %dma_start3A_53] : memref<32x79x2x128xi32, #tpu.memory_space<hbm>> -> memref<1x1x2x128xi32, #tpu.memory_space<hbm>>
    %dma_start3A_55 = tpu.memref_squeeze %dma_start3A_54 : memref<1x1x2x128xi32, #tpu.memory_space<hbm>> -> memref<2x128xi32, #tpu.memory_space<hbm>>
    tpu.enqueue_dma source(%dma_start3A_55 : memref<2x128xi32, #tpu.memory_space<hbm>>) target(%dma_start3A_51 : memref<2x128xi32, #tpu.memory_space<vmem>>) target_semaphore(%arg15 : memref<!tpu.dma_semaphore, #tpu.memory_space<semaphore_mem>>)
    %dma_start3A_56 = arith.constant 3 : i32
    %dma_start3A_57 = arith.constant 3 : i32
    %dma_start3A_58 = arith.constant 0 : i32
    %dma_start3A_59 = arith.constant 0 : i32
    %dma_start3A_60 = tpu.memref_slice %arg7[%dma_start3A_57, %dma_start3A_58, %dma_start3A_59] : memref<4x2x128xi32, #tpu.memory_space<vmem>> -> memref<1x2x128xi32, #tpu.memory_space<vmem>>
    %dma_start3A_61 = tpu.memref_squeeze %dma_start3A_60 : memref<1x2x128xi32, #tpu.memory_space<vmem>> -> memref<2x128xi32, #tpu.memory_space<vmem>>
    %dma_start3A_62 = arith.constant 0 : i32
    %dma_start3A_63 = arith.constant 0 : i32
    %dma_start3A_64 = tpu.memref_slice %arg3[%add3A, %dma_start3A_56, %dma_start3A_62, %dma_start3A_63] : memref<32x79x2x128xi32, #tpu.memory_space<hbm>> -> memref<1x1x2x128xi32, #tpu.memory_space<hbm>>
    %dma_start3A_65 = tpu.memref_squeeze %dma_start3A_64 : memref<1x1x2x128xi32, #tpu.memory_space<hbm>> -> memref<2x128xi32, #tpu.memory_space<hbm>>
    %dma_start3A_66 = arith.constant 0 : i32
    %dma_start3A_67 = arith.constant 0 : i32
    %dma_start3A_68 = tpu.memref_slice %arg7[%dma_start3A_57, %dma_start3A_66, %dma_start3A_67] : memref<4x2x128xi32, #tpu.memory_space<vmem>> -> memref<1x2x128xi32, #tpu.memory_space<vmem>>
    %dma_start3A_69 = tpu.memref_squeeze %dma_start3A_68 : memref<1x2x128xi32, #tpu.memory_space<vmem>> -> memref<2x128xi32, #tpu.memory_space<vmem>>
    %dma_start3A_70 = arith.constant 0 : i32
    %dma_start3A_71 = arith.constant 0 : i32
    %dma_start3A_72 = tpu.memref_slice %arg3[%add3A, %dma_start3A_56, %dma_start3A_70, %dma_start3A_71] : memref<32x79x2x128xi32, #tpu.memory_space<hbm>> -> memref<1x1x2x128xi32, #tpu.memory_space<hbm>>
    %dma_start3A_73 = tpu.memref_squeeze %dma_start3A_72 : memref<1x1x2x128xi32, #tpu.memory_space<hbm>> -> memref<2x128xi32, #tpu.memory_space<hbm>>
    tpu.enqueue_dma source(%dma_start3A_73 : memref<2x128xi32, #tpu.memory_space<hbm>>) target(%dma_start3A_69 : memref<2x128xi32, #tpu.memory_space<vmem>>) target_semaphore(%arg16 : memref<!tpu.dma_semaphore, #tpu.memory_space<semaphore_mem>>)
    %dma_wait3A = arith.constant 0 : i32
    %dma_wait3A_74 = arith.constant 0 : i32
    %dma_wait3A_75 = arith.constant 0 : i32
    %dma_wait3A_76 = arith.constant 0 : i32
    %dma_wait3A_77 = tpu.memref_slice %arg7[%dma_wait3A_74, %dma_wait3A_75, %dma_wait3A_76] : memref<4x2x128xi32, #tpu.memory_space<vmem>> -> memref<1x2x128xi32, #tpu.memory_space<vmem>>
    %dma_wait3A_78 = tpu.memref_squeeze %dma_wait3A_77 : memref<1x2x128xi32, #tpu.memory_space<vmem>> -> memref<2x128xi32, #tpu.memory_space<vmem>>
    %dma_wait3A_79 = arith.constant 0 : i32
    %dma_wait3A_80 = arith.constant 0 : i32
    %dma_wait3A_81 = tpu.memref_slice %arg3[%add3A, %dma_wait3A, %dma_wait3A_79, %dma_wait3A_80] : memref<32x79x2x128xi32, #tpu.memory_space<hbm>> -> memref<1x1x2x128xi32, #tpu.memory_space<hbm>>
    %dma_wait3A_82 = tpu.memref_squeeze %dma_wait3A_81 : memref<1x1x2x128xi32, #tpu.memory_space<hbm>> -> memref<2x128xi32, #tpu.memory_space<hbm>>
    %dma_wait3A_83 = arith.constant 0 : i32
    %dma_wait3A_84 = arith.constant 0 : i32
    %dma_wait3A_85 = tpu.memref_slice %arg7[%dma_wait3A_74, %dma_wait3A_83, %dma_wait3A_84] : memref<4x2x128xi32, #tpu.memory_space<vmem>> -> memref<1x2x128xi32, #tpu.memory_space<vmem>>
    %dma_wait3A_86 = tpu.memref_squeeze %dma_wait3A_85 : memref<1x2x128xi32, #tpu.memory_space<vmem>> -> memref<2x128xi32, #tpu.memory_space<vmem>>
    %dma_wait3A_87 = arith.constant 0 : i32
    %dma_wait3A_88 = arith.constant 0 : i32
    %dma_wait3A_89 = tpu.memref_slice %arg3[%add3A, %dma_wait3A, %dma_wait3A_87, %dma_wait3A_88] : memref<32x79x2x128xi32, #tpu.memory_space<hbm>> -> memref<1x1x2x128xi32, #tpu.memory_space<hbm>>
    %dma_wait3A_90 = tpu.memref_squeeze %dma_wait3A_89 : memref<1x1x2x128xi32, #tpu.memory_space<hbm>> -> memref<2x128xi32, #tpu.memory_space<hbm>>
    tpu.wait_dma2 semaphore(%arg13 : memref<!tpu.dma_semaphore, #tpu.memory_space<semaphore_mem>>) src(%dma_wait3A_90 : memref<2x128xi32, #tpu.memory_space<hbm>>) dst(%dma_wait3A_86 : memref<2x128xi32, #tpu.memory_space<vmem>>)
    %dma_start3A_91 = arith.constant 0 : i32
    %dma_start3A_92 = arith.constant 0 : i32
    %dma_start3A_93 = arith.constant 0 : i32
    %dma_start3A_94 = tpu.memref_slice %arg7[%dma_start3A_91, %dma_start3A_92, %dma_start3A_93] : memref<4x2x128xi32, #tpu.memory_space<vmem>> -> memref<1x1x128xi32, #tpu.memory_space<vmem>>
    %dma_start3A_95 = tpu.memref_squeeze %dma_start3A_94 : memref<1x1x128xi32, #tpu.memory_space<vmem>> -> memref<128xi32, #tpu.memory_space<vmem>>
    %dma_start3A_96 = arith.constant 0 : i32
    %dma_start3A_97 = arith.constant 0 : i32
    %dma_start3A_98 = tpu.memref_slice %arg2[%dma_start3A_96, %dma_start3A_97] : memref<10000x128xf32, #tpu.memory_space<hbm>> -> memref<10000x128xf32, #tpu.memory_space<hbm>>
    tpu.enqueue_indirect_dma source(%dma_start3A_98 : memref<10000x128xf32, #tpu.memory_space<hbm>>) target(%arg8 : memref<128x128xf32, #tpu.memory_space<vmem>>) offsets(%dma_start3A_95 : memref<128xi32, #tpu.memory_space<vmem>>) semaphore(%arg11 : memref<!tpu.dma_semaphore, #tpu.memory_space<semaphore_mem>>)
    %dma_wait3A_99 = arith.constant 1 : i32
    %dma_wait3A_100 = arith.constant 1 : i32
    %dma_wait3A_101 = arith.constant 0 : i32
    %dma_wait3A_102 = arith.constant 0 : i32
    %dma_wait3A_103 = tpu.memref_slice %arg7[%dma_wait3A_100, %dma_wait3A_101, %dma_wait3A_102] : memref<4x2x128xi32, #tpu.memory_space<vmem>> -> memref<1x2x128xi32, #tpu.memory_space<vmem>>
    %dma_wait3A_104 = tpu.memref_squeeze %dma_wait3A_103 : memref<1x2x128xi32, #tpu.memory_space<vmem>> -> memref<2x128xi32, #tpu.memory_space<vmem>>
    %dma_wait3A_105 = arith.constant 0 : i32
    %dma_wait3A_106 = arith.constant 0 : i32
    %dma_wait3A_107 = tpu.memref_slice %arg3[%add3A, %dma_wait3A_99, %dma_wait3A_105, %dma_wait3A_106] : memref<32x79x2x128xi32, #tpu.memory_space<hbm>> -> memref<1x1x2x128xi32, #tpu.memory_space<hbm>>
    %dma_wait3A_108 = tpu.memref_squeeze %dma_wait3A_107 : memref<1x1x2x128xi32, #tpu.memory_space<hbm>> -> memref<2x128xi32, #tpu.memory_space<hbm>>
    %dma_wait3A_109 = arith.constant 0 : i32
    %dma_wait3A_110 = arith.constant 0 : i32
    %dma_wait3A_111 = tpu.memref_slice %arg7[%dma_wait3A_100, %dma_wait3A_109, %dma_wait3A_110] : memref<4x2x128xi32, #tpu.memory_space<vmem>> -> memref<1x2x128xi32, #tpu.memory_space<vmem>>
    %dma_wait3A_112 = tpu.memref_squeeze %dma_wait3A_111 : memref<1x2x128xi32, #tpu.memory_space<vmem>> -> memref<2x128xi32, #tpu.memory_space<vmem>>
    %dma_wait3A_113 = arith.constant 0 : i32
    %dma_wait3A_114 = arith.constant 0 : i32
    %dma_wait3A_115 = tpu.memref_slice %arg3[%add3A, %dma_wait3A_99, %dma_wait3A_113, %dma_wait3A_114] : memref<32x79x2x128xi32, #tpu.memory_space<hbm>> -> memref<1x1x2x128xi32, #tpu.memory_space<hbm>>
    %dma_wait3A_116 = tpu.memref_squeeze %dma_wait3A_115 : memref<1x1x2x128xi32, #tpu.memory_space<hbm>> -> memref<2x128xi32, #tpu.memory_space<hbm>>
    tpu.wait_dma2 semaphore(%arg14 : memref<!tpu.dma_semaphore, #tpu.memory_space<semaphore_mem>>) src(%dma_wait3A_116 : memref<2x128xi32, #tpu.memory_space<hbm>>) dst(%dma_wait3A_112 : memref<2x128xi32, #tpu.memory_space<vmem>>)
    %dma_start3A_117 = arith.constant 1 : i32
    %dma_start3A_118 = arith.constant 0 : i32
    %dma_start3A_119 = arith.constant 0 : i32
    %dma_start3A_120 = tpu.memref_slice %arg7[%dma_start3A_117, %dma_start3A_118, %dma_start3A_119] : memref<4x2x128xi32, #tpu.memory_space<vmem>> -> memref<1x1x128xi32, #tpu.memory_space<vmem>>
    %dma_start3A_121 = tpu.memref_squeeze %dma_start3A_120 : memref<1x1x128xi32, #tpu.memory_space<vmem>> -> memref<128xi32, #tpu.memory_space<vmem>>
    %dma_start3A_122 = arith.constant 0 : i32
    %dma_start3A_123 = arith.constant 0 : i32
    %dma_start3A_124 = tpu.memref_slice %arg2[%dma_start3A_122, %dma_start3A_123] : memref<10000x128xf32, #tpu.memory_space<hbm>> -> memref<10000x128xf32, #tpu.memory_space<hbm>>
    tpu.enqueue_indirect_dma source(%dma_start3A_124 : memref<10000x128xf32, #tpu.memory_space<hbm>>) target(%arg9 : memref<128x128xf32, #tpu.memory_space<vmem>>) offsets(%dma_start3A_121 : memref<128xi32, #tpu.memory_space<vmem>>) semaphore(%arg12 : memref<!tpu.dma_semaphore, #tpu.memory_space<semaphore_mem>>)
    %scan3A = arith.constant 0 : i32
    %scan3A_125 = arith.constant 0 : i32
    %scan3A_126 = arith.constant 20 : i32
    %scan3A_127 = arith.addi %scan3A_125, %scan3A_126 : i32
    %scan3A_128 = arith.constant 1 : i32
    scf.for %scan3A_140 = %scan3A_125 to %scan3A_127 step %scan3A_128  : i32 {
      %mul3A_141 = arith.constant 4 : i32
      %mul3A_142 = arith.muli %scan3A_140, %mul3A_141 : i32
      %add3A_143 = arith.constant 0 : i32
      %add3A_144 = arith.addi %mul3A_142, %add3A_143 : i32
      %lt3A = arith.constant 79 : i32
      %lt3A_145 = arith.cmpi slt, %add3A_144, %lt3A : i32
      %convert_element_type3A_146 = arith.extui %lt3A_145 : i1 to i32
      %cond3A_147 = arith.constant 0 : i32
      %cond3A_148 = arith.cmpi ne, %convert_element_type3A_146, %cond3A_147 : i32
      scf.if %cond3A_148 {
        %dma_wait3A_170 = arith.constant 0 : i32
        %dma_wait3A_171 = arith.constant 0 : i32
        %dma_wait3A_172 = arith.constant 0 : i32
        %dma_wait3A_173 = tpu.memref_slice %arg7[%dma_wait3A_170, %dma_wait3A_171, %dma_wait3A_172] : memref<4x2x128xi32, #tpu.memory_space<vmem>> -> memref<1x1x128xi32, #tpu.memory_space<vmem>>
        %dma_wait3A_174 = tpu.memref_squeeze %dma_wait3A_173 : memref<1x1x128xi32, #tpu.memory_space<vmem>> -> memref<128xi32, #tpu.memory_space<vmem>>
        %dma_wait3A_175 = arith.constant 0 : i32
        %dma_wait3A_176 = arith.constant 0 : i32
        %dma_wait3A_177 = tpu.memref_slice %arg2[%dma_wait3A_175, %dma_wait3A_176] : memref<10000x128xf32, #tpu.memory_space<hbm>> -> memref<10000x128xf32, #tpu.memory_space<hbm>>
        tpu.wait_indirect_dma semaphore(%arg11 : memref<!tpu.dma_semaphore, #tpu.memory_space<semaphore_mem>>) src(%dma_wait3A_177 : memref<10000x128xf32, #tpu.memory_space<hbm>>) dst(%arg8 : memref<128x128xf32, #tpu.memory_space<vmem>>)
        %run_scoped3A = arith.constant 0 : i32
        %run_scoped3A_178 = arith.constant 1 : i32
        "tpu.region"() ({
          %run_scoped3A_193 = tpu.sem_alloc : memref<!tpu.dma_semaphore, #tpu.memory_space<semaphore_mem>>
          %dma_start3A_194 = arith.constant 0 : i32
          %dma_start3A_195 = tpu.memref_slice %arg7[%run_scoped3A, %run_scoped3A_178, %dma_start3A_194] : memref<4x2x128xi32, #tpu.memory_space<vmem>> -> memref<1x1x128xi32, #tpu.memory_space<vmem>>
          %dma_start3A_196 = tpu.memref_squeeze %dma_start3A_195 : memref<1x1x128xi32, #tpu.memory_space<vmem>> -> memref<128xi32, #tpu.memory_space<vmem>>
          %dma_start3A_197 = arith.constant 0 : i32
          %dma_start3A_198 = arith.constant 0 : i32
          %dma_start3A_199 = tpu.memref_slice %arg10[%dma_start3A_197, %dma_start3A_198] : memref<10112x128xf32, #tpu.memory_space<vmem_shared>> -> memref<10112x128xf32, #tpu.memory_space<vmem_shared>>
          tpu.enqueue_indirect_dma source(%arg8 : memref<128x128xf32, #tpu.memory_space<vmem>>) target(%dma_start3A_199 : memref<10112x128xf32, #tpu.memory_space<vmem_shared>>) offsets(%dma_start3A_196 : memref<128xi32, #tpu.memory_space<vmem>>) semaphore(%run_scoped3A_193 : memref<!tpu.dma_semaphore, #tpu.memory_space<semaphore_mem>>) {add = true}
          %dma_wait3A_200 = arith.constant 0 : i32
          %dma_wait3A_201 = tpu.memref_slice %arg7[%run_scoped3A, %run_scoped3A_178, %dma_wait3A_200] : memref<4x2x128xi32, #tpu.memory_space<vmem>> -> memref<1x1x128xi32, #tpu.memory_space<vmem>>
          %dma_wait3A_202 = tpu.memref_squeeze %dma_wait3A_201 : memref<1x1x128xi32, #tpu.memory_space<vmem>> -> memref<128xi32, #tpu.memory_space<vmem>>
          %dma_wait3A_203 = arith.constant 0 : i32
          %dma_wait3A_204 = arith.constant 0 : i32
          %dma_wait3A_205 = tpu.memref_slice %arg10[%dma_wait3A_203, %dma_wait3A_204] : memref<10112x128xf32, #tpu.memory_space<vmem_shared>> -> memref<10112x128xf32, #tpu.memory_space<vmem_shared>>
          tpu.wait_indirect_dma semaphore(%run_scoped3A_193 : memref<!tpu.dma_semaphore, #tpu.memory_space<semaphore_mem>>) src(%arg8 : memref<128x128xf32, #tpu.memory_space<vmem>>) dst(%dma_wait3A_205 : memref<10112x128xf32, #tpu.memory_space<vmem_shared>>)
          tpu.yield
        }) : () -> ()
        %add3A_179 = arith.constant 4 : i32
        %add3A_180 = arith.addi %add3A_144, %add3A_179 : i32
        %lt3A_181 = arith.constant 79 : i32
        %lt3A_182 = arith.cmpi slt, %add3A_180, %lt3A_181 : i32
        %convert_element_type3A_183 = arith.extui %lt3A_182 : i1 to i32
        %cond3A_184 = arith.constant 0 : i32
        %cond3A_185 = arith.cmpi ne, %convert_element_type3A_183, %cond3A_184 : i32
        scf.if %cond3A_185 {
          %add3A_193 = arith.constant 4 : i32
          %add3A_194 = arith.addi %add3A_144, %add3A_193 : i32
          %dma_start3A_195 = arith.constant 0 : i32
          %dma_start3A_196 = arith.constant 0 : i32
          %dma_start3A_197 = arith.constant 0 : i32
          %dma_start3A_198 = tpu.memref_slice %arg7[%dma_start3A_195, %dma_start3A_196, %dma_start3A_197] : memref<4x2x128xi32, #tpu.memory_space<vmem>> -> memref<1x2x128xi32, #tpu.memory_space<vmem>>
          %dma_start3A_199 = tpu.memref_squeeze %dma_start3A_198 : memref<1x2x128xi32, #tpu.memory_space<vmem>> -> memref<2x128xi32, #tpu.memory_space<vmem>>
          %dma_start3A_200 = arith.constant 0 : i32
          %dma_start3A_201 = arith.constant 0 : i32
          %dma_start3A_202 = tpu.memref_slice %arg3[%add3A, %add3A_194, %dma_start3A_200, %dma_start3A_201] : memref<32x79x2x128xi32, #tpu.memory_space<hbm>> -> memref<1x1x2x128xi32, #tpu.memory_space<hbm>>
          %dma_start3A_203 = tpu.memref_squeeze %dma_start3A_202 : memref<1x1x2x128xi32, #tpu.memory_space<hbm>> -> memref<2x128xi32, #tpu.memory_space<hbm>>
          %dma_start3A_204 = arith.constant 0 : i32
          %dma_start3A_205 = arith.constant 0 : i32
          %dma_start3A_206 = tpu.memref_slice %arg7[%dma_start3A_195, %dma_start3A_204, %dma_start3A_205] : memref<4x2x128xi32, #tpu.memory_space<vmem>> -> memref<1x2x128xi32, #tpu.memory_space<vmem>>
          %dma_start3A_207 = tpu.memref_squeeze %dma_start3A_206 : memref<1x2x128xi32, #tpu.memory_space<vmem>> -> memref<2x128xi32, #tpu.memory_space<vmem>>
          %dma_start3A_208 = arith.constant 0 : i32
          %dma_start3A_209 = arith.constant 0 : i32
          %dma_start3A_210 = tpu.memref_slice %arg3[%add3A, %add3A_194, %dma_start3A_208, %dma_start3A_209] : memref<32x79x2x128xi32, #tpu.memory_space<hbm>> -> memref<1x1x2x128xi32, #tpu.memory_space<hbm>>
          %dma_start3A_211 = tpu.memref_squeeze %dma_start3A_210 : memref<1x1x2x128xi32, #tpu.memory_space<hbm>> -> memref<2x128xi32, #tpu.memory_space<hbm>>
          tpu.enqueue_dma source(%dma_start3A_211 : memref<2x128xi32, #tpu.memory_space<hbm>>) target(%dma_start3A_207 : memref<2x128xi32, #tpu.memory_space<vmem>>) target_semaphore(%arg13 : memref<!tpu.dma_semaphore, #tpu.memory_space<semaphore_mem>>)
        } else {
        }
        %add3A_186 = arith.constant 2 : i32
        %add3A_187 = arith.addi %add3A_144, %add3A_186 : i32
        %lt3A_188 = arith.constant 79 : i32
        %lt3A_189 = arith.cmpi slt, %add3A_187, %lt3A_188 : i32
        %convert_element_type3A_190 = arith.extui %lt3A_189 : i1 to i32
        %cond3A_191 = arith.constant 0 : i32
        %cond3A_192 = arith.cmpi ne, %convert_element_type3A_190, %cond3A_191 : i32
        scf.if %cond3A_192 {
          %dma_wait3A_193 = arith.constant 0 : i32
          %dma_wait3A_194 = arith.constant 2 : i32
          %dma_wait3A_195 = arith.constant 0 : i32
          %dma_wait3A_196 = arith.constant 0 : i32
          %dma_wait3A_197 = tpu.memref_slice %arg7[%dma_wait3A_194, %dma_wait3A_195, %dma_wait3A_196] : memref<4x2x128xi32, #tpu.memory_space<vmem>> -> memref<1x2x128xi32, #tpu.memory_space<vmem>>
          %dma_wait3A_198 = tpu.memref_squeeze %dma_wait3A_197 : memref<1x2x128xi32, #tpu.memory_space<vmem>> -> memref<2x128xi32, #tpu.memory_space<vmem>>
          %dma_wait3A_199 = arith.constant 0 : i32
          %dma_wait3A_200 = arith.constant 0 : i32
          %dma_wait3A_201 = tpu.memref_slice %arg3[%add3A, %dma_wait3A_193, %dma_wait3A_199, %dma_wait3A_200] : memref<32x79x2x128xi32, #tpu.memory_space<hbm>> -> memref<1x1x2x128xi32, #tpu.memory_space<hbm>>
          %dma_wait3A_202 = tpu.memref_squeeze %dma_wait3A_201 : memref<1x1x2x128xi32, #tpu.memory_space<hbm>> -> memref<2x128xi32, #tpu.memory_space<hbm>>
          %dma_wait3A_203 = arith.constant 0 : i32
          %dma_wait3A_204 = arith.constant 0 : i32
          %dma_wait3A_205 = tpu.memref_slice %arg7[%dma_wait3A_194, %dma_wait3A_203, %dma_wait3A_204] : memref<4x2x128xi32, #tpu.memory_space<vmem>> -> memref<1x2x128xi32, #tpu.memory_space<vmem>>
          %dma_wait3A_206 = tpu.memref_squeeze %dma_wait3A_205 : memref<1x2x128xi32, #tpu.memory_space<vmem>> -> memref<2x128xi32, #tpu.memory_space<vmem>>
          %dma_wait3A_207 = arith.constant 0 : i32
          %dma_wait3A_208 = arith.constant 0 : i32
          %dma_wait3A_209 = tpu.memref_slice %arg3[%add3A, %dma_wait3A_193, %dma_wait3A_207, %dma_wait3A_208] : memref<32x79x2x128xi32, #tpu.memory_space<hbm>> -> memref<1x1x2x128xi32, #tpu.memory_space<hbm>>
          %dma_wait3A_210 = tpu.memref_squeeze %dma_wait3A_209 : memref<1x1x2x128xi32, #tpu.memory_space<hbm>> -> memref<2x128xi32, #tpu.memory_space<hbm>>
          tpu.wait_dma2 semaphore(%arg15 : memref<!tpu.dma_semaphore, #tpu.memory_space<semaphore_mem>>) src(%dma_wait3A_210 : memref<2x128xi32, #tpu.memory_space<hbm>>) dst(%dma_wait3A_206 : memref<2x128xi32, #tpu.memory_space<vmem>>)
          %dma_start3A_211 = arith.constant 2 : i32
          %dma_start3A_212 = arith.constant 0 : i32
          %dma_start3A_213 = arith.constant 0 : i32
          %dma_start3A_214 = tpu.memref_slice %arg7[%dma_start3A_211, %dma_start3A_212, %dma_start3A_213] : memref<4x2x128xi32, #tpu.memory_space<vmem>> -> memref<1x1x128xi32, #tpu.memory_space<vmem>>
          %dma_start3A_215 = tpu.memref_squeeze %dma_start3A_214 : memref<1x1x128xi32, #tpu.memory_space<vmem>> -> memref<128xi32, #tpu.memory_space<vmem>>
          %dma_start3A_216 = arith.constant 0 : i32
          %dma_start3A_217 = arith.constant 0 : i32
          %dma_start3A_218 = tpu.memref_slice %arg2[%dma_start3A_216, %dma_start3A_217] : memref<10000x128xf32, #tpu.memory_space<hbm>> -> memref<10000x128xf32, #tpu.memory_space<hbm>>
          tpu.enqueue_indirect_dma source(%dma_start3A_218 : memref<10000x128xf32, #tpu.memory_space<hbm>>) target(%arg8 : memref<128x128xf32, #tpu.memory_space<vmem>>) offsets(%dma_start3A_215 : memref<128xi32, #tpu.memory_space<vmem>>) semaphore(%arg11 : memref<!tpu.dma_semaphore, #tpu.memory_space<semaphore_mem>>)
        } else {
        }
      } else {
      }
      %add3A_149 = arith.constant 1 : i32
      %add3A_150 = arith.addi %mul3A_142, %add3A_149 : i32
      %lt3A_151 = arith.constant 79 : i32
      %lt3A_152 = arith.cmpi slt, %add3A_150, %lt3A_151 : i32
      %convert_element_type3A_153 = arith.extui %lt3A_152 : i1 to i32
      %cond3A_154 = arith.constant 0 : i32
      %cond3A_155 = arith.cmpi ne, %convert_element_type3A_153, %cond3A_154 : i32
      scf.if %cond3A_155 {
        %dma_wait3A_170 = arith.constant 1 : i32
        %dma_wait3A_171 = arith.constant 0 : i32
        %dma_wait3A_172 = arith.constant 0 : i32
        %dma_wait3A_173 = tpu.memref_slice %arg7[%dma_wait3A_170, %dma_wait3A_171, %dma_wait3A_172] : memref<4x2x128xi32, #tpu.memory_space<vmem>> -> memref<1x1x128xi32, #tpu.memory_space<vmem>>
        %dma_wait3A_174 = tpu.memref_squeeze %dma_wait3A_173 : memref<1x1x128xi32, #tpu.memory_space<vmem>> -> memref<128xi32, #tpu.memory_space<vmem>>
        %dma_wait3A_175 = arith.constant 0 : i32
        %dma_wait3A_176 = arith.constant 0 : i32
        %dma_wait3A_177 = tpu.memref_slice %arg2[%dma_wait3A_175, %dma_wait3A_176] : memref<10000x128xf32, #tpu.memory_space<hbm>> -> memref<10000x128xf32, #tpu.memory_space<hbm>>
        tpu.wait_indirect_dma semaphore(%arg12 : memref<!tpu.dma_semaphore, #tpu.memory_space<semaphore_mem>>) src(%dma_wait3A_177 : memref<10000x128xf32, #tpu.memory_space<hbm>>) dst(%arg9 : memref<128x128xf32, #tpu.memory_space<vmem>>)
        %run_scoped3A = arith.constant 1 : i32
        %run_scoped3A_178 = arith.constant 1 : i32
        "tpu.region"() ({
          %run_scoped3A_193 = tpu.sem_alloc : memref<!tpu.dma_semaphore, #tpu.memory_space<semaphore_mem>>
          %dma_start3A_194 = arith.constant 0 : i32
          %dma_start3A_195 = tpu.memref_slice %arg7[%run_scoped3A, %run_scoped3A_178, %dma_start3A_194] : memref<4x2x128xi32, #tpu.memory_space<vmem>> -> memref<1x1x128xi32, #tpu.memory_space<vmem>>
          %dma_start3A_196 = tpu.memref_squeeze %dma_start3A_195 : memref<1x1x128xi32, #tpu.memory_space<vmem>> -> memref<128xi32, #tpu.memory_space<vmem>>
          %dma_start3A_197 = arith.constant 0 : i32
          %dma_start3A_198 = arith.constant 0 : i32
          %dma_start3A_199 = tpu.memref_slice %arg10[%dma_start3A_197, %dma_start3A_198] : memref<10112x128xf32, #tpu.memory_space<vmem_shared>> -> memref<10112x128xf32, #tpu.memory_space<vmem_shared>>
          tpu.enqueue_indirect_dma source(%arg9 : memref<128x128xf32, #tpu.memory_space<vmem>>) target(%dma_start3A_199 : memref<10112x128xf32, #tpu.memory_space<vmem_shared>>) offsets(%dma_start3A_196 : memref<128xi32, #tpu.memory_space<vmem>>) semaphore(%run_scoped3A_193 : memref<!tpu.dma_semaphore, #tpu.memory_space<semaphore_mem>>) {add = true}
          %dma_wait3A_200 = arith.constant 0 : i32
          %dma_wait3A_201 = tpu.memref_slice %arg7[%run_scoped3A, %run_scoped3A_178, %dma_wait3A_200] : memref<4x2x128xi32, #tpu.memory_space<vmem>> -> memref<1x1x128xi32, #tpu.memory_space<vmem>>
          %dma_wait3A_202 = tpu.memref_squeeze %dma_wait3A_201 : memref<1x1x128xi32, #tpu.memory_space<vmem>> -> memref<128xi32, #tpu.memory_space<vmem>>
          %dma_wait3A_203 = arith.constant 0 : i32
          %dma_wait3A_204 = arith.constant 0 : i32
          %dma_wait3A_205 = tpu.memref_slice %arg10[%dma_wait3A_203, %dma_wait3A_204] : memref<10112x128xf32, #tpu.memory_space<vmem_shared>> -> memref<10112x128xf32, #tpu.memory_space<vmem_shared>>
          tpu.wait_indirect_dma semaphore(%run_scoped3A_193 : memref<!tpu.dma_semaphore, #tpu.memory_space<semaphore_mem>>) src(%arg9 : memref<128x128xf32, #tpu.memory_space<vmem>>) dst(%dma_wait3A_205 : memref<10112x128xf32, #tpu.memory_space<vmem_shared>>)
          tpu.yield
        }) : () -> ()
        %add3A_179 = arith.constant 4 : i32
        %add3A_180 = arith.addi %add3A_150, %add3A_179 : i32
        %lt3A_181 = arith.constant 79 : i32
        %lt3A_182 = arith.cmpi slt, %add3A_180, %lt3A_181 : i32
        %convert_element_type3A_183 = arith.extui %lt3A_182 : i1 to i32
        %cond3A_184 = arith.constant 0 : i32
        %cond3A_185 = arith.cmpi ne, %convert_element_type3A_183, %cond3A_184 : i32
        scf.if %cond3A_185 {
          %add3A_193 = arith.constant 4 : i32
          %add3A_194 = arith.addi %add3A_150, %add3A_193 : i32
          %dma_start3A_195 = arith.constant 1 : i32
          %dma_start3A_196 = arith.constant 0 : i32
          %dma_start3A_197 = arith.constant 0 : i32
          %dma_start3A_198 = tpu.memref_slice %arg7[%dma_start3A_195, %dma_start3A_196, %dma_start3A_197] : memref<4x2x128xi32, #tpu.memory_space<vmem>> -> memref<1x2x128xi32, #tpu.memory_space<vmem>>
          %dma_start3A_199 = tpu.memref_squeeze %dma_start3A_198 : memref<1x2x128xi32, #tpu.memory_space<vmem>> -> memref<2x128xi32, #tpu.memory_space<vmem>>
          %dma_start3A_200 = arith.constant 0 : i32
          %dma_start3A_201 = arith.constant 0 : i32
          %dma_start3A_202 = tpu.memref_slice %arg3[%add3A, %add3A_194, %dma_start3A_200, %dma_start3A_201] : memref<32x79x2x128xi32, #tpu.memory_space<hbm>> -> memref<1x1x2x128xi32, #tpu.memory_space<hbm>>
          %dma_start3A_203 = tpu.memref_squeeze %dma_start3A_202 : memref<1x1x2x128xi32, #tpu.memory_space<hbm>> -> memref<2x128xi32, #tpu.memory_space<hbm>>
          %dma_start3A_204 = arith.constant 0 : i32
          %dma_start3A_205 = arith.constant 0 : i32
          %dma_start3A_206 = tpu.memref_slice %arg7[%dma_start3A_195, %dma_start3A_204, %dma_start3A_205] : memref<4x2x128xi32, #tpu.memory_space<vmem>> -> memref<1x2x128xi32, #tpu.memory_space<vmem>>
          %dma_start3A_207 = tpu.memref_squeeze %dma_start3A_206 : memref<1x2x128xi32, #tpu.memory_space<vmem>> -> memref<2x128xi32, #tpu.memory_space<vmem>>
          %dma_start3A_208 = arith.constant 0 : i32
          %dma_start3A_209 = arith.constant 0 : i32
          %dma_start3A_210 = tpu.memref_slice %arg3[%add3A, %add3A_194, %dma_start3A_208, %dma_start3A_209] : memref<32x79x2x128xi32, #tpu.memory_space<hbm>> -> memref<1x1x2x128xi32, #tpu.memory_space<hbm>>
          %dma_start3A_211 = tpu.memref_squeeze %dma_start3A_210 : memref<1x1x2x128xi32, #tpu.memory_space<hbm>> -> memref<2x128xi32, #tpu.memory_space<hbm>>
          tpu.enqueue_dma source(%dma_start3A_211 : memref<2x128xi32, #tpu.memory_space<hbm>>) target(%dma_start3A_207 : memref<2x128xi32, #tpu.memory_space<vmem>>) target_semaphore(%arg14 : memref<!tpu.dma_semaphore, #tpu.memory_space<semaphore_mem>>)
        } else {
        }
        %add3A_186 = arith.constant 2 : i32
        %add3A_187 = arith.addi %add3A_150, %add3A_186 : i32
        %lt3A_188 = arith.constant 79 : i32
        %lt3A_189 = arith.cmpi slt, %add3A_187, %lt3A_188 : i32
        %convert_element_type3A_190 = arith.extui %lt3A_189 : i1 to i32
        %cond3A_191 = arith.constant 0 : i32
        %cond3A_192 = arith.cmpi ne, %convert_element_type3A_190, %cond3A_191 : i32
        scf.if %cond3A_192 {
          %dma_wait3A_193 = arith.constant 0 : i32
          %dma_wait3A_194 = arith.constant 3 : i32
          %dma_wait3A_195 = arith.constant 0 : i32
          %dma_wait3A_196 = arith.constant 0 : i32
          %dma_wait3A_197 = tpu.memref_slice %arg7[%dma_wait3A_194, %dma_wait3A_195, %dma_wait3A_196] : memref<4x2x128xi32, #tpu.memory_space<vmem>> -> memref<1x2x128xi32, #tpu.memory_space<vmem>>
          %dma_wait3A_198 = tpu.memref_squeeze %dma_wait3A_197 : memref<1x2x128xi32, #tpu.memory_space<vmem>> -> memref<2x128xi32, #tpu.memory_space<vmem>>
          %dma_wait3A_199 = arith.constant 0 : i32
          %dma_wait3A_200 = arith.constant 0 : i32
          %dma_wait3A_201 = tpu.memref_slice %arg3[%add3A, %dma_wait3A_193, %dma_wait3A_199, %dma_wait3A_200] : memref<32x79x2x128xi32, #tpu.memory_space<hbm>> -> memref<1x1x2x128xi32, #tpu.memory_space<hbm>>
          %dma_wait3A_202 = tpu.memref_squeeze %dma_wait3A_201 : memref<1x1x2x128xi32, #tpu.memory_space<hbm>> -> memref<2x128xi32, #tpu.memory_space<hbm>>
          %dma_wait3A_203 = arith.constant 0 : i32
          %dma_wait3A_204 = arith.constant 0 : i32
          %dma_wait3A_205 = tpu.memref_slice %arg7[%dma_wait3A_194, %dma_wait3A_203, %dma_wait3A_204] : memref<4x2x128xi32, #tpu.memory_space<vmem>> -> memref<1x2x128xi32, #tpu.memory_space<vmem>>
          %dma_wait3A_206 = tpu.memref_squeeze %dma_wait3A_205 : memref<1x2x128xi32, #tpu.memory_space<vmem>> -> memref<2x128xi32, #tpu.memory_space<vmem>>
          %dma_wait3A_207 = arith.constant 0 : i32
          %dma_wait3A_208 = arith.constant 0 : i32
          %dma_wait3A_209 = tpu.memref_slice %arg3[%add3A, %dma_wait3A_193, %dma_wait3A_207, %dma_wait3A_208] : memref<32x79x2x128xi32, #tpu.memory_space<hbm>> -> memref<1x1x2x128xi32, #tpu.memory_space<hbm>>
          %dma_wait3A_210 = tpu.memref_squeeze %dma_wait3A_209 : memref<1x1x2x128xi32, #tpu.memory_space<hbm>> -> memref<2x128xi32, #tpu.memory_space<hbm>>
          tpu.wait_dma2 semaphore(%arg16 : memref<!tpu.dma_semaphore, #tpu.memory_space<semaphore_mem>>) src(%dma_wait3A_210 : memref<2x128xi32, #tpu.memory_space<hbm>>) dst(%dma_wait3A_206 : memref<2x128xi32, #tpu.memory_space<vmem>>)
          %dma_start3A_211 = arith.constant 3 : i32
          %dma_start3A_212 = arith.constant 0 : i32
          %dma_start3A_213 = arith.constant 0 : i32
          %dma_start3A_214 = tpu.memref_slice %arg7[%dma_start3A_211, %dma_start3A_212, %dma_start3A_213] : memref<4x2x128xi32, #tpu.memory_space<vmem>> -> memref<1x1x128xi32, #tpu.memory_space<vmem>>
          %dma_start3A_215 = tpu.memref_squeeze %dma_start3A_214 : memref<1x1x128xi32, #tpu.memory_space<vmem>> -> memref<128xi32, #tpu.memory_space<vmem>>
          %dma_start3A_216 = arith.constant 0 : i32
          %dma_start3A_217 = arith.constant 0 : i32
          %dma_start3A_218 = tpu.memref_slice %arg2[%dma_start3A_216, %dma_start3A_217] : memref<10000x128xf32, #tpu.memory_space<hbm>> -> memref<10000x128xf32, #tpu.memory_space<hbm>>
          tpu.enqueue_indirect_dma source(%dma_start3A_218 : memref<10000x128xf32, #tpu.memory_space<hbm>>) target(%arg9 : memref<128x128xf32, #tpu.memory_space<vmem>>) offsets(%dma_start3A_215 : memref<128xi32, #tpu.memory_space<vmem>>) semaphore(%arg12 : memref<!tpu.dma_semaphore, #tpu.memory_space<semaphore_mem>>)
        } else {
        }
      } else {
      }
      %add3A_156 = arith.constant 2 : i32
      %add3A_157 = arith.addi %mul3A_142, %add3A_156 : i32
      %lt3A_158 = arith.constant 79 : i32
      %lt3A_159 = arith.cmpi slt, %add3A_157, %lt3A_158 : i32
      %convert_element_type3A_160 = arith.extui %lt3A_159 : i1 to i32
      %cond3A_161 = arith.constant 0 : i32
      %cond3A_162 = arith.cmpi ne, %convert_element_type3A_160, %cond3A_161 : i32
      scf.if %cond3A_162 {
        %dma_wait3A_170 = arith.constant 2 : i32
        %dma_wait3A_171 = arith.constant 0 : i32
        %dma_wait3A_172 = arith.constant 0 : i32
        %dma_wait3A_173 = tpu.memref_slice %arg7[%dma_wait3A_170, %dma_wait3A_171, %dma_wait3A_172] : memref<4x2x128xi32, #tpu.memory_space<vmem>> -> memref<1x1x128xi32, #tpu.memory_space<vmem>>
        %dma_wait3A_174 = tpu.memref_squeeze %dma_wait3A_173 : memref<1x1x128xi32, #tpu.memory_space<vmem>> -> memref<128xi32, #tpu.memory_space<vmem>>
        %dma_wait3A_175 = arith.constant 0 : i32
        %dma_wait3A_176 = arith.constant 0 : i32
        %dma_wait3A_177 = tpu.memref_slice %arg2[%dma_wait3A_175, %dma_wait3A_176] : memref<10000x128xf32, #tpu.memory_space<hbm>> -> memref<10000x128xf32, #tpu.memory_space<hbm>>
        tpu.wait_indirect_dma semaphore(%arg11 : memref<!tpu.dma_semaphore, #tpu.memory_space<semaphore_mem>>) src(%dma_wait3A_177 : memref<10000x128xf32, #tpu.memory_space<hbm>>) dst(%arg8 : memref<128x128xf32, #tpu.memory_space<vmem>>)
        %run_scoped3A = arith.constant 2 : i32
        %run_scoped3A_178 = arith.constant 1 : i32
        "tpu.region"() ({
          %run_scoped3A_193 = tpu.sem_alloc : memref<!tpu.dma_semaphore, #tpu.memory_space<semaphore_mem>>
          %dma_start3A_194 = arith.constant 0 : i32
          %dma_start3A_195 = tpu.memref_slice %arg7[%run_scoped3A, %run_scoped3A_178, %dma_start3A_194] : memref<4x2x128xi32, #tpu.memory_space<vmem>> -> memref<1x1x128xi32, #tpu.memory_space<vmem>>
          %dma_start3A_196 = tpu.memref_squeeze %dma_start3A_195 : memref<1x1x128xi32, #tpu.memory_space<vmem>> -> memref<128xi32, #tpu.memory_space<vmem>>
          %dma_start3A_197 = arith.constant 0 : i32
          %dma_start3A_198 = arith.constant 0 : i32
          %dma_start3A_199 = tpu.memref_slice %arg10[%dma_start3A_197, %dma_start3A_198] : memref<10112x128xf32, #tpu.memory_space<vmem_shared>> -> memref<10112x128xf32, #tpu.memory_space<vmem_shared>>
          tpu.enqueue_indirect_dma source(%arg8 : memref<128x128xf32, #tpu.memory_space<vmem>>) target(%dma_start3A_199 : memref<10112x128xf32, #tpu.memory_space<vmem_shared>>) offsets(%dma_start3A_196 : memref<128xi32, #tpu.memory_space<vmem>>) semaphore(%run_scoped3A_193 : memref<!tpu.dma_semaphore, #tpu.memory_space<semaphore_mem>>) {add = true}
          %dma_wait3A_200 = arith.constant 0 : i32
          %dma_wait3A_201 = tpu.memref_slice %arg7[%run_scoped3A, %run_scoped3A_178, %dma_wait3A_200] : memref<4x2x128xi32, #tpu.memory_space<vmem>> -> memref<1x1x128xi32, #tpu.memory_space<vmem>>
          %dma_wait3A_202 = tpu.memref_squeeze %dma_wait3A_201 : memref<1x1x128xi32, #tpu.memory_space<vmem>> -> memref<128xi32, #tpu.memory_space<vmem>>
          %dma_wait3A_203 = arith.constant 0 : i32
          %dma_wait3A_204 = arith.constant 0 : i32
          %dma_wait3A_205 = tpu.memref_slice %arg10[%dma_wait3A_203, %dma_wait3A_204] : memref<10112x128xf32, #tpu.memory_space<vmem_shared>> -> memref<10112x128xf32, #tpu.memory_space<vmem_shared>>
          tpu.wait_indirect_dma semaphore(%run_scoped3A_193 : memref<!tpu.dma_semaphore, #tpu.memory_space<semaphore_mem>>) src(%arg8 : memref<128x128xf32, #tpu.memory_space<vmem>>) dst(%dma_wait3A_205 : memref<10112x128xf32, #tpu.memory_space<vmem_shared>>)
          tpu.yield
        }) : () -> ()
        %add3A_179 = arith.constant 4 : i32
        %add3A_180 = arith.addi %add3A_157, %add3A_179 : i32
        %lt3A_181 = arith.constant 79 : i32
        %lt3A_182 = arith.cmpi slt, %add3A_180, %lt3A_181 : i32
        %convert_element_type3A_183 = arith.extui %lt3A_182 : i1 to i32
        %cond3A_184 = arith.constant 0 : i32
        %cond3A_185 = arith.cmpi ne, %convert_element_type3A_183, %cond3A_184 : i32
        scf.if %cond3A_185 {
          %add3A_193 = arith.constant 4 : i32
          %add3A_194 = arith.addi %add3A_157, %add3A_193 : i32
          %dma_start3A_195 = arith.constant 2 : i32
          %dma_start3A_196 = arith.constant 0 : i32
          %dma_start3A_197 = arith.constant 0 : i32
          %dma_start3A_198 = tpu.memref_slice %arg7[%dma_start3A_195, %dma_start3A_196, %dma_start3A_197] : memref<4x2x128xi32, #tpu.memory_space<vmem>> -> memref<1x2x128xi32, #tpu.memory_space<vmem>>
          %dma_start3A_199 = tpu.memref_squeeze %dma_start3A_198 : memref<1x2x128xi32, #tpu.memory_space<vmem>> -> memref<2x128xi32, #tpu.memory_space<vmem>>
          %dma_start3A_200 = arith.constant 0 : i32
          %dma_start3A_201 = arith.constant 0 : i32
          %dma_start3A_202 = tpu.memref_slice %arg3[%add3A, %add3A_194, %dma_start3A_200, %dma_start3A_201] : memref<32x79x2x128xi32, #tpu.memory_space<hbm>> -> memref<1x1x2x128xi32, #tpu.memory_space<hbm>>
          %dma_start3A_203 = tpu.memref_squeeze %dma_start3A_202 : memref<1x1x2x128xi32, #tpu.memory_space<hbm>> -> memref<2x128xi32, #tpu.memory_space<hbm>>
          %dma_start3A_204 = arith.constant 0 : i32
          %dma_start3A_205 = arith.constant 0 : i32
          %dma_start3A_206 = tpu.memref_slice %arg7[%dma_start3A_195, %dma_start3A_204, %dma_start3A_205] : memref<4x2x128xi32, #tpu.memory_space<vmem>> -> memref<1x2x128xi32, #tpu.memory_space<vmem>>
          %dma_start3A_207 = tpu.memref_squeeze %dma_start3A_206 : memref<1x2x128xi32, #tpu.memory_space<vmem>> -> memref<2x128xi32, #tpu.memory_space<vmem>>
          %dma_start3A_208 = arith.constant 0 : i32
          %dma_start3A_209 = arith.constant 0 : i32
          %dma_start3A_210 = tpu.memref_slice %arg3[%add3A, %add3A_194, %dma_start3A_208, %dma_start3A_209] : memref<32x79x2x128xi32, #tpu.memory_space<hbm>> -> memref<1x1x2x128xi32, #tpu.memory_space<hbm>>
          %dma_start3A_211 = tpu.memref_squeeze %dma_start3A_210 : memref<1x1x2x128xi32, #tpu.memory_space<hbm>> -> memref<2x128xi32, #tpu.memory_space<hbm>>
          tpu.enqueue_dma source(%dma_start3A_211 : memref<2x128xi32, #tpu.memory_space<hbm>>) target(%dma_start3A_207 : memref<2x128xi32, #tpu.memory_space<vmem>>) target_semaphore(%arg15 : memref<!tpu.dma_semaphore, #tpu.memory_space<semaphore_mem>>)
        } else {
        }
        %add3A_186 = arith.constant 2 : i32
        %add3A_187 = arith.addi %add3A_157, %add3A_186 : i32
        %lt3A_188 = arith.constant 79 : i32
        %lt3A_189 = arith.cmpi slt, %add3A_187, %lt3A_188 : i32
        %convert_element_type3A_190 = arith.extui %lt3A_189 : i1 to i32
        %cond3A_191 = arith.constant 0 : i32
        %cond3A_192 = arith.cmpi ne, %convert_element_type3A_190, %cond3A_191 : i32
        scf.if %cond3A_192 {
          %dma_wait3A_193 = arith.constant 0 : i32
          %dma_wait3A_194 = arith.constant 0 : i32
          %dma_wait3A_195 = arith.constant 0 : i32
          %dma_wait3A_196 = arith.constant 0 : i32
          %dma_wait3A_197 = tpu.memref_slice %arg7[%dma_wait3A_194, %dma_wait3A_195, %dma_wait3A_196] : memref<4x2x128xi32, #tpu.memory_space<vmem>> -> memref<1x2x128xi32, #tpu.memory_space<vmem>>
          %dma_wait3A_198 = tpu.memref_squeeze %dma_wait3A_197 : memref<1x2x128xi32, #tpu.memory_space<vmem>> -> memref<2x128xi32, #tpu.memory_space<vmem>>
          %dma_wait3A_199 = arith.constant 0 : i32
          %dma_wait3A_200 = arith.constant 0 : i32
          %dma_wait3A_201 = tpu.memref_slice %arg3[%add3A, %dma_wait3A_193, %dma_wait3A_199, %dma_wait3A_200] : memref<32x79x2x128xi32, #tpu.memory_space<hbm>> -> memref<1x1x2x128xi32, #tpu.memory_space<hbm>>
          %dma_wait3A_202 = tpu.memref_squeeze %dma_wait3A_201 : memref<1x1x2x128xi32, #tpu.memory_space<hbm>> -> memref<2x128xi32, #tpu.memory_space<hbm>>
          %dma_wait3A_203 = arith.constant 0 : i32
          %dma_wait3A_204 = arith.constant 0 : i32
          %dma_wait3A_205 = tpu.memref_slice %arg7[%dma_wait3A_194, %dma_wait3A_203, %dma_wait3A_204] : memref<4x2x128xi32, #tpu.memory_space<vmem>> -> memref<1x2x128xi32, #tpu.memory_space<vmem>>
          %dma_wait3A_206 = tpu.memref_squeeze %dma_wait3A_205 : memref<1x2x128xi32, #tpu.memory_space<vmem>> -> memref<2x128xi32, #tpu.memory_space<vmem>>
          %dma_wait3A_207 = arith.constant 0 : i32
          %dma_wait3A_208 = arith.constant 0 : i32
          %dma_wait3A_209 = tpu.memref_slice %arg3[%add3A, %dma_wait3A_193, %dma_wait3A_207, %dma_wait3A_208] : memref<32x79x2x128xi32, #tpu.memory_space<hbm>> -> memref<1x1x2x128xi32, #tpu.memory_space<hbm>>
          %dma_wait3A_210 = tpu.memref_squeeze %dma_wait3A_209 : memref<1x1x2x128xi32, #tpu.memory_space<hbm>> -> memref<2x128xi32, #tpu.memory_space<hbm>>
          tpu.wait_dma2 semaphore(%arg13 : memref<!tpu.dma_semaphore, #tpu.memory_space<semaphore_mem>>) src(%dma_wait3A_210 : memref<2x128xi32, #tpu.memory_space<hbm>>) dst(%dma_wait3A_206 : memref<2x128xi32, #tpu.memory_space<vmem>>)
          %dma_start3A_211 = arith.constant 0 : i32
          %dma_start3A_212 = arith.constant 0 : i32
          %dma_start3A_213 = arith.constant 0 : i32
          %dma_start3A_214 = tpu.memref_slice %arg7[%dma_start3A_211, %dma_start3A_212, %dma_start3A_213] : memref<4x2x128xi32, #tpu.memory_space<vmem>> -> memref<1x1x128xi32, #tpu.memory_space<vmem>>
          %dma_start3A_215 = tpu.memref_squeeze %dma_start3A_214 : memref<1x1x128xi32, #tpu.memory_space<vmem>> -> memref<128xi32, #tpu.memory_space<vmem>>
          %dma_start3A_216 = arith.constant 0 : i32
          %dma_start3A_217 = arith.constant 0 : i32
          %dma_start3A_218 = tpu.memref_slice %arg2[%dma_start3A_216, %dma_start3A_217] : memref<10000x128xf32, #tpu.memory_space<hbm>> -> memref<10000x128xf32, #tpu.memory_space<hbm>>
          tpu.enqueue_indirect_dma source(%dma_start3A_218 : memref<10000x128xf32, #tpu.memory_space<hbm>>) target(%arg8 : memref<128x128xf32, #tpu.memory_space<vmem>>) offsets(%dma_start3A_215 : memref<128xi32, #tpu.memory_space<vmem>>) semaphore(%arg11 : memref<!tpu.dma_semaphore, #tpu.memory_space<semaphore_mem>>)
        } else {
        }
      } else {
      }
      %add3A_163 = arith.constant 3 : i32
      %add3A_164 = arith.addi %mul3A_142, %add3A_163 : i32
      %lt3A_165 = arith.constant 79 : i32
      %lt3A_166 = arith.cmpi slt, %add3A_164, %lt3A_165 : i32
      %convert_element_type3A_167 = arith.extui %lt3A_166 : i1 to i32
      %cond3A_168 = arith.constant 0 : i32
      %cond3A_169 = arith.cmpi ne, %convert_element_type3A_167, %cond3A_168 : i32
      scf.if %cond3A_169 {
        %dma_wait3A_170 = arith.constant 3 : i32
        %dma_wait3A_171 = arith.constant 0 : i32
        %dma_wait3A_172 = arith.constant 0 : i32
        %dma_wait3A_173 = tpu.memref_slice %arg7[%dma_wait3A_170, %dma_wait3A_171, %dma_wait3A_172] : memref<4x2x128xi32, #tpu.memory_space<vmem>> -> memref<1x1x128xi32, #tpu.memory_space<vmem>>
        %dma_wait3A_174 = tpu.memref_squeeze %dma_wait3A_173 : memref<1x1x128xi32, #tpu.memory_space<vmem>> -> memref<128xi32, #tpu.memory_space<vmem>>
        %dma_wait3A_175 = arith.constant 0 : i32
        %dma_wait3A_176 = arith.constant 0 : i32
        %dma_wait3A_177 = tpu.memref_slice %arg2[%dma_wait3A_175, %dma_wait3A_176] : memref<10000x128xf32, #tpu.memory_space<hbm>> -> memref<10000x128xf32, #tpu.memory_space<hbm>>
        tpu.wait_indirect_dma semaphore(%arg12 : memref<!tpu.dma_semaphore, #tpu.memory_space<semaphore_mem>>) src(%dma_wait3A_177 : memref<10000x128xf32, #tpu.memory_space<hbm>>) dst(%arg9 : memref<128x128xf32, #tpu.memory_space<vmem>>)
        %run_scoped3A = arith.constant 3 : i32
        %run_scoped3A_178 = arith.constant 1 : i32
        "tpu.region"() ({
          %run_scoped3A_193 = tpu.sem_alloc : memref<!tpu.dma_semaphore, #tpu.memory_space<semaphore_mem>>
          %dma_start3A_194 = arith.constant 0 : i32
          %dma_start3A_195 = tpu.memref_slice %arg7[%run_scoped3A, %run_scoped3A_178, %dma_start3A_194] : memref<4x2x128xi32, #tpu.memory_space<vmem>> -> memref<1x1x128xi32, #tpu.memory_space<vmem>>
          %dma_start3A_196 = tpu.memref_squeeze %dma_start3A_195 : memref<1x1x128xi32, #tpu.memory_space<vmem>> -> memref<128xi32, #tpu.memory_space<vmem>>
          %dma_start3A_197 = arith.constant 0 : i32
          %dma_start3A_198 = arith.constant 0 : i32
          %dma_start3A_199 = tpu.memref_slice %arg10[%dma_start3A_197, %dma_start3A_198] : memref<10112x128xf32, #tpu.memory_space<vmem_shared>> -> memref<10112x128xf32, #tpu.memory_space<vmem_shared>>
          tpu.enqueue_indirect_dma source(%arg9 : memref<128x128xf32, #tpu.memory_space<vmem>>) target(%dma_start3A_199 : memref<10112x128xf32, #tpu.memory_space<vmem_shared>>) offsets(%dma_start3A_196 : memref<128xi32, #tpu.memory_space<vmem>>) semaphore(%run_scoped3A_193 : memref<!tpu.dma_semaphore, #tpu.memory_space<semaphore_mem>>) {add = true}
          %dma_wait3A_200 = arith.constant 0 : i32
          %dma_wait3A_201 = tpu.memref_slice %arg7[%run_scoped3A, %run_scoped3A_178, %dma_wait3A_200] : memref<4x2x128xi32, #tpu.memory_space<vmem>> -> memref<1x1x128xi32, #tpu.memory_space<vmem>>
          %dma_wait3A_202 = tpu.memref_squeeze %dma_wait3A_201 : memref<1x1x128xi32, #tpu.memory_space<vmem>> -> memref<128xi32, #tpu.memory_space<vmem>>
          %dma_wait3A_203 = arith.constant 0 : i32
          %dma_wait3A_204 = arith.constant 0 : i32
          %dma_wait3A_205 = tpu.memref_slice %arg10[%dma_wait3A_203, %dma_wait3A_204] : memref<10112x128xf32, #tpu.memory_space<vmem_shared>> -> memref<10112x128xf32, #tpu.memory_space<vmem_shared>>
          tpu.wait_indirect_dma semaphore(%run_scoped3A_193 : memref<!tpu.dma_semaphore, #tpu.memory_space<semaphore_mem>>) src(%arg9 : memref<128x128xf32, #tpu.memory_space<vmem>>) dst(%dma_wait3A_205 : memref<10112x128xf32, #tpu.memory_space<vmem_shared>>)
          tpu.yield
        }) : () -> ()
        %add3A_179 = arith.constant 4 : i32
        %add3A_180 = arith.addi %add3A_164, %add3A_179 : i32
        %lt3A_181 = arith.constant 79 : i32
        %lt3A_182 = arith.cmpi slt, %add3A_180, %lt3A_181 : i32
        %convert_element_type3A_183 = arith.extui %lt3A_182 : i1 to i32
        %cond3A_184 = arith.constant 0 : i32
        %cond3A_185 = arith.cmpi ne, %convert_element_type3A_183, %cond3A_184 : i32
        scf.if %cond3A_185 {
          %add3A_193 = arith.constant 4 : i32
          %add3A_194 = arith.addi %add3A_164, %add3A_193 : i32
          %dma_start3A_195 = arith.constant 3 : i32
          %dma_start3A_196 = arith.constant 0 : i32
          %dma_start3A_197 = arith.constant 0 : i32
          %dma_start3A_198 = tpu.memref_slice %arg7[%dma_start3A_195, %dma_start3A_196, %dma_start3A_197] : memref<4x2x128xi32, #tpu.memory_space<vmem>> -> memref<1x2x128xi32, #tpu.memory_space<vmem>>
          %dma_start3A_199 = tpu.memref_squeeze %dma_start3A_198 : memref<1x2x128xi32, #tpu.memory_space<vmem>> -> memref<2x128xi32, #tpu.memory_space<vmem>>
          %dma_start3A_200 = arith.constant 0 : i32
          %dma_start3A_201 = arith.constant 0 : i32
          %dma_start3A_202 = tpu.memref_slice %arg3[%add3A, %add3A_194, %dma_start3A_200, %dma_start3A_201] : memref<32x79x2x128xi32, #tpu.memory_space<hbm>> -> memref<1x1x2x128xi32, #tpu.memory_space<hbm>>
          %dma_start3A_203 = tpu.memref_squeeze %dma_start3A_202 : memref<1x1x2x128xi32, #tpu.memory_space<hbm>> -> memref<2x128xi32, #tpu.memory_space<hbm>>
          %dma_start3A_204 = arith.constant 0 : i32
          %dma_start3A_205 = arith.constant 0 : i32
          %dma_start3A_206 = tpu.memref_slice %arg7[%dma_start3A_195, %dma_start3A_204, %dma_start3A_205] : memref<4x2x128xi32, #tpu.memory_space<vmem>> -> memref<1x2x128xi32, #tpu.memory_space<vmem>>
          %dma_start3A_207 = tpu.memref_squeeze %dma_start3A_206 : memref<1x2x128xi32, #tpu.memory_space<vmem>> -> memref<2x128xi32, #tpu.memory_space<vmem>>
          %dma_start3A_208 = arith.constant 0 : i32
          %dma_start3A_209 = arith.constant 0 : i32
          %dma_start3A_210 = tpu.memref_slice %arg3[%add3A, %add3A_194, %dma_start3A_208, %dma_start3A_209] : memref<32x79x2x128xi32, #tpu.memory_space<hbm>> -> memref<1x1x2x128xi32, #tpu.memory_space<hbm>>
          %dma_start3A_211 = tpu.memref_squeeze %dma_start3A_210 : memref<1x1x2x128xi32, #tpu.memory_space<hbm>> -> memref<2x128xi32, #tpu.memory_space<hbm>>
          tpu.enqueue_dma source(%dma_start3A_211 : memref<2x128xi32, #tpu.memory_space<hbm>>) target(%dma_start3A_207 : memref<2x128xi32, #tpu.memory_space<vmem>>) target_semaphore(%arg16 : memref<!tpu.dma_semaphore, #tpu.memory_space<semaphore_mem>>)
        } else {
        }
        %add3A_186 = arith.constant 2 : i32
        %add3A_187 = arith.addi %add3A_164, %add3A_186 : i32
        %lt3A_188 = arith.constant 79 : i32
        %lt3A_189 = arith.cmpi slt, %add3A_187, %lt3A_188 : i32
        %convert_element_type3A_190 = arith.extui %lt3A_189 : i1 to i32
        %cond3A_191 = arith.constant 0 : i32
        %cond3A_192 = arith.cmpi ne, %convert_element_type3A_190, %cond3A_191 : i32
        scf.if %cond3A_192 {
          %dma_wait3A_193 = arith.constant 0 : i32
          %dma_wait3A_194 = arith.constant 1 : i32
          %dma_wait3A_195 = arith.constant 0 : i32
          %dma_wait3A_196 = arith.constant 0 : i32
          %dma_wait3A_197 = tpu.memref_slice %arg7[%dma_wait3A_194, %dma_wait3A_195, %dma_wait3A_196] : memref<4x2x128xi32, #tpu.memory_space<vmem>> -> memref<1x2x128xi32, #tpu.memory_space<vmem>>
          %dma_wait3A_198 = tpu.memref_squeeze %dma_wait3A_197 : memref<1x2x128xi32, #tpu.memory_space<vmem>> -> memref<2x128xi32, #tpu.memory_space<vmem>>
          %dma_wait3A_199 = arith.constant 0 : i32
          %dma_wait3A_200 = arith.constant 0 : i32
          %dma_wait3A_201 = tpu.memref_slice %arg3[%add3A, %dma_wait3A_193, %dma_wait3A_199, %dma_wait3A_200] : memref<32x79x2x128xi32, #tpu.memory_space<hbm>> -> memref<1x1x2x128xi32, #tpu.memory_space<hbm>>
          %dma_wait3A_202 = tpu.memref_squeeze %dma_wait3A_201 : memref<1x1x2x128xi32, #tpu.memory_space<hbm>> -> memref<2x128xi32, #tpu.memory_space<hbm>>
          %dma_wait3A_203 = arith.constant 0 : i32
          %dma_wait3A_204 = arith.constant 0 : i32
          %dma_wait3A_205 = tpu.memref_slice %arg7[%dma_wait3A_194, %dma_wait3A_203, %dma_wait3A_204] : memref<4x2x128xi32, #tpu.memory_space<vmem>> -> memref<1x2x128xi32, #tpu.memory_space<vmem>>
          %dma_wait3A_206 = tpu.memref_squeeze %dma_wait3A_205 : memref<1x2x128xi32, #tpu.memory_space<vmem>> -> memref<2x128xi32, #tpu.memory_space<vmem>>
          %dma_wait3A_207 = arith.constant 0 : i32
          %dma_wait3A_208 = arith.constant 0 : i32
          %dma_wait3A_209 = tpu.memref_slice %arg3[%add3A, %dma_wait3A_193, %dma_wait3A_207, %dma_wait3A_208] : memref<32x79x2x128xi32, #tpu.memory_space<hbm>> -> memref<1x1x2x128xi32, #tpu.memory_space<hbm>>
          %dma_wait3A_210 = tpu.memref_squeeze %dma_wait3A_209 : memref<1x1x2x128xi32, #tpu.memory_space<hbm>> -> memref<2x128xi32, #tpu.memory_space<hbm>>
          tpu.wait_dma2 semaphore(%arg14 : memref<!tpu.dma_semaphore, #tpu.memory_space<semaphore_mem>>) src(%dma_wait3A_210 : memref<2x128xi32, #tpu.memory_space<hbm>>) dst(%dma_wait3A_206 : memref<2x128xi32, #tpu.memory_space<vmem>>)
          %dma_start3A_211 = arith.constant 1 : i32
          %dma_start3A_212 = arith.constant 0 : i32
          %dma_start3A_213 = arith.constant 0 : i32
          %dma_start3A_214 = tpu.memref_slice %arg7[%dma_start3A_211, %dma_start3A_212, %dma_start3A_213] : memref<4x2x128xi32, #tpu.memory_space<vmem>> -> memref<1x1x128xi32, #tpu.memory_space<vmem>>
          %dma_start3A_215 = tpu.memref_squeeze %dma_start3A_214 : memref<1x1x128xi32, #tpu.memory_space<vmem>> -> memref<128xi32, #tpu.memory_space<vmem>>
          %dma_start3A_216 = arith.constant 0 : i32
          %dma_start3A_217 = arith.constant 0 : i32
          %dma_start3A_218 = tpu.memref_slice %arg2[%dma_start3A_216, %dma_start3A_217] : memref<10000x128xf32, #tpu.memory_space<hbm>> -> memref<10000x128xf32, #tpu.memory_space<hbm>>
          tpu.enqueue_indirect_dma source(%dma_start3A_218 : memref<10000x128xf32, #tpu.memory_space<hbm>>) target(%arg9 : memref<128x128xf32, #tpu.memory_space<vmem>>) offsets(%dma_start3A_215 : memref<128xi32, #tpu.memory_space<vmem>>) semaphore(%arg12 : memref<!tpu.dma_semaphore, #tpu.memory_space<semaphore_mem>>)
        } else {
        }
      } else {
      }
    }
    %scan3A_129 = arith.constant 20 : i32
    %barrier3A_130 = arith.constant 0 : index
    tpu.barrier barrier_id(%barrier3A_130)
    %mul3A_131 = arith.constant 632 : i32
    %mul3A_132 = arith.muli %arg1, %mul3A_131 : i32
    %eq3A = arith.constant 0 : i32
    %eq3A_133 = arith.cmpi eq, %arg0, %eq3A : i32
    %convert_element_type3A = arith.extui %eq3A_133 : i1 to i32
    %cond3A = arith.constant 0 : i32
    %cond3A_134 = arith.cmpi ne, %convert_element_type3A, %cond3A : i32
    scf.if %cond3A_134 {
      "tpu.region"() ({
        %run_scoped3A = tpu.sem_alloc : memref<!tpu.dma_semaphore, #tpu.memory_space<semaphore_mem>>
        %dma_start3A_140 = arith.constant 0 : i32
        %dma_start3A_141 = tpu.memref_slice %arg5[%mul3A_132, %dma_start3A_140] : memref<10112x128xf32, #tpu.memory_space<hbm>> -> memref<632x128xf32, #tpu.memory_space<hbm>>
        %dma_start3A_142 = arith.constant 0 : i32
        %dma_start3A_143 = tpu.memref_slice %arg10[%mul3A_132, %dma_start3A_142] : memref<10112x128xf32, #tpu.memory_space<vmem_shared>> -> memref<632x128xf32, #tpu.memory_space<vmem_shared>>
        tpu.enqueue_dma source(%dma_start3A_143 : memref<632x128xf32, #tpu.memory_space<vmem_shared>>) target(%dma_start3A_141 : memref<632x128xf32, #tpu.memory_space<hbm>>) target_semaphore(%run_scoped3A : memref<!tpu.dma_semaphore, #tpu.memory_space<semaphore_mem>>)
        %dma_wait3A_144 = arith.constant 0 : i32
        %dma_wait3A_145 = tpu.memref_slice %arg5[%mul3A_132, %dma_wait3A_144] : memref<10112x128xf32, #tpu.memory_space<hbm>> -> memref<632x128xf32, #tpu.memory_space<hbm>>
        %dma_wait3A_146 = arith.constant 0 : i32
        %dma_wait3A_147 = tpu.memref_slice %arg10[%mul3A_132, %dma_wait3A_146] : memref<10112x128xf32, #tpu.memory_space<vmem_shared>> -> memref<632x128xf32, #tpu.memory_space<vmem_shared>>
        tpu.wait_dma2 semaphore(%run_scoped3A : memref<!tpu.dma_semaphore, #tpu.memory_space<semaphore_mem>>) src(%dma_wait3A_147 : memref<632x128xf32, #tpu.memory_space<vmem_shared>>) dst(%dma_wait3A_145 : memref<632x128xf32, #tpu.memory_space<hbm>>)
        tpu.yield
      }) : () -> ()
    } else {
    }
    %eq3A_135 = arith.constant 1 : i32
    %eq3A_136 = arith.cmpi eq, %arg0, %eq3A_135 : i32
    %convert_element_type3A_137 = arith.extui %eq3A_136 : i1 to i32
    %cond3A_138 = arith.constant 0 : i32
    %cond3A_139 = arith.cmpi ne, %convert_element_type3A_137, %cond3A_138 : i32
    scf.if %cond3A_139 {
      "tpu.region"() ({
        %run_scoped3A = tpu.sem_alloc : memref<!tpu.dma_semaphore, #tpu.memory_space<semaphore_mem>>
        %dma_start3A_140 = arith.constant 0 : i32
        %dma_start3A_141 = tpu.memref_slice %arg6[%mul3A_132, %dma_start3A_140] : memref<10112x128xf32, #tpu.memory_space<hbm>> -> memref<632x128xf32, #tpu.memory_space<hbm>>
        %dma_start3A_142 = arith.constant 0 : i32
        %dma_start3A_143 = tpu.memref_slice %arg10[%mul3A_132, %dma_start3A_142] : memref<10112x128xf32, #tpu.memory_space<vmem_shared>> -> memref<632x128xf32, #tpu.memory_space<vmem_shared>>
        tpu.enqueue_dma source(%dma_start3A_143 : memref<632x128xf32, #tpu.memory_space<vmem_shared>>) target(%dma_start3A_141 : memref<632x128xf32, #tpu.memory_space<hbm>>) target_semaphore(%run_scoped3A : memref<!tpu.dma_semaphore, #tpu.memory_space<semaphore_mem>>)
        %dma_wait3A_144 = arith.constant 0 : i32
        %dma_wait3A_145 = tpu.memref_slice %arg6[%mul3A_132, %dma_wait3A_144] : memref<10112x128xf32, #tpu.memory_space<hbm>> -> memref<632x128xf32, #tpu.memory_space<hbm>>
        %dma_wait3A_146 = arith.constant 0 : i32
        %dma_wait3A_147 = tpu.memref_slice %arg10[%mul3A_132, %dma_wait3A_146] : memref<10112x128xf32, #tpu.memory_space<vmem_shared>> -> memref<632x128xf32, #tpu.memory_space<vmem_shared>>
        tpu.wait_dma2 semaphore(%run_scoped3A : memref<!tpu.dma_semaphore, #tpu.memory_space<semaphore_mem>>) src(%dma_wait3A_147 : memref<632x128xf32, #tpu.memory_space<vmem_shared>>) dst(%dma_wait3A_145 : memref<632x128xf32, #tpu.memory_space<hbm>>)
        tpu.yield
      }) : () -> ()
    } else {
    }
    return
  }
}

module attributes {stable_mosaic.version = 14 : i64} {
  func.func @_first_body(%arg0: i32, %arg1: memref<2000x128xf32, #tpu.memory_space<vmem>>, %arg2: memref<128x128xf32, #tpu.memory_space<vmem>>, %arg3: memref<2000x1xf32, #tpu.memory_space<vmem>>, %arg4: memref<2000x1xf32, #tpu.memory_space<vmem>>, %arg5: memref<2000x128xf32, #tpu.memory_space<vmem>>, %arg6: memref<2000x1xf32, #tpu.memory_space<vmem>>) attributes {dimension_semantics = [#tpu.dimension_semantics<arbitrary>], iteration_bounds = array<i64: 5>, scalar_prefetch = 0 : i64, scratch_operands = 0 : i64, tpu.core_type = #tpu.core_type<tc>, window_params = [{transform_indices = @transform_0, window_bounds = array<i64: 2000, 128>}, {pipeline_mode = #tpu.pipeline_mode<synchronous>, transform_indices = @transform_1, window_bounds = array<i64: 128, 128>}, {transform_indices = @transform_2, window_bounds = array<i64: 2000, 1>}, {transform_indices = @transform_3, window_bounds = array<i64: 2000, 1>}, {transform_indices = @transform_4, window_bounds = array<i64: 2000, 128>}, {transform_indices = @transform_5, window_bounds = array<i64: 2000, 1>}]} {
    %get3A = arith.constant 0 : index
    %get3A_0 = arith.constant 0 : index
    %get3A_1 = vector.load %arg3[%get3A, %get3A_0] : memref<2000x1xf32, #tpu.memory_space<vmem>>, vector<2000x1xf32>
    %get3A_2 = arith.constant 0 : index
    %get3A_3 = arith.constant 0 : index
    %get3A_4 = vector.load %arg4[%get3A_2, %get3A_3] : memref<2000x1xf32, #tpu.memory_space<vmem>>, vector<2000x1xf32>
    %add3A = arith.addf %get3A_1, %get3A_4 : vector<2000x1xf32>
    %add3A_5 = arith.constant 1.000000e+00 : f32
    %add3A_6 = vector.broadcast %add3A_5 : f32 to vector<2000x1xf32>
    %add3A_7 = arith.addf %add3A, %add3A_6 : vector<2000x1xf32>
    %rsqrt3A = math.rsqrt %add3A_7 : vector<2000x1xf32>
    %get3A_8 = arith.constant 0 : index
    %get3A_9 = arith.constant 0 : index
    %get3A_10 = vector.load %arg1[%get3A_8, %get3A_9] : memref<2000x128xf32, #tpu.memory_space<vmem>>, vector<2000x128xf32>
    %get3A_11 = arith.constant 0 : index
    %get3A_12 = arith.constant 0 : index
    %get3A_13 = vector.load %arg2[%get3A_11, %get3A_12] : memref<128x128xf32, #tpu.memory_space<vmem>>, vector<128x128xf32>
    %dot_general3A = arith.constant dense<0.000000e+00> : vector<2000x128xf32>
    %dot_general3A_14 = tpu.matmul %get3A_10, %get3A_13, %dot_general3A {dimension_numbers = #tpu.dot_dimension_numbers<[1], [0], [0], [1], [0, 0, 1, 1], [], []>, transpose_lhs_hint = false} : vector<2000x128xf32>, vector<128x128xf32>, vector<2000x128xf32> -> vector<2000x128xf32>
    %mul3A = vector.broadcast %rsqrt3A : vector<2000x1xf32> to vector<2000x128xf32>
    %mul3A_15 = arith.mulf %dot_general3A_14, %mul3A : vector<2000x128xf32>
    %swap3A = arith.constant 0 : index
    %swap3A_16 = arith.constant 0 : index
    %swap3A_17 = vector.load %arg5[%swap3A, %swap3A_16] : memref<2000x128xf32, #tpu.memory_space<vmem>>, vector<2000x128xf32>
    tpu.vector_store %arg5[%swap3A, %swap3A_16], %mul3A_15 {strides = array<i32>} : memref<2000x128xf32, #tpu.memory_space<vmem>>, vector<2000x128xf32>,
    %swap3A_18 = arith.constant 0 : index
    %swap3A_19 = arith.constant 0 : index
    %swap3A_20 = vector.load %arg6[%swap3A_18, %swap3A_19] : memref<2000x1xf32, #tpu.memory_space<vmem>>, vector<2000x1xf32>
    tpu.vector_store %arg6[%swap3A_18, %swap3A_19], %rsqrt3A {strides = array<i32>} : memref<2000x1xf32, #tpu.memory_space<vmem>>, vector<2000x1xf32>,
    return
  }
  func.func @transform_0(%arg0: i32) -> (i32, i32) {
    %c0_i32 = arith.constant 0 : i32
    %c0_i32_0 = arith.constant 0 : i32
    return %arg0, %c0_i32 : i32, i32
  }
  func.func @transform_1(%arg0: i32) -> (i32, i32) {
    %c0_i32 = arith.constant 0 : i32
    %c0_i32_0 = arith.constant 0 : i32
    %c0_i32_1 = arith.constant 0 : i32
    return %c0_i32, %c0_i32_0 : i32, i32
  }
  func.func @transform_2(%arg0: i32) -> (i32, i32) {
    %c0_i32 = arith.constant 0 : i32
    %c0_i32_0 = arith.constant 0 : i32
    return %arg0, %c0_i32 : i32, i32
  }
  func.func @transform_3(%arg0: i32) -> (i32, i32) {
    %c0_i32 = arith.constant 0 : i32
    %c0_i32_0 = arith.constant 0 : i32
    return %arg0, %c0_i32 : i32, i32
  }
  func.func @transform_4(%arg0: i32) -> (i32, i32) {
    %c0_i32 = arith.constant 0 : i32
    %c0_i32_0 = arith.constant 0 : i32
    return %arg0, %c0_i32 : i32, i32
  }
  func.func @transform_5(%arg0: i32) -> (i32, i32) {
    %c0_i32 = arith.constant 0 : i32
    %c0_i32_0 = arith.constant 0 : i32
    return %arg0, %c0_i32 : i32, i32
  }
}

module attributes {stable_mosaic.version = 14 : i64} {
  func.func @_layer_body(%arg0: i32, %arg1: memref<2000x128xf32, #tpu.memory_space<vmem>>, %arg2: memref<2000x128xf32, #tpu.memory_space<vmem>>, %arg3: memref<2000x128xf32, #tpu.memory_space<vmem>>, %arg4: memref<2000x1xf32, #tpu.memory_space<vmem>>, %arg5: memref<1x128xf32, #tpu.memory_space<vmem>>, %arg6: memref<128x128xf32, #tpu.memory_space<vmem>>, %arg7: memref<2000x128xf32, #tpu.memory_space<vmem>>) attributes {dimension_semantics = [#tpu.dimension_semantics<arbitrary>], iteration_bounds = array<i64: 5>, scalar_prefetch = 0 : i64, scratch_operands = 0 : i64, tpu.core_type = #tpu.core_type<tc>, window_params = [{transform_indices = @transform_0, window_bounds = array<i64: 2000, 128>}, {transform_indices = @transform_1, window_bounds = array<i64: 2000, 128>}, {transform_indices = @transform_2, window_bounds = array<i64: 2000, 128>}, {transform_indices = @transform_3, window_bounds = array<i64: 2000, 1>}, {pipeline_mode = #tpu.pipeline_mode<synchronous>, transform_indices = @transform_4, window_bounds = array<i64: 1, 128>}, {pipeline_mode = #tpu.pipeline_mode<synchronous>, transform_indices = @transform_5, window_bounds = array<i64: 128, 128>}, {transform_indices = @transform_6, window_bounds = array<i64: 2000, 128>}]} {
    %get3A = arith.constant 0 : index
    %get3A_0 = arith.constant 0 : index
    %get3A_1 = vector.load %arg4[%get3A, %get3A_0] : memref<2000x1xf32, #tpu.memory_space<vmem>>, vector<2000x1xf32>
    %get3A_2 = arith.constant 0 : index
    %get3A_3 = arith.constant 0 : index
    %get3A_4 = vector.load %arg1[%get3A_2, %get3A_3] : memref<2000x128xf32, #tpu.memory_space<vmem>>, vector<2000x128xf32>
    %get3A_5 = arith.constant 0 : index
    %get3A_6 = arith.constant 0 : index
    %get3A_7 = vector.load %arg2[%get3A_5, %get3A_6] : memref<2000x128xf32, #tpu.memory_space<vmem>>, vector<2000x128xf32>
    %add3A = arith.addf %get3A_4, %get3A_7 : vector<2000x128xf32>
    %get3A_8 = arith.constant 0 : index
    %get3A_9 = arith.constant 0 : index
    %get3A_10 = vector.load %arg3[%get3A_8, %get3A_9] : memref<2000x128xf32, #tpu.memory_space<vmem>>, vector<2000x128xf32>
    %add3A_11 = arith.addf %add3A, %get3A_10 : vector<2000x128xf32>
    %mul3A = vector.broadcast %get3A_1 : vector<2000x1xf32> to vector<2000x128xf32>
    %mul3A_12 = arith.mulf %add3A_11, %mul3A : vector<2000x128xf32>
    %get3A_13 = arith.constant 0 : index
    %get3A_14 = arith.constant 0 : index
    %get3A_15 = vector.load %arg5[%get3A_13, %get3A_14] : memref<1x128xf32, #tpu.memory_space<vmem>>, vector<1x128xf32>
    %add3A_16 = vector.broadcast %get3A_15 : vector<1x128xf32> to vector<2000x128xf32>
    %add3A_17 = arith.addf %mul3A_12, %add3A_16 : vector<2000x128xf32>
    %ge3A = arith.constant 0.000000e+00 : f32
    %ge3A_18 = vector.broadcast %ge3A : f32 to vector<2000x128xf32>
    %ge3A_19 = arith.cmpf oge, %add3A_17, %ge3A_18 : vector<2000x128xf32>
    %mul3A_20 = arith.constant 0.00999999977 : f32
    %mul3A_21 = vector.broadcast %mul3A_20 : f32 to vector<2000x128xf32>
    %mul3A_22 = arith.mulf %mul3A_21, %add3A_17 : vector<2000x128xf32>
    %select_n3A = arith.select %ge3A_19, %add3A_17, %mul3A_22 : vector<2000x128xi1>, vector<2000x128xf32>
    %get3A_23 = arith.constant 0 : index
    %get3A_24 = arith.constant 0 : index
    %get3A_25 = vector.load %arg6[%get3A_23, %get3A_24] : memref<128x128xf32, #tpu.memory_space<vmem>>, vector<128x128xf32>
    %dot_general3A = arith.constant dense<0.000000e+00> : vector<2000x128xf32>
    %dot_general3A_26 = tpu.matmul %select_n3A, %get3A_25, %dot_general3A {dimension_numbers = #tpu.dot_dimension_numbers<[1], [0], [0], [1], [0, 0, 1, 1], [], []>, transpose_lhs_hint = false} : vector<2000x128xf32>, vector<128x128xf32>, vector<2000x128xf32> -> vector<2000x128xf32>
    %mul3A_27 = vector.broadcast %get3A_1 : vector<2000x1xf32> to vector<2000x128xf32>
    %mul3A_28 = arith.mulf %dot_general3A_26, %mul3A_27 : vector<2000x128xf32>
    %swap3A = arith.constant 0 : index
    %swap3A_29 = arith.constant 0 : index
    %swap3A_30 = vector.load %arg7[%swap3A, %swap3A_29] : memref<2000x128xf32, #tpu.memory_space<vmem>>, vector<2000x128xf32>
    tpu.vector_store %arg7[%swap3A, %swap3A_29], %mul3A_28 {strides = array<i32>} : memref<2000x128xf32, #tpu.memory_space<vmem>>, vector<2000x128xf32>,
    return
  }
  func.func @transform_0(%arg0: i32) -> (i32, i32) {
    %c0_i32 = arith.constant 0 : i32
    %c0_i32_0 = arith.constant 0 : i32
    return %arg0, %c0_i32 : i32, i32
  }
  func.func @transform_1(%arg0: i32) -> (i32, i32) {
    %c0_i32 = arith.constant 0 : i32
    %c0_i32_0 = arith.constant 0 : i32
    return %arg0, %c0_i32 : i32, i32
  }
  func.func @transform_2(%arg0: i32) -> (i32, i32) {
    %c0_i32 = arith.constant 0 : i32
    %c0_i32_0 = arith.constant 0 : i32
    return %arg0, %c0_i32 : i32, i32
  }
  func.func @transform_3(%arg0: i32) -> (i32, i32) {
    %c0_i32 = arith.constant 0 : i32
    %c0_i32_0 = arith.constant 0 : i32
    return %arg0, %c0_i32 : i32, i32
  }
  func.func @transform_4(%arg0: i32) -> (i32, i32) {
    %c0_i32 = arith.constant 0 : i32
    %c0_i32_0 = arith.constant 0 : i32
    %c0_i32_1 = arith.constant 0 : i32
    return %c0_i32, %c0_i32_0 : i32, i32
  }
  func.func @transform_5(%arg0: i32) -> (i32, i32) {
    %c0_i32 = arith.constant 0 : i32
    %c0_i32_0 = arith.constant 0 : i32
    %c0_i32_1 = arith.constant 0 : i32
    return %c0_i32, %c0_i32_0 : i32, i32
  }
  func.func @transform_6(%arg0: i32) -> (i32, i32) {
    %c0_i32 = arith.constant 0 : i32
    %c0_i32_0 = arith.constant 0 : i32
    return %arg0, %c0_i32 : i32, i32
  }
}

module attributes {stable_mosaic.version = 14 : i64} {
  func.func @_final_body(%arg0: i32, %arg1: memref<2000x128xf32, #tpu.memory_space<vmem>>, %arg2: memref<2000x128xf32, #tpu.memory_space<vmem>>, %arg3: memref<2000x128xf32, #tpu.memory_space<vmem>>, %arg4: memref<2000x1xf32, #tpu.memory_space<vmem>>, %arg5: memref<1x128xf32, #tpu.memory_space<vmem>>, %arg6: memref<1x128xf32, #tpu.memory_space<vmem>>, %arg7: memref<1x2xf32, #tpu.memory_space<vmem>>, %arg8: memref<1x2xf32, #tpu.memory_space<vmem>>, %arg9: memref<1x1xf32, #tpu.memory_space<vmem>>, %arg10: memref<1x1xf32, #tpu.memory_space<vmem>>, %arg11: memref<1x128xf32, #tpu.memory_space<vmem>>) attributes {dimension_semantics = [#tpu.dimension_semantics<arbitrary>], iteration_bounds = array<i64: 5>, scalar_prefetch = 0 : i64, scratch_operands = 1 : i64, tpu.core_type = #tpu.core_type<tc>, window_params = [{transform_indices = @transform_0, window_bounds = array<i64: 2000, 128>}, {transform_indices = @transform_1, window_bounds = array<i64: 2000, 128>}, {transform_indices = @transform_2, window_bounds = array<i64: 2000, 128>}, {transform_indices = @transform_3, window_bounds = array<i64: 2000, 1>}, {pipeline_mode = #tpu.pipeline_mode<synchronous>, transform_indices = @transform_4, window_bounds = array<i64: 1, 128>}, {pipeline_mode = #tpu.pipeline_mode<synchronous>, transform_indices = @transform_5, window_bounds = array<i64: 1, 128>}, {pipeline_mode = #tpu.pipeline_mode<synchronous>, transform_indices = @transform_6, window_bounds = array<i64: 1, 2>}, {pipeline_mode = #tpu.pipeline_mode<synchronous>, transform_indices = @transform_7, window_bounds = array<i64: 1, 2>}, {pipeline_mode = #tpu.pipeline_mode<synchronous>, transform_indices = @transform_8, window_bounds = array<i64: 1, 1>}, {pipeline_mode = #tpu.pipeline_mode<synchronous>, transform_indices = @transform_9, window_bounds = array<i64: 1, 1>}]} {
    %get3A = arith.constant 0 : index
    %get3A_0 = arith.constant 0 : index
    %get3A_1 = vector.load %arg4[%get3A, %get3A_0] : memref<2000x1xf32, #tpu.memory_space<vmem>>, vector<2000x1xf32>
    %get3A_2 = arith.constant 0 : index
    %get3A_3 = arith.constant 0 : index
    %get3A_4 = vector.load %arg1[%get3A_2, %get3A_3] : memref<2000x128xf32, #tpu.memory_space<vmem>>, vector<2000x128xf32>
    %get3A_5 = arith.constant 0 : index
    %get3A_6 = arith.constant 0 : index
    %get3A_7 = vector.load %arg2[%get3A_5, %get3A_6] : memref<2000x128xf32, #tpu.memory_space<vmem>>, vector<2000x128xf32>
    %add3A = arith.addf %get3A_4, %get3A_7 : vector<2000x128xf32>
    %get3A_8 = arith.constant 0 : index
    %get3A_9 = arith.constant 0 : index
    %get3A_10 = vector.load %arg3[%get3A_8, %get3A_9] : memref<2000x128xf32, #tpu.memory_space<vmem>>, vector<2000x128xf32>
    %add3A_11 = arith.addf %add3A, %get3A_10 : vector<2000x128xf32>
    %mul3A = vector.broadcast %get3A_1 : vector<2000x1xf32> to vector<2000x128xf32>
    %mul3A_12 = arith.mulf %add3A_11, %mul3A : vector<2000x128xf32>
    %get3A_13 = arith.constant 0 : index
    %get3A_14 = arith.constant 0 : index
    %get3A_15 = vector.load %arg5[%get3A_13, %get3A_14] : memref<1x128xf32, #tpu.memory_space<vmem>>, vector<1x128xf32>
    %add3A_16 = vector.broadcast %get3A_15 : vector<1x128xf32> to vector<2000x128xf32>
    %add3A_17 = arith.addf %mul3A_12, %add3A_16 : vector<2000x128xf32>
    %ge3A = arith.constant 0.000000e+00 : f32
    %ge3A_18 = vector.broadcast %ge3A : f32 to vector<2000x128xf32>
    %ge3A_19 = arith.cmpf oge, %add3A_17, %ge3A_18 : vector<2000x128xf32>
    %mul3A_20 = arith.constant 0.00999999977 : f32
    %mul3A_21 = vector.broadcast %mul3A_20 : f32 to vector<2000x128xf32>
    %mul3A_22 = arith.mulf %mul3A_21, %add3A_17 : vector<2000x128xf32>
    %select_n3A = arith.select %ge3A_19, %add3A_17, %mul3A_22 : vector<2000x128xi1>, vector<2000x128xf32>
    %eq3A = arith.constant 0 : i32
    %eq3A_23 = arith.cmpi eq, %arg0, %eq3A : i32
    %convert_element_type3A = arith.extui %eq3A_23 : i1 to i32
    %cond3A = arith.constant 0 : i32
    %cond3A_24 = arith.cmpi ne, %convert_element_type3A, %cond3A : i32
    scf.if %cond3A_24 {
      %broadcast_in_dim3A_37 = arith.constant 0.000000e+00 : f32
      %broadcast_in_dim3A_38 = vector.broadcast %broadcast_in_dim3A_37 : f32 to vector<1x128xf32>
      %swap3A_39 = arith.constant 0 : index
      %swap3A_40 = arith.constant 0 : index
      %swap3A_41 = vector.load %arg11[%swap3A_39, %swap3A_40] : memref<1x128xf32, #tpu.memory_space<vmem>>, vector<1x128xf32>
      tpu.vector_store %arg11[%swap3A_39, %swap3A_40], %broadcast_in_dim3A_38 {strides = array<i32>} : memref<1x128xf32, #tpu.memory_space<vmem>>, vector<1x128xf32>,
    } else {
    }
    %get3A_25 = arith.constant 0 : index
    %get3A_26 = arith.constant 0 : index
    %get3A_27 = vector.load %arg11[%get3A_25, %get3A_26] : memref<1x128xf32, #tpu.memory_space<vmem>>, vector<1x128xf32>
    %reduce_sum3A = arith.constant dense<0.000000e+00> : vector<128xf32>
    %reduce_sum3A_28 = vector.multi_reduction <add>, %select_n3A, %reduce_sum3A [0] : vector<2000x128xf32> to vector<128xf32>
    %broadcast_in_dim3A = vector.shape_cast %reduce_sum3A_28 : vector<128xf32> to vector<1x128xf32>
    %add3A_29 = arith.addf %get3A_27, %broadcast_in_dim3A : vector<1x128xf32>
    %swap3A = arith.constant 0 : index
    %swap3A_30 = arith.constant 0 : index
    %swap3A_31 = vector.load %arg11[%swap3A, %swap3A_30] : memref<1x128xf32, #tpu.memory_space<vmem>>, vector<1x128xf32>
    tpu.vector_store %arg11[%swap3A, %swap3A_30], %add3A_29 {strides = array<i32>} : memref<1x128xf32, #tpu.memory_space<vmem>>, vector<1x128xf32>,
    %eq3A_32 = arith.constant 4 : i32
    %eq3A_33 = arith.cmpi eq, %arg0, %eq3A_32 : i32
    %convert_element_type3A_34 = arith.extui %eq3A_33 : i1 to i32
    %cond3A_35 = arith.constant 0 : i32
    %cond3A_36 = arith.cmpi ne, %convert_element_type3A_34, %cond3A_35 : i32
    scf.if %cond3A_36 {
      %get3A_37 = arith.constant 0 : index
      %get3A_38 = arith.constant 0 : index
      %get3A_39 = vector.load %arg11[%get3A_37, %get3A_38] : memref<1x128xf32, #tpu.memory_space<vmem>>, vector<1x128xf32>
      %mul3A_40 = arith.constant 9.99999974E-5 : f32
      %mul3A_41 = vector.broadcast %mul3A_40 : f32 to vector<1x128xf32>
      %mul3A_42 = arith.mulf %get3A_39, %mul3A_41 : vector<1x128xf32>
      %get3A_43 = arith.constant 0 : index
      %get3A_44 = arith.constant 0 : index
      %get3A_45 = vector.load %arg6[%get3A_43, %get3A_44] : memref<1x128xf32, #tpu.memory_space<vmem>>, vector<1x128xf32>
      %mul3A_46 = arith.mulf %mul3A_42, %get3A_45 : vector<1x128xf32>
      %reduce_sum3A_47 = vector.shape_cast %mul3A_46 : vector<1x128xf32> to vector<1x1x128xf32>
      %reduce_sum3A_48 = arith.constant dense<0.000000e+00> : vector<1xf32>
      %reduce_sum3A_49 = vector.multi_reduction <add>, %reduce_sum3A_47, %reduce_sum3A_48 [1, 2] : vector<1x1x128xf32> to vector<1xf32>
      %reduce_sum3A_50 = vector.shape_cast %reduce_sum3A_49 : vector<1xf32> to vector<1x1x1xf32>
      %reduce_sum3A_51 = vector.extract %reduce_sum3A_50[0, 0, 0] : f32 from vector<1x1x1xf32>
      %get3A_52 = arith.constant 0 : index
      %get3A_53 = arith.constant 0 : index
      %get3A_54 = vector.load %arg8[%get3A_52, %get3A_53] : memref<1x2xf32, #tpu.memory_space<vmem>>, vector<1x2xf32>
      %get3A_55 = arith.constant 0 : index
      %get3A_56 = arith.constant 0 : index
      %get3A_57 = vector.load %arg7[%get3A_55, %get3A_56] : memref<1x2xf32, #tpu.memory_space<vmem>>, vector<1x2xf32>
      %mul3A_58 = arith.mulf %get3A_54, %get3A_57 : vector<1x2xf32>
      %reduce_sum3A_59 = vector.shape_cast %mul3A_58 : vector<1x2xf32> to vector<1x1x2xf32>
      %reduce_sum3A_60 = arith.constant dense<0.000000e+00> : vector<1xf32>
      %reduce_sum3A_61 = vector.multi_reduction <add>, %reduce_sum3A_59, %reduce_sum3A_60 [1, 2] : vector<1x1x2xf32> to vector<1xf32>
      %reduce_sum3A_62 = vector.shape_cast %reduce_sum3A_61 : vector<1xf32> to vector<1x1x1xf32>
      %reduce_sum3A_63 = vector.extract %reduce_sum3A_62[0, 0, 0] : f32 from vector<1x1x1xf32>
      %add3A_64 = arith.addf %reduce_sum3A_51, %reduce_sum3A_63 : f32
      %get3A_65 = arith.constant 0 : index
      %get3A_66 = arith.constant 0 : index
      %get3A_67 = vector.load %arg9[%get3A_65, %get3A_66] : memref<1x1xf32, #tpu.memory_space<vmem>>, vector<1x1xf32>
      %get3A_68 = vector.extract %get3A_67[0, 0] : f32 from vector<1x1xf32>
      %add3A_69 = arith.addf %add3A_64, %get3A_68 : f32
      %broadcast_in_dim3A_70 = vector.broadcast %add3A_69 : f32 to vector<1x1xf32>
      %swap3A_71 = arith.constant 0 : index
      %swap3A_72 = arith.constant 0 : index
      %swap3A_73 = vector.load %arg10[%swap3A_71, %swap3A_72] : memref<1x1xf32, #tpu.memory_space<vmem>>, vector<1x1xf32>
      tpu.vector_store %arg10[%swap3A_71, %swap3A_72], %broadcast_in_dim3A_70 {strides = array<i32>} : memref<1x1xf32, #tpu.memory_space<vmem>>, vector<1x1xf32>,
    } else {
    }
    return
  }
  func.func @transform_0(%arg0: i32) -> (i32, i32) {
    %c0_i32 = arith.constant 0 : i32
    %c0_i32_0 = arith.constant 0 : i32
    return %arg0, %c0_i32 : i32, i32
  }
  func.func @transform_1(%arg0: i32) -> (i32, i32) {
    %c0_i32 = arith.constant 0 : i32
    %c0_i32_0 = arith.constant 0 : i32
    return %arg0, %c0_i32 : i32, i32
  }
  func.func @transform_2(%arg0: i32) -> (i32, i32) {
    %c0_i32 = arith.constant 0 : i32
    %c0_i32_0 = arith.constant 0 : i32
    return %arg0, %c0_i32 : i32, i32
  }
  func.func @transform_3(%arg0: i32) -> (i32, i32) {
    %c0_i32 = arith.constant 0 : i32
    %c0_i32_0 = arith.constant 0 : i32
    return %arg0, %c0_i32 : i32, i32
  }
  func.func @transform_4(%arg0: i32) -> (i32, i32) {
    %c0_i32 = arith.constant 0 : i32
    %c0_i32_0 = arith.constant 0 : i32
    %c0_i32_1 = arith.constant 0 : i32
    return %c0_i32, %c0_i32_0 : i32, i32
  }
  func.func @transform_5(%arg0: i32) -> (i32, i32) {
    %c0_i32 = arith.constant 0 : i32
    %c0_i32_0 = arith.constant 0 : i32
    %c0_i32_1 = arith.constant 0 : i32
    return %c0_i32, %c0_i32_0 : i32, i32
  }
  func.func @transform_6(%arg0: i32) -> (i32, i32) {
    %c0_i32 = arith.constant 0 : i32
    %c0_i32_0 = arith.constant 0 : i32
    %c0_i32_1 = arith.constant 0 : i32
    return %c0_i32, %c0_i32_0 : i32, i32
  }
  func.func @transform_7(%arg0: i32) -> (i32, i32) {
    %c0_i32 = arith.constant 0 : i32
    %c0_i32_0 = arith.constant 0 : i32
    %c0_i32_1 = arith.constant 0 : i32
    return %c0_i32, %c0_i32_0 : i32, i32
  }
  func.func @transform_8(%arg0: i32) -> (i32, i32) {
    %c0_i32 = arith.constant 0 : i32
    %c0_i32_0 = arith.constant 0 : i32
    %c0_i32_1 = arith.constant 0 : i32
    return %c0_i32, %c0_i32_0 : i32, i32
  }
  func.func @transform_9(%arg0: i32) -> (i32, i32) {
    %c0_i32 = arith.constant 0 : i32
    %c0_i32_0 = arith.constant 0 : i32
    %c0_i32_1 = arith.constant 0 : i32
    return %c0_i32, %c0_i32_0 : i32, i32
  }
}

</mosaic_0001>

<sc_bundles>
// kernel: kernel.14.cloned.1.call-start
scs
__scs_entry_jumppad:
0x0: {  	(pc) =	sbr.rel $0x88, $3  }
0x1: {  	(tag) =	ssettag $0x0;
	lr =	simm.s32 $0x1  }
0x2: {  	[smem:$0x3F91] =	sst lr;
	_ =	strace $0xD0000000  }
0x3: {  	_ = 	snop  }
0x4: {  	_ = 	snop  }
0x5: {  	_ = 	snop  }
0x6: {  	_ = 	snop  }
0x7: {  	_ = 	snop  }
__scs_overlays_trampoline_lowered:
0x8: {  	[smem:$0x3FA0] =	sst s0  }
0x9: {  	[smem:$0x3FA1] =	sst s1  }
0xa: {  	[smem:$0x3FA2] =	sst s2  }
0xb: {  	[smem:$0x3FA3] =	sst s3  }
0xc: {  	[smem:$0x3FA4] =	sst s4  }
0xd: {  	[smem:$0x3FA5] =	sst s5  }
0xe: {  	[smem:$0x3FA6] =	sst s6  }
0xf: {  	[smem:$0x3FA7] =	sst s7  }
0x10: {  	[smem:$0x3FA8] =	sst s8  }
0x11: {  	[smem:$0x3FA9] =	sst s9;
	s0 =	simm.s32 @!p0 $0x0  }
0x12: {  	s1 =	sld [smem:$0x3F8F];
	s0 =	simm.s32 @p0 $0x1  }
0x13: {  	[smem:$0x3FAA] =	sst s0;
	s0 =	simm.s32 @!p1 $0x0  }
0x14: {  	s2 =	sld [smem:$0x3F8E];
	s0 =	simm.s32 @p1 $0x1  }
0x15: {  	[smem:$0x3FAB] =	sst s0;
	s0 =	simm.s32 @!p2 $0x0  }
0x16: {  	s3 =	sld [smem:$0x3FDB];
	s0 =	simm.s32 @p2 $0x1  }
0x17: {  	s4 =	simm.s32 $0x1BF5;
	[smem:$0x3FAD] =	sst s0  }
0x18: {  	s0 =	sld [smem:$0x3F90];
	_ =	swait.ge [sflag:s4], $0x0  }
0x19: {  	s7 =	sld [smem:$0x3F91]  }
0x1a: {  	s8 =	sadd.s32 $0xFFFFE003, lr  }
0x1b: {  	s9 =	sadd.s32 $0xFFFFFEF7, lr;
	s5 =	simm.s32 $0xFFFFFFFF;
	p2 =	slt.u32 s8, $0xFFFFF086  }
0x1c: {  	p1 =	slt.u32 s9, $0xF7A;
	s5 =	simm.s32 @!p2 $0x0  }
0x1d: {  	s5 =	simm.s32 @p1 $0x1;
	p0 =	seq.s32 s7, s2  }
0x1e: {  	s7 =	smul.u32 @!p0 $0xF7A, s2;
	p2 =	seq.s32 @!p0 s5, $0x0  }
0x1f: {  	s9 =	smul.u32 $0xF7A, s1;
	s8 =	simm.s32 @!p0 $0x1BF5;
	p2 =	por !p2, p0  }
0x20: {  	[sflag:s8] =	ssyncset.s32 @!p0 $0xFFFFF086;
	s6 =	sadd.s32 @!p0 s3, s7;
	s7 =	simm.s32 @!p0 $0x108  }
0x21: {  	s3 =	sadd.s32 s3, s9;
	s6 =	sadd.s32 @!p0 $0x88, s6;
	s7 =	simm.s32 @p2 $0x1082  }
0x22: {  	[simem:s7], [sflag:s8] =	dma.local @!p0 [hbm:s6], $0xF7A  }
0x23: {  	s9 =	sor.u32 $0xD0000000, s2;
	s6 =	simm.s32 $0x108;
	_ =	swait.ge @!p0 [sflag:s8], $0x0  }
0x24: {  	s3 =	sadd.s32 $0x88, s3;
	s6 =	simm.s32 @!p1 $0x1082;
	[sflag:s4] =	ssyncset.s32 $0xFFFFF086  }
0x25: {  	[simem:s6], [sflag:s4] =	dma.local [hbm:s3], $0xF7A  }
0x26: {  	[smem:$0x3F91] =	sst s1;
	(tag) =	ssettag s2;
	_ =	strace s9  }
0x27: {  	s1 =	sld [smem:$0x3FA1]  }
0x28: {  	s2 =	sld [smem:$0x3FA2]  }
0x29: {  	s4 =	sld [smem:$0x3FA4]  }
0x2a: {  	p0 =	seq.s32 s5, $0x0;
	s5 =	sld [smem:$0x3FA5]  }
0x2b: {  	s6 =	sld [smem:$0x3FA6]  }
0x2c: {  	s7 =	sld [smem:$0x3FA7]  }
0x2d: {  	s3 =	simm.s32 $0x108;
	s8 =	sld [smem:$0x3FA8]  }
0x2e: {  	s3 =	simm.s32 @!p0 $0x1082;
	s9 =	sld [smem:$0x3FA9]  }
0x2f: {  	lr =	sadd.s32 s0, s3;
	s0 =	sld [smem:$0x3FA0]  }
0x30: {  	s3 =	sld [smem:$0x3FA3]  }
0x31: {  	[smem:$0x3FAC] =	sst s10  }
0x32: {  	s10 =	sld [smem:$0x3FAA];
	_ =	sdelay $0x3  }
0x33: {  	p0 =	seq.s32 s10, $0x1;
	s10 =	sld [smem:$0x3FAC];
	_ =	sdelay $0x3  }
0x34: {  	[smem:$0x3FAC] =	sst s10  }
0x35: {  	s10 =	sld [smem:$0x3FAB];
	_ =	sdelay $0x3  }
0x36: {  	p1 =	seq.s32 s10, $0x1;
	s10 =	sld [smem:$0x3FAC];
	_ =	sdelay $0x3  }
0x37: {  	[smem:$0x3FAC] =	sst s10  }
0x38: {  	s10 =	sld [smem:$0x3FAD]  }
0x39: {  	_ = 	snop;
	(pc) =	sbr.ind lr, $3  }
0x3a: {  	_ = 	snop  }
0x3b: {  	_ = 	snop  }
0x3c: {  	p2 =	seq.s32 s10, $0x1;
	s10 =	sld [smem:$0x3FAC]  }
0x3d: {  	_ =	shalt  }
0x3e: {  	_ =	shalt  }
0x3f: {  	_ =	shalt  }
0x40: {  	_ =	shalt  }
0x41: {  	_ =	shalt  }
0x42: {  	_ =	shalt  }
0x43: {  	_ =	shalt  }
0x44: {  	_ =	shalt  }
0x45: {  	_ =	shalt  }
0x46: {  	_ =	shalt  }
0x47: {  	_ =	shalt  }
0x48: {  	_ =	shalt  }
0x49: {  	_ =	shalt  }
0x4a: {  	_ =	shalt  }
0x4b: {  	_ =	shalt  }
0x4c: {  	_ =	shalt  }
0x4d: {  	_ =	shalt  }
0x4e: {  	_ =	shalt  }
0x4f: {  	_ =	shalt  }
0x50: {  	_ =	shalt  }
0x51: {  	_ =	shalt  }
0x52: {  	_ =	shalt  }
0x53: {  	_ =	shalt  }
0x54: {  	_ =	shalt  }
0x55: {  	_ =	shalt  }
0x56: {  	_ =	shalt  }
0x57: {  	_ =	shalt  }
0x58: {  	_ =	shalt  }
0x59: {  	_ =	shalt  }
0x5a: {  	_ =	shalt  }
0x5b: {  	_ =	shalt  }
0x5c: {  	_ =	shalt  }
0x5d: {  	_ =	shalt  }
0x5e: {  	_ =	shalt  }
0x5f: {  	_ =	shalt  }
0x60: {  	_ =	shalt  }
0x61: {  	_ =	shalt  }
0x62: {  	_ =	shalt  }
0x63: {  	_ =	shalt  }
0x64: {  	_ =	shalt  }
0x65: {  	_ =	shalt  }
0x66: {  	_ =	shalt  }
0x67: {  	_ =	shalt  }
0x68: {  	_ =	shalt  }
0x69: {  	_ =	shalt  }
0x6a: {  	_ =	shalt  }
0x6b: {  	_ =	shalt  }
0x6c: {  	_ =	shalt  }
0x6d: {  	_ =	shalt  }
0x6e: {  	_ =	shalt  }
0x6f: {  	_ =	shalt  }
0x70: {  	_ =	shalt  }
0x71: {  	_ =	shalt  }
0x72: {  	_ =	shalt  }
0x73: {  	_ =	shalt  }
0x74: {  	_ =	shalt  }
0x75: {  	_ =	shalt  }
0x76: {  	_ =	shalt  }
0x77: {  	_ =	shalt  }
0x78: {  	_ =	shalt  }
0x79: {  	_ =	shalt  }
0x7a: {  	_ =	shalt  }
0x7b: {  	_ =	shalt  }
0x7c: {  	_ =	shalt  }
0x7d: {  	_ =	shalt  }
0x7e: {  	_ =	shalt  }
0x7f: {  	_ =	shalt  }
0x80: {  	_ =	shalt  }
0x81: {  	_ =	shalt  }
0x82: {  	_ =	shalt  }
0x83: {  	_ =	shalt  }
0x84: {  	_ =	shalt  }
0x85: {  	_ =	shalt  }
0x86: {  	_ =	shalt  }
0x87: {  	_ =	shalt  }
.Lfunc_end0:
.L_simem_size_0:
called_computation_lowered:
.L_overlay_start_0:
0x88: {  	s2 =	sld [smem:$0x3FD9]  }
0x89: {  	s3 =	sld [smem:$0x3FFE];
	_ =	sdelay $0x1  }
0x8a: {  	s1 =	srdreg.scid  }
0x8b: {  	s0 =	sand.u32 $0x1, s1  }
0x8c: {  	s16 =	sshll.u32 s0, $0xA;
	s2 =	sadd.s32 s3, s2  }
0x8d: {  	s2 =	sadd.s32 s2, s16  }
0x8e: {  	[smem:$0x3FB8] =	sst s2  }
0x8f: {  	_ = 	snop  }
0x90: {  	(tm) =	ssettm $0x1  }
0x91: {  	s17 =	sld [smem:$0x3FFB];
	_ =	sdelay $0x3  }
0x92: {  	_ =	strace s17  }
0x93: {  	s2 =	sld [smem:$0x3FFC];
	_ =	sdelay $0x3  }
0x94: {  	_ =	strace s2  }
0x95: {  	s2 =	sld [smem:$0x3FFD];
	_ =	sdelay $0x3  }
0x96: {  	_ =	strace s2  }
0x97: {  	_ =	strace $0x8FFFFFFF  }
0x98: {  	s18 =	sld [smem:$0x3FDB];
	_ =	sdelay $0x1  }
0x99: {  	s19 =	simm.s32 $_scs_section_size  }
0x9a: {  	s4 =	simm.s32 $_size__tile_overlayer_lowered;
	s5 =	simm.s32 $_tile_overlayer_lowered  }
0x9b: {  	s22 =	simm.s32 $0x1BFF;
	s21 =	sshll.u32 s5, $0x1;
	s2 =	sadd.s32 s19, s18  }
0x9c: {  	s6 =	simm.s32 $0x0;
	s20 =	sshll.u32 s4, $0x1;
	s4 =	sadd.s32 s21, s2  }
0x9d: {  	[timem:s6], [sflag:s22] =	dma.local [hbm:s4], s20  }
0x9e: {  	_ =	swait.ge [sflag:s22], s20  }
0x9f: {  	s3 =	ssub.s32 $0x0, s20;
	[sflag:s22] =	ssyncset.done $0x0  }
0xa0: {  	[sflag:s22] =	ssyncadd.s32 s3;
	_ =	sdelay $0x1  }
0xa1: {  	s23 =	simm.s32 $0x1B8B  }
0xa2: {  	_ =	swait.ge [sflag:s23], $0x1  }
0xa3: {  	[sflag:s23] =	ssyncset.done $0x0  }
0xa4: {  	s25 =	simm.s32 $0x1B8E;
	s24 =	sld [smem:$0x3FFE];
	[sflag:s23] =	ssyncadd.s32 $0xFFFFFFFF  }
0xa5: {  	s26 =	simm.s32 $execute0_lowered;
	[smem:$0x3FD2] =	sst s25  }
0xa6: {  	s4 =	sshll.u32 s26, $0x1;
	_ =	strace $0x80000046;
	[dreg:$0x1] =	wrdreg $0xFFFFFFFF  }
0xa7: {  	s28 =	simm.s32 $_size_execute0_lowered;
	s2 =	sadd.s32 s2, s4;
	[dreg:$0x0] =	wrdreg $0x0  }
0xa8: {  	s4 =	sshll.u32 s28, $0x1;
	[dreg:$0x2] =	wrdreg s2  }
0xa9: {  	[dreg:$0x3] =	wrdreg s4  }
0xaa: {  	[dreg:$0x4] =	wrdreg $0xC0  }
0xab: {  	_ =	task [dreg:s6], $0x5FFFF  }
0xac: {  	[dreg:$0x1] =	wrdreg $0xFFFFFFFF  }
0xad: {  	[dreg:$0x0] =	wrdreg $0x60  }
0xae: {  	[dreg:$0x2] =	wrdreg s24  }
0xaf: {  	[dreg:$0x3] =	wrdreg $0x52000  }
0xb0: {  	[dreg:$0x4] =	wrdreg $0x9  }
0xb1: {  	_ =	task.clear_ibuf [dreg:s6], $0x5FFFF;
	_ =	strace $0x90000046  }
0xb2: {  	s29 =	simm.s32 $0x9;
	_ =	strace $0x80000048  }
0xb3: {  	_ =	swait.ge [sflag:s29], $0x1  }
0xb4: {  	[sflag:s29] =	ssyncadd.s32 $0xFFFFFFFF  }
0xb5: {  	_ =	strace $0x90000048  }
0xb6: {  	_ =	sfence  }
0xb7: {  	s30 =	sld [smem:$0x0];
	_ =	sdelay $0x2  }
0xb8: {  	s31 =	sshll.u32 s1, $0xD;
	s1 =	sshrl.u32 s1, $0x2  }
0xb9: {  	s3 =	sand.u32 $0x4000, s31;
	s1 =	sadd.s32 s1, s30  }
0xba: {  	s0 =	sor.u32 s3, s0;
	s1 =	sshll.u32 s1, $0x11  }
0xbb: {  	s0 =	sor.u32 s1, s0  }
0xbc: {  	s0 =	sadd.s32 $0x8F2B, s0  }
0xbd: {  	[sflag:s0] =	ssyncadd.remote.s32 $0x1  }
0xbe: {  	_ =	sfence.sel $0xFFFF  }
0xbf: {  	[dreg:$0x0] =	wrdreg $0xFFFFFFFF;
	(pc) =	sbr.abs _section_cstart, $3  }
0xc0: {  	[dreg:$0x1] =	wrdreg $0xFFFFFFFF  }
0xc1: {  	_ =	task.clear_ibuf [dreg:s6], $0x2FFFF;
	_ =	strace $0x9FFFFFFF  }
0xc2: {  	(tm) =	ssettm $0x7FFFFFFF  }
0xc3: {  	_ =	shalt  }
tec
execute0_lowered:
.L_overlay_start_1:
0x0: {  	(tag) =	ssettag $0x1  }
0x1: {  	s7 =	rddreg [dreg:$0x0];
	s1 =	srdreg.scid  }
0x2: {  	s0 =	stileid.u32;
	s2 =	rddreg [dreg:$0x1]  }
0x3: {  	s3 =	simm.s32 $0x0;
	s10 =	simm.s32 $0x80;
	s11 =	simm.s32 $0x4F00  }
0x4: {  	s14 =	simm.s32 $0x0;
	s4 =	sand.u32 $0x1, s1;
	s1 =	rddreg [dreg:$0x2]  }
0x5: {  	s5 =	sshll.u32 s0, $0x1;
	[smem:$0x7FF] =	sst s3;
	s9 =	smul.u32 $0x280, s0  }
0x6: {  	s12 =	sshll.u32 s0, $0x6;
	s5 =	sor.u32 s4, s5;
	s6 =	ssub.s32 $0x2, s4  }
0x7: {  	_ =	strace $0x80000047;
	s5 =	smul.u32 $0x9E0, s5;
	s8 =	sshrl.u32 s6, $0x1  }
0x8: {  	p0 =	seq.s32 s4, $0x1;
	s6 =	ssub.s32 s6, s8;
	s8 =	simm.s32 $0x1B200  }
0x9: {  	s12 =	sor.u32 $0x1C01, s12;
	s5 =	sadd.s32 s5, s7;
	s8 =	simm.s32 @!p0 $0x1AC00  }
0xa: {  	s6 =	smax.u32 s6, $0x1;
	s4 =	sadd.s32 $0x7000, s5;
	s5 =	sadd.s32 s9, s2  }
0xb: {  	s9 =	sshrl.u32 s9, $0x3;
	s7 =	sadd.s32 s8, s7;
	s8 =	simm.s32 $0x1  }
0xc: {  	v0 =	vimm.f32 $1.000000000e+00;
	v1 =	vimm.f32 $0.0e+00;
	s7 =	sadd.s32 s7, s9;
	s9 =	simm.s32 $0x4F80;
	s13 =	sshrl.u32 s5, $0x3  }
.LBB2_1:
0xd: {  	[tilespmem:s3], [sflag:$0x1] =	stream.linear.gather [hbm4b:s4+s3], $0x4F00, $0x38;
	[tilespmem:$0x5480] =	vst v63  }
0xe: {  	_ =	swait.ge [sflag:s8], $0x4F00  }
0xf: {  	[sflag:s8] =	ssyncset.done $0x0  }
0x10: {  	[sflag:s8] =	ssyncadd.s32 $0xFFFFB100  }
0x11: {  	[tilespmem:$0x4F00] =	vst v0  }
0x12: {  	[tilespmem:$0x4F10] =	vst v0  }
0x13: {  	[tilespmem:$0x4F20] =	vst v0  }
0x14: {  	[tilespmem:$0x4F30] =	vst v0  }
0x15: {  	[tilespmem:$0x4F40] =	vst v0  }
0x16: {  	[tilespmem:$0x4F50] =	vst v0  }
0x17: {  	[tilespmem:$0x4F60] =	vst v0  }
0x18: {  	[tilespmem:$0x4F70] =	vst v0  }
0x19: {  	[tilespmem:$0x4F80] =	vst v1  }
0x1a: {  	[tilespmem:$0x4F90] =	vst v1  }
0x1b: {  	[tilespmem:$0x4FA0] =	vst v1  }
0x1c: {  	[tilespmem:$0x4FB0] =	vst v1  }
0x1d: {  	[tilespmem:$0x4FC0] =	vst v1  }
0x1e: {  	[tilespmem:$0x4FD0] =	vst v1  }
0x1f: {  	[tilespmem:$0x4FE0] =	vst v1  }
0x20: {  	[tilespmem:$0x4FF0] =	vst v1  }
0x21: {  	[tilespmem:$0x5000] =	vst v1  }
0x22: {  	[tilespmem:$0x5010] =	vst v1  }
0x23: {  	[tilespmem:$0x5020] =	vst v1  }
0x24: {  	[tilespmem:$0x5030] =	vst v1  }
0x25: {  	[tilespmem:$0x5040] =	vst v1  }
0x26: {  	[tilespmem:$0x5050] =	vst v1  }
0x27: {  	[tilespmem:$0x5060] =	vst v1  }
0x28: {  	[tilespmem:$0x5070] =	vst v1  }
0x29: {  	[tilespmem:$0x5080] =	vst v1  }
0x2a: {  	[tilespmem:$0x5090] =	vst v1  }
0x2b: {  	[tilespmem:$0x50A0] =	vst v1  }
0x2c: {  	[tilespmem:$0x50B0] =	vst v1  }
0x2d: {  	[tilespmem:$0x50C0] =	vst v1  }
0x2e: {  	[tilespmem:$0x50D0] =	vst v1  }
0x2f: {  	[tilespmem:$0x50E0] =	vst v1  }
0x30: {  	[tilespmem:$0x50F0] =	vst v1  }
0x31: {  	[tilespmem:$0x5100] =	vst v1  }
0x32: {  	[tilespmem:$0x5110] =	vst v1  }
0x33: {  	[tilespmem:$0x5120] =	vst v1  }
0x34: {  	[tilespmem:$0x5130] =	vst v1  }
0x35: {  	[tilespmem:$0x5140] =	vst v1  }
0x36: {  	[tilespmem:$0x5150] =	vst v1  }
0x37: {  	[tilespmem:$0x5160] =	vst v1  }
0x38: {  	[tilespmem:$0x5170] =	vst v1  }
0x39: {  	[tilespmem:$0x5180] =	vst v1  }
0x3a: {  	[tilespmem:$0x5190] =	vst v1  }
0x3b: {  	[tilespmem:$0x51A0] =	vst v1  }
0x3c: {  	[tilespmem:$0x51B0] =	vst v1  }
0x3d: {  	[tilespmem:$0x51C0] =	vst v1  }
0x3e: {  	[tilespmem:$0x51D0] =	vst v1  }
0x3f: {  	[tilespmem:$0x51E0] =	vst v1  }
0x40: {  	[tilespmem:$0x51F0] =	vst v1  }
0x41: {  	[spmem:s5] =	stream.linear.scatter [tilespmem:s9], [sflag:$0x1], $0x280, $0x38;
	[tilespmem:$0x5480] =	vst v63  }
0x42: {  	_ =	swait.ge [sflag:s8], $0x280  }
0x43: {  	[sflag:s8] =	ssyncset.done $0x0  }
0x44: {  	[sflag:s8] =	ssyncadd.s32 $0xFFFFFD80  }
0x45: {  	s15 =	simm.s32 $0x80;
	[bflag:$0x0] =	sbarrier.arrive $0xFFFF  }
0x46: {  	[spmem:s2] =	stream.indirect.scatter.add.f32 [tilespmem:s11], [sflag:$0x1], $0x1, s15, s10, $0xb8;
	[tilespmem:$0x5480] =	vst v63  }
0x47: {  	_ =	swait.ge [sflag:s8], $0x80  }
0x48: {  	s15 =	simm.s32 $0x600;
	[sflag:s8] =	ssyncset.done $0x0  }
.LBB2_2:
0x49: {  	s16 =	sshra.s32 s15, $0x2;
	[sflag:s8] =	ssyncadd.s32 $0xFFFFFF80;
	p0 =	sne.s32 s15, $0x13A00  }
0x4a: {  	[spmem:s2] =	stream.indirect.scatter.add.f32 [tilespmem:s11], [sflag:$0x1], $0x1, s16, s10, $0xb8;
	[tilespmem:$0x5480] =	vst v63  }
.Ltmp0:
0x4b: {  	_ = 	snop;
	(pc) =	sbr.rel @p0 .LBB2_2-.Ltmp0, $4  }
0x4c: {  	_ = 	snop  }
0x4d: {  	s15 =	sadd.s32 $0x400, s15  }
0x4e: {  	_ =	swait.ge [sflag:s8], $0x80  }
0x4f: {  	[sflag:s8] =	ssyncset.done $0x0  }
0x50: {  	s14 =	sadd.s32 $0x1, s14  }
0x51: {  	[sflag:s8] =	ssyncadd.s32 $0xFFFFFF80;
	p0 =	sne.s32 s14, s6  }
.Ltmp1:
0x52: {  	[bflag:$0x0] =	sbarrier.arrive $0xFFFF;
	(pc) =	sbr.rel @p0 .LBB2_1-.Ltmp1, $4  }
0x53: {  	[hbm:s7], [sflag:s12] =	dma.local [spmem:s13], $0x50  }
0x54: {  	_ =	swait.ge [sflag:s8], $0x50  }
0x55: {  	[sflag:s8] =	ssyncset.done $0x0  }
0x56: {  	[sflag:s8] =	ssyncadd.s32 $0xFFFFFFB0  }
0x57: {  	_ =	sfence.sel $0x180000  }
0x58: {  	[bflag:$0x0] =	sbarrier.arrive $0xFFFF  }
0x59: {  	p0 =	sne.s32 s0, $0x0;
	_ =	strace $0x90000047  }
0x5a: {  	s0 =	sadd.s32 @!p0 $0x100000, s1;
	[bflag:$0x2] =	sbarrier.arrive $0xFFFF  }
0x5b: {  	[sflag:s0] =	ssyncadd.tile.s32 @!p0 $0x1;
	_ =	shalt  }
.Lfunc_end2:
_tile_overlayer_lowered:
.L_overlay_start_2:
0x5c: {  	(tag) =	ssettag $0x2  }
0x5d: {  	s0 =	rddreg [dreg:$0x0];
	s2 =	stileid.u32  }
0x5e: {  	s1 =	rddreg [dreg:$0x1];
	p0 =	sne.s32 s2, $0x0  }
0x5f: {  	s3 =	rddreg [dreg:$0x2];
	[bflag:$0x3] =	sbarrier.arrive $0xFFFF;
	s2 =	simm.s32 @!p0 $0x1C01  }
0x60: {  	[timem:s3], [sflag:s2] =	dma.local @!p0 [hbm:s0], s1  }
0x61: {  	s0 =	simm.s32 @!p0 $0x1  }
0x62: {  	_ =	swait.ge @!p0 [sflag:s0], s1  }
0x63: {  	s1 =	ssub.s32 @!p0 $0x0, s1;
	[sflag:s0] =	ssyncset.done @!p0 $0x0  }
0x64: {  	[sflag:s0] =	ssyncadd.s32 @!p0 s1  }
0x65: {  	[bflag:$0x3] =	sbarrier.arrive $0xFFFF  }
0x66: {  	_ =	shalt  }

// kernel: kernel.17.cloned.1.call-start
scs
__scs_entry_jumppad:
0x0: {  	(pc) =	sbr.rel $0x88, $3  }
0x1: {  	(tag) =	ssettag $0x0;
	lr =	simm.s32 $0x1  }
0x2: {  	[smem:$0x3F91] =	sst lr;
	_ =	strace $0xD0000000  }
0x3: {  	_ = 	snop  }
0x4: {  	_ = 	snop  }
0x5: {  	_ = 	snop  }
0x6: {  	_ = 	snop  }
0x7: {  	_ = 	snop  }
__scs_overlays_trampoline_lowered:
0x8: {  	[smem:$0x3FA0] =	sst s0  }
0x9: {  	[smem:$0x3FA1] =	sst s1  }
0xa: {  	[smem:$0x3FA2] =	sst s2  }
0xb: {  	[smem:$0x3FA3] =	sst s3  }
0xc: {  	[smem:$0x3FA4] =	sst s4  }
0xd: {  	[smem:$0x3FA5] =	sst s5  }
0xe: {  	[smem:$0x3FA6] =	sst s6  }
0xf: {  	[smem:$0x3FA7] =	sst s7  }
0x10: {  	[smem:$0x3FA8] =	sst s8  }
0x11: {  	[smem:$0x3FA9] =	sst s9;
	s0 =	simm.s32 @!p0 $0x0  }
0x12: {  	s1 =	sld [smem:$0x3F8F];
	s0 =	simm.s32 @p0 $0x1  }
0x13: {  	[smem:$0x3FAA] =	sst s0;
	s0 =	simm.s32 @!p1 $0x0  }
0x14: {  	s2 =	sld [smem:$0x3F8E];
	s0 =	simm.s32 @p1 $0x1  }
0x15: {  	[smem:$0x3FAB] =	sst s0;
	s0 =	simm.s32 @!p2 $0x0  }
0x16: {  	s3 =	sld [smem:$0x3FDB];
	s0 =	simm.s32 @p2 $0x1  }
0x17: {  	s4 =	simm.s32 $0x1BF5;
	[smem:$0x3FAD] =	sst s0  }
0x18: {  	s0 =	sld [smem:$0x3F90];
	_ =	swait.ge [sflag:s4], $0x0  }
0x19: {  	s7 =	sld [smem:$0x3F91]  }
0x1a: {  	s8 =	sadd.s32 $0xFFFFE003, lr  }
0x1b: {  	s9 =	sadd.s32 $0xFFFFFEF7, lr;
	s5 =	simm.s32 $0xFFFFFFFF;
	p2 =	slt.u32 s8, $0xFFFFF086  }
0x1c: {  	p1 =	slt.u32 s9, $0xF7A;
	s5 =	simm.s32 @!p2 $0x0  }
0x1d: {  	s5 =	simm.s32 @p1 $0x1;
	p0 =	seq.s32 s7, s2  }
0x1e: {  	s7 =	smul.u32 @!p0 $0xF7A, s2;
	p2 =	seq.s32 @!p0 s5, $0x0  }
0x1f: {  	s9 =	smul.u32 $0xF7A, s1;
	s8 =	simm.s32 @!p0 $0x1BF5;
	p2 =	por !p2, p0  }
0x20: {  	[sflag:s8] =	ssyncset.s32 @!p0 $0xFFFFF086;
	s6 =	sadd.s32 @!p0 s3, s7;
	s7 =	simm.s32 @!p0 $0x108  }
0x21: {  	s3 =	sadd.s32 s3, s9;
	s6 =	sadd.s32 @!p0 $0x88, s6;
	s7 =	simm.s32 @p2 $0x1082  }
0x22: {  	[simem:s7], [sflag:s8] =	dma.local @!p0 [hbm:s6], $0xF7A  }
0x23: {  	s9 =	sor.u32 $0xD0000000, s2;
	s6 =	simm.s32 $0x108;
	_ =	swait.ge @!p0 [sflag:s8], $0x0  }
0x24: {  	s3 =	sadd.s32 $0x88, s3;
	s6 =	simm.s32 @!p1 $0x1082;
	[sflag:s4] =	ssyncset.s32 $0xFFFFF086  }
0x25: {  	[simem:s6], [sflag:s4] =	dma.local [hbm:s3], $0xF7A  }
0x26: {  	[smem:$0x3F91] =	sst s1;
	(tag) =	ssettag s2;
	_ =	strace s9  }
0x27: {  	s1 =	sld [smem:$0x3FA1]  }
0x28: {  	s2 =	sld [smem:$0x3FA2]  }
0x29: {  	s4 =	sld [smem:$0x3FA4]  }
0x2a: {  	p0 =	seq.s32 s5, $0x0;
	s5 =	sld [smem:$0x3FA5]  }
0x2b: {  	s6 =	sld [smem:$0x3FA6]  }
0x2c: {  	s7 =	sld [smem:$0x3FA7]  }
0x2d: {  	s3 =	simm.s32 $0x108;
	s8 =	sld [smem:$0x3FA8]  }
0x2e: {  	s3 =	simm.s32 @!p0 $0x1082;
	s9 =	sld [smem:$0x3FA9]  }
0x2f: {  	lr =	sadd.s32 s0, s3;
	s0 =	sld [smem:$0x3FA0]  }
0x30: {  	s3 =	sld [smem:$0x3FA3]  }
0x31: {  	[smem:$0x3FAC] =	sst s10  }
0x32: {  	s10 =	sld [smem:$0x3FAA];
	_ =	sdelay $0x3  }
0x33: {  	p0 =	seq.s32 s10, $0x1;
	s10 =	sld [smem:$0x3FAC];
	_ =	sdelay $0x3  }
0x34: {  	[smem:$0x3FAC] =	sst s10  }
0x35: {  	s10 =	sld [smem:$0x3FAB];
	_ =	sdelay $0x3  }
0x36: {  	p1 =	seq.s32 s10, $0x1;
	s10 =	sld [smem:$0x3FAC];
	_ =	sdelay $0x3  }
0x37: {  	[smem:$0x3FAC] =	sst s10  }
0x38: {  	s10 =	sld [smem:$0x3FAD]  }
0x39: {  	_ = 	snop;
	(pc) =	sbr.ind lr, $3  }
0x3a: {  	_ = 	snop  }
0x3b: {  	_ = 	snop  }
0x3c: {  	p2 =	seq.s32 s10, $0x1;
	s10 =	sld [smem:$0x3FAC]  }
0x3d: {  	_ =	shalt  }
0x3e: {  	_ =	shalt  }
0x3f: {  	_ =	shalt  }
0x40: {  	_ =	shalt  }
0x41: {  	_ =	shalt  }
0x42: {  	_ =	shalt  }
0x43: {  	_ =	shalt  }
0x44: {  	_ =	shalt  }
0x45: {  	_ =	shalt  }
0x46: {  	_ =	shalt  }
0x47: {  	_ =	shalt  }
0x48: {  	_ =	shalt  }
0x49: {  	_ =	shalt  }
0x4a: {  	_ =	shalt  }
0x4b: {  	_ =	shalt  }
0x4c: {  	_ =	shalt  }
0x4d: {  	_ =	shalt  }
0x4e: {  	_ =	shalt  }
0x4f: {  	_ =	shalt  }
0x50: {  	_ =	shalt  }
0x51: {  	_ =	shalt  }
0x52: {  	_ =	shalt  }
0x53: {  	_ =	shalt  }
0x54: {  	_ =	shalt  }
0x55: {  	_ =	shalt  }
0x56: {  	_ =	shalt  }
0x57: {  	_ =	shalt  }
0x58: {  	_ =	shalt  }
0x59: {  	_ =	shalt  }
0x5a: {  	_ =	shalt  }
0x5b: {  	_ =	shalt  }
0x5c: {  	_ =	shalt  }
0x5d: {  	_ =	shalt  }
0x5e: {  	_ =	shalt  }
0x5f: {  	_ =	shalt  }
0x60: {  	_ =	shalt  }
0x61: {  	_ =	shalt  }
0x62: {  	_ =	shalt  }
0x63: {  	_ =	shalt  }
0x64: {  	_ =	shalt  }
0x65: {  	_ =	shalt  }
0x66: {  	_ =	shalt  }
0x67: {  	_ =	shalt  }
0x68: {  	_ =	shalt  }
0x69: {  	_ =	shalt  }
0x6a: {  	_ =	shalt  }
0x6b: {  	_ =	shalt  }
0x6c: {  	_ =	shalt  }
0x6d: {  	_ =	shalt  }
0x6e: {  	_ =	shalt  }
0x6f: {  	_ =	shalt  }
0x70: {  	_ =	shalt  }
0x71: {  	_ =	shalt  }
0x72: {  	_ =	shalt  }
0x73: {  	_ =	shalt  }
0x74: {  	_ =	shalt  }
0x75: {  	_ =	shalt  }
0x76: {  	_ =	shalt  }
0x77: {  	_ =	shalt  }
0x78: {  	_ =	shalt  }
0x79: {  	_ =	shalt  }
0x7a: {  	_ =	shalt  }
0x7b: {  	_ =	shalt  }
0x7c: {  	_ =	shalt  }
0x7d: {  	_ =	shalt  }
0x7e: {  	_ =	shalt  }
0x7f: {  	_ =	shalt  }
0x80: {  	_ =	shalt  }
0x81: {  	_ =	shalt  }
0x82: {  	_ =	shalt  }
0x83: {  	_ =	shalt  }
0x84: {  	_ =	shalt  }
0x85: {  	_ =	shalt  }
0x86: {  	_ =	shalt  }
0x87: {  	_ =	shalt  }
.Lfunc_end0:
.L_simem_size_0:
called_computation.1_lowered:
.L_overlay_start_0:
0x88: {  	s2 =	sld [smem:$0x3FD9]  }
0x89: {  	s3 =	sld [smem:$0x3FFE];
	_ =	sdelay $0x1  }
0x8a: {  	s1 =	srdreg.scid  }
0x8b: {  	s0 =	sand.u32 $0x1, s1  }
0x8c: {  	s16 =	sshll.u32 s0, $0xA;
	s2 =	sadd.s32 s3, s2  }
0x8d: {  	s2 =	sadd.s32 s2, s16  }
0x8e: {  	[smem:$0x3FB8] =	sst s2  }
0x8f: {  	_ = 	snop  }
0x90: {  	(tm) =	ssettm $0x1  }
0x91: {  	s17 =	sld [smem:$0x3FFB];
	_ =	sdelay $0x3  }
0x92: {  	_ =	strace s17  }
0x93: {  	s2 =	sld [smem:$0x3FFC];
	_ =	sdelay $0x3  }
0x94: {  	_ =	strace s2  }
0x95: {  	s2 =	sld [smem:$0x3FFD];
	_ =	sdelay $0x3  }
0x96: {  	_ =	strace s2  }
0x97: {  	_ =	strace $0x8FFFFFFF  }
0x98: {  	s18 =	sld [smem:$0x3FDB];
	_ =	sdelay $0x1  }
0x99: {  	s19 =	simm.s32 $_scs_section_size  }
0x9a: {  	s4 =	simm.s32 $_size__tile_overlayer_lowered;
	s5 =	simm.s32 $_tile_overlayer_lowered  }
0x9b: {  	s22 =	simm.s32 $0x1BFF;
	s21 =	sshll.u32 s5, $0x1;
	s2 =	sadd.s32 s19, s18  }
0x9c: {  	s6 =	simm.s32 $0x0;
	s20 =	sshll.u32 s4, $0x1;
	s4 =	sadd.s32 s21, s2  }
0x9d: {  	[timem:s6], [sflag:s22] =	dma.local [hbm:s4], s20  }
0x9e: {  	_ =	swait.ge [sflag:s22], s20  }
0x9f: {  	s3 =	ssub.s32 $0x0, s20;
	[sflag:s22] =	ssyncset.done $0x0  }
0xa0: {  	[sflag:s22] =	ssyncadd.s32 s3;
	_ =	sdelay $0x1  }
0xa1: {  	s23 =	simm.s32 $0x1B8B  }
0xa2: {  	_ =	swait.ge [sflag:s23], $0x1  }
0xa3: {  	[sflag:s23] =	ssyncset.done $0x0  }
0xa4: {  	s25 =	simm.s32 $0x1B8E;
	s24 =	sld [smem:$0x3FFE];
	[sflag:s23] =	ssyncadd.s32 $0xFFFFFFFF  }
0xa5: {  	s26 =	simm.s32 $execute0_lowered;
	[smem:$0x3FD2] =	sst s25  }
0xa6: {  	s4 =	sshll.u32 s26, $0x1;
	_ =	strace $0x80000049;
	[dreg:$0x1] =	wrdreg $0xFFFFFFFF  }
0xa7: {  	s28 =	simm.s32 $_size_execute0_lowered;
	s2 =	sadd.s32 s2, s4;
	[dreg:$0x0] =	wrdreg $0x0  }
0xa8: {  	s4 =	sshll.u32 s28, $0x1;
	[dreg:$0x2] =	wrdreg s2  }
0xa9: {  	[dreg:$0x3] =	wrdreg s4  }
0xaa: {  	[dreg:$0x4] =	wrdreg $0xC0  }
0xab: {  	_ =	task [dreg:s6], $0x5FFFF  }
0xac: {  	[dreg:$0x1] =	wrdreg $0xFFFFFFFF  }
0xad: {  	[dreg:$0x0] =	wrdreg $0x60  }
0xae: {  	[dreg:$0x2] =	wrdreg s24  }
0xaf: {  	[dreg:$0x3] =	wrdreg $0x84000  }
0xb0: {  	[dreg:$0x4] =	wrdreg $0x9  }
0xb1: {  	_ =	task.clear_ibuf [dreg:s6], $0x5FFFF;
	_ =	strace $0x90000049  }
0xb2: {  	s29 =	simm.s32 $0x9;
	_ =	strace $0x8000004B  }
0xb3: {  	_ =	swait.ge [sflag:s29], $0x1  }
0xb4: {  	[sflag:s29] =	ssyncadd.s32 $0xFFFFFFFF  }
0xb5: {  	_ =	strace $0x9000004B  }
0xb6: {  	_ =	sfence  }
0xb7: {  	s30 =	sld [smem:$0x0];
	_ =	sdelay $0x2  }
0xb8: {  	s31 =	sshll.u32 s1, $0xD;
	s1 =	sshrl.u32 s1, $0x2  }
0xb9: {  	s3 =	sand.u32 $0x4000, s31;
	s1 =	sadd.s32 s1, s30  }
0xba: {  	s0 =	sor.u32 s3, s0;
	s1 =	sshll.u32 s1, $0x11  }
0xbb: {  	s0 =	sor.u32 s1, s0  }
0xbc: {  	s0 =	sadd.s32 $0x8F2B, s0  }
0xbd: {  	[sflag:s0] =	ssyncadd.remote.s32 $0x1  }
0xbe: {  	_ =	sfence.sel $0xFFFF  }
0xbf: {  	[dreg:$0x0] =	wrdreg $0xFFFFFFFF;
	(pc) =	sbr.abs _section_cstart, $3  }
0xc0: {  	[dreg:$0x1] =	wrdreg $0xFFFFFFFF  }
0xc1: {  	_ =	task.clear_ibuf [dreg:s6], $0x2FFFF;
	_ =	strace $0x9FFFFFFF  }
0xc2: {  	(tm) =	ssettm $0x7FFFFFFF  }
0xc3: {  	_ =	shalt  }
tec
execute0_lowered:
.L_overlay_start_1:
0x0: {  	(tag) =	ssettag $0x1  }
0x1: {  	s0 =	rddreg [dreg:$0x0]  }
0x2: {  	s1 =	rddreg [dreg:$0x1];
	s3 =	simm.s32 $0x0;
	s2 =	srdreg.scid  }
0x3: {  	s12 =	stileid.u32;
	s11 =	simm.s32 $0x6BE00;
	s28 =	simm.s32 $0x4400  }
0x4: {  	s29 =	simm.s32 $0x1;
	s30 =	simm.s32 $0x5;
	s31 =	simm.s32 $0x2  }
0x5: {  	[smem:$0x7FF] =	sst s3;
	s4 =	sadd.s32 $0x1AC00, s0;
	s8 =	smul.u32 $0x4F000, s12  }
0x6: {  	s2 =	sand.u32 $0x1, s2;
	s5 =	sshll.u32 s12, $0x1;
	s22 =	smul.u32 $0x2780, s12  }
0x7: {  	s10 =	sadd.s32 $0x41E00, s0;
	s20 =	sshll.u32 s12, $0x6;
	s12 =	smul.u32 $0x9E00, s12  }
0x8: {  	_ =	strace $0x8000004A;
	s6 =	ssub.s32 $0x2, s2;
	s7 =	sor.u32 s2, s5  }
0x9: {  	s5 =	sadd.s32 $0x7000, s0;
	p0 =	seq.s32 s2, $0x1;
	s2 =	smul.u32 $0x4F00, s2  }
0xa: {  	[dreg:$0x3] =	wrdreg s10;
	s9 =	sshrl.u32 s6, $0x1;
	s7 =	smul.u32 $0x4F00, s7  }
0xb: {  	s8 =	sshrl.u32 s8, $0x2;
	s11 =	simm.s32 @!p0 $0x44600;
	s6 =	ssub.s32 s6, s9  }
0xc: {  	s19 =	sadd.s32 s8, s1;
	s8 =	sor.u32 $0x1C07, s20;
	s0 =	sadd.s32 s11, s0  }
0xd: {  	s24 =	sadd.s32 s2, s12;
	s20 =	simm.s32 $0x100;
	s9 =	simm.s32 $0x0  }
0xe: {  	s21 =	sshrl.u32 s7, $0x3;
	s6 =	smax.u32 s6, $0x1;
	s0 =	sadd.s32 s0, s22  }
0xf: {  	s2 =	sadd.s32 $0x700, s24;
	s25 =	sadd.s32 $0x600, s24;
	s26 =	sadd.s32 $0x500, s24  }
0x10: {  	s22 =	simm.s32 $0x300;
	s7 =	sadd.s32 s5, s21;
	[dreg:$0x8] =	wrdreg s6  }
0x11: {  	[dreg:$0x9] =	wrdreg s0;
	s2 =	sshrl.u32 s2, $0x3;
	s6 =	sshrl.u32 s25, $0x3  }
0x12: {  	s10 =	sshrl.u32 s26, $0x3;
	s0 =	sadd.s32 $0x400, s24;
	s21 =	simm.s32 $0x200  }
0x13: {  	s24 =	simm.s32 $0x80;
	s25 =	simm.s32 $0x400;
	s13 =	sadd.s32 $0x20, s7  }
0x14: {  	s23 =	sadd.s32 $0x40, s7;
	[dreg:$0x4] =	wrdreg s7;
	s7 =	sadd.s32 $0x60, s7  }
.Ltmp0:
0x15: {  	s14 =	sadd.s32 s2, s5;
	[dreg:$0xa] =	wrdreg s0;
	(pc) =	sbr.rel .LBB2_1-.Ltmp0, $4  }
0x16: {  	s15 =	sadd.s32 s6, s5;
	s16 =	sadd.s32 s10, s5;
	[dreg:$0x5] =	wrdreg s13  }
0x17: {  	s10 =	sshrl.u32 s19, $0x3;
	s19 =	simm.s32 $0x7;
	[dreg:$0x6] =	wrdreg s23  }
0x18: {  	s0 =	simm.s32 $0x180;
	s2 =	simm.s32 $0x280;
	[dreg:$0x7] =	wrdreg s7  }
0x19: {  	s6 =	simm.s32 $0x6;
	s23 =	simm.s32 $0x3;
	[dreg:$0xb] =	wrdreg s10  }
.LBB2_4:
0x1a: {  	_ =	swait.ge [sflag:s29], $0x4000  }
0x1b: {  	[sflag:s29] =	ssyncset.done $0x0  }
0x1c: {  	[sflag:s29] =	ssyncadd.s32 $0xFFFFC000  }
0x1d: {  	[spmem:s1] =	stream.indirect.scatter.add.f32 [tilespmem:s25], [sflag:$0x7], $0x80, s2, s24, $0xb8;
	[tilespmem:$0x1C000] =	vst v63  }
0x1e: {  	_ =	swait.ge [sflag:s19], $0x4000  }
0x1f: {  	[sflag:s19] =	ssyncset.done $0x0  }
0x20: {  	[sflag:s19] =	ssyncadd.s32 $0xFFFFC000  }
0x21: {  	[bflag:$0x0] =	sbarrier.arrive $0xFFFF  }
0x22: {  	s7 =	rddreg [dreg:$0x9]  }
0x23: {  	s10 =	rddreg [dreg:$0xb]  }
0x24: {  	[hbm:s7], [sflag:s18] =	dma.local [spmem:s10], $0x2780  }
0x25: {  	_ =	swait.ge [sflag:s19], $0x2780  }
0x26: {  	s9 =	sadd.s32 $0x1, s9;
	s26 =	rddreg [dreg:$0x8]  }
0x27: {  	p0 =	sne.s32 s9, s26  }
.Ltmp1:
0x28: {  	_ = 	snop;
	(pc) =	sbr.rel @!p0 .LBB2_5-.Ltmp1, $3  }
0x29: {  	_ =	sdelay $0x1  }
0x2a: {  	[sflag:s19] =	ssyncset.done $0x0  }
0x2b: {  	s8 =	smov.u32 s18;
	[sflag:s19] =	ssyncadd.s32 $0xFFFFD880  }
.LBB2_1:
0x2c: {  	s7 =	rddreg [dreg:$0x3]  }
0x2d: {  	[spmem:s10], [sflag:s8] =	dma.local [hbm:s7], $0x2780  }
0x2e: {  	_ =	swait.ge [sflag:s19], $0x2780  }
0x2f: {  	[sflag:s19] =	ssyncset.done $0x0  }
0x30: {  	[sflag:s19] =	ssyncadd.s32 $0xFFFFD880  }
0x31: {  	[bflag:$0x0] =	sbarrier.arrive $0xFFFF  }
0x32: {  	s11 =	rddreg [dreg:$0x4]  }
0x33: {  	[tilespmem:s3], [sflag:$0x3] =	stream.linear.gather [hbm4b:s11+s3], $0x100, $0x38;
	[tilespmem:$0x1C000] =	vst v63  }
0x34: {  	s12 =	rddreg [dreg:$0x5]  }
0x35: {  	[tilespmem:s20], [sflag:$0x4] =	stream.linear.gather [hbm4b:s12+s3], $0x100, $0x38;
	[tilespmem:$0x1C000] =	vst v63  }
0x36: {  	s13 =	rddreg [dreg:$0x6]  }
0x37: {  	[tilespmem:s21], [sflag:$0x5] =	stream.linear.gather [hbm4b:s13+s3], $0x100, $0x38;
	[tilespmem:$0x1C000] =	vst v63  }
0x38: {  	s17 =	rddreg [dreg:$0x7]  }
0x39: {  	[tilespmem:s22], [sflag:$0x6] =	stream.linear.gather [hbm4b:s17+s3], $0x100, $0x38;
	[tilespmem:$0x1C000] =	vst v63  }
0x3a: {  	_ =	swait.ge [sflag:s23], $0x100  }
0x3b: {  	[sflag:s23] =	ssyncset.done $0x0  }
0x3c: {  	s26 =	simm.s32 $0x4;
	[sflag:s23] =	ssyncadd.s32 $0xFFFFFF00  }
0x3d: {  	[tilespmem:s25], [sflag:$0x1] =	stream.indirect.gather [hbm4b:s4+s24], $0x80, s3, s24, $0xb8;
	[tilespmem:$0x1C000] =	vst v63  }
0x3e: {  	_ =	swait.ge [sflag:s26], $0x100  }
0x3f: {  	s18 =	smov.u32 s8;
	s11 =	simm.s32 $0x0;
	[sflag:s26] =	ssyncset.done $0x0  }
0x40: {  	s12 =	simm.s32 $0x0;
	s17 =	rddreg [dreg:$0xa];
	[sflag:s26] =	ssyncadd.s32 $0xFFFFFF00  }
0x41: {  	[tilespmem:s28], [sflag:$0x2] =	stream.indirect.gather [hbm4b:s4+s24], $0x80, s20, s24, $0xb8;
	[tilespmem:$0x1C000] =	vst v63  }
.LBB2_2:
0x42: {  	_ =	swait.ge [sflag:s29], $0x4000  }
0x43: {  	[sflag:s29] =	ssyncset.done $0x0  }
0x44: {  	[sflag:s29] =	ssyncadd.s32 $0xFFFFC000  }
0x45: {  	[spmem:s1] =	stream.indirect.scatter.add.f32 [tilespmem:s25], [sflag:$0x7], $0x80, s24, s24, $0xb8;
	[tilespmem:$0x1C000] =	vst v63  }
0x46: {  	p0 =	seq.s32 s11, $0x980;
	_ =	swait.ge [sflag:s19], $0x4000  }
0x47: {  	s13 =	sshrl.u32 @!p0 s17, $0x3;
	[sflag:s19] =	ssyncset.done $0x0  }
0x48: {  	s8 =	simm.s32 @!p0 $0x0;
	s13 =	sadd.s32 @!p0 s5, s13;
	[sflag:s19] =	ssyncadd.s32 $0xFFFFC000  }
0x49: {  	[tilespmem:s8], [sflag:$0x3] =	stream.linear.gather @!p0 [hbm4b:s13+s8], $0x100, $0x38;
	[tilespmem:$0x1C000] =	vst v63  }
0x4a: {  	_ =	swait.ge [sflag:s30], $0x100  }
0x4b: {  	[sflag:s30] =	ssyncset.done $0x0  }
0x4c: {  	[sflag:s30] =	ssyncadd.s32 $0xFFFFFF00  }
0x4d: {  	[tilespmem:s25], [sflag:$0x1] =	stream.indirect.gather [hbm4b:s4+s24], $0x80, s21, s24, $0xb8;
	[tilespmem:$0x1C000] =	vst v63  }
0x4e: {  	_ =	swait.ge [sflag:s31], $0x4000  }
0x4f: {  	[sflag:s31] =	ssyncset.done $0x0  }
.Ltmp2:
0x50: {  	[sflag:s31] =	ssyncadd.s32 $0xFFFFC000;
	(pc) =	sbr.rel @p0 .LBB2_4-.Ltmp2, $4  }
0x51: {  	[spmem:s1] =	stream.indirect.scatter.add.f32 [tilespmem:s28], [sflag:$0x7], $0x80, s0, s24, $0xb8;
	[tilespmem:$0x1C000] =	vst v63  }
0x52: {  	_ =	swait.ge [sflag:s19], $0x4000  }
0x53: {  	[sflag:s19] =	ssyncset.done $0x0  }
0x54: {  	[sflag:s19] =	ssyncadd.s32 $0xFFFFC000  }
0x55: {  	s8 =	sadd.s32 s11, s16  }
0x56: {  	[tilespmem:s20], [sflag:$0x4] =	stream.linear.gather [hbm4b:s8+s3], $0x100, $0x38;
	[tilespmem:$0x1C000] =	vst v63  }
0x57: {  	_ =	swait.ge [sflag:s6], $0x100  }
0x58: {  	[sflag:s6] =	ssyncset.done $0x0  }
0x59: {  	[sflag:s6] =	ssyncadd.s32 $0xFFFFFF00  }
0x5a: {  	[tilespmem:s28], [sflag:$0x2] =	stream.indirect.gather [hbm4b:s4+s24], $0x80, s22, s24, $0xb8;
	[tilespmem:$0x1C000] =	vst v63  }
0x5b: {  	_ =	swait.ge [sflag:s29], $0x4000  }
0x5c: {  	[sflag:s29] =	ssyncset.done $0x0  }
0x5d: {  	[sflag:s29] =	ssyncadd.s32 $0xFFFFC000  }
0x5e: {  	[spmem:s1] =	stream.indirect.scatter.add.f32 [tilespmem:s25], [sflag:$0x7], $0x80, s2, s24, $0xb8;
	[tilespmem:$0x1C000] =	vst v63  }
0x5f: {  	_ =	swait.ge [sflag:s19], $0x4000  }
0x60: {  	[sflag:s19] =	ssyncset.done $0x0  }
0x61: {  	s26 =	sadd.s32 s11, s15;
	[sflag:s19] =	ssyncadd.s32 $0xFFFFC000  }
0x62: {  	[tilespmem:s21], [sflag:$0x5] =	stream.linear.gather [hbm4b:s26+s3], $0x100, $0x38;
	[tilespmem:$0x1C000] =	vst v63  }
0x63: {  	_ =	swait.ge [sflag:s23], $0x100  }
0x64: {  	p0 =	sgt.u32 s12, $0x12;
	[sflag:s23] =	ssyncset.done $0x0  }
0x65: {  	s8 =	simm.s32 @!p0 $0x2;
	[sflag:s23] =	ssyncadd.s32 $0xFFFFFF00  }
0x66: {  	[tilespmem:s25], [sflag:$0x1] =	stream.indirect.gather [hbm4b:s4+s24], $0x80, s3, s24, $0xb8;
	[tilespmem:$0x1C000] =	vst v63  }
0x67: {  	_ =	swait.ge @!p0 [sflag:s8], $0x4000  }
0x68: {  	s13 =	simm.s32 @!p0 $0x380;
	[sflag:s8] =	ssyncset.done @!p0 $0x0  }
0x69: {  	s10 =	simm.s32 @!p0 $0x4400;
	[sflag:s8] =	ssyncadd.s32 @!p0 $0xFFFFC000;
	s8 =	simm.s32 @!p0 $0x80  }
0x6a: {  	[spmem:s1] =	stream.indirect.scatter.add.f32 @!p0 [tilespmem:s10], [sflag:$0x7], $0x80, s13, s8, $0xb8;
	[tilespmem:$0x1C000] =	vst v63  }
0x6b: {  	p1 =	seq.s32 @!p0 s11, $0x900;
	s13 =	simm.s32 @!p0 $0x7  }
0x6c: {  	p1 =	por p1, p0;
	_ =	swait.ge @!p0 [sflag:s13], $0x4000  }
0x6d: {  	s7 =	simm.s32 @!p1 $0x300;
	[sflag:s13] =	ssyncset.done @!p0 $0x0  }
0x6e: {  	s26 =	simm.s32 @!p1 $0x0;
	[sflag:s13] =	ssyncadd.s32 @!p0 $0xFFFFC000;
	s13 =	sadd.s32 @!p1 s11, s14  }
0x6f: {  	[tilespmem:s7], [sflag:$0x6] =	stream.linear.gather @!p1 [hbm4b:s13+s26], $0x100, $0x38;
	[tilespmem:$0x1C000] =	vst v63  }
.Ltmp3:
0x70: {  	s7 =	simm.s32 @!p0 $0x4;
	(pc) =	sbr.rel .LBB2_2-.Ltmp3, $4  }
0x71: {  	_ =	swait.ge @!p0 [sflag:s7], $0x100  }
0x72: {  	s12 =	sadd.s32 $0x1, s12;
	s17 =	sadd.s32 $0x400, s17;
	[sflag:s7] =	ssyncset.done @!p0 $0x0  }
0x73: {  	s11 =	sadd.s32 $0x80, s11;
	[sflag:s7] =	ssyncadd.s32 @!p0 $0xFFFFFF00;
	s7 =	simm.s32 @!p0 $0x100  }
0x74: {  	[tilespmem:s10], [sflag:$0x2] =	stream.indirect.gather @!p0 [hbm4b:s4+s8], $0x80, s7, s8, $0xb8;
	[tilespmem:$0x1C000] =	vst v63  }
.LBB2_5:
0x75: {  	_ =	sfence.sel $0x180000  }
0x76: {  	[bflag:$0x0] =	sbarrier.arrive $0xFFFF  }
0x77: {  	_ =	strace $0x9000004A  }
0x78: {  	s0 =	stileid.u32;
	[bflag:$0x2] =	sbarrier.arrive $0xFFFF  }
0x79: {  	p0 =	sne.s32 s0, $0x0;
	s0 =	rddreg [dreg:$0x2]  }
0x7a: {  	s0 =	sadd.s32 @!p0 $0x100000, s0  }
0x7b: {  	[sflag:s0] =	ssyncadd.tile.s32 @!p0 $0x1;
	_ =	shalt  }
.Lfunc_end2:
_tile_overlayer_lowered:
.L_overlay_start_2:
0x7c: {  	(tag) =	ssettag $0x2  }
0x7d: {  	s0 =	rddreg [dreg:$0x0];
	s2 =	stileid.u32  }
0x7e: {  	s1 =	rddreg [dreg:$0x1];
	p0 =	sne.s32 s2, $0x0  }
0x7f: {  	s3 =	rddreg [dreg:$0x2];
	[bflag:$0x3] =	sbarrier.arrive $0xFFFF;
	s2 =	simm.s32 @!p0 $0x1C07  }
0x80: {  	[timem:s3], [sflag:s2] =	dma.local @!p0 [hbm:s0], s1  }
0x81: {  	s0 =	simm.s32 @!p0 $0x7  }
0x82: {  	_ =	swait.ge @!p0 [sflag:s0], s1  }
0x83: {  	s1 =	ssub.s32 @!p0 $0x0, s1;
	[sflag:s0] =	ssyncset.done @!p0 $0x0  }
0x84: {  	[sflag:s0] =	ssyncadd.s32 @!p0 s1  }
0x85: {  	[bflag:$0x3] =	sbarrier.arrive $0xFFFF  }
0x86: {  	_ =	shalt  }

// kernel: kernel.20.cloned.1.call-start
scs
__scs_entry_jumppad:
0x0: {  	(pc) =	sbr.rel $0x88, $3  }
0x1: {  	(tag) =	ssettag $0x0;
	lr =	simm.s32 $0x1  }
0x2: {  	[smem:$0x3F91] =	sst lr;
	_ =	strace $0xD0000000  }
0x3: {  	_ = 	snop  }
0x4: {  	_ = 	snop  }
0x5: {  	_ = 	snop  }
0x6: {  	_ = 	snop  }
0x7: {  	_ = 	snop  }
__scs_overlays_trampoline_lowered:
0x8: {  	[smem:$0x3FA0] =	sst s0  }
0x9: {  	[smem:$0x3FA1] =	sst s1  }
0xa: {  	[smem:$0x3FA2] =	sst s2  }
0xb: {  	[smem:$0x3FA3] =	sst s3  }
0xc: {  	[smem:$0x3FA4] =	sst s4  }
0xd: {  	[smem:$0x3FA5] =	sst s5  }
0xe: {  	[smem:$0x3FA6] =	sst s6  }
0xf: {  	[smem:$0x3FA7] =	sst s7  }
0x10: {  	[smem:$0x3FA8] =	sst s8  }
0x11: {  	[smem:$0x3FA9] =	sst s9;
	s0 =	simm.s32 @!p0 $0x0  }
0x12: {  	s1 =	sld [smem:$0x3F8F];
	s0 =	simm.s32 @p0 $0x1  }
0x13: {  	[smem:$0x3FAA] =	sst s0;
	s0 =	simm.s32 @!p1 $0x0  }
0x14: {  	s2 =	sld [smem:$0x3F8E];
	s0 =	simm.s32 @p1 $0x1  }
0x15: {  	[smem:$0x3FAB] =	sst s0;
	s0 =	simm.s32 @!p2 $0x0  }
0x16: {  	s3 =	sld [smem:$0x3FDB];
	s0 =	simm.s32 @p2 $0x1  }
0x17: {  	s4 =	simm.s32 $0x1BF5;
	[smem:$0x3FAD] =	sst s0  }
0x18: {  	s0 =	sld [smem:$0x3F90];
	_ =	swait.ge [sflag:s4], $0x0  }
0x19: {  	s7 =	sld [smem:$0x3F91]  }
0x1a: {  	s8 =	sadd.s32 $0xFFFFE003, lr  }
0x1b: {  	s9 =	sadd.s32 $0xFFFFFEF7, lr;
	s5 =	simm.s32 $0xFFFFFFFF;
	p2 =	slt.u32 s8, $0xFFFFF086  }
0x1c: {  	p1 =	slt.u32 s9, $0xF7A;
	s5 =	simm.s32 @!p2 $0x0  }
0x1d: {  	s5 =	simm.s32 @p1 $0x1;
	p0 =	seq.s32 s7, s2  }
0x1e: {  	s7 =	smul.u32 @!p0 $0xF7A, s2;
	p2 =	seq.s32 @!p0 s5, $0x0  }
0x1f: {  	s9 =	smul.u32 $0xF7A, s1;
	s8 =	simm.s32 @!p0 $0x1BF5;
	p2 =	por !p2, p0  }
0x20: {  	[sflag:s8] =	ssyncset.s32 @!p0 $0xFFFFF086;
	s6 =	sadd.s32 @!p0 s3, s7;
	s7 =	simm.s32 @!p0 $0x108  }
0x21: {  	s3 =	sadd.s32 s3, s9;
	s6 =	sadd.s32 @!p0 $0x88, s6;
	s7 =	simm.s32 @p2 $0x1082  }
0x22: {  	[simem:s7], [sflag:s8] =	dma.local @!p0 [hbm:s6], $0xF7A  }
0x23: {  	s9 =	sor.u32 $0xD0000000, s2;
	s6 =	simm.s32 $0x108;
	_ =	swait.ge @!p0 [sflag:s8], $0x0  }
0x24: {  	s3 =	sadd.s32 $0x88, s3;
	s6 =	simm.s32 @!p1 $0x1082;
	[sflag:s4] =	ssyncset.s32 $0xFFFFF086  }
0x25: {  	[simem:s6], [sflag:s4] =	dma.local [hbm:s3], $0xF7A  }
0x26: {  	[smem:$0x3F91] =	sst s1;
	(tag) =	ssettag s2;
	_ =	strace s9  }
0x27: {  	s1 =	sld [smem:$0x3FA1]  }
0x28: {  	s2 =	sld [smem:$0x3FA2]  }
0x29: {  	s4 =	sld [smem:$0x3FA4]  }
0x2a: {  	p0 =	seq.s32 s5, $0x0;
	s5 =	sld [smem:$0x3FA5]  }
0x2b: {  	s6 =	sld [smem:$0x3FA6]  }
0x2c: {  	s7 =	sld [smem:$0x3FA7]  }
0x2d: {  	s3 =	simm.s32 $0x108;
	s8 =	sld [smem:$0x3FA8]  }
0x2e: {  	s3 =	simm.s32 @!p0 $0x1082;
	s9 =	sld [smem:$0x3FA9]  }
0x2f: {  	lr =	sadd.s32 s0, s3;
	s0 =	sld [smem:$0x3FA0]  }
0x30: {  	s3 =	sld [smem:$0x3FA3]  }
0x31: {  	[smem:$0x3FAC] =	sst s10  }
0x32: {  	s10 =	sld [smem:$0x3FAA];
	_ =	sdelay $0x3  }
0x33: {  	p0 =	seq.s32 s10, $0x1;
	s10 =	sld [smem:$0x3FAC];
	_ =	sdelay $0x3  }
0x34: {  	[smem:$0x3FAC] =	sst s10  }
0x35: {  	s10 =	sld [smem:$0x3FAB];
	_ =	sdelay $0x3  }
0x36: {  	p1 =	seq.s32 s10, $0x1;
	s10 =	sld [smem:$0x3FAC];
	_ =	sdelay $0x3  }
0x37: {  	[smem:$0x3FAC] =	sst s10  }
0x38: {  	s10 =	sld [smem:$0x3FAD]  }
0x39: {  	_ = 	snop;
	(pc) =	sbr.ind lr, $3  }
0x3a: {  	_ = 	snop  }
0x3b: {  	_ = 	snop  }
0x3c: {  	p2 =	seq.s32 s10, $0x1;
	s10 =	sld [smem:$0x3FAC]  }
0x3d: {  	_ =	shalt  }
0x3e: {  	_ =	shalt  }
0x3f: {  	_ =	shalt  }
0x40: {  	_ =	shalt  }
0x41: {  	_ =	shalt  }
0x42: {  	_ =	shalt  }
0x43: {  	_ =	shalt  }
0x44: {  	_ =	shalt  }
0x45: {  	_ =	shalt  }
0x46: {  	_ =	shalt  }
0x47: {  	_ =	shalt  }
0x48: {  	_ =	shalt  }
0x49: {  	_ =	shalt  }
0x4a: {  	_ =	shalt  }
0x4b: {  	_ =	shalt  }
0x4c: {  	_ =	shalt  }
0x4d: {  	_ =	shalt  }
0x4e: {  	_ =	shalt  }
0x4f: {  	_ =	shalt  }
0x50: {  	_ =	shalt  }
0x51: {  	_ =	shalt  }
0x52: {  	_ =	shalt  }
0x53: {  	_ =	shalt  }
0x54: {  	_ =	shalt  }
0x55: {  	_ =	shalt  }
0x56: {  	_ =	shalt  }
0x57: {  	_ =	shalt  }
0x58: {  	_ =	shalt  }
0x59: {  	_ =	shalt  }
0x5a: {  	_ =	shalt  }
0x5b: {  	_ =	shalt  }
0x5c: {  	_ =	shalt  }
0x5d: {  	_ =	shalt  }
0x5e: {  	_ =	shalt  }
0x5f: {  	_ =	shalt  }
0x60: {  	_ =	shalt  }
0x61: {  	_ =	shalt  }
0x62: {  	_ =	shalt  }
0x63: {  	_ =	shalt  }
0x64: {  	_ =	shalt  }
0x65: {  	_ =	shalt  }
0x66: {  	_ =	shalt  }
0x67: {  	_ =	shalt  }
0x68: {  	_ =	shalt  }
0x69: {  	_ =	shalt  }
0x6a: {  	_ =	shalt  }
0x6b: {  	_ =	shalt  }
0x6c: {  	_ =	shalt  }
0x6d: {  	_ =	shalt  }
0x6e: {  	_ =	shalt  }
0x6f: {  	_ =	shalt  }
0x70: {  	_ =	shalt  }
0x71: {  	_ =	shalt  }
0x72: {  	_ =	shalt  }
0x73: {  	_ =	shalt  }
0x74: {  	_ =	shalt  }
0x75: {  	_ =	shalt  }
0x76: {  	_ =	shalt  }
0x77: {  	_ =	shalt  }
0x78: {  	_ =	shalt  }
0x79: {  	_ =	shalt  }
0x7a: {  	_ =	shalt  }
0x7b: {  	_ =	shalt  }
0x7c: {  	_ =	shalt  }
0x7d: {  	_ =	shalt  }
0x7e: {  	_ =	shalt  }
0x7f: {  	_ =	shalt  }
0x80: {  	_ =	shalt  }
0x81: {  	_ =	shalt  }
0x82: {  	_ =	shalt  }
0x83: {  	_ =	shalt  }
0x84: {  	_ =	shalt  }
0x85: {  	_ =	shalt  }
0x86: {  	_ =	shalt  }
0x87: {  	_ =	shalt  }
.Lfunc_end0:
.L_simem_size_0:
called_computation.2_lowered:
.L_overlay_start_0:
0x88: {  	s2 =	sld [smem:$0x3FD9]  }
0x89: {  	s3 =	sld [smem:$0x3FFE];
	_ =	sdelay $0x1  }
0x8a: {  	s1 =	srdreg.scid  }
0x8b: {  	s0 =	sand.u32 $0x1, s1  }
0x8c: {  	s16 =	sshll.u32 s0, $0xA;
	s2 =	sadd.s32 s3, s2  }
0x8d: {  	s2 =	sadd.s32 s2, s16  }
0x8e: {  	[smem:$0x3FB8] =	sst s2  }
0x8f: {  	_ = 	snop  }
0x90: {  	(tm) =	ssettm $0x1  }
0x91: {  	s17 =	sld [smem:$0x3FFB];
	_ =	sdelay $0x3  }
0x92: {  	_ =	strace s17  }
0x93: {  	s2 =	sld [smem:$0x3FFC];
	_ =	sdelay $0x3  }
0x94: {  	_ =	strace s2  }
0x95: {  	s2 =	sld [smem:$0x3FFD];
	_ =	sdelay $0x3  }
0x96: {  	_ =	strace s2  }
0x97: {  	_ =	strace $0x8FFFFFFF  }
0x98: {  	s18 =	sld [smem:$0x3FDB];
	_ =	sdelay $0x1  }
0x99: {  	s19 =	simm.s32 $_scs_section_size  }
0x9a: {  	s4 =	simm.s32 $_size__tile_overlayer_lowered;
	s5 =	simm.s32 $_tile_overlayer_lowered  }
0x9b: {  	s22 =	simm.s32 $0x1BFF;
	s21 =	sshll.u32 s5, $0x1;
	s2 =	sadd.s32 s19, s18  }
0x9c: {  	s6 =	simm.s32 $0x0;
	s20 =	sshll.u32 s4, $0x1;
	s4 =	sadd.s32 s21, s2  }
0x9d: {  	[timem:s6], [sflag:s22] =	dma.local [hbm:s4], s20  }
0x9e: {  	_ =	swait.ge [sflag:s22], s20  }
0x9f: {  	s3 =	ssub.s32 $0x0, s20;
	[sflag:s22] =	ssyncset.done $0x0  }
0xa0: {  	[sflag:s22] =	ssyncadd.s32 s3;
	_ =	sdelay $0x1  }
0xa1: {  	s23 =	simm.s32 $0x1B8B  }
0xa2: {  	_ =	swait.ge [sflag:s23], $0x1  }
0xa3: {  	[sflag:s23] =	ssyncset.done $0x0  }
0xa4: {  	s25 =	simm.s32 $0x1B8E;
	s24 =	sld [smem:$0x3FFE];
	[sflag:s23] =	ssyncadd.s32 $0xFFFFFFFF  }
0xa5: {  	s26 =	simm.s32 $execute0_lowered;
	[smem:$0x3FD2] =	sst s25  }
0xa6: {  	s4 =	sshll.u32 s26, $0x1;
	_ =	strace $0x8000004C;
	[dreg:$0x1] =	wrdreg $0xFFFFFFFF  }
0xa7: {  	s28 =	simm.s32 $_size_execute0_lowered;
	s2 =	sadd.s32 s2, s4;
	[dreg:$0x0] =	wrdreg $0x0  }
0xa8: {  	s4 =	sshll.u32 s28, $0x1;
	[dreg:$0x2] =	wrdreg s2  }
0xa9: {  	[dreg:$0x3] =	wrdreg s4  }
0xaa: {  	[dreg:$0x4] =	wrdreg $0xC0  }
0xab: {  	_ =	task [dreg:s6], $0x5FFFF  }
0xac: {  	[dreg:$0x1] =	wrdreg $0xFFFFFFFF  }
0xad: {  	[dreg:$0x0] =	wrdreg $0x60  }
0xae: {  	[dreg:$0x2] =	wrdreg s24  }
0xaf: {  	[dreg:$0x3] =	wrdreg $0x84000  }
0xb0: {  	[dreg:$0x4] =	wrdreg $0x9  }
0xb1: {  	_ =	task.clear_ibuf [dreg:s6], $0x5FFFF;
	_ =	strace $0x9000004C  }
0xb2: {  	s29 =	simm.s32 $0x9;
	_ =	strace $0x8000004E  }
0xb3: {  	_ =	swait.ge [sflag:s29], $0x1  }
0xb4: {  	[sflag:s29] =	ssyncadd.s32 $0xFFFFFFFF  }
0xb5: {  	_ =	strace $0x9000004E  }
0xb6: {  	_ =	sfence  }
0xb7: {  	s30 =	sld [smem:$0x0];
	_ =	sdelay $0x2  }
0xb8: {  	s31 =	sshll.u32 s1, $0xD;
	s1 =	sshrl.u32 s1, $0x2  }
0xb9: {  	s3 =	sand.u32 $0x4000, s31;
	s1 =	sadd.s32 s1, s30  }
0xba: {  	s0 =	sor.u32 s3, s0;
	s1 =	sshll.u32 s1, $0x11  }
0xbb: {  	s0 =	sor.u32 s1, s0  }
0xbc: {  	s0 =	sadd.s32 $0x8F2B, s0  }
0xbd: {  	[sflag:s0] =	ssyncadd.remote.s32 $0x1  }
0xbe: {  	_ =	sfence.sel $0xFFFF  }
0xbf: {  	[dreg:$0x0] =	wrdreg $0xFFFFFFFF;
	(pc) =	sbr.abs _section_cstart, $3  }
0xc0: {  	[dreg:$0x1] =	wrdreg $0xFFFFFFFF  }
0xc1: {  	_ =	task.clear_ibuf [dreg:s6], $0x2FFFF;
	_ =	strace $0x9FFFFFFF  }
0xc2: {  	(tm) =	ssettm $0x7FFFFFFF  }
0xc3: {  	_ =	shalt  }
tec
execute0_lowered:
.L_overlay_start_1:
0x0: {  	(tag) =	ssettag $0x1  }
0x1: {  	s0 =	rddreg [dreg:$0x0]  }
0x2: {  	s1 =	rddreg [dreg:$0x1];
	s3 =	simm.s32 $0x0;
	s2 =	srdreg.scid  }
0x3: {  	s12 =	stileid.u32;
	s11 =	simm.s32 $0x6BE00;
	s28 =	simm.s32 $0x4400  }
0x4: {  	s29 =	simm.s32 $0x1;
	s30 =	simm.s32 $0x5;
	s31 =	simm.s32 $0x2  }
0x5: {  	[smem:$0x7FF] =	sst s3;
	s4 =	sadd.s32 $0x1AC00, s0;
	s8 =	smul.u32 $0x4F000, s12  }
0x6: {  	s2 =	sand.u32 $0x1, s2;
	s5 =	sshll.u32 s12, $0x1;
	s22 =	smul.u32 $0x2780, s12  }
0x7: {  	s10 =	sadd.s32 $0x41E00, s0;
	s20 =	sshll.u32 s12, $0x6;
	s12 =	smul.u32 $0x9E00, s12  }
0x8: {  	_ =	strace $0x8000004D;
	s6 =	ssub.s32 $0x2, s2;
	s7 =	sor.u32 s2, s5  }
0x9: {  	s5 =	sadd.s32 $0x7000, s0;
	p0 =	seq.s32 s2, $0x1;
	s2 =	smul.u32 $0x4F00, s2  }
0xa: {  	[dreg:$0x3] =	wrdreg s10;
	s9 =	sshrl.u32 s6, $0x1;
	s7 =	smul.u32 $0x4F00, s7  }
0xb: {  	s8 =	sshrl.u32 s8, $0x2;
	s11 =	simm.s32 @!p0 $0x44600;
	s6 =	ssub.s32 s6, s9  }
0xc: {  	s19 =	sadd.s32 s8, s1;
	s8 =	sor.u32 $0x1C07, s20;
	s0 =	sadd.s32 s11, s0  }
0xd: {  	s24 =	sadd.s32 s2, s12;
	s20 =	simm.s32 $0x100;
	s9 =	simm.s32 $0x0  }
0xe: {  	s21 =	sshrl.u32 s7, $0x3;
	s6 =	smax.u32 s6, $0x1;
	s0 =	sadd.s32 s0, s22  }
0xf: {  	s2 =	sadd.s32 $0x700, s24;
	s25 =	sadd.s32 $0x600, s24;
	s26 =	sadd.s32 $0x500, s24  }
0x10: {  	s22 =	simm.s32 $0x300;
	s7 =	sadd.s32 s5, s21;
	[dreg:$0x8] =	wrdreg s6  }
0x11: {  	[dreg:$0x9] =	wrdreg s0;
	s2 =	sshrl.u32 s2, $0x3;
	s6 =	sshrl.u32 s25, $0x3  }
0x12: {  	s10 =	sshrl.u32 s26, $0x3;
	s0 =	sadd.s32 $0x400, s24;
	s21 =	simm.s32 $0x200  }
0x13: {  	s24 =	simm.s32 $0x80;
	s25 =	simm.s32 $0x400;
	s13 =	sadd.s32 $0x20, s7  }
0x14: {  	s23 =	sadd.s32 $0x40, s7;
	[dreg:$0x4] =	wrdreg s7;
	s7 =	sadd.s32 $0x60, s7  }
.Ltmp0:
0x15: {  	s14 =	sadd.s32 s2, s5;
	[dreg:$0xa] =	wrdreg s0;
	(pc) =	sbr.rel .LBB2_1-.Ltmp0, $4  }
0x16: {  	s15 =	sadd.s32 s6, s5;
	s16 =	sadd.s32 s10, s5;
	[dreg:$0x5] =	wrdreg s13  }
0x17: {  	s10 =	sshrl.u32 s19, $0x3;
	s19 =	simm.s32 $0x7;
	[dreg:$0x6] =	wrdreg s23  }
0x18: {  	s0 =	simm.s32 $0x180;
	s2 =	simm.s32 $0x280;
	[dreg:$0x7] =	wrdreg s7  }
0x19: {  	s6 =	simm.s32 $0x6;
	s23 =	simm.s32 $0x3;
	[dreg:$0xb] =	wrdreg s10  }
.LBB2_4:
0x1a: {  	_ =	swait.ge [sflag:s29], $0x4000  }
0x1b: {  	[sflag:s29] =	ssyncset.done $0x0  }
0x1c: {  	[sflag:s29] =	ssyncadd.s32 $0xFFFFC000  }
0x1d: {  	[spmem:s1] =	stream.indirect.scatter.add.f32 [tilespmem:s25], [sflag:$0x7], $0x80, s2, s24, $0xb8;
	[tilespmem:$0x1C000] =	vst v63  }
0x1e: {  	_ =	swait.ge [sflag:s19], $0x4000  }
0x1f: {  	[sflag:s19] =	ssyncset.done $0x0  }
0x20: {  	[sflag:s19] =	ssyncadd.s32 $0xFFFFC000  }
0x21: {  	[bflag:$0x0] =	sbarrier.arrive $0xFFFF  }
0x22: {  	s7 =	rddreg [dreg:$0x9]  }
0x23: {  	s10 =	rddreg [dreg:$0xb]  }
0x24: {  	[hbm:s7], [sflag:s18] =	dma.local [spmem:s10], $0x2780  }
0x25: {  	_ =	swait.ge [sflag:s19], $0x2780  }
0x26: {  	s9 =	sadd.s32 $0x1, s9;
	s26 =	rddreg [dreg:$0x8]  }
0x27: {  	p0 =	sne.s32 s9, s26  }
.Ltmp1:
0x28: {  	_ = 	snop;
	(pc) =	sbr.rel @!p0 .LBB2_5-.Ltmp1, $3  }
0x29: {  	_ =	sdelay $0x1  }
0x2a: {  	[sflag:s19] =	ssyncset.done $0x0  }
0x2b: {  	s8 =	smov.u32 s18;
	[sflag:s19] =	ssyncadd.s32 $0xFFFFD880  }
.LBB2_1:
0x2c: {  	s7 =	rddreg [dreg:$0x3]  }
0x2d: {  	[spmem:s10], [sflag:s8] =	dma.local [hbm:s7], $0x2780  }
0x2e: {  	_ =	swait.ge [sflag:s19], $0x2780  }
0x2f: {  	[sflag:s19] =	ssyncset.done $0x0  }
0x30: {  	[sflag:s19] =	ssyncadd.s32 $0xFFFFD880  }
0x31: {  	[bflag:$0x0] =	sbarrier.arrive $0xFFFF  }
0x32: {  	s11 =	rddreg [dreg:$0x4]  }
0x33: {  	[tilespmem:s3], [sflag:$0x3] =	stream.linear.gather [hbm4b:s11+s3], $0x100, $0x38;
	[tilespmem:$0x1C000] =	vst v63  }
0x34: {  	s12 =	rddreg [dreg:$0x5]  }
0x35: {  	[tilespmem:s20], [sflag:$0x4] =	stream.linear.gather [hbm4b:s12+s3], $0x100, $0x38;
	[tilespmem:$0x1C000] =	vst v63  }
0x36: {  	s13 =	rddreg [dreg:$0x6]  }
0x37: {  	[tilespmem:s21], [sflag:$0x5] =	stream.linear.gather [hbm4b:s13+s3], $0x100, $0x38;
	[tilespmem:$0x1C000] =	vst v63  }
0x38: {  	s17 =	rddreg [dreg:$0x7]  }
0x39: {  	[tilespmem:s22], [sflag:$0x6] =	stream.linear.gather [hbm4b:s17+s3], $0x100, $0x38;
	[tilespmem:$0x1C000] =	vst v63  }
0x3a: {  	_ =	swait.ge [sflag:s23], $0x100  }
0x3b: {  	[sflag:s23] =	ssyncset.done $0x0  }
0x3c: {  	s26 =	simm.s32 $0x4;
	[sflag:s23] =	ssyncadd.s32 $0xFFFFFF00  }
0x3d: {  	[tilespmem:s25], [sflag:$0x1] =	stream.indirect.gather [hbm4b:s4+s24], $0x80, s3, s24, $0xb8;
	[tilespmem:$0x1C000] =	vst v63  }
0x3e: {  	_ =	swait.ge [sflag:s26], $0x100  }
0x3f: {  	s18 =	smov.u32 s8;
	s11 =	simm.s32 $0x0;
	[sflag:s26] =	ssyncset.done $0x0  }
0x40: {  	s12 =	simm.s32 $0x0;
	s17 =	rddreg [dreg:$0xa];
	[sflag:s26] =	ssyncadd.s32 $0xFFFFFF00  }
0x41: {  	[tilespmem:s28], [sflag:$0x2] =	stream.indirect.gather [hbm4b:s4+s24], $0x80, s20, s24, $0xb8;
	[tilespmem:$0x1C000] =	vst v63  }
.LBB2_2:
0x42: {  	_ =	swait.ge [sflag:s29], $0x4000  }
0x43: {  	[sflag:s29] =	ssyncset.done $0x0  }
0x44: {  	[sflag:s29] =	ssyncadd.s32 $0xFFFFC000  }
0x45: {  	[spmem:s1] =	stream.indirect.scatter.add.f32 [tilespmem:s25], [sflag:$0x7], $0x80, s24, s24, $0xb8;
	[tilespmem:$0x1C000] =	vst v63  }
0x46: {  	p0 =	seq.s32 s11, $0x980;
	_ =	swait.ge [sflag:s19], $0x4000  }
0x47: {  	s13 =	sshrl.u32 @!p0 s17, $0x3;
	[sflag:s19] =	ssyncset.done $0x0  }
0x48: {  	s8 =	simm.s32 @!p0 $0x0;
	s13 =	sadd.s32 @!p0 s5, s13;
	[sflag:s19] =	ssyncadd.s32 $0xFFFFC000  }
0x49: {  	[tilespmem:s8], [sflag:$0x3] =	stream.linear.gather @!p0 [hbm4b:s13+s8], $0x100, $0x38;
	[tilespmem:$0x1C000] =	vst v63  }
0x4a: {  	_ =	swait.ge [sflag:s30], $0x100  }
0x4b: {  	[sflag:s30] =	ssyncset.done $0x0  }
0x4c: {  	[sflag:s30] =	ssyncadd.s32 $0xFFFFFF00  }
0x4d: {  	[tilespmem:s25], [sflag:$0x1] =	stream.indirect.gather [hbm4b:s4+s24], $0x80, s21, s24, $0xb8;
	[tilespmem:$0x1C000] =	vst v63  }
0x4e: {  	_ =	swait.ge [sflag:s31], $0x4000  }
0x4f: {  	[sflag:s31] =	ssyncset.done $0x0  }
.Ltmp2:
0x50: {  	[sflag:s31] =	ssyncadd.s32 $0xFFFFC000;
	(pc) =	sbr.rel @p0 .LBB2_4-.Ltmp2, $4  }
0x51: {  	[spmem:s1] =	stream.indirect.scatter.add.f32 [tilespmem:s28], [sflag:$0x7], $0x80, s0, s24, $0xb8;
	[tilespmem:$0x1C000] =	vst v63  }
0x52: {  	_ =	swait.ge [sflag:s19], $0x4000  }
0x53: {  	[sflag:s19] =	ssyncset.done $0x0  }
0x54: {  	[sflag:s19] =	ssyncadd.s32 $0xFFFFC000  }
0x55: {  	s8 =	sadd.s32 s11, s16  }
0x56: {  	[tilespmem:s20], [sflag:$0x4] =	stream.linear.gather [hbm4b:s8+s3], $0x100, $0x38;
	[tilespmem:$0x1C000] =	vst v63  }
0x57: {  	_ =	swait.ge [sflag:s6], $0x100  }
0x58: {  	[sflag:s6] =	ssyncset.done $0x0  }
0x59: {  	[sflag:s6] =	ssyncadd.s32 $0xFFFFFF00  }
0x5a: {  	[tilespmem:s28], [sflag:$0x2] =	stream.indirect.gather [hbm4b:s4+s24], $0x80, s22, s24, $0xb8;
	[tilespmem:$0x1C000] =	vst v63  }
0x5b: {  	_ =	swait.ge [sflag:s29], $0x4000  }
0x5c: {  	[sflag:s29] =	ssyncset.done $0x0  }
0x5d: {  	[sflag:s29] =	ssyncadd.s32 $0xFFFFC000  }
0x5e: {  	[spmem:s1] =	stream.indirect.scatter.add.f32 [tilespmem:s25], [sflag:$0x7], $0x80, s2, s24, $0xb8;
	[tilespmem:$0x1C000] =	vst v63  }
0x5f: {  	_ =	swait.ge [sflag:s19], $0x4000  }
0x60: {  	[sflag:s19] =	ssyncset.done $0x0  }
0x61: {  	s26 =	sadd.s32 s11, s15;
	[sflag:s19] =	ssyncadd.s32 $0xFFFFC000  }
0x62: {  	[tilespmem:s21], [sflag:$0x5] =	stream.linear.gather [hbm4b:s26+s3], $0x100, $0x38;
	[tilespmem:$0x1C000] =	vst v63  }
0x63: {  	_ =	swait.ge [sflag:s23], $0x100  }
0x64: {  	p0 =	sgt.u32 s12, $0x12;
	[sflag:s23] =	ssyncset.done $0x0  }
0x65: {  	s8 =	simm.s32 @!p0 $0x2;
	[sflag:s23] =	ssyncadd.s32 $0xFFFFFF00  }
0x66: {  	[tilespmem:s25], [sflag:$0x1] =	stream.indirect.gather [hbm4b:s4+s24], $0x80, s3, s24, $0xb8;
	[tilespmem:$0x1C000] =	vst v63  }
0x67: {  	_ =	swait.ge @!p0 [sflag:s8], $0x4000  }
0x68: {  	s13 =	simm.s32 @!p0 $0x380;
	[sflag:s8] =	ssyncset.done @!p0 $0x0  }
0x69: {  	s10 =	simm.s32 @!p0 $0x4400;
	[sflag:s8] =	ssyncadd.s32 @!p0 $0xFFFFC000;
	s8 =	simm.s32 @!p0 $0x80  }
0x6a: {  	[spmem:s1] =	stream.indirect.scatter.add.f32 @!p0 [tilespmem:s10], [sflag:$0x7], $0x80, s13, s8, $0xb8;
	[tilespmem:$0x1C000] =	vst v63  }
0x6b: {  	p1 =	seq.s32 @!p0 s11, $0x900;
	s13 =	simm.s32 @!p0 $0x7  }
0x6c: {  	p1 =	por p1, p0;
	_ =	swait.ge @!p0 [sflag:s13], $0x4000  }
0x6d: {  	s7 =	simm.s32 @!p1 $0x300;
	[sflag:s13] =	ssyncset.done @!p0 $0x0  }
0x6e: {  	s26 =	simm.s32 @!p1 $0x0;
	[sflag:s13] =	ssyncadd.s32 @!p0 $0xFFFFC000;
	s13 =	sadd.s32 @!p1 s11, s14  }
0x6f: {  	[tilespmem:s7], [sflag:$0x6] =	stream.linear.gather @!p1 [hbm4b:s13+s26], $0x100, $0x38;
	[tilespmem:$0x1C000] =	vst v63  }
.Ltmp3:
0x70: {  	s7 =	simm.s32 @!p0 $0x4;
	(pc) =	sbr.rel .LBB2_2-.Ltmp3, $4  }
0x71: {  	_ =	swait.ge @!p0 [sflag:s7], $0x100  }
0x72: {  	s12 =	sadd.s32 $0x1, s12;
	s17 =	sadd.s32 $0x400, s17;
	[sflag:s7] =	ssyncset.done @!p0 $0x0  }
0x73: {  	s11 =	sadd.s32 $0x80, s11;
	[sflag:s7] =	ssyncadd.s32 @!p0 $0xFFFFFF00;
	s7 =	simm.s32 @!p0 $0x100  }
0x74: {  	[tilespmem:s10], [sflag:$0x2] =	stream.indirect.gather @!p0 [hbm4b:s4+s8], $0x80, s7, s8, $0xb8;
	[tilespmem:$0x1C000] =	vst v63  }
.LBB2_5:
0x75: {  	_ =	sfence.sel $0x180000  }
0x76: {  	[bflag:$0x0] =	sbarrier.arrive $0xFFFF  }
0x77: {  	_ =	strace $0x9000004D  }
0x78: {  	s0 =	stileid.u32;
	[bflag:$0x2] =	sbarrier.arrive $0xFFFF  }
0x79: {  	p0 =	sne.s32 s0, $0x0;
	s0 =	rddreg [dreg:$0x2]  }
0x7a: {  	s0 =	sadd.s32 @!p0 $0x100000, s0  }
0x7b: {  	[sflag:s0] =	ssyncadd.tile.s32 @!p0 $0x1;
	_ =	shalt  }
.Lfunc_end2:
_tile_overlayer_lowered:
.L_overlay_start_2:
0x7c: {  	(tag) =	ssettag $0x2  }
0x7d: {  	s0 =	rddreg [dreg:$0x0];
	s2 =	stileid.u32  }
0x7e: {  	s1 =	rddreg [dreg:$0x1];
	p0 =	sne.s32 s2, $0x0  }
0x7f: {  	s3 =	rddreg [dreg:$0x2];
	[bflag:$0x3] =	sbarrier.arrive $0xFFFF;
	s2 =	simm.s32 @!p0 $0x1C07  }
0x80: {  	[timem:s3], [sflag:s2] =	dma.local @!p0 [hbm:s0], s1  }
0x81: {  	s0 =	simm.s32 @!p0 $0x7  }
0x82: {  	_ =	swait.ge @!p0 [sflag:s0], s1  }
0x83: {  	s1 =	ssub.s32 @!p0 $0x0, s1;
	[sflag:s0] =	ssyncset.done @!p0 $0x0  }
0x84: {  	[sflag:s0] =	ssyncadd.s32 @!p0 s1  }
0x85: {  	[bflag:$0x3] =	sbarrier.arrive $0xFFFF  }
0x86: {  	_ =	shalt  }

// kernel: kernel.23.cloned.1.call-start
scs
__scs_entry_jumppad:
0x0: {  	(pc) =	sbr.rel $0x88, $3  }
0x1: {  	(tag) =	ssettag $0x0;
	lr =	simm.s32 $0x1  }
0x2: {  	[smem:$0x3F91] =	sst lr;
	_ =	strace $0xD0000000  }
0x3: {  	_ = 	snop  }
0x4: {  	_ = 	snop  }
0x5: {  	_ = 	snop  }
0x6: {  	_ = 	snop  }
0x7: {  	_ = 	snop  }
__scs_overlays_trampoline_lowered:
0x8: {  	[smem:$0x3FA0] =	sst s0  }
0x9: {  	[smem:$0x3FA1] =	sst s1  }
0xa: {  	[smem:$0x3FA2] =	sst s2  }
0xb: {  	[smem:$0x3FA3] =	sst s3  }
0xc: {  	[smem:$0x3FA4] =	sst s4  }
0xd: {  	[smem:$0x3FA5] =	sst s5  }
0xe: {  	[smem:$0x3FA6] =	sst s6  }
0xf: {  	[smem:$0x3FA7] =	sst s7  }
0x10: {  	[smem:$0x3FA8] =	sst s8  }
0x11: {  	[smem:$0x3FA9] =	sst s9;
	s0 =	simm.s32 @!p0 $0x0  }
0x12: {  	s1 =	sld [smem:$0x3F8F];
	s0 =	simm.s32 @p0 $0x1  }
0x13: {  	[smem:$0x3FAA] =	sst s0;
	s0 =	simm.s32 @!p1 $0x0  }
0x14: {  	s2 =	sld [smem:$0x3F8E];
	s0 =	simm.s32 @p1 $0x1  }
0x15: {  	[smem:$0x3FAB] =	sst s0;
	s0 =	simm.s32 @!p2 $0x0  }
0x16: {  	s3 =	sld [smem:$0x3FDB];
	s0 =	simm.s32 @p2 $0x1  }
0x17: {  	s4 =	simm.s32 $0x1BF5;
	[smem:$0x3FAD] =	sst s0  }
0x18: {  	s0 =	sld [smem:$0x3F90];
	_ =	swait.ge [sflag:s4], $0x0  }
0x19: {  	s7 =	sld [smem:$0x3F91]  }
0x1a: {  	s8 =	sadd.s32 $0xFFFFE003, lr  }
0x1b: {  	s9 =	sadd.s32 $0xFFFFFEF7, lr;
	s5 =	simm.s32 $0xFFFFFFFF;
	p2 =	slt.u32 s8, $0xFFFFF086  }
0x1c: {  	p1 =	slt.u32 s9, $0xF7A;
	s5 =	simm.s32 @!p2 $0x0  }
0x1d: {  	s5 =	simm.s32 @p1 $0x1;
	p0 =	seq.s32 s7, s2  }
0x1e: {  	s7 =	smul.u32 @!p0 $0xF7A, s2;
	p2 =	seq.s32 @!p0 s5, $0x0  }
0x1f: {  	s9 =	smul.u32 $0xF7A, s1;
	s8 =	simm.s32 @!p0 $0x1BF5;
	p2 =	por !p2, p0  }
0x20: {  	[sflag:s8] =	ssyncset.s32 @!p0 $0xFFFFF086;
	s6 =	sadd.s32 @!p0 s3, s7;
	s7 =	simm.s32 @!p0 $0x108  }
0x21: {  	s3 =	sadd.s32 s3, s9;
	s6 =	sadd.s32 @!p0 $0x88, s6;
	s7 =	simm.s32 @p2 $0x1082  }
0x22: {  	[simem:s7], [sflag:s8] =	dma.local @!p0 [hbm:s6], $0xF7A  }
0x23: {  	s9 =	sor.u32 $0xD0000000, s2;
	s6 =	simm.s32 $0x108;
	_ =	swait.ge @!p0 [sflag:s8], $0x0  }
0x24: {  	s3 =	sadd.s32 $0x88, s3;
	s6 =	simm.s32 @!p1 $0x1082;
	[sflag:s4] =	ssyncset.s32 $0xFFFFF086  }
0x25: {  	[simem:s6], [sflag:s4] =	dma.local [hbm:s3], $0xF7A  }
0x26: {  	[smem:$0x3F91] =	sst s1;
	(tag) =	ssettag s2;
	_ =	strace s9  }
0x27: {  	s1 =	sld [smem:$0x3FA1]  }
0x28: {  	s2 =	sld [smem:$0x3FA2]  }
0x29: {  	s4 =	sld [smem:$0x3FA4]  }
0x2a: {  	p0 =	seq.s32 s5, $0x0;
	s5 =	sld [smem:$0x3FA5]  }
0x2b: {  	s6 =	sld [smem:$0x3FA6]  }
0x2c: {  	s7 =	sld [smem:$0x3FA7]  }
0x2d: {  	s3 =	simm.s32 $0x108;
	s8 =	sld [smem:$0x3FA8]  }
0x2e: {  	s3 =	simm.s32 @!p0 $0x1082;
	s9 =	sld [smem:$0x3FA9]  }
0x2f: {  	lr =	sadd.s32 s0, s3;
	s0 =	sld [smem:$0x3FA0]  }
0x30: {  	s3 =	sld [smem:$0x3FA3]  }
0x31: {  	[smem:$0x3FAC] =	sst s10  }
0x32: {  	s10 =	sld [smem:$0x3FAA];
	_ =	sdelay $0x3  }
0x33: {  	p0 =	seq.s32 s10, $0x1;
	s10 =	sld [smem:$0x3FAC];
	_ =	sdelay $0x3  }
0x34: {  	[smem:$0x3FAC] =	sst s10  }
0x35: {  	s10 =	sld [smem:$0x3FAB];
	_ =	sdelay $0x3  }
0x36: {  	p1 =	seq.s32 s10, $0x1;
	s10 =	sld [smem:$0x3FAC];
	_ =	sdelay $0x3  }
0x37: {  	[smem:$0x3FAC] =	sst s10  }
0x38: {  	s10 =	sld [smem:$0x3FAD]  }
0x39: {  	_ = 	snop;
	(pc) =	sbr.ind lr, $3  }
0x3a: {  	_ = 	snop  }
0x3b: {  	_ = 	snop  }
0x3c: {  	p2 =	seq.s32 s10, $0x1;
	s10 =	sld [smem:$0x3FAC]  }
0x3d: {  	_ =	shalt  }
0x3e: {  	_ =	shalt  }
0x3f: {  	_ =	shalt  }
0x40: {  	_ =	shalt  }
0x41: {  	_ =	shalt  }
0x42: {  	_ =	shalt  }
0x43: {  	_ =	shalt  }
0x44: {  	_ =	shalt  }
0x45: {  	_ =	shalt  }
0x46: {  	_ =	shalt  }
0x47: {  	_ =	shalt  }
0x48: {  	_ =	shalt  }
0x49: {  	_ =	shalt  }
0x4a: {  	_ =	shalt  }
0x4b: {  	_ =	shalt  }
0x4c: {  	_ =	shalt  }
0x4d: {  	_ =	shalt  }
0x4e: {  	_ =	shalt  }
0x4f: {  	_ =	shalt  }
0x50: {  	_ =	shalt  }
0x51: {  	_ =	shalt  }
0x52: {  	_ =	shalt  }
0x53: {  	_ =	shalt  }
0x54: {  	_ =	shalt  }
0x55: {  	_ =	shalt  }
0x56: {  	_ =	shalt  }
0x57: {  	_ =	shalt  }
0x58: {  	_ =	shalt  }
0x59: {  	_ =	shalt  }
0x5a: {  	_ =	shalt  }
0x5b: {  	_ =	shalt  }
0x5c: {  	_ =	shalt  }
0x5d: {  	_ =	shalt  }
0x5e: {  	_ =	shalt  }
0x5f: {  	_ =	shalt  }
0x60: {  	_ =	shalt  }
0x61: {  	_ =	shalt  }
0x62: {  	_ =	shalt  }
0x63: {  	_ =	shalt  }
0x64: {  	_ =	shalt  }
0x65: {  	_ =	shalt  }
0x66: {  	_ =	shalt  }
0x67: {  	_ =	shalt  }
0x68: {  	_ =	shalt  }
0x69: {  	_ =	shalt  }
0x6a: {  	_ =	shalt  }
0x6b: {  	_ =	shalt  }
0x6c: {  	_ =	shalt  }
0x6d: {  	_ =	shalt  }
0x6e: {  	_ =	shalt  }
0x6f: {  	_ =	shalt  }
0x70: {  	_ =	shalt  }
0x71: {  	_ =	shalt  }
0x72: {  	_ =	shalt  }
0x73: {  	_ =	shalt  }
0x74: {  	_ =	shalt  }
0x75: {  	_ =	shalt  }
0x76: {  	_ =	shalt  }
0x77: {  	_ =	shalt  }
0x78: {  	_ =	shalt  }
0x79: {  	_ =	shalt  }
0x7a: {  	_ =	shalt  }
0x7b: {  	_ =	shalt  }
0x7c: {  	_ =	shalt  }
0x7d: {  	_ =	shalt  }
0x7e: {  	_ =	shalt  }
0x7f: {  	_ =	shalt  }
0x80: {  	_ =	shalt  }
0x81: {  	_ =	shalt  }
0x82: {  	_ =	shalt  }
0x83: {  	_ =	shalt  }
0x84: {  	_ =	shalt  }
0x85: {  	_ =	shalt  }
0x86: {  	_ =	shalt  }
0x87: {  	_ =	shalt  }
.Lfunc_end0:
.L_simem_size_0:
called_computation.3_lowered:
.L_overlay_start_0:
0x88: {  	s2 =	sld [smem:$0x3FD9]  }
0x89: {  	s3 =	sld [smem:$0x3FFE];
	_ =	sdelay $0x1  }
0x8a: {  	s1 =	srdreg.scid  }
0x8b: {  	s0 =	sand.u32 $0x1, s1  }
0x8c: {  	s16 =	sshll.u32 s0, $0xA;
	s2 =	sadd.s32 s3, s2  }
0x8d: {  	s2 =	sadd.s32 s2, s16  }
0x8e: {  	[smem:$0x3FB8] =	sst s2  }
0x8f: {  	_ = 	snop  }
0x90: {  	(tm) =	ssettm $0x1  }
0x91: {  	s17 =	sld [smem:$0x3FFB];
	_ =	sdelay $0x3  }
0x92: {  	_ =	strace s17  }
0x93: {  	s2 =	sld [smem:$0x3FFC];
	_ =	sdelay $0x3  }
0x94: {  	_ =	strace s2  }
0x95: {  	s2 =	sld [smem:$0x3FFD];
	_ =	sdelay $0x3  }
0x96: {  	_ =	strace s2  }
0x97: {  	_ =	strace $0x8FFFFFFF  }
0x98: {  	s18 =	sld [smem:$0x3FDB];
	_ =	sdelay $0x1  }
0x99: {  	s19 =	simm.s32 $_scs_section_size  }
0x9a: {  	s4 =	simm.s32 $_size__tile_overlayer_lowered;
	s5 =	simm.s32 $_tile_overlayer_lowered  }
0x9b: {  	s22 =	simm.s32 $0x1BFF;
	s21 =	sshll.u32 s5, $0x1;
	s2 =	sadd.s32 s19, s18  }
0x9c: {  	s6 =	simm.s32 $0x0;
	s20 =	sshll.u32 s4, $0x1;
	s4 =	sadd.s32 s21, s2  }
0x9d: {  	[timem:s6], [sflag:s22] =	dma.local [hbm:s4], s20  }
0x9e: {  	_ =	swait.ge [sflag:s22], s20  }
0x9f: {  	s3 =	ssub.s32 $0x0, s20;
	[sflag:s22] =	ssyncset.done $0x0  }
0xa0: {  	[sflag:s22] =	ssyncadd.s32 s3;
	_ =	sdelay $0x1  }
0xa1: {  	s23 =	simm.s32 $0x1B8B  }
0xa2: {  	_ =	swait.ge [sflag:s23], $0x1  }
0xa3: {  	[sflag:s23] =	ssyncset.done $0x0  }
0xa4: {  	s25 =	simm.s32 $0x1B8E;
	s24 =	sld [smem:$0x3FFE];
	[sflag:s23] =	ssyncadd.s32 $0xFFFFFFFF  }
0xa5: {  	s26 =	simm.s32 $execute0_lowered;
	[smem:$0x3FD2] =	sst s25  }
0xa6: {  	s4 =	sshll.u32 s26, $0x1;
	_ =	strace $0x8000004F;
	[dreg:$0x1] =	wrdreg $0xFFFFFFFF  }
0xa7: {  	s28 =	simm.s32 $_size_execute0_lowered;
	s2 =	sadd.s32 s2, s4;
	[dreg:$0x0] =	wrdreg $0x0  }
0xa8: {  	s4 =	sshll.u32 s28, $0x1;
	[dreg:$0x2] =	wrdreg s2  }
0xa9: {  	[dreg:$0x3] =	wrdreg s4  }
0xaa: {  	[dreg:$0x4] =	wrdreg $0xC0  }
0xab: {  	_ =	task [dreg:s6], $0x5FFFF  }
0xac: {  	[dreg:$0x1] =	wrdreg $0xFFFFFFFF  }
0xad: {  	[dreg:$0x0] =	wrdreg $0x60  }
0xae: {  	[dreg:$0x2] =	wrdreg s24  }
0xaf: {  	[dreg:$0x3] =	wrdreg $0x84000  }
0xb0: {  	[dreg:$0x4] =	wrdreg $0x9  }
0xb1: {  	_ =	task.clear_ibuf [dreg:s6], $0x5FFFF;
	_ =	strace $0x9000004F  }
0xb2: {  	s29 =	simm.s32 $0x9;
	_ =	strace $0x80000051  }
0xb3: {  	_ =	swait.ge [sflag:s29], $0x1  }
0xb4: {  	[sflag:s29] =	ssyncadd.s32 $0xFFFFFFFF  }
0xb5: {  	_ =	strace $0x90000051  }
0xb6: {  	_ =	sfence  }
0xb7: {  	s30 =	sld [smem:$0x0];
	_ =	sdelay $0x2  }
0xb8: {  	s31 =	sshll.u32 s1, $0xD;
	s1 =	sshrl.u32 s1, $0x2  }
0xb9: {  	s3 =	sand.u32 $0x4000, s31;
	s1 =	sadd.s32 s1, s30  }
0xba: {  	s0 =	sor.u32 s3, s0;
	s1 =	sshll.u32 s1, $0x11  }
0xbb: {  	s0 =	sor.u32 s1, s0  }
0xbc: {  	s0 =	sadd.s32 $0x8F2B, s0  }
0xbd: {  	[sflag:s0] =	ssyncadd.remote.s32 $0x1  }
0xbe: {  	_ =	sfence.sel $0xFFFF  }
0xbf: {  	[dreg:$0x0] =	wrdreg $0xFFFFFFFF;
	(pc) =	sbr.abs _section_cstart, $3  }
0xc0: {  	[dreg:$0x1] =	wrdreg $0xFFFFFFFF  }
0xc1: {  	_ =	task.clear_ibuf [dreg:s6], $0x2FFFF;
	_ =	strace $0x9FFFFFFF  }
0xc2: {  	(tm) =	ssettm $0x7FFFFFFF  }
0xc3: {  	_ =	shalt  }
tec
execute0_lowered:
.L_overlay_start_1:
0x0: {  	(tag) =	ssettag $0x1  }
0x1: {  	s0 =	rddreg [dreg:$0x0]  }
0x2: {  	s1 =	rddreg [dreg:$0x1];
	s3 =	simm.s32 $0x0;
	s2 =	srdreg.scid  }
0x3: {  	s12 =	stileid.u32;
	s11 =	simm.s32 $0x6BE00;
	s28 =	simm.s32 $0x4400  }
0x4: {  	s29 =	simm.s32 $0x1;
	s30 =	simm.s32 $0x5;
	s31 =	simm.s32 $0x2  }
0x5: {  	[smem:$0x7FF] =	sst s3;
	s4 =	sadd.s32 $0x1AC00, s0;
	s8 =	smul.u32 $0x4F000, s12  }
0x6: {  	s2 =	sand.u32 $0x1, s2;
	s5 =	sshll.u32 s12, $0x1;
	s22 =	smul.u32 $0x2780, s12  }
0x7: {  	s10 =	sadd.s32 $0x41E00, s0;
	s20 =	sshll.u32 s12, $0x6;
	s12 =	smul.u32 $0x9E00, s12  }
0x8: {  	_ =	strace $0x80000050;
	s6 =	ssub.s32 $0x2, s2;
	s7 =	sor.u32 s2, s5  }
0x9: {  	s5 =	sadd.s32 $0x7000, s0;
	p0 =	seq.s32 s2, $0x1;
	s2 =	smul.u32 $0x4F00, s2  }
0xa: {  	[dreg:$0x3] =	wrdreg s10;
	s9 =	sshrl.u32 s6, $0x1;
	s7 =	smul.u32 $0x4F00, s7  }
0xb: {  	s8 =	sshrl.u32 s8, $0x2;
	s11 =	simm.s32 @!p0 $0x44600;
	s6 =	ssub.s32 s6, s9  }
0xc: {  	s19 =	sadd.s32 s8, s1;
	s8 =	sor.u32 $0x1C07, s20;
	s0 =	sadd.s32 s11, s0  }
0xd: {  	s24 =	sadd.s32 s2, s12;
	s20 =	simm.s32 $0x100;
	s9 =	simm.s32 $0x0  }
0xe: {  	s21 =	sshrl.u32 s7, $0x3;
	s6 =	smax.u32 s6, $0x1;
	s0 =	sadd.s32 s0, s22  }
0xf: {  	s2 =	sadd.s32 $0x700, s24;
	s25 =	sadd.s32 $0x600, s24;
	s26 =	sadd.s32 $0x500, s24  }
0x10: {  	s22 =	simm.s32 $0x300;
	s7 =	sadd.s32 s5, s21;
	[dreg:$0x8] =	wrdreg s6  }
0x11: {  	[dreg:$0x9] =	wrdreg s0;
	s2 =	sshrl.u32 s2, $0x3;
	s6 =	sshrl.u32 s25, $0x3  }
0x12: {  	s10 =	sshrl.u32 s26, $0x3;
	s0 =	sadd.s32 $0x400, s24;
	s21 =	simm.s32 $0x200  }
0x13: {  	s24 =	simm.s32 $0x80;
	s25 =	simm.s32 $0x400;
	s13 =	sadd.s32 $0x20, s7  }
0x14: {  	s23 =	sadd.s32 $0x40, s7;
	[dreg:$0x4] =	wrdreg s7;
	s7 =	sadd.s32 $0x60, s7  }
.Ltmp0:
0x15: {  	s14 =	sadd.s32 s2, s5;
	[dreg:$0xa] =	wrdreg s0;
	(pc) =	sbr.rel .LBB2_1-.Ltmp0, $4  }
0x16: {  	s15 =	sadd.s32 s6, s5;
	s16 =	sadd.s32 s10, s5;
	[dreg:$0x5] =	wrdreg s13  }
0x17: {  	s10 =	sshrl.u32 s19, $0x3;
	s19 =	simm.s32 $0x7;
	[dreg:$0x6] =	wrdreg s23  }
0x18: {  	s0 =	simm.s32 $0x180;
	s2 =	simm.s32 $0x280;
	[dreg:$0x7] =	wrdreg s7  }
0x19: {  	s6 =	simm.s32 $0x6;
	s23 =	simm.s32 $0x3;
	[dreg:$0xb] =	wrdreg s10  }
.LBB2_4:
0x1a: {  	_ =	swait.ge [sflag:s29], $0x4000  }
0x1b: {  	[sflag:s29] =	ssyncset.done $0x0  }
0x1c: {  	[sflag:s29] =	ssyncadd.s32 $0xFFFFC000  }
0x1d: {  	[spmem:s1] =	stream.indirect.scatter.add.f32 [tilespmem:s25], [sflag:$0x7], $0x80, s2, s24, $0xb8;
	[tilespmem:$0x1C000] =	vst v63  }
0x1e: {  	_ =	swait.ge [sflag:s19], $0x4000  }
0x1f: {  	[sflag:s19] =	ssyncset.done $0x0  }
0x20: {  	[sflag:s19] =	ssyncadd.s32 $0xFFFFC000  }
0x21: {  	[bflag:$0x0] =	sbarrier.arrive $0xFFFF  }
0x22: {  	s7 =	rddreg [dreg:$0x9]  }
0x23: {  	s10 =	rddreg [dreg:$0xb]  }
0x24: {  	[hbm:s7], [sflag:s18] =	dma.local [spmem:s10], $0x2780  }
0x25: {  	_ =	swait.ge [sflag:s19], $0x2780  }
0x26: {  	s9 =	sadd.s32 $0x1, s9;
	s26 =	rddreg [dreg:$0x8]  }
0x27: {  	p0 =	sne.s32 s9, s26  }
.Ltmp1:
0x28: {  	_ = 	snop;
	(pc) =	sbr.rel @!p0 .LBB2_5-.Ltmp1, $3  }
0x29: {  	_ =	sdelay $0x1  }
0x2a: {  	[sflag:s19] =	ssyncset.done $0x0  }
0x2b: {  	s8 =	smov.u32 s18;
	[sflag:s19] =	ssyncadd.s32 $0xFFFFD880  }
.LBB2_1:
0x2c: {  	s7 =	rddreg [dreg:$0x3]  }
0x2d: {  	[spmem:s10], [sflag:s8] =	dma.local [hbm:s7], $0x2780  }
0x2e: {  	_ =	swait.ge [sflag:s19], $0x2780  }
0x2f: {  	[sflag:s19] =	ssyncset.done $0x0  }
0x30: {  	[sflag:s19] =	ssyncadd.s32 $0xFFFFD880  }
0x31: {  	[bflag:$0x0] =	sbarrier.arrive $0xFFFF  }
0x32: {  	s11 =	rddreg [dreg:$0x4]  }
0x33: {  	[tilespmem:s3], [sflag:$0x3] =	stream.linear.gather [hbm4b:s11+s3], $0x100, $0x38;
	[tilespmem:$0x1C000] =	vst v63  }
0x34: {  	s12 =	rddreg [dreg:$0x5]  }
0x35: {  	[tilespmem:s20], [sflag:$0x4] =	stream.linear.gather [hbm4b:s12+s3], $0x100, $0x38;
	[tilespmem:$0x1C000] =	vst v63  }
0x36: {  	s13 =	rddreg [dreg:$0x6]  }
0x37: {  	[tilespmem:s21], [sflag:$0x5] =	stream.linear.gather [hbm4b:s13+s3], $0x100, $0x38;
	[tilespmem:$0x1C000] =	vst v63  }
0x38: {  	s17 =	rddreg [dreg:$0x7]  }
0x39: {  	[tilespmem:s22], [sflag:$0x6] =	stream.linear.gather [hbm4b:s17+s3], $0x100, $0x38;
	[tilespmem:$0x1C000] =	vst v63  }
0x3a: {  	_ =	swait.ge [sflag:s23], $0x100  }
0x3b: {  	[sflag:s23] =	ssyncset.done $0x0  }
0x3c: {  	s26 =	simm.s32 $0x4;
	[sflag:s23] =	ssyncadd.s32 $0xFFFFFF00  }
0x3d: {  	[tilespmem:s25], [sflag:$0x1] =	stream.indirect.gather [hbm4b:s4+s24], $0x80, s3, s24, $0xb8;
	[tilespmem:$0x1C000] =	vst v63  }
0x3e: {  	_ =	swait.ge [sflag:s26], $0x100  }
0x3f: {  	s18 =	smov.u32 s8;
	s11 =	simm.s32 $0x0;
	[sflag:s26] =	ssyncset.done $0x0  }
0x40: {  	s12 =	simm.s32 $0x0;
	s17 =	rddreg [dreg:$0xa];
	[sflag:s26] =	ssyncadd.s32 $0xFFFFFF00  }
0x41: {  	[tilespmem:s28], [sflag:$0x2] =	stream.indirect.gather [hbm4b:s4+s24], $0x80, s20, s24, $0xb8;
	[tilespmem:$0x1C000] =	vst v63  }
.LBB2_2:
0x42: {  	_ =	swait.ge [sflag:s29], $0x4000  }
0x43: {  	[sflag:s29] =	ssyncset.done $0x0  }
0x44: {  	[sflag:s29] =	ssyncadd.s32 $0xFFFFC000  }
0x45: {  	[spmem:s1] =	stream.indirect.scatter.add.f32 [tilespmem:s25], [sflag:$0x7], $0x80, s24, s24, $0xb8;
	[tilespmem:$0x1C000] =	vst v63  }
0x46: {  	p0 =	seq.s32 s11, $0x980;
	_ =	swait.ge [sflag:s19], $0x4000  }
0x47: {  	s13 =	sshrl.u32 @!p0 s17, $0x3;
	[sflag:s19] =	ssyncset.done $0x0  }
0x48: {  	s8 =	simm.s32 @!p0 $0x0;
	s13 =	sadd.s32 @!p0 s5, s13;
	[sflag:s19] =	ssyncadd.s32 $0xFFFFC000  }
0x49: {  	[tilespmem:s8], [sflag:$0x3] =	stream.linear.gather @!p0 [hbm4b:s13+s8], $0x100, $0x38;
	[tilespmem:$0x1C000] =	vst v63  }
0x4a: {  	_ =	swait.ge [sflag:s30], $0x100  }
0x4b: {  	[sflag:s30] =	ssyncset.done $0x0  }
0x4c: {  	[sflag:s30] =	ssyncadd.s32 $0xFFFFFF00  }
0x4d: {  	[tilespmem:s25], [sflag:$0x1] =	stream.indirect.gather [hbm4b:s4+s24], $0x80, s21, s24, $0xb8;
	[tilespmem:$0x1C000] =	vst v63  }
0x4e: {  	_ =	swait.ge [sflag:s31], $0x4000  }
0x4f: {  	[sflag:s31] =	ssyncset.done $0x0  }
.Ltmp2:
0x50: {  	[sflag:s31] =	ssyncadd.s32 $0xFFFFC000;
	(pc) =	sbr.rel @p0 .LBB2_4-.Ltmp2, $4  }
0x51: {  	[spmem:s1] =	stream.indirect.scatter.add.f32 [tilespmem:s28], [sflag:$0x7], $0x80, s0, s24, $0xb8;
	[tilespmem:$0x1C000] =	vst v63  }
0x52: {  	_ =	swait.ge [sflag:s19], $0x4000  }
0x53: {  	[sflag:s19] =	ssyncset.done $0x0  }
0x54: {  	[sflag:s19] =	ssyncadd.s32 $0xFFFFC000  }
0x55: {  	s8 =	sadd.s32 s11, s16  }
0x56: {  	[tilespmem:s20], [sflag:$0x4] =	stream.linear.gather [hbm4b:s8+s3], $0x100, $0x38;
	[tilespmem:$0x1C000] =	vst v63  }
0x57: {  	_ =	swait.ge [sflag:s6], $0x100  }
0x58: {  	[sflag:s6] =	ssyncset.done $0x0  }
0x59: {  	[sflag:s6] =	ssyncadd.s32 $0xFFFFFF00  }
0x5a: {  	[tilespmem:s28], [sflag:$0x2] =	stream.indirect.gather [hbm4b:s4+s24], $0x80, s22, s24, $0xb8;
	[tilespmem:$0x1C000] =	vst v63  }
0x5b: {  	_ =	swait.ge [sflag:s29], $0x4000  }
0x5c: {  	[sflag:s29] =	ssyncset.done $0x0  }
0x5d: {  	[sflag:s29] =	ssyncadd.s32 $0xFFFFC000  }
0x5e: {  	[spmem:s1] =	stream.indirect.scatter.add.f32 [tilespmem:s25], [sflag:$0x7], $0x80, s2, s24, $0xb8;
	[tilespmem:$0x1C000] =	vst v63  }
0x5f: {  	_ =	swait.ge [sflag:s19], $0x4000  }
0x60: {  	[sflag:s19] =	ssyncset.done $0x0  }
0x61: {  	s26 =	sadd.s32 s11, s15;
	[sflag:s19] =	ssyncadd.s32 $0xFFFFC000  }
0x62: {  	[tilespmem:s21], [sflag:$0x5] =	stream.linear.gather [hbm4b:s26+s3], $0x100, $0x38;
	[tilespmem:$0x1C000] =	vst v63  }
0x63: {  	_ =	swait.ge [sflag:s23], $0x100  }
0x64: {  	p0 =	sgt.u32 s12, $0x12;
	[sflag:s23] =	ssyncset.done $0x0  }
0x65: {  	s8 =	simm.s32 @!p0 $0x2;
	[sflag:s23] =	ssyncadd.s32 $0xFFFFFF00  }
0x66: {  	[tilespmem:s25], [sflag:$0x1] =	stream.indirect.gather [hbm4b:s4+s24], $0x80, s3, s24, $0xb8;
	[tilespmem:$0x1C000] =	vst v63  }
0x67: {  	_ =	swait.ge @!p0 [sflag:s8], $0x4000  }
0x68: {  	s13 =	simm.s32 @!p0 $0x380;
	[sflag:s8] =	ssyncset.done @!p0 $0x0  }
0x69: {  	s10 =	simm.s32 @!p0 $0x4400;
	[sflag:s8] =	ssyncadd.s32 @!p0 $0xFFFFC000;
	s8 =	simm.s32 @!p0 $0x80  }
0x6a: {  	[spmem:s1] =	stream.indirect.scatter.add.f32 @!p0 [tilespmem:s10], [sflag:$0x7], $0x80, s13, s8, $0xb8;
	[tilespmem:$0x1C000] =	vst v63  }
0x6b: {  	p1 =	seq.s32 @!p0 s11, $0x900;
	s13 =	simm.s32 @!p0 $0x7  }
0x6c: {  	p1 =	por p1, p0;
	_ =	swait.ge @!p0 [sflag:s13], $0x4000  }
0x6d: {  	s7 =	simm.s32 @!p1 $0x300;
	[sflag:s13] =	ssyncset.done @!p0 $0x0  }
0x6e: {  	s26 =	simm.s32 @!p1 $0x0;
	[sflag:s13] =	ssyncadd.s32 @!p0 $0xFFFFC000;
	s13 =	sadd.s32 @!p1 s11, s14  }
0x6f: {  	[tilespmem:s7], [sflag:$0x6] =	stream.linear.gather @!p1 [hbm4b:s13+s26], $0x100, $0x38;
	[tilespmem:$0x1C000] =	vst v63  }
.Ltmp3:
0x70: {  	s7 =	simm.s32 @!p0 $0x4;
	(pc) =	sbr.rel .LBB2_2-.Ltmp3, $4  }
0x71: {  	_ =	swait.ge @!p0 [sflag:s7], $0x100  }
0x72: {  	s12 =	sadd.s32 $0x1, s12;
	s17 =	sadd.s32 $0x400, s17;
	[sflag:s7] =	ssyncset.done @!p0 $0x0  }
0x73: {  	s11 =	sadd.s32 $0x80, s11;
	[sflag:s7] =	ssyncadd.s32 @!p0 $0xFFFFFF00;
	s7 =	simm.s32 @!p0 $0x100  }
0x74: {  	[tilespmem:s10], [sflag:$0x2] =	stream.indirect.gather @!p0 [hbm4b:s4+s8], $0x80, s7, s8, $0xb8;
	[tilespmem:$0x1C000] =	vst v63  }
.LBB2_5:
0x75: {  	_ =	sfence.sel $0x180000  }
0x76: {  	[bflag:$0x0] =	sbarrier.arrive $0xFFFF  }
0x77: {  	_ =	strace $0x90000050  }
0x78: {  	s0 =	stileid.u32;
	[bflag:$0x2] =	sbarrier.arrive $0xFFFF  }
0x79: {  	p0 =	sne.s32 s0, $0x0;
	s0 =	rddreg [dreg:$0x2]  }
0x7a: {  	s0 =	sadd.s32 @!p0 $0x100000, s0  }
0x7b: {  	[sflag:s0] =	ssyncadd.tile.s32 @!p0 $0x1;
	_ =	shalt  }
.Lfunc_end2:
_tile_overlayer_lowered:
.L_overlay_start_2:
0x7c: {  	(tag) =	ssettag $0x2  }
0x7d: {  	s0 =	rddreg [dreg:$0x0];
	s2 =	stileid.u32  }
0x7e: {  	s1 =	rddreg [dreg:$0x1];
	p0 =	sne.s32 s2, $0x0  }
0x7f: {  	s3 =	rddreg [dreg:$0x2];
	[bflag:$0x3] =	sbarrier.arrive $0xFFFF;
	s2 =	simm.s32 @!p0 $0x1C07  }
0x80: {  	[timem:s3], [sflag:s2] =	dma.local @!p0 [hbm:s0], s1  }
0x81: {  	s0 =	simm.s32 @!p0 $0x7  }
0x82: {  	_ =	swait.ge @!p0 [sflag:s0], s1  }
0x83: {  	s1 =	ssub.s32 @!p0 $0x0, s1;
	[sflag:s0] =	ssyncset.done @!p0 $0x0  }
0x84: {  	[sflag:s0] =	ssyncadd.s32 @!p0 s1  }
0x85: {  	[bflag:$0x3] =	sbarrier.arrive $0xFFFF  }
0x86: {  	_ =	shalt  }

// kernel: kernel.26.cloned.1.call-start
scs
__scs_entry_jumppad:
0x0: {  	(pc) =	sbr.rel $0x88, $3  }
0x1: {  	(tag) =	ssettag $0x0;
	lr =	simm.s32 $0x1  }
0x2: {  	[smem:$0x3F91] =	sst lr;
	_ =	strace $0xD0000000  }
0x3: {  	_ = 	snop  }
0x4: {  	_ = 	snop  }
0x5: {  	_ = 	snop  }
0x6: {  	_ = 	snop  }
0x7: {  	_ = 	snop  }
__scs_overlays_trampoline_lowered:
0x8: {  	[smem:$0x3FA0] =	sst s0  }
0x9: {  	[smem:$0x3FA1] =	sst s1  }
0xa: {  	[smem:$0x3FA2] =	sst s2  }
0xb: {  	[smem:$0x3FA3] =	sst s3  }
0xc: {  	[smem:$0x3FA4] =	sst s4  }
0xd: {  	[smem:$0x3FA5] =	sst s5  }
0xe: {  	[smem:$0x3FA6] =	sst s6  }
0xf: {  	[smem:$0x3FA7] =	sst s7  }
0x10: {  	[smem:$0x3FA8] =	sst s8  }
0x11: {  	[smem:$0x3FA9] =	sst s9;
	s0 =	simm.s32 @!p0 $0x0  }
0x12: {  	s1 =	sld [smem:$0x3F8F];
	s0 =	simm.s32 @p0 $0x1  }
0x13: {  	[smem:$0x3FAA] =	sst s0;
	s0 =	simm.s32 @!p1 $0x0  }
0x14: {  	s2 =	sld [smem:$0x3F8E];
	s0 =	simm.s32 @p1 $0x1  }
0x15: {  	[smem:$0x3FAB] =	sst s0;
	s0 =	simm.s32 @!p2 $0x0  }
0x16: {  	s3 =	sld [smem:$0x3FDB];
	s0 =	simm.s32 @p2 $0x1  }
0x17: {  	s4 =	simm.s32 $0x1BF5;
	[smem:$0x3FAD] =	sst s0  }
0x18: {  	s0 =	sld [smem:$0x3F90];
	_ =	swait.ge [sflag:s4], $0x0  }
0x19: {  	s7 =	sld [smem:$0x3F91]  }
0x1a: {  	s8 =	sadd.s32 $0xFFFFE003, lr  }
0x1b: {  	s9 =	sadd.s32 $0xFFFFFEF7, lr;
	s5 =	simm.s32 $0xFFFFFFFF;
	p2 =	slt.u32 s8, $0xFFFFF086  }
0x1c: {  	p1 =	slt.u32 s9, $0xF7A;
	s5 =	simm.s32 @!p2 $0x0  }
0x1d: {  	s5 =	simm.s32 @p1 $0x1;
	p0 =	seq.s32 s7, s2  }
0x1e: {  	s7 =	smul.u32 @!p0 $0xF7A, s2;
	p2 =	seq.s32 @!p0 s5, $0x0  }
0x1f: {  	s9 =	smul.u32 $0xF7A, s1;
	s8 =	simm.s32 @!p0 $0x1BF5;
	p2 =	por !p2, p0  }
0x20: {  	[sflag:s8] =	ssyncset.s32 @!p0 $0xFFFFF086;
	s6 =	sadd.s32 @!p0 s3, s7;
	s7 =	simm.s32 @!p0 $0x108  }
0x21: {  	s3 =	sadd.s32 s3, s9;
	s6 =	sadd.s32 @!p0 $0x88, s6;
	s7 =	simm.s32 @p2 $0x1082  }
0x22: {  	[simem:s7], [sflag:s8] =	dma.local @!p0 [hbm:s6], $0xF7A  }
0x23: {  	s9 =	sor.u32 $0xD0000000, s2;
	s6 =	simm.s32 $0x108;
	_ =	swait.ge @!p0 [sflag:s8], $0x0  }
0x24: {  	s3 =	sadd.s32 $0x88, s3;
	s6 =	simm.s32 @!p1 $0x1082;
	[sflag:s4] =	ssyncset.s32 $0xFFFFF086  }
0x25: {  	[simem:s6], [sflag:s4] =	dma.local [hbm:s3], $0xF7A  }
0x26: {  	[smem:$0x3F91] =	sst s1;
	(tag) =	ssettag s2;
	_ =	strace s9  }
0x27: {  	s1 =	sld [smem:$0x3FA1]  }
0x28: {  	s2 =	sld [smem:$0x3FA2]  }
0x29: {  	s4 =	sld [smem:$0x3FA4]  }
0x2a: {  	p0 =	seq.s32 s5, $0x0;
	s5 =	sld [smem:$0x3FA5]  }
0x2b: {  	s6 =	sld [smem:$0x3FA6]  }
0x2c: {  	s7 =	sld [smem:$0x3FA7]  }
0x2d: {  	s3 =	simm.s32 $0x108;
	s8 =	sld [smem:$0x3FA8]  }
0x2e: {  	s3 =	simm.s32 @!p0 $0x1082;
	s9 =	sld [smem:$0x3FA9]  }
0x2f: {  	lr =	sadd.s32 s0, s3;
	s0 =	sld [smem:$0x3FA0]  }
0x30: {  	s3 =	sld [smem:$0x3FA3]  }
0x31: {  	[smem:$0x3FAC] =	sst s10  }
0x32: {  	s10 =	sld [smem:$0x3FAA];
	_ =	sdelay $0x3  }
0x33: {  	p0 =	seq.s32 s10, $0x1;
	s10 =	sld [smem:$0x3FAC];
	_ =	sdelay $0x3  }
0x34: {  	[smem:$0x3FAC] =	sst s10  }
0x35: {  	s10 =	sld [smem:$0x3FAB];
	_ =	sdelay $0x3  }
0x36: {  	p1 =	seq.s32 s10, $0x1;
	s10 =	sld [smem:$0x3FAC];
	_ =	sdelay $0x3  }
0x37: {  	[smem:$0x3FAC] =	sst s10  }
0x38: {  	s10 =	sld [smem:$0x3FAD]  }
0x39: {  	_ = 	snop;
	(pc) =	sbr.ind lr, $3  }
0x3a: {  	_ = 	snop  }
0x3b: {  	_ = 	snop  }
0x3c: {  	p2 =	seq.s32 s10, $0x1;
	s10 =	sld [smem:$0x3FAC]  }
0x3d: {  	_ =	shalt  }
0x3e: {  	_ =	shalt  }
0x3f: {  	_ =	shalt  }
0x40: {  	_ =	shalt  }
0x41: {  	_ =	shalt  }
0x42: {  	_ =	shalt  }
0x43: {  	_ =	shalt  }
0x44: {  	_ =	shalt  }
0x45: {  	_ =	shalt  }
0x46: {  	_ =	shalt  }
0x47: {  	_ =	shalt  }
0x48: {  	_ =	shalt  }
0x49: {  	_ =	shalt  }
0x4a: {  	_ =	shalt  }
0x4b: {  	_ =	shalt  }
0x4c: {  	_ =	shalt  }
0x4d: {  	_ =	shalt  }
0x4e: {  	_ =	shalt  }
0x4f: {  	_ =	shalt  }
0x50: {  	_ =	shalt  }
0x51: {  	_ =	shalt  }
0x52: {  	_ =	shalt  }
0x53: {  	_ =	shalt  }
0x54: {  	_ =	shalt  }
0x55: {  	_ =	shalt  }
0x56: {  	_ =	shalt  }
0x57: {  	_ =	shalt  }
0x58: {  	_ =	shalt  }
0x59: {  	_ =	shalt  }
0x5a: {  	_ =	shalt  }
0x5b: {  	_ =	shalt  }
0x5c: {  	_ =	shalt  }
0x5d: {  	_ =	shalt  }
0x5e: {  	_ =	shalt  }
0x5f: {  	_ =	shalt  }
0x60: {  	_ =	shalt  }
0x61: {  	_ =	shalt  }
0x62: {  	_ =	shalt  }
0x63: {  	_ =	shalt  }
0x64: {  	_ =	shalt  }
0x65: {  	_ =	shalt  }
0x66: {  	_ =	shalt  }
0x67: {  	_ =	shalt  }
0x68: {  	_ =	shalt  }
0x69: {  	_ =	shalt  }
0x6a: {  	_ =	shalt  }
0x6b: {  	_ =	shalt  }
0x6c: {  	_ =	shalt  }
0x6d: {  	_ =	shalt  }
0x6e: {  	_ =	shalt  }
0x6f: {  	_ =	shalt  }
0x70: {  	_ =	shalt  }
0x71: {  	_ =	shalt  }
0x72: {  	_ =	shalt  }
0x73: {  	_ =	shalt  }
0x74: {  	_ =	shalt  }
0x75: {  	_ =	shalt  }
0x76: {  	_ =	shalt  }
0x77: {  	_ =	shalt  }
0x78: {  	_ =	shalt  }
0x79: {  	_ =	shalt  }
0x7a: {  	_ =	shalt  }
0x7b: {  	_ =	shalt  }
0x7c: {  	_ =	shalt  }
0x7d: {  	_ =	shalt  }
0x7e: {  	_ =	shalt  }
0x7f: {  	_ =	shalt  }
0x80: {  	_ =	shalt  }
0x81: {  	_ =	shalt  }
0x82: {  	_ =	shalt  }
0x83: {  	_ =	shalt  }
0x84: {  	_ =	shalt  }
0x85: {  	_ =	shalt  }
0x86: {  	_ =	shalt  }
0x87: {  	_ =	shalt  }
.Lfunc_end0:
.L_simem_size_0:
called_computation.4_lowered:
.L_overlay_start_0:
0x88: {  	s2 =	sld [smem:$0x3FD9]  }
0x89: {  	s3 =	sld [smem:$0x3FFE];
	_ =	sdelay $0x1  }
0x8a: {  	s1 =	srdreg.scid  }
0x8b: {  	s0 =	sand.u32 $0x1, s1  }
0x8c: {  	s16 =	sshll.u32 s0, $0xA;
	s2 =	sadd.s32 s3, s2  }
0x8d: {  	s2 =	sadd.s32 s2, s16  }
0x8e: {  	[smem:$0x3FB8] =	sst s2  }
0x8f: {  	_ = 	snop  }
0x90: {  	(tm) =	ssettm $0x1  }
0x91: {  	s17 =	sld [smem:$0x3FFB];
	_ =	sdelay $0x3  }
0x92: {  	_ =	strace s17  }
0x93: {  	s2 =	sld [smem:$0x3FFC];
	_ =	sdelay $0x3  }
0x94: {  	_ =	strace s2  }
0x95: {  	s2 =	sld [smem:$0x3FFD];
	_ =	sdelay $0x3  }
0x96: {  	_ =	strace s2  }
0x97: {  	_ =	strace $0x8FFFFFFF  }
0x98: {  	s18 =	sld [smem:$0x3FDB];
	_ =	sdelay $0x1  }
0x99: {  	s19 =	simm.s32 $_scs_section_size  }
0x9a: {  	s4 =	simm.s32 $_size__tile_overlayer_lowered;
	s5 =	simm.s32 $_tile_overlayer_lowered  }
0x9b: {  	s22 =	simm.s32 $0x1BFF;
	s21 =	sshll.u32 s5, $0x1;
	s2 =	sadd.s32 s19, s18  }
0x9c: {  	s6 =	simm.s32 $0x0;
	s20 =	sshll.u32 s4, $0x1;
	s4 =	sadd.s32 s21, s2  }
0x9d: {  	[timem:s6], [sflag:s22] =	dma.local [hbm:s4], s20  }
0x9e: {  	_ =	swait.ge [sflag:s22], s20  }
0x9f: {  	s3 =	ssub.s32 $0x0, s20;
	[sflag:s22] =	ssyncset.done $0x0  }
0xa0: {  	[sflag:s22] =	ssyncadd.s32 s3;
	_ =	sdelay $0x1  }
0xa1: {  	s23 =	simm.s32 $0x1B8B  }
0xa2: {  	_ =	swait.ge [sflag:s23], $0x1  }
0xa3: {  	[sflag:s23] =	ssyncset.done $0x0  }
0xa4: {  	s25 =	simm.s32 $0x1B8E;
	s24 =	sld [smem:$0x3FFE];
	[sflag:s23] =	ssyncadd.s32 $0xFFFFFFFF  }
0xa5: {  	s26 =	simm.s32 $execute0_lowered;
	[smem:$0x3FD2] =	sst s25  }
0xa6: {  	s4 =	sshll.u32 s26, $0x1;
	_ =	strace $0x80000052;
	[dreg:$0x1] =	wrdreg $0xFFFFFFFF  }
0xa7: {  	s28 =	simm.s32 $_size_execute0_lowered;
	s2 =	sadd.s32 s2, s4;
	[dreg:$0x0] =	wrdreg $0x0  }
0xa8: {  	s4 =	sshll.u32 s28, $0x1;
	[dreg:$0x2] =	wrdreg s2  }
0xa9: {  	[dreg:$0x3] =	wrdreg s4  }
0xaa: {  	[dreg:$0x4] =	wrdreg $0xC0  }
0xab: {  	_ =	task [dreg:s6], $0x5FFFF  }
0xac: {  	[dreg:$0x1] =	wrdreg $0xFFFFFFFF  }
0xad: {  	[dreg:$0x0] =	wrdreg $0x60  }
0xae: {  	[dreg:$0x2] =	wrdreg s24  }
0xaf: {  	[dreg:$0x3] =	wrdreg $0x84000  }
0xb0: {  	[dreg:$0x4] =	wrdreg $0x9  }
0xb1: {  	_ =	task.clear_ibuf [dreg:s6], $0x5FFFF;
	_ =	strace $0x90000052  }
0xb2: {  	s29 =	simm.s32 $0x9;
	_ =	strace $0x80000054  }
0xb3: {  	_ =	swait.ge [sflag:s29], $0x1  }
0xb4: {  	[sflag:s29] =	ssyncadd.s32 $0xFFFFFFFF  }
0xb5: {  	_ =	strace $0x90000054  }
0xb6: {  	_ =	sfence  }
0xb7: {  	s30 =	sld [smem:$0x0];
	_ =	sdelay $0x2  }
0xb8: {  	s31 =	sshll.u32 s1, $0xD;
	s1 =	sshrl.u32 s1, $0x2  }
0xb9: {  	s3 =	sand.u32 $0x4000, s31;
	s1 =	sadd.s32 s1, s30  }
0xba: {  	s0 =	sor.u32 s3, s0;
	s1 =	sshll.u32 s1, $0x11  }
0xbb: {  	s0 =	sor.u32 s1, s0  }
0xbc: {  	s0 =	sadd.s32 $0x8F2B, s0  }
0xbd: {  	[sflag:s0] =	ssyncadd.remote.s32 $0x1  }
0xbe: {  	_ =	sfence.sel $0xFFFF  }
0xbf: {  	[dreg:$0x0] =	wrdreg $0xFFFFFFFF;
	(pc) =	sbr.abs _section_cstart, $3  }
0xc0: {  	[dreg:$0x1] =	wrdreg $0xFFFFFFFF  }
0xc1: {  	_ =	task.clear_ibuf [dreg:s6], $0x2FFFF;
	_ =	strace $0x9FFFFFFF  }
0xc2: {  	(tm) =	ssettm $0x7FFFFFFF  }
0xc3: {  	_ =	shalt  }
tec
execute0_lowered:
.L_overlay_start_1:
0x0: {  	(tag) =	ssettag $0x1  }
0x1: {  	s0 =	rddreg [dreg:$0x0]  }
0x2: {  	s1 =	rddreg [dreg:$0x1];
	s3 =	simm.s32 $0x0;
	s2 =	srdreg.scid  }
0x3: {  	s12 =	stileid.u32;
	s11 =	simm.s32 $0x6BE00;
	s28 =	simm.s32 $0x4400  }
0x4: {  	s29 =	simm.s32 $0x1;
	s30 =	simm.s32 $0x5;
	s31 =	simm.s32 $0x2  }
0x5: {  	[smem:$0x7FF] =	sst s3;
	s4 =	sadd.s32 $0x1AC00, s0;
	s8 =	smul.u32 $0x4F000, s12  }
0x6: {  	s2 =	sand.u32 $0x1, s2;
	s5 =	sshll.u32 s12, $0x1;
	s22 =	smul.u32 $0x2780, s12  }
0x7: {  	s10 =	sadd.s32 $0x41E00, s0;
	s20 =	sshll.u32 s12, $0x6;
	s12 =	smul.u32 $0x9E00, s12  }
0x8: {  	_ =	strace $0x80000053;
	s6 =	ssub.s32 $0x2, s2;
	s7 =	sor.u32 s2, s5  }
0x9: {  	s5 =	sadd.s32 $0x7000, s0;
	p0 =	seq.s32 s2, $0x1;
	s2 =	smul.u32 $0x4F00, s2  }
0xa: {  	[dreg:$0x3] =	wrdreg s10;
	s9 =	sshrl.u32 s6, $0x1;
	s7 =	smul.u32 $0x4F00, s7  }
0xb: {  	s8 =	sshrl.u32 s8, $0x2;
	s11 =	simm.s32 @!p0 $0x44600;
	s6 =	ssub.s32 s6, s9  }
0xc: {  	s19 =	sadd.s32 s8, s1;
	s8 =	sor.u32 $0x1C07, s20;
	s0 =	sadd.s32 s11, s0  }
0xd: {  	s24 =	sadd.s32 s2, s12;
	s20 =	simm.s32 $0x100;
	s9 =	simm.s32 $0x0  }
0xe: {  	s21 =	sshrl.u32 s7, $0x3;
	s6 =	smax.u32 s6, $0x1;
	s0 =	sadd.s32 s0, s22  }
0xf: {  	s2 =	sadd.s32 $0x700, s24;
	s25 =	sadd.s32 $0x600, s24;
	s26 =	sadd.s32 $0x500, s24  }
0x10: {  	s22 =	simm.s32 $0x300;
	s7 =	sadd.s32 s5, s21;
	[dreg:$0x8] =	wrdreg s6  }
0x11: {  	[dreg:$0x9] =	wrdreg s0;
	s2 =	sshrl.u32 s2, $0x3;
	s6 =	sshrl.u32 s25, $0x3  }
0x12: {  	s10 =	sshrl.u32 s26, $0x3;
	s0 =	sadd.s32 $0x400, s24;
	s21 =	simm.s32 $0x200  }
0x13: {  	s24 =	simm.s32 $0x80;
	s25 =	simm.s32 $0x400;
	s13 =	sadd.s32 $0x20, s7  }
0x14: {  	s23 =	sadd.s32 $0x40, s7;
	[dreg:$0x4] =	wrdreg s7;
	s7 =	sadd.s32 $0x60, s7  }
.Ltmp0:
0x15: {  	s14 =	sadd.s32 s2, s5;
	[dreg:$0xa] =	wrdreg s0;
	(pc) =	sbr.rel .LBB2_1-.Ltmp0, $4  }
0x16: {  	s15 =	sadd.s32 s6, s5;
	s16 =	sadd.s32 s10, s5;
	[dreg:$0x5] =	wrdreg s13  }
0x17: {  	s10 =	sshrl.u32 s19, $0x3;
	s19 =	simm.s32 $0x7;
	[dreg:$0x6] =	wrdreg s23  }
0x18: {  	s0 =	simm.s32 $0x180;
	s2 =	simm.s32 $0x280;
	[dreg:$0x7] =	wrdreg s7  }
0x19: {  	s6 =	simm.s32 $0x6;
	s23 =	simm.s32 $0x3;
	[dreg:$0xb] =	wrdreg s10  }
.LBB2_4:
0x1a: {  	_ =	swait.ge [sflag:s29], $0x4000  }
0x1b: {  	[sflag:s29] =	ssyncset.done $0x0  }
0x1c: {  	[sflag:s29] =	ssyncadd.s32 $0xFFFFC000  }
0x1d: {  	[spmem:s1] =	stream.indirect.scatter.add.f32 [tilespmem:s25], [sflag:$0x7], $0x80, s2, s24, $0xb8;
	[tilespmem:$0x1C000] =	vst v63  }
0x1e: {  	_ =	swait.ge [sflag:s19], $0x4000  }
0x1f: {  	[sflag:s19] =	ssyncset.done $0x0  }
0x20: {  	[sflag:s19] =	ssyncadd.s32 $0xFFFFC000  }
0x21: {  	[bflag:$0x0] =	sbarrier.arrive $0xFFFF  }
0x22: {  	s7 =	rddreg [dreg:$0x9]  }
0x23: {  	s10 =	rddreg [dreg:$0xb]  }
0x24: {  	[hbm:s7], [sflag:s18] =	dma.local [spmem:s10], $0x2780  }
0x25: {  	_ =	swait.ge [sflag:s19], $0x2780  }
0x26: {  	s9 =	sadd.s32 $0x1, s9;
	s26 =	rddreg [dreg:$0x8]  }
0x27: {  	p0 =	sne.s32 s9, s26  }
.Ltmp1:
0x28: {  	_ = 	snop;
	(pc) =	sbr.rel @!p0 .LBB2_5-.Ltmp1, $3  }
0x29: {  	_ =	sdelay $0x1  }
0x2a: {  	[sflag:s19] =	ssyncset.done $0x0  }
0x2b: {  	s8 =	smov.u32 s18;
	[sflag:s19] =	ssyncadd.s32 $0xFFFFD880  }
.LBB2_1:
0x2c: {  	s7 =	rddreg [dreg:$0x3]  }
0x2d: {  	[spmem:s10], [sflag:s8] =	dma.local [hbm:s7], $0x2780  }
0x2e: {  	_ =	swait.ge [sflag:s19], $0x2780  }
0x2f: {  	[sflag:s19] =	ssyncset.done $0x0  }
0x30: {  	[sflag:s19] =	ssyncadd.s32 $0xFFFFD880  }
0x31: {  	[bflag:$0x0] =	sbarrier.arrive $0xFFFF  }
0x32: {  	s11 =	rddreg [dreg:$0x4]  }
0x33: {  	[tilespmem:s3], [sflag:$0x3] =	stream.linear.gather [hbm4b:s11+s3], $0x100, $0x38;
	[tilespmem:$0x1C000] =	vst v63  }
0x34: {  	s12 =	rddreg [dreg:$0x5]  }
0x35: {  	[tilespmem:s20], [sflag:$0x4] =	stream.linear.gather [hbm4b:s12+s3], $0x100, $0x38;
	[tilespmem:$0x1C000] =	vst v63  }
0x36: {  	s13 =	rddreg [dreg:$0x6]  }
0x37: {  	[tilespmem:s21], [sflag:$0x5] =	stream.linear.gather [hbm4b:s13+s3], $0x100, $0x38;
	[tilespmem:$0x1C000] =	vst v63  }
0x38: {  	s17 =	rddreg [dreg:$0x7]  }
0x39: {  	[tilespmem:s22], [sflag:$0x6] =	stream.linear.gather [hbm4b:s17+s3], $0x100, $0x38;
	[tilespmem:$0x1C000] =	vst v63  }
0x3a: {  	_ =	swait.ge [sflag:s23], $0x100  }
0x3b: {  	[sflag:s23] =	ssyncset.done $0x0  }
0x3c: {  	s26 =	simm.s32 $0x4;
	[sflag:s23] =	ssyncadd.s32 $0xFFFFFF00  }
0x3d: {  	[tilespmem:s25], [sflag:$0x1] =	stream.indirect.gather [hbm4b:s4+s24], $0x80, s3, s24, $0xb8;
	[tilespmem:$0x1C000] =	vst v63  }
0x3e: {  	_ =	swait.ge [sflag:s26], $0x100  }
0x3f: {  	s18 =	smov.u32 s8;
	s11 =	simm.s32 $0x0;
	[sflag:s26] =	ssyncset.done $0x0  }
0x40: {  	s12 =	simm.s32 $0x0;
	s17 =	rddreg [dreg:$0xa];
	[sflag:s26] =	ssyncadd.s32 $0xFFFFFF00  }
0x41: {  	[tilespmem:s28], [sflag:$0x2] =	stream.indirect.gather [hbm4b:s4+s24], $0x80, s20, s24, $0xb8;
	[tilespmem:$0x1C000] =	vst v63  }
.LBB2_2:
0x42: {  	_ =	swait.ge [sflag:s29], $0x4000  }
0x43: {  	[sflag:s29] =	ssyncset.done $0x0  }
0x44: {  	[sflag:s29] =	ssyncadd.s32 $0xFFFFC000  }
0x45: {  	[spmem:s1] =	stream.indirect.scatter.add.f32 [tilespmem:s25], [sflag:$0x7], $0x80, s24, s24, $0xb8;
	[tilespmem:$0x1C000] =	vst v63  }
0x46: {  	p0 =	seq.s32 s11, $0x980;
	_ =	swait.ge [sflag:s19], $0x4000  }
0x47: {  	s13 =	sshrl.u32 @!p0 s17, $0x3;
	[sflag:s19] =	ssyncset.done $0x0  }
0x48: {  	s8 =	simm.s32 @!p0 $0x0;
	s13 =	sadd.s32 @!p0 s5, s13;
	[sflag:s19] =	ssyncadd.s32 $0xFFFFC000  }
0x49: {  	[tilespmem:s8], [sflag:$0x3] =	stream.linear.gather @!p0 [hbm4b:s13+s8], $0x100, $0x38;
	[tilespmem:$0x1C000] =	vst v63  }
0x4a: {  	_ =	swait.ge [sflag:s30], $0x100  }
0x4b: {  	[sflag:s30] =	ssyncset.done $0x0  }
0x4c: {  	[sflag:s30] =	ssyncadd.s32 $0xFFFFFF00  }
0x4d: {  	[tilespmem:s25], [sflag:$0x1] =	stream.indirect.gather [hbm4b:s4+s24], $0x80, s21, s24, $0xb8;
	[tilespmem:$0x1C000] =	vst v63  }
0x4e: {  	_ =	swait.ge [sflag:s31], $0x4000  }
0x4f: {  	[sflag:s31] =	ssyncset.done $0x0  }
.Ltmp2:
0x50: {  	[sflag:s31] =	ssyncadd.s32 $0xFFFFC000;
	(pc) =	sbr.rel @p0 .LBB2_4-.Ltmp2, $4  }
0x51: {  	[spmem:s1] =	stream.indirect.scatter.add.f32 [tilespmem:s28], [sflag:$0x7], $0x80, s0, s24, $0xb8;
	[tilespmem:$0x1C000] =	vst v63  }
0x52: {  	_ =	swait.ge [sflag:s19], $0x4000  }
0x53: {  	[sflag:s19] =	ssyncset.done $0x0  }
0x54: {  	[sflag:s19] =	ssyncadd.s32 $0xFFFFC000  }
0x55: {  	s8 =	sadd.s32 s11, s16  }
0x56: {  	[tilespmem:s20], [sflag:$0x4] =	stream.linear.gather [hbm4b:s8+s3], $0x100, $0x38;
	[tilespmem:$0x1C000] =	vst v63  }
0x57: {  	_ =	swait.ge [sflag:s6], $0x100  }
0x58: {  	[sflag:s6] =	ssyncset.done $0x0  }
0x59: {  	[sflag:s6] =	ssyncadd.s32 $0xFFFFFF00  }
0x5a: {  	[tilespmem:s28], [sflag:$0x2] =	stream.indirect.gather [hbm4b:s4+s24], $0x80, s22, s24, $0xb8;
	[tilespmem:$0x1C000] =	vst v63  }
0x5b: {  	_ =	swait.ge [sflag:s29], $0x4000  }
0x5c: {  	[sflag:s29] =	ssyncset.done $0x0  }
0x5d: {  	[sflag:s29] =	ssyncadd.s32 $0xFFFFC000  }
0x5e: {  	[spmem:s1] =	stream.indirect.scatter.add.f32 [tilespmem:s25], [sflag:$0x7], $0x80, s2, s24, $0xb8;
	[tilespmem:$0x1C000] =	vst v63  }
0x5f: {  	_ =	swait.ge [sflag:s19], $0x4000  }
0x60: {  	[sflag:s19] =	ssyncset.done $0x0  }
0x61: {  	s26 =	sadd.s32 s11, s15;
	[sflag:s19] =	ssyncadd.s32 $0xFFFFC000  }
0x62: {  	[tilespmem:s21], [sflag:$0x5] =	stream.linear.gather [hbm4b:s26+s3], $0x100, $0x38;
	[tilespmem:$0x1C000] =	vst v63  }
0x63: {  	_ =	swait.ge [sflag:s23], $0x100  }
0x64: {  	p0 =	sgt.u32 s12, $0x12;
	[sflag:s23] =	ssyncset.done $0x0  }
0x65: {  	s8 =	simm.s32 @!p0 $0x2;
	[sflag:s23] =	ssyncadd.s32 $0xFFFFFF00  }
0x66: {  	[tilespmem:s25], [sflag:$0x1] =	stream.indirect.gather [hbm4b:s4+s24], $0x80, s3, s24, $0xb8;
	[tilespmem:$0x1C000] =	vst v63  }
0x67: {  	_ =	swait.ge @!p0 [sflag:s8], $0x4000  }
0x68: {  	s13 =	simm.s32 @!p0 $0x380;
	[sflag:s8] =	ssyncset.done @!p0 $0x0  }
0x69: {  	s10 =	simm.s32 @!p0 $0x4400;
	[sflag:s8] =	ssyncadd.s32 @!p0 $0xFFFFC000;
	s8 =	simm.s32 @!p0 $0x80  }
0x6a: {  	[spmem:s1] =	stream.indirect.scatter.add.f32 @!p0 [tilespmem:s10], [sflag:$0x7], $0x80, s13, s8, $0xb8;
	[tilespmem:$0x1C000] =	vst v63  }
0x6b: {  	p1 =	seq.s32 @!p0 s11, $0x900;
	s13 =	simm.s32 @!p0 $0x7  }
0x6c: {  	p1 =	por p1, p0;
	_ =	swait.ge @!p0 [sflag:s13], $0x4000  }
0x6d: {  	s7 =	simm.s32 @!p1 $0x300;
	[sflag:s13] =	ssyncset.done @!p0 $0x0  }
0x6e: {  	s26 =	simm.s32 @!p1 $0x0;
	[sflag:s13] =	ssyncadd.s32 @!p0 $0xFFFFC000;
	s13 =	sadd.s32 @!p1 s11, s14  }
0x6f: {  	[tilespmem:s7], [sflag:$0x6] =	stream.linear.gather @!p1 [hbm4b:s13+s26], $0x100, $0x38;
	[tilespmem:$0x1C000] =	vst v63  }
.Ltmp3:
0x70: {  	s7 =	simm.s32 @!p0 $0x4;
	(pc) =	sbr.rel .LBB2_2-.Ltmp3, $4  }
0x71: {  	_ =	swait.ge @!p0 [sflag:s7], $0x100  }
0x72: {  	s12 =	sadd.s32 $0x1, s12;
	s17 =	sadd.s32 $0x400, s17;
	[sflag:s7] =	ssyncset.done @!p0 $0x0  }
0x73: {  	s11 =	sadd.s32 $0x80, s11;
	[sflag:s7] =	ssyncadd.s32 @!p0 $0xFFFFFF00;
	s7 =	simm.s32 @!p0 $0x100  }
0x74: {  	[tilespmem:s10], [sflag:$0x2] =	stream.indirect.gather @!p0 [hbm4b:s4+s8], $0x80, s7, s8, $0xb8;
	[tilespmem:$0x1C000] =	vst v63  }
.LBB2_5:
0x75: {  	_ =	sfence.sel $0x180000  }
0x76: {  	[bflag:$0x0] =	sbarrier.arrive $0xFFFF  }
0x77: {  	_ =	strace $0x90000053  }
0x78: {  	s0 =	stileid.u32;
	[bflag:$0x2] =	sbarrier.arrive $0xFFFF  }
0x79: {  	p0 =	sne.s32 s0, $0x0;
	s0 =	rddreg [dreg:$0x2]  }
0x7a: {  	s0 =	sadd.s32 @!p0 $0x100000, s0  }
0x7b: {  	[sflag:s0] =	ssyncadd.tile.s32 @!p0 $0x1;
	_ =	shalt  }
.Lfunc_end2:
_tile_overlayer_lowered:
.L_overlay_start_2:
0x7c: {  	(tag) =	ssettag $0x2  }
0x7d: {  	s0 =	rddreg [dreg:$0x0];
	s2 =	stileid.u32  }
0x7e: {  	s1 =	rddreg [dreg:$0x1];
	p0 =	sne.s32 s2, $0x0  }
0x7f: {  	s3 =	rddreg [dreg:$0x2];
	[bflag:$0x3] =	sbarrier.arrive $0xFFFF;
	s2 =	simm.s32 @!p0 $0x1C07  }
0x80: {  	[timem:s3], [sflag:s2] =	dma.local @!p0 [hbm:s0], s1  }
0x81: {  	s0 =	simm.s32 @!p0 $0x7  }
0x82: {  	_ =	swait.ge @!p0 [sflag:s0], s1  }
0x83: {  	s1 =	ssub.s32 @!p0 $0x0, s1;
	[sflag:s0] =	ssyncset.done @!p0 $0x0  }
0x84: {  	[sflag:s0] =	ssyncadd.s32 @!p0 s1  }
0x85: {  	[bflag:$0x3] =	sbarrier.arrive $0xFFFF  }
0x86: {  	_ =	shalt  }

// kernel: kernel.29.cloned.1.call-start
scs
__scs_entry_jumppad:
0x0: {  	(pc) =	sbr.rel $0x88, $3  }
0x1: {  	(tag) =	ssettag $0x0;
	lr =	simm.s32 $0x1  }
0x2: {  	[smem:$0x3F91] =	sst lr;
	_ =	strace $0xD0000000  }
0x3: {  	_ = 	snop  }
0x4: {  	_ = 	snop  }
0x5: {  	_ = 	snop  }
0x6: {  	_ = 	snop  }
0x7: {  	_ = 	snop  }
__scs_overlays_trampoline_lowered:
0x8: {  	[smem:$0x3FA0] =	sst s0  }
0x9: {  	[smem:$0x3FA1] =	sst s1  }
0xa: {  	[smem:$0x3FA2] =	sst s2  }
0xb: {  	[smem:$0x3FA3] =	sst s3  }
0xc: {  	[smem:$0x3FA4] =	sst s4  }
0xd: {  	[smem:$0x3FA5] =	sst s5  }
0xe: {  	[smem:$0x3FA6] =	sst s6  }
0xf: {  	[smem:$0x3FA7] =	sst s7  }
0x10: {  	[smem:$0x3FA8] =	sst s8  }
0x11: {  	[smem:$0x3FA9] =	sst s9;
	s0 =	simm.s32 @!p0 $0x0  }
0x12: {  	s1 =	sld [smem:$0x3F8F];
	s0 =	simm.s32 @p0 $0x1  }
0x13: {  	[smem:$0x3FAA] =	sst s0;
	s0 =	simm.s32 @!p1 $0x0  }
0x14: {  	s2 =	sld [smem:$0x3F8E];
	s0 =	simm.s32 @p1 $0x1  }
0x15: {  	[smem:$0x3FAB] =	sst s0;
	s0 =	simm.s32 @!p2 $0x0  }
0x16: {  	s3 =	sld [smem:$0x3FDB];
	s0 =	simm.s32 @p2 $0x1  }
0x17: {  	s4 =	simm.s32 $0x1BF5;
	[smem:$0x3FAD] =	sst s0  }
0x18: {  	s0 =	sld [smem:$0x3F90];
	_ =	swait.ge [sflag:s4], $0x0  }
0x19: {  	s7 =	sld [smem:$0x3F91]  }
0x1a: {  	s8 =	sadd.s32 $0xFFFFE003, lr  }
0x1b: {  	s9 =	sadd.s32 $0xFFFFFEF7, lr;
	s5 =	simm.s32 $0xFFFFFFFF;
	p2 =	slt.u32 s8, $0xFFFFF086  }
0x1c: {  	p1 =	slt.u32 s9, $0xF7A;
	s5 =	simm.s32 @!p2 $0x0  }
0x1d: {  	s5 =	simm.s32 @p1 $0x1;
	p0 =	seq.s32 s7, s2  }
0x1e: {  	s7 =	smul.u32 @!p0 $0xF7A, s2;
	p2 =	seq.s32 @!p0 s5, $0x0  }
0x1f: {  	s9 =	smul.u32 $0xF7A, s1;
	s8 =	simm.s32 @!p0 $0x1BF5;
	p2 =	por !p2, p0  }
0x20: {  	[sflag:s8] =	ssyncset.s32 @!p0 $0xFFFFF086;
	s6 =	sadd.s32 @!p0 s3, s7;
	s7 =	simm.s32 @!p0 $0x108  }
0x21: {  	s3 =	sadd.s32 s3, s9;
	s6 =	sadd.s32 @!p0 $0x88, s6;
	s7 =	simm.s32 @p2 $0x1082  }
0x22: {  	[simem:s7], [sflag:s8] =	dma.local @!p0 [hbm:s6], $0xF7A  }
0x23: {  	s9 =	sor.u32 $0xD0000000, s2;
	s6 =	simm.s32 $0x108;
	_ =	swait.ge @!p0 [sflag:s8], $0x0  }
0x24: {  	s3 =	sadd.s32 $0x88, s3;
	s6 =	simm.s32 @!p1 $0x1082;
	[sflag:s4] =	ssyncset.s32 $0xFFFFF086  }
0x25: {  	[simem:s6], [sflag:s4] =	dma.local [hbm:s3], $0xF7A  }
0x26: {  	[smem:$0x3F91] =	sst s1;
	(tag) =	ssettag s2;
	_ =	strace s9  }
0x27: {  	s1 =	sld [smem:$0x3FA1]  }
0x28: {  	s2 =	sld [smem:$0x3FA2]  }
0x29: {  	s4 =	sld [smem:$0x3FA4]  }
0x2a: {  	p0 =	seq.s32 s5, $0x0;
	s5 =	sld [smem:$0x3FA5]  }
0x2b: {  	s6 =	sld [smem:$0x3FA6]  }
0x2c: {  	s7 =	sld [smem:$0x3FA7]  }
0x2d: {  	s3 =	simm.s32 $0x108;
	s8 =	sld [smem:$0x3FA8]  }
0x2e: {  	s3 =	simm.s32 @!p0 $0x1082;
	s9 =	sld [smem:$0x3FA9]  }
0x2f: {  	lr =	sadd.s32 s0, s3;
	s0 =	sld [smem:$0x3FA0]  }
0x30: {  	s3 =	sld [smem:$0x3FA3]  }
0x31: {  	[smem:$0x3FAC] =	sst s10  }
0x32: {  	s10 =	sld [smem:$0x3FAA];
	_ =	sdelay $0x3  }
0x33: {  	p0 =	seq.s32 s10, $0x1;
	s10 =	sld [smem:$0x3FAC];
	_ =	sdelay $0x3  }
0x34: {  	[smem:$0x3FAC] =	sst s10  }
0x35: {  	s10 =	sld [smem:$0x3FAB];
	_ =	sdelay $0x3  }
0x36: {  	p1 =	seq.s32 s10, $0x1;
	s10 =	sld [smem:$0x3FAC];
	_ =	sdelay $0x3  }
0x37: {  	[smem:$0x3FAC] =	sst s10  }
0x38: {  	s10 =	sld [smem:$0x3FAD]  }
0x39: {  	_ = 	snop;
	(pc) =	sbr.ind lr, $3  }
0x3a: {  	_ = 	snop  }
0x3b: {  	_ = 	snop  }
0x3c: {  	p2 =	seq.s32 s10, $0x1;
	s10 =	sld [smem:$0x3FAC]  }
0x3d: {  	_ =	shalt  }
0x3e: {  	_ =	shalt  }
0x3f: {  	_ =	shalt  }
0x40: {  	_ =	shalt  }
0x41: {  	_ =	shalt  }
0x42: {  	_ =	shalt  }
0x43: {  	_ =	shalt  }
0x44: {  	_ =	shalt  }
0x45: {  	_ =	shalt  }
0x46: {  	_ =	shalt  }
0x47: {  	_ =	shalt  }
0x48: {  	_ =	shalt  }
0x49: {  	_ =	shalt  }
0x4a: {  	_ =	shalt  }
0x4b: {  	_ =	shalt  }
0x4c: {  	_ =	shalt  }
0x4d: {  	_ =	shalt  }
0x4e: {  	_ =	shalt  }
0x4f: {  	_ =	shalt  }
0x50: {  	_ =	shalt  }
0x51: {  	_ =	shalt  }
0x52: {  	_ =	shalt  }
0x53: {  	_ =	shalt  }
0x54: {  	_ =	shalt  }
0x55: {  	_ =	shalt  }
0x56: {  	_ =	shalt  }
0x57: {  	_ =	shalt  }
0x58: {  	_ =	shalt  }
0x59: {  	_ =	shalt  }
0x5a: {  	_ =	shalt  }
0x5b: {  	_ =	shalt  }
0x5c: {  	_ =	shalt  }
0x5d: {  	_ =	shalt  }
0x5e: {  	_ =	shalt  }
0x5f: {  	_ =	shalt  }
0x60: {  	_ =	shalt  }
0x61: {  	_ =	shalt  }
0x62: {  	_ =	shalt  }
0x63: {  	_ =	shalt  }
0x64: {  	_ =	shalt  }
0x65: {  	_ =	shalt  }
0x66: {  	_ =	shalt  }
0x67: {  	_ =	shalt  }
0x68: {  	_ =	shalt  }
0x69: {  	_ =	shalt  }
0x6a: {  	_ =	shalt  }
0x6b: {  	_ =	shalt  }
0x6c: {  	_ =	shalt  }
0x6d: {  	_ =	shalt  }
0x6e: {  	_ =	shalt  }
0x6f: {  	_ =	shalt  }
0x70: {  	_ =	shalt  }
0x71: {  	_ =	shalt  }
0x72: {  	_ =	shalt  }
0x73: {  	_ =	shalt  }
0x74: {  	_ =	shalt  }
0x75: {  	_ =	shalt  }
0x76: {  	_ =	shalt  }
0x77: {  	_ =	shalt  }
0x78: {  	_ =	shalt  }
0x79: {  	_ =	shalt  }
0x7a: {  	_ =	shalt  }
0x7b: {  	_ =	shalt  }
0x7c: {  	_ =	shalt  }
0x7d: {  	_ =	shalt  }
0x7e: {  	_ =	shalt  }
0x7f: {  	_ =	shalt  }
0x80: {  	_ =	shalt  }
0x81: {  	_ =	shalt  }
0x82: {  	_ =	shalt  }
0x83: {  	_ =	shalt  }
0x84: {  	_ =	shalt  }
0x85: {  	_ =	shalt  }
0x86: {  	_ =	shalt  }
0x87: {  	_ =	shalt  }
.Lfunc_end0:
.L_simem_size_0:
called_computation.5_lowered:
.L_overlay_start_0:
0x88: {  	s2 =	sld [smem:$0x3FD9]  }
0x89: {  	s3 =	sld [smem:$0x3FFE];
	_ =	sdelay $0x1  }
0x8a: {  	s1 =	srdreg.scid  }
0x8b: {  	s0 =	sand.u32 $0x1, s1  }
0x8c: {  	s16 =	sshll.u32 s0, $0xA;
	s2 =	sadd.s32 s3, s2  }
0x8d: {  	s2 =	sadd.s32 s2, s16  }
0x8e: {  	[smem:$0x3FB8] =	sst s2  }
0x8f: {  	_ = 	snop  }
0x90: {  	(tm) =	ssettm $0x1  }
0x91: {  	s17 =	sld [smem:$0x3FFB];
	_ =	sdelay $0x3  }
0x92: {  	_ =	strace s17  }
0x93: {  	s2 =	sld [smem:$0x3FFC];
	_ =	sdelay $0x3  }
0x94: {  	_ =	strace s2  }
0x95: {  	s2 =	sld [smem:$0x3FFD];
	_ =	sdelay $0x3  }
0x96: {  	_ =	strace s2  }
0x97: {  	_ =	strace $0x8FFFFFFF  }
0x98: {  	s18 =	sld [smem:$0x3FDB];
	_ =	sdelay $0x1  }
0x99: {  	s19 =	simm.s32 $_scs_section_size  }
0x9a: {  	s4 =	simm.s32 $_size__tile_overlayer_lowered;
	s5 =	simm.s32 $_tile_overlayer_lowered  }
0x9b: {  	s22 =	simm.s32 $0x1BFF;
	s21 =	sshll.u32 s5, $0x1;
	s2 =	sadd.s32 s19, s18  }
0x9c: {  	s6 =	simm.s32 $0x0;
	s20 =	sshll.u32 s4, $0x1;
	s4 =	sadd.s32 s21, s2  }
0x9d: {  	[timem:s6], [sflag:s22] =	dma.local [hbm:s4], s20  }
0x9e: {  	_ =	swait.ge [sflag:s22], s20  }
0x9f: {  	s3 =	ssub.s32 $0x0, s20;
	[sflag:s22] =	ssyncset.done $0x0  }
0xa0: {  	[sflag:s22] =	ssyncadd.s32 s3;
	_ =	sdelay $0x1  }
0xa1: {  	s23 =	simm.s32 $0x1B8B  }
0xa2: {  	_ =	swait.ge [sflag:s23], $0x1  }
0xa3: {  	[sflag:s23] =	ssyncset.done $0x0  }
0xa4: {  	s25 =	simm.s32 $0x1B8E;
	s24 =	sld [smem:$0x3FFE];
	[sflag:s23] =	ssyncadd.s32 $0xFFFFFFFF  }
0xa5: {  	s26 =	simm.s32 $execute0_lowered;
	[smem:$0x3FD2] =	sst s25  }
0xa6: {  	s4 =	sshll.u32 s26, $0x1;
	_ =	strace $0x80000055;
	[dreg:$0x1] =	wrdreg $0xFFFFFFFF  }
0xa7: {  	s28 =	simm.s32 $_size_execute0_lowered;
	s2 =	sadd.s32 s2, s4;
	[dreg:$0x0] =	wrdreg $0x0  }
0xa8: {  	s4 =	sshll.u32 s28, $0x1;
	[dreg:$0x2] =	wrdreg s2  }
0xa9: {  	[dreg:$0x3] =	wrdreg s4  }
0xaa: {  	[dreg:$0x4] =	wrdreg $0xC0  }
0xab: {  	_ =	task [dreg:s6], $0x5FFFF  }
0xac: {  	[dreg:$0x1] =	wrdreg $0xFFFFFFFF  }
0xad: {  	[dreg:$0x0] =	wrdreg $0x60  }
0xae: {  	[dreg:$0x2] =	wrdreg s24  }
0xaf: {  	[dreg:$0x3] =	wrdreg $0x84000  }
0xb0: {  	[dreg:$0x4] =	wrdreg $0x9  }
0xb1: {  	_ =	task.clear_ibuf [dreg:s6], $0x5FFFF;
	_ =	strace $0x90000055  }
0xb2: {  	s29 =	simm.s32 $0x9;
	_ =	strace $0x80000057  }
0xb3: {  	_ =	swait.ge [sflag:s29], $0x1  }
0xb4: {  	[sflag:s29] =	ssyncadd.s32 $0xFFFFFFFF  }
0xb5: {  	_ =	strace $0x90000057  }
0xb6: {  	_ =	sfence  }
0xb7: {  	s30 =	sld [smem:$0x0];
	_ =	sdelay $0x2  }
0xb8: {  	s31 =	sshll.u32 s1, $0xD;
	s1 =	sshrl.u32 s1, $0x2  }
0xb9: {  	s3 =	sand.u32 $0x4000, s31;
	s1 =	sadd.s32 s1, s30  }
0xba: {  	s0 =	sor.u32 s3, s0;
	s1 =	sshll.u32 s1, $0x11  }
0xbb: {  	s0 =	sor.u32 s1, s0  }
0xbc: {  	s0 =	sadd.s32 $0x8F2B, s0  }
0xbd: {  	[sflag:s0] =	ssyncadd.remote.s32 $0x1  }
0xbe: {  	_ =	sfence.sel $0xFFFF  }
0xbf: {  	[dreg:$0x0] =	wrdreg $0xFFFFFFFF;
	(pc) =	sbr.abs _section_cstart, $3  }
0xc0: {  	[dreg:$0x1] =	wrdreg $0xFFFFFFFF  }
0xc1: {  	_ =	task.clear_ibuf [dreg:s6], $0x2FFFF;
	_ =	strace $0x9FFFFFFF  }
0xc2: {  	(tm) =	ssettm $0x7FFFFFFF  }
0xc3: {  	_ =	shalt  }
tec
execute0_lowered:
.L_overlay_start_1:
0x0: {  	(tag) =	ssettag $0x1  }
0x1: {  	s0 =	rddreg [dreg:$0x0]  }
0x2: {  	s1 =	rddreg [dreg:$0x1];
	s3 =	simm.s32 $0x0;
	s2 =	srdreg.scid  }
0x3: {  	s12 =	stileid.u32;
	s11 =	simm.s32 $0x6BE00;
	s28 =	simm.s32 $0x4400  }
0x4: {  	s29 =	simm.s32 $0x1;
	s30 =	simm.s32 $0x5;
	s31 =	simm.s32 $0x2  }
0x5: {  	[smem:$0x7FF] =	sst s3;
	s4 =	sadd.s32 $0x1AC00, s0;
	s8 =	smul.u32 $0x4F000, s12  }
0x6: {  	s2 =	sand.u32 $0x1, s2;
	s5 =	sshll.u32 s12, $0x1;
	s22 =	smul.u32 $0x2780, s12  }
0x7: {  	s10 =	sadd.s32 $0x41E00, s0;
	s20 =	sshll.u32 s12, $0x6;
	s12 =	smul.u32 $0x9E00, s12  }
0x8: {  	_ =	strace $0x80000056;
	s6 =	ssub.s32 $0x2, s2;
	s7 =	sor.u32 s2, s5  }
0x9: {  	s5 =	sadd.s32 $0x7000, s0;
	p0 =	seq.s32 s2, $0x1;
	s2 =	smul.u32 $0x4F00, s2  }
0xa: {  	[dreg:$0x3] =	wrdreg s10;
	s9 =	sshrl.u32 s6, $0x1;
	s7 =	smul.u32 $0x4F00, s7  }
0xb: {  	s8 =	sshrl.u32 s8, $0x2;
	s11 =	simm.s32 @!p0 $0x44600;
	s6 =	ssub.s32 s6, s9  }
0xc: {  	s19 =	sadd.s32 s8, s1;
	s8 =	sor.u32 $0x1C07, s20;
	s0 =	sadd.s32 s11, s0  }
0xd: {  	s24 =	sadd.s32 s2, s12;
	s20 =	simm.s32 $0x100;
	s9 =	simm.s32 $0x0  }
0xe: {  	s21 =	sshrl.u32 s7, $0x3;
	s6 =	smax.u32 s6, $0x1;
	s0 =	sadd.s32 s0, s22  }
0xf: {  	s2 =	sadd.s32 $0x700, s24;
	s25 =	sadd.s32 $0x600, s24;
	s26 =	sadd.s32 $0x500, s24  }
0x10: {  	s22 =	simm.s32 $0x300;
	s7 =	sadd.s32 s5, s21;
	[dreg:$0x8] =	wrdreg s6  }
0x11: {  	[dreg:$0x9] =	wrdreg s0;
	s2 =	sshrl.u32 s2, $0x3;
	s6 =	sshrl.u32 s25, $0x3  }
0x12: {  	s10 =	sshrl.u32 s26, $0x3;
	s0 =	sadd.s32 $0x400, s24;
	s21 =	simm.s32 $0x200  }
0x13: {  	s24 =	simm.s32 $0x80;
	s25 =	simm.s32 $0x400;
	s13 =	sadd.s32 $0x20, s7  }
0x14: {  	s23 =	sadd.s32 $0x40, s7;
	[dreg:$0x4] =	wrdreg s7;
	s7 =	sadd.s32 $0x60, s7  }
.Ltmp0:
0x15: {  	s14 =	sadd.s32 s2, s5;
	[dreg:$0xa] =	wrdreg s0;
	(pc) =	sbr.rel .LBB2_1-.Ltmp0, $4  }
0x16: {  	s15 =	sadd.s32 s6, s5;
	s16 =	sadd.s32 s10, s5;
	[dreg:$0x5] =	wrdreg s13  }
0x17: {  	s10 =	sshrl.u32 s19, $0x3;
	s19 =	simm.s32 $0x7;
	[dreg:$0x6] =	wrdreg s23  }
0x18: {  	s0 =	simm.s32 $0x180;
	s2 =	simm.s32 $0x280;
	[dreg:$0x7] =	wrdreg s7  }
0x19: {  	s6 =	simm.s32 $0x6;
	s23 =	simm.s32 $0x3;
	[dreg:$0xb] =	wrdreg s10  }
.LBB2_4:
0x1a: {  	_ =	swait.ge [sflag:s29], $0x4000  }
0x1b: {  	[sflag:s29] =	ssyncset.done $0x0  }
0x1c: {  	[sflag:s29] =	ssyncadd.s32 $0xFFFFC000  }
0x1d: {  	[spmem:s1] =	stream.indirect.scatter.add.f32 [tilespmem:s25], [sflag:$0x7], $0x80, s2, s24, $0xb8;
	[tilespmem:$0x1C000] =	vst v63  }
0x1e: {  	_ =	swait.ge [sflag:s19], $0x4000  }
0x1f: {  	[sflag:s19] =	ssyncset.done $0x0  }
0x20: {  	[sflag:s19] =	ssyncadd.s32 $0xFFFFC000  }
0x21: {  	[bflag:$0x0] =	sbarrier.arrive $0xFFFF  }
0x22: {  	s7 =	rddreg [dreg:$0x9]  }
0x23: {  	s10 =	rddreg [dreg:$0xb]  }
0x24: {  	[hbm:s7], [sflag:s18] =	dma.local [spmem:s10], $0x2780  }
0x25: {  	_ =	swait.ge [sflag:s19], $0x2780  }
0x26: {  	s9 =	sadd.s32 $0x1, s9;
	s26 =	rddreg [dreg:$0x8]  }
0x27: {  	p0 =	sne.s32 s9, s26  }
.Ltmp1:
0x28: {  	_ = 	snop;
	(pc) =	sbr.rel @!p0 .LBB2_5-.Ltmp1, $3  }
0x29: {  	_ =	sdelay $0x1  }
0x2a: {  	[sflag:s19] =	ssyncset.done $0x0  }
0x2b: {  	s8 =	smov.u32 s18;
	[sflag:s19] =	ssyncadd.s32 $0xFFFFD880  }
.LBB2_1:
0x2c: {  	s7 =	rddreg [dreg:$0x3]  }
0x2d: {  	[spmem:s10], [sflag:s8] =	dma.local [hbm:s7], $0x2780  }
0x2e: {  	_ =	swait.ge [sflag:s19], $0x2780  }
0x2f: {  	[sflag:s19] =	ssyncset.done $0x0  }
0x30: {  	[sflag:s19] =	ssyncadd.s32 $0xFFFFD880  }
0x31: {  	[bflag:$0x0] =	sbarrier.arrive $0xFFFF  }
0x32: {  	s11 =	rddreg [dreg:$0x4]  }
0x33: {  	[tilespmem:s3], [sflag:$0x3] =	stream.linear.gather [hbm4b:s11+s3], $0x100, $0x38;
	[tilespmem:$0x1C000] =	vst v63  }
0x34: {  	s12 =	rddreg [dreg:$0x5]  }
0x35: {  	[tilespmem:s20], [sflag:$0x4] =	stream.linear.gather [hbm4b:s12+s3], $0x100, $0x38;
	[tilespmem:$0x1C000] =	vst v63  }
0x36: {  	s13 =	rddreg [dreg:$0x6]  }
0x37: {  	[tilespmem:s21], [sflag:$0x5] =	stream.linear.gather [hbm4b:s13+s3], $0x100, $0x38;
	[tilespmem:$0x1C000] =	vst v63  }
0x38: {  	s17 =	rddreg [dreg:$0x7]  }
0x39: {  	[tilespmem:s22], [sflag:$0x6] =	stream.linear.gather [hbm4b:s17+s3], $0x100, $0x38;
	[tilespmem:$0x1C000] =	vst v63  }
0x3a: {  	_ =	swait.ge [sflag:s23], $0x100  }
0x3b: {  	[sflag:s23] =	ssyncset.done $0x0  }
0x3c: {  	s26 =	simm.s32 $0x4;
	[sflag:s23] =	ssyncadd.s32 $0xFFFFFF00  }
0x3d: {  	[tilespmem:s25], [sflag:$0x1] =	stream.indirect.gather [hbm4b:s4+s24], $0x80, s3, s24, $0xb8;
	[tilespmem:$0x1C000] =	vst v63  }
0x3e: {  	_ =	swait.ge [sflag:s26], $0x100  }
0x3f: {  	s18 =	smov.u32 s8;
	s11 =	simm.s32 $0x0;
	[sflag:s26] =	ssyncset.done $0x0  }
0x40: {  	s12 =	simm.s32 $0x0;
	s17 =	rddreg [dreg:$0xa];
	[sflag:s26] =	ssyncadd.s32 $0xFFFFFF00  }
0x41: {  	[tilespmem:s28], [sflag:$0x2] =	stream.indirect.gather [hbm4b:s4+s24], $0x80, s20, s24, $0xb8;
	[tilespmem:$0x1C000] =	vst v63  }
.LBB2_2:
0x42: {  	_ =	swait.ge [sflag:s29], $0x4000  }
0x43: {  	[sflag:s29] =	ssyncset.done $0x0  }
0x44: {  	[sflag:s29] =	ssyncadd.s32 $0xFFFFC000  }
0x45: {  	[spmem:s1] =	stream.indirect.scatter.add.f32 [tilespmem:s25], [sflag:$0x7], $0x80, s24, s24, $0xb8;
	[tilespmem:$0x1C000] =	vst v63  }
0x46: {  	p0 =	seq.s32 s11, $0x980;
	_ =	swait.ge [sflag:s19], $0x4000  }
0x47: {  	s13 =	sshrl.u32 @!p0 s17, $0x3;
	[sflag:s19] =	ssyncset.done $0x0  }
0x48: {  	s8 =	simm.s32 @!p0 $0x0;
	s13 =	sadd.s32 @!p0 s5, s13;
	[sflag:s19] =	ssyncadd.s32 $0xFFFFC000  }
0x49: {  	[tilespmem:s8], [sflag:$0x3] =	stream.linear.gather @!p0 [hbm4b:s13+s8], $0x100, $0x38;
	[tilespmem:$0x1C000] =	vst v63  }
0x4a: {  	_ =	swait.ge [sflag:s30], $0x100  }
0x4b: {  	[sflag:s30] =	ssyncset.done $0x0  }
0x4c: {  	[sflag:s30] =	ssyncadd.s32 $0xFFFFFF00  }
0x4d: {  	[tilespmem:s25], [sflag:$0x1] =	stream.indirect.gather [hbm4b:s4+s24], $0x80, s21, s24, $0xb8;
	[tilespmem:$0x1C000] =	vst v63  }
0x4e: {  	_ =	swait.ge [sflag:s31], $0x4000  }
0x4f: {  	[sflag:s31] =	ssyncset.done $0x0  }
.Ltmp2:
0x50: {  	[sflag:s31] =	ssyncadd.s32 $0xFFFFC000;
	(pc) =	sbr.rel @p0 .LBB2_4-.Ltmp2, $4  }
0x51: {  	[spmem:s1] =	stream.indirect.scatter.add.f32 [tilespmem:s28], [sflag:$0x7], $0x80, s0, s24, $0xb8;
	[tilespmem:$0x1C000] =	vst v63  }
0x52: {  	_ =	swait.ge [sflag:s19], $0x4000  }
0x53: {  	[sflag:s19] =	ssyncset.done $0x0  }
0x54: {  	[sflag:s19] =	ssyncadd.s32 $0xFFFFC000  }
0x55: {  	s8 =	sadd.s32 s11, s16  }
0x56: {  	[tilespmem:s20], [sflag:$0x4] =	stream.linear.gather [hbm4b:s8+s3], $0x100, $0x38;
	[tilespmem:$0x1C000] =	vst v63  }
0x57: {  	_ =	swait.ge [sflag:s6], $0x100  }
0x58: {  	[sflag:s6] =	ssyncset.done $0x0  }
0x59: {  	[sflag:s6] =	ssyncadd.s32 $0xFFFFFF00  }
0x5a: {  	[tilespmem:s28], [sflag:$0x2] =	stream.indirect.gather [hbm4b:s4+s24], $0x80, s22, s24, $0xb8;
	[tilespmem:$0x1C000] =	vst v63  }
0x5b: {  	_ =	swait.ge [sflag:s29], $0x4000  }
0x5c: {  	[sflag:s29] =	ssyncset.done $0x0  }
0x5d: {  	[sflag:s29] =	ssyncadd.s32 $0xFFFFC000  }
0x5e: {  	[spmem:s1] =	stream.indirect.scatter.add.f32 [tilespmem:s25], [sflag:$0x7], $0x80, s2, s24, $0xb8;
	[tilespmem:$0x1C000] =	vst v63  }
0x5f: {  	_ =	swait.ge [sflag:s19], $0x4000  }
0x60: {  	[sflag:s19] =	ssyncset.done $0x0  }
0x61: {  	s26 =	sadd.s32 s11, s15;
	[sflag:s19] =	ssyncadd.s32 $0xFFFFC000  }
0x62: {  	[tilespmem:s21], [sflag:$0x5] =	stream.linear.gather [hbm4b:s26+s3], $0x100, $0x38;
	[tilespmem:$0x1C000] =	vst v63  }
0x63: {  	_ =	swait.ge [sflag:s23], $0x100  }
0x64: {  	p0 =	sgt.u32 s12, $0x12;
	[sflag:s23] =	ssyncset.done $0x0  }
0x65: {  	s8 =	simm.s32 @!p0 $0x2;
	[sflag:s23] =	ssyncadd.s32 $0xFFFFFF00  }
0x66: {  	[tilespmem:s25], [sflag:$0x1] =	stream.indirect.gather [hbm4b:s4+s24], $0x80, s3, s24, $0xb8;
	[tilespmem:$0x1C000] =	vst v63  }
0x67: {  	_ =	swait.ge @!p0 [sflag:s8], $0x4000  }
0x68: {  	s13 =	simm.s32 @!p0 $0x380;
	[sflag:s8] =	ssyncset.done @!p0 $0x0  }
0x69: {  	s10 =	simm.s32 @!p0 $0x4400;
	[sflag:s8] =	ssyncadd.s32 @!p0 $0xFFFFC000;
	s8 =	simm.s32 @!p0 $0x80  }
0x6a: {  	[spmem:s1] =	stream.indirect.scatter.add.f32 @!p0 [tilespmem:s10], [sflag:$0x7], $0x80, s13, s8, $0xb8;
	[tilespmem:$0x1C000] =	vst v63  }
0x6b: {  	p1 =	seq.s32 @!p0 s11, $0x900;
	s13 =	simm.s32 @!p0 $0x7  }
0x6c: {  	p1 =	por p1, p0;
	_ =	swait.ge @!p0 [sflag:s13], $0x4000  }
0x6d: {  	s7 =	simm.s32 @!p1 $0x300;
	[sflag:s13] =	ssyncset.done @!p0 $0x0  }
0x6e: {  	s26 =	simm.s32 @!p1 $0x0;
	[sflag:s13] =	ssyncadd.s32 @!p0 $0xFFFFC000;
	s13 =	sadd.s32 @!p1 s11, s14  }
0x6f: {  	[tilespmem:s7], [sflag:$0x6] =	stream.linear.gather @!p1 [hbm4b:s13+s26], $0x100, $0x38;
	[tilespmem:$0x1C000] =	vst v63  }
.Ltmp3:
0x70: {  	s7 =	simm.s32 @!p0 $0x4;
	(pc) =	sbr.rel .LBB2_2-.Ltmp3, $4  }
0x71: {  	_ =	swait.ge @!p0 [sflag:s7], $0x100  }
0x72: {  	s12 =	sadd.s32 $0x1, s12;
	s17 =	sadd.s32 $0x400, s17;
	[sflag:s7] =	ssyncset.done @!p0 $0x0  }
0x73: {  	s11 =	sadd.s32 $0x80, s11;
	[sflag:s7] =	ssyncadd.s32 @!p0 $0xFFFFFF00;
	s7 =	simm.s32 @!p0 $0x100  }
0x74: {  	[tilespmem:s10], [sflag:$0x2] =	stream.indirect.gather @!p0 [hbm4b:s4+s8], $0x80, s7, s8, $0xb8;
	[tilespmem:$0x1C000] =	vst v63  }
.LBB2_5:
0x75: {  	_ =	sfence.sel $0x180000  }
0x76: {  	[bflag:$0x0] =	sbarrier.arrive $0xFFFF  }
0x77: {  	_ =	strace $0x90000056  }
0x78: {  	s0 =	stileid.u32;
	[bflag:$0x2] =	sbarrier.arrive $0xFFFF  }
0x79: {  	p0 =	sne.s32 s0, $0x0;
	s0 =	rddreg [dreg:$0x2]  }
0x7a: {  	s0 =	sadd.s32 @!p0 $0x100000, s0  }
0x7b: {  	[sflag:s0] =	ssyncadd.tile.s32 @!p0 $0x1;
	_ =	shalt  }
.Lfunc_end2:
_tile_overlayer_lowered:
.L_overlay_start_2:
0x7c: {  	(tag) =	ssettag $0x2  }
0x7d: {  	s0 =	rddreg [dreg:$0x0];
	s2 =	stileid.u32  }
0x7e: {  	s1 =	rddreg [dreg:$0x1];
	p0 =	sne.s32 s2, $0x0  }
0x7f: {  	s3 =	rddreg [dreg:$0x2];
	[bflag:$0x3] =	sbarrier.arrive $0xFFFF;
	s2 =	simm.s32 @!p0 $0x1C07  }
0x80: {  	[timem:s3], [sflag:s2] =	dma.local @!p0 [hbm:s0], s1  }
0x81: {  	s0 =	simm.s32 @!p0 $0x7  }
0x82: {  	_ =	swait.ge @!p0 [sflag:s0], s1  }
0x83: {  	s1 =	ssub.s32 @!p0 $0x0, s1;
	[sflag:s0] =	ssyncset.done @!p0 $0x0  }
0x84: {  	[sflag:s0] =	ssyncadd.s32 @!p0 s1  }
0x85: {  	[bflag:$0x3] =	sbarrier.arrive $0xFFFF  }
0x86: {  	_ =	shalt  }

</sc_bundles>
